<compile_context>
chip_gen: v7x
topology: tpu7x:2x2x1
jax: 0.10.2.dev20260603
libtpu: 0.0.44.dev20260713+nightly
codegen_flags: <defaults>
</compile_context>

<pallas_src>
import functools

import jax
import jax.numpy as jnp
from jax import lax
from jax.experimental import pallas as pl
from jax.experimental.pallas import tpu as pltpu
from jax.experimental.pallas import tpu_sc as plsc

E = 8
K = 2
CAP_FACTOR = 1.25
LANES = 128


def _dyn_gather(vec, idx):
    return lax.gather(
        vec, idx[:, None],
        lax.GatherDimensionNumbers(
            offset_dims=(), collapsed_slice_dims=(0,), start_index_map=(0,)),
        slice_sizes=(1,),
        mode=lax.GatherScatterMode.PROMISE_IN_BOUNDS)


def _router_body(x_ref, w_ref, o_ref, *, e):
    logits = jnp.dot(x_ref[...], w_ref[...], preferred_element_type=jnp.float32)
    lane = lax.broadcasted_iota(jnp.int32, logits.shape, 1)
    valid = lane < e
    z = jnp.where(valid, logits, -1e30)
    m = jnp.max(z, axis=1, keepdims=True)
    p = jnp.exp(z - m)
    p = jnp.where(valid, p, 0.0)
    s = jnp.sum(p, axis=1, keepdims=True)
    o_ref[...] = p / s


def _router(xf, wr_pad, blk=512):
    n, c = xf.shape
    return pl.pallas_call(
        functools.partial(_router_body, e=E),
        grid=(n // blk,),
        in_specs=[
            pl.BlockSpec((blk, c), lambda i: (i, 0)),
            pl.BlockSpec((c, LANES), lambda i: (0, 0)),
        ],
        out_specs=pl.BlockSpec((blk, LANES), lambda i: (i, 0)),
        out_shape=jax.ShapeDtypeStruct((n, LANES), jnp.float32),
    )(xf, wr_pad)


def _routing_dispatch(probs, xf, *, n_tok, n_rows, cap, t_len, buf_rows):
    c_dim = xf.shape[1]
    n_sub = 16
    tpt = n_tok // n_sub
    apt = tpt * K
    nv = apt // 16
    n_groups = E * (n_tok // t_len)
    b_rows = n_tok // t_len
    dump_n = E * b_rows * cap // 8
    rpt = buf_rows // n_sub
    nrv = rpt // 16

    mesh = plsc.VectorSubcoreMesh(
        core_axis_name="c", subcore_axis_name="s", num_cores=1)

    @functools.partial(
        pl.kernel,
        out_type=(
            jax.ShapeDtypeStruct((buf_rows, c_dim), jnp.float32),
            jax.ShapeDtypeStruct((n_tok,), jnp.int32),
            jax.ShapeDtypeStruct((n_tok,), jnp.int32),
            jax.ShapeDtypeStruct((buf_rows,), jnp.float32),
        ),
        mesh=mesh,
        scratch_types=(
            pltpu.VMEM((tpt * LANES,), jnp.float32),
            pltpu.VMEM((apt,), jnp.int32),
            pltpu.VMEM((apt,), jnp.float32),
            pltpu.VMEM((apt,), jnp.int32),
            pltpu.VMEM((apt,), jnp.int32),
            pltpu.VMEM((apt,), jnp.int32),
            pltpu.VMEM((16,), jnp.int32),
            pltpu.VMEM_SHARED((n_sub * 16,), jnp.int32),
            pltpu.VMEM((n_sub * 16,), jnp.int32),
            pltpu.VMEM((buf_rows,), jnp.int32),
            pltpu.VMEM((buf_rows,), jnp.float32),
            pltpu.VMEM_SHARED((n_sub * buf_rows,), jnp.int32),
            pltpu.VMEM_SHARED((n_sub * buf_rows,), jnp.float32),
            pltpu.VMEM((rpt,), jnp.int32),
            pltpu.VMEM((rpt,), jnp.float32),
            pltpu.VMEM((rpt,), jnp.int32),
            pltpu.VMEM((rpt,), jnp.float32),
            pltpu.VMEM((2, 16, c_dim), jnp.float32),
            pltpu.VMEM((tpt,), jnp.int32),
            pltpu.VMEM((tpt,), jnp.int32),
            pltpu.SemaphoreType.DMA,
            pltpu.SemaphoreType.DMA,
        ),
        compiler_params=pltpu.CompilerParams(needs_layout_passes=False),
    )
    def k(probs_hbm, x_hbm, buf_hbm, cie_hbm, cio_hbm, w_hbm,
          probs_v, ea_v, pa_v, g_v, lp_v, slot_st, cnt_v, hist_sh, hist_v,
          ids_v, wtab_v, ttok_sh, tw_sh, seg_v, wseg_v, mseg_v, mwseg_v,
          row_v, cie_v, cio_v, sem_a, sem_b):
        sid = lax.axis_index("s")
        t0 = sid * tpt
        iota = lax.iota(jnp.int32, 16)

        pltpu.sync_copy(probs_hbm.at[pl.ds(t0 * LANES, tpt * LANES)], probs_v)

        def top2_body(j, carry):
            r_idx = iota + j * 16
            ps = [plsc.load_gather(probs_v, [r_idx * LANES + e])
                  for e in range(E)]
            m1 = ps[0]
            for e in range(1, E):
                m1 = jnp.maximum(m1, ps[e])
            i1 = jnp.full((16,), E, jnp.int32)
            for e in range(E):
                i1 = jnp.minimum(i1, jnp.where(ps[e] == m1, e, E))
            m2 = jnp.full((16,), -1.0, jnp.float32)
            for e in range(E):
                pe = jnp.where(i1 == e, -1.0, ps[e])
                m2 = jnp.maximum(m2, pe)
            i2 = jnp.full((16,), E, jnp.int32)
            for e in range(E):
                pe = jnp.where(i1 == e, -1.0, ps[e])
                i2 = jnp.minimum(i2, jnp.where(pe == m2, e, E))
            a_even = 2 * r_idx
            plsc.store_scatter(ea_v, [a_even], i1)
            plsc.store_scatter(ea_v, [a_even + 1], i2)
            plsc.store_scatter(pa_v, [a_even], m1)
            plsc.store_scatter(pa_v, [a_even + 1], m2)
            return carry

        lax.fori_loop(0, tpt // 16, top2_body, 0)

        def rank_body(v, cnt):
            ea = ea_v[pl.ds(v * 16, 16)]
            aid = v * 16 + iota
            tok = t0 + aid // K
            row = tok // t_len
            g = ea * b_rows + row
            lpos = jnp.zeros((16,), jnp.int32)
            for gv in range(n_groups):
                m = g == gv
                ones = jnp.where(m, 1, 0)
                cs = plsc.cumsum(ones)
                cnt_gv = jnp.sum(jnp.where(iota == gv, cnt, 0))
                lpos = jnp.where(m, cnt_gv + cs - 1, lpos)
                cnt = cnt + jnp.where(iota == gv, jnp.sum(ones), 0)
            g_v[pl.ds(v * 16, 16)] = g
            lp_v[pl.ds(v * 16, 16)] = lpos
            return cnt

        cnt = lax.fori_loop(0, nv, rank_body, jnp.zeros((16,), jnp.int32))
        cnt_v[...] = cnt

        pltpu.sync_copy(cnt_v, hist_sh.at[pl.ds(sid * 16, 16)])
        plsc.subcore_barrier()
        pltpu.sync_copy(hist_sh, hist_v)

        def base_body(sp, base):
            h = hist_v[pl.ds(sp * 16, 16)]
            return jnp.where(sp < sid, base + h, base)

        base = lax.fori_loop(0, n_sub, base_body, jnp.zeros((16,), jnp.int32))

        neg1 = jnp.full((16,), -1, jnp.int32)
        neg1f = jnp.full((16,), -1.0, jnp.float32)

        def clear_body(i, carry):
            ids_v[pl.ds(i * 16, 16)] = neg1
            wtab_v[pl.ds(i * 16, 16)] = neg1f
            return carry

        lax.fori_loop(0, buf_rows // 16, clear_body, 0)

        def meta_body(v, carry):
            aid = v * 16 + iota
            tok = t0 + aid // K
            g = g_v[pl.ds(v * 16, 16)]
            lpos = lp_v[pl.ds(v * 16, 16)]
            pa = pa_v[pl.ds(v * 16, 16)]
            gbase = _dyn_gather(base, g)
            gpos = gbase + lpos
            keep = gpos < cap
            slot = jnp.where(keep, g * cap + gpos, n_rows + (aid % dump_n))
            slot_st[pl.ds(v * 16, 16)] = slot
            plsc.store_scatter(ids_v, [slot], tok)
            plsc.store_scatter(wtab_v, [slot], jnp.where(keep, pa, 0.0))
            return carry

        lax.fori_loop(0, nv, meta_body, 0)

        def sep_body(j, carry):
            tl = j * 16 + iota
            cie_v[pl.ds(j * 16, 16)] = plsc.load_gather(slot_st, [2 * tl])
            cio_v[pl.ds(j * 16, 16)] = plsc.load_gather(slot_st, [2 * tl + 1])
            return carry

        lax.fori_loop(0, tpt // 16, sep_body, 0)
        pltpu.sync_copy(cie_v, cie_hbm.at[pl.ds(sid * tpt, tpt)])
        pltpu.sync_copy(cio_v, cio_hbm.at[pl.ds(sid * tpt, tpt)])

        pltpu.sync_copy(ids_v, ttok_sh.at[pl.ds(sid * buf_rows, buf_rows)])
        pltpu.sync_copy(wtab_v, tw_sh.at[pl.ds(sid * buf_rows, buf_rows)])
        plsc.subcore_barrier()

        r0 = sid * rpt

        def clear2_body(i, carry):
            mseg_v[pl.ds(i * 16, 16)] = neg1
            mwseg_v[pl.ds(i * 16, 16)] = neg1f
            return carry

        lax.fori_loop(0, nrv, clear2_body, 0)

        def merge_body(sp, carry):
            pltpu.sync_copy(ttok_sh.at[pl.ds(sp * buf_rows + r0, rpt)], seg_v)
            pltpu.sync_copy(tw_sh.at[pl.ds(sp * buf_rows + r0, rpt)], wseg_v)

            def mx_body(i, carry2):
                o = i * 16
                mseg_v[pl.ds(o, 16)] = jnp.maximum(
                    mseg_v[pl.ds(o, 16)], seg_v[pl.ds(o, 16)])
                mwseg_v[pl.ds(o, 16)] = jnp.maximum(
                    mwseg_v[pl.ds(o, 16)], wseg_v[pl.ds(o, 16)])
                return carry2

            lax.fori_loop(0, nrv, mx_body, 0)
            return carry

        lax.fori_loop(0, n_sub, merge_body, 0)

        def fin_body(i, carry):
            o = i * 16
            idv = mseg_v[pl.ds(o, 16)]
            mseg_v[pl.ds(o, 16)] = jnp.minimum(jnp.maximum(idv, 0), n_tok - 1)
            mwseg_v[pl.ds(o, 16)] = jnp.maximum(mwseg_v[pl.ds(o, 16)], 0.0)
            return carry

        lax.fori_loop(0, nrv, fin_body, 0)
        pltpu.sync_copy(mwseg_v, w_hbm.at[pl.ds(sid * rpt, rpt)])

        def gather_chunk(i, buf_slot, sem):
            return pltpu.async_copy(
                x_hbm.at[mseg_v.at[pl.ds(i * 16, 16)]], row_v.at[buf_slot], sem)

        def disp_body(io, carry):
            i0 = io * 2
            i1 = io * 2 + 1
            d0 = gather_chunk(i0, 0, sem_a)
            d1 = gather_chunk(i1, 1, sem_b)
            d0.wait()
            pltpu.sync_copy(row_v.at[0], buf_hbm.at[pl.ds(r0 + i0 * 16, 16)])
            d1.wait()
            pltpu.sync_copy(row_v.at[1], buf_hbm.at[pl.ds(r0 + i1 * 16, 16)])
            return carry

        lax.fori_loop(0, nrv // 2, disp_body, 0)
        dt = gather_chunk(nrv - 1, 0, sem_a)
        dt.wait()
        pltpu.sync_copy(row_v.at[0],
                        buf_hbm.at[pl.ds(r0 + (nrv - 1) * 16, 16)])

    return k(probs, xf)


def _ffn_body(buf_ref, w1_ref, b1_ref, w2_ref, b2_ref, ws_ref, o_ref, acc_ref,
              *, hb_n):
    hb = pl.program_id(1)

    @pl.when(hb == 0)
    def _():
        acc_ref[...] = jnp.broadcast_to(b2_ref[0], acc_ref.shape)

    h = jnp.dot(buf_ref[...], w1_ref[0], preferred_element_type=jnp.float32)
    h = jax.nn.relu(h + b1_ref[0])
    acc_ref[...] += jnp.dot(h, w2_ref[0], preferred_element_type=jnp.float32)

    @pl.when(hb == hb_n - 1)
    def _():
        o_ref[...] = acc_ref[...] * ws_ref[...]


def _ffn(buf, w1, b1, w2, b2, w_slot, *, yb_rows, h_blk=512):
    c = buf.shape[1]
    h_dim = w1.shape[2]
    hb_n = h_dim // h_blk
    rpe = yb_rows // (E + 1)
    return pl.pallas_call(
        functools.partial(_ffn_body, hb_n=hb_n),
        grid=(E + 1, hb_n),
        in_specs=[
            pl.BlockSpec((rpe, c), lambda e, hb: (e, 0)),
            pl.BlockSpec((1, c, h_blk),
                         lambda e, hb: (jnp.minimum(e, E - 1), 0, hb)),
            pl.BlockSpec((1, 1, h_blk),
                         lambda e, hb: (jnp.minimum(e, E - 1), 0, hb)),
            pl.BlockSpec((1, h_blk, c),
                         lambda e, hb: (jnp.minimum(e, E - 1), hb, 0)),
            pl.BlockSpec((1, 1, c),
                         lambda e, hb: (jnp.minimum(e, E - 1), 0, 0)),
            pl.BlockSpec((rpe, 1), lambda e, hb: (e, 0)),
        ],
        out_specs=pl.BlockSpec((rpe, c), lambda e, hb: (e, 0)),
        out_shape=jax.ShapeDtypeStruct((yb_rows, c), jnp.float32),
        scratch_shapes=[pltpu.VMEM((rpe, c), jnp.float32)],
        compiler_params=pltpu.CompilerParams(
            dimension_semantics=("arbitrary", "arbitrary")),
    )(buf, w1, b1, w2, b2, w_slot)


def _combine(yb, cie, cio, *, n_tok):
    c_dim = yb.shape[1]
    n_workers = 32
    tpw = n_tok // n_workers
    nj = tpw // 16

    mesh = plsc.VectorSubcoreMesh(core_axis_name="c", subcore_axis_name="s")

    @functools.partial(
        pl.kernel,
        out_type=jax.ShapeDtypeStruct((n_tok, c_dim), jnp.float32),
        mesh=mesh,
        scratch_types=(
            pltpu.VMEM((tpw,), jnp.int32),
            pltpu.VMEM((tpw,), jnp.int32),
            pltpu.VMEM((2, 16, c_dim), jnp.float32),
            pltpu.VMEM((2, 16, c_dim), jnp.float32),
            pltpu.SemaphoreType.DMA,
            pltpu.SemaphoreType.DMA,
            pltpu.SemaphoreType.DMA,
            pltpu.SemaphoreType.DMA,
        ),
        compiler_params=pltpu.CompilerParams(needs_layout_passes=False),
    )
    def k(yb_hbm, cie_hbm, cio_hbm, out_hbm, cie_v, cio_v, out_v, r2_v,
          sem_a, sem_b, sem_c, sem_d):
        cid = lax.axis_index("c")
        sid = lax.axis_index("s")
        wid = cid * 16 + sid
        t0 = wid * tpw
        cv = c_dim // 16

        pltpu.sync_copy(cie_hbm.at[pl.ds(t0, tpw)], cie_v)
        pltpu.sync_copy(cio_hbm.at[pl.ds(t0, tpw)], cio_v)

        def g_e(j, buf_slot, sem):
            return pltpu.async_copy(
                yb_hbm.at[cie_v.at[pl.ds(j * 16, 16)]], out_v.at[buf_slot],
                sem)

        def g_o(j, buf_slot, sem):
            return pltpu.async_copy(
                yb_hbm.at[cio_v.at[pl.ds(j * 16, 16)]], r2_v.at[buf_slot],
                sem)

        def add_rows(buf_slot):
            def tt_body(tt, carry):
                for cc in range(cv):
                    sl = pl.ds(cc * 16, 16)
                    out_v[buf_slot, tt, sl] = (out_v[buf_slot, tt, sl]
                                               + r2_v[buf_slot, tt, sl])
                return carry
            lax.fori_loop(0, 16, tt_body, 0)

        def chunk_body(jo, carry):
            j0 = jo * 2
            j1 = jo * 2 + 1
            e0 = g_e(j0, 0, sem_a)
            o0 = g_o(j0, 0, sem_c)
            e1 = g_e(j1, 1, sem_b)
            o1 = g_o(j1, 1, sem_d)
            e0.wait()
            o0.wait()
            add_rows(0)
            pltpu.sync_copy(out_v.at[0],
                            out_hbm.at[pl.ds(t0 + j0 * 16, 16)])
            e1.wait()
            o1.wait()
            add_rows(1)
            pltpu.sync_copy(out_v.at[1],
                            out_hbm.at[pl.ds(t0 + j1 * 16, 16)])
            return carry

        lax.fori_loop(0, nj // 2, chunk_body, 0)

    return k(yb, cie, cio)


def kernel(x, Wr, W1, b1, W2, b2):
    b, t, c = x.shape
    n = b * t
    cap = int(t / E * CAP_FACTOR)
    n_rows = E * b * cap
    rpe = b * cap
    yb_rows = n_rows + rpe
    buf_rows = yb_rows + 128

    xf = x.reshape(n, c)
    wr_pad = jnp.pad(Wr, ((0, 0), (0, LANES - E)))

    probs = _router(xf, wr_pad)
    buf, cie, cio, w_slot = _routing_dispatch(
        probs.reshape(-1), xf, n_tok=n, n_rows=n_rows, cap=cap, t_len=t,
        buf_rows=buf_rows)
    yb = _ffn(buf, W1, b1.reshape(E, 1, -1), W2, b2.reshape(E, 1, -1),
              w_slot.reshape(-1, 1), yb_rows=yb_rows)
    out = _combine(yb, cie, cio, n_tok=n)
    return out.reshape(b, t, c)

# --- scband reference (transcript-rebuilt; emitter-appended) ---
"""Pipeline reference for scband-distributed-mixture-of-experts-82729660055635 (READ-ONLY COPY).

The authoritative reference and input builder live on the scoring server;
editing this copy changes nothing except your own understanding.
"""

import jax, jax.numpy as jnp
import numpy as np

E = 8
K = 2
CAP_FACTOR = 1.25


def setup_inputs(seed: int = 0) -> dict:
    key = jax.random.key(seed)
    ks = jax.random.split(key, 8)
    B, T, C, H = 2, 2048, 1024, 4096
    x = jax.random.normal(ks[0], (B, T, C), dtype=jnp.float32)
    Wr = jax.random.normal(ks[1], (C, E), dtype=jnp.float32) * 0.02
    W1 = jax.random.normal(ks[2], (E, C, H), dtype=jnp.float32) * 0.02
    b1 = jnp.zeros((E, H), dtype=jnp.float32)
    W2 = jax.random.normal(ks[3], (E, H, C), dtype=jnp.float32) * 0.02
    b2 = jnp.zeros((E, C), dtype=jnp.float32)
    return {"x": x, "Wr": Wr, "W1": W1, "b1": b1, "W2": W2, "b2": b2}


def reference(x, Wr, W1, b1, W2, b2):
    # Single-device simulation of the distributed MoE: the all_to_all dispatch/
    # combine becomes a capacity-limited scatter/gather across E expert buffers,
    # with per-(expert, batch-row) capacity = int(T / E * capacity_factor),
    # matching the torch padding/truncation semantics.
    B, T, C = x.shape
    N = B * T
    xf = x.reshape(N, C)
    # router: linear + softmax over experts
    probs = jax.nn.softmax(xf @ Wr, axis=-1)
    topk_probs, topk_idx = jax.lax.top_k(probs, K)
    # assignments flattened in (token, k) order, mirroring torch nonzero order (b, t, k)
    a_exp = topk_idx.reshape(-1)
    a_prob = topk_probs.reshape(-1)
    a_tok = jnp.repeat(jnp.arange(N), K)
    a_row = a_tok // T
    G = E * B
    g = a_exp * B + a_row
    onehot = jax.nn.one_hot(g, G, dtype=jnp.int32)
    pos = jnp.cumsum(onehot, axis=0)[jnp.arange(N * K), g] - 1
    capacity = int(T / E * CAP_FACTOR)
    keep = pos < capacity
    slot = jnp.where(keep, pos, capacity)  # overflow tokens go to a pad slot
    idx = g * (capacity + 1) + slot
    buf = jnp.zeros((G * (capacity + 1), C), dtype=x.dtype).at[idx].set(xf[a_tok])
    buf = buf.reshape(E, B, capacity + 1, C)[:, :, :capacity, :].reshape(E, B * capacity, C)
    # per-expert FeedForward (Linear -> ReLU -> Linear); padding stays padding_val=0
    h = jax.nn.relu(jnp.einsum('enc,ech->enh', buf, W1) + b1[:, None, :])
    yb = jnp.einsum('enh,ehc->enc', h, W2) + b2[:, None, :]
    yb = yb.reshape(E, B, capacity, C)
    safe_slot = jnp.minimum(slot, capacity - 1)
    y_a = yb[a_exp, a_row, safe_slot] * keep[:, None].astype(x.dtype)
    # combine: weight by (un-normalized) top-k gate probs and sum over k slots
    w = a_prob * keep.astype(x.dtype)
    out = jnp.zeros((N, C), dtype=x.dtype).at[a_tok].add(y_a * w[:, None])
    return out.reshape(B, T, C)

if __name__ == "__main__":
    import jax
    _d = setup_inputs()
    print(jax.jit(kernel)(*tuple(_d.values())))

</pallas_src>

<mosaic_0001>
#map = affine_map<(d0, d1) -> (0)>
#map1 = affine_map<(d0, d1) -> (0, 0)>
module attributes {stable_mosaic.version = 14 : i64} {
  func.func @k(%arg0: i32, %arg1: i32, %arg2: memref<524288xf32, #tpu.memory_space<hbm>>, %arg3: memref<4096x1024xf32, #tpu.memory_space<hbm>>, %arg4: memref<5888x1024xf32, #tpu.memory_space<hbm>>, %arg5: memref<4096xi32, #tpu.memory_space<hbm>>, %arg6: memref<4096xi32, #tpu.memory_space<hbm>>, %arg7: memref<5888xf32, #tpu.memory_space<hbm>>, %arg8: memref<32768xf32, #tpu.memory_space<vmem>>, %arg9: memref<512xi32, #tpu.memory_space<vmem>>, %arg10: memref<512xf32, #tpu.memory_space<vmem>>, %arg11: memref<512xi32, #tpu.memory_space<vmem>>, %arg12: memref<512xi32, #tpu.memory_space<vmem>>, %arg13: memref<512xi32, #tpu.memory_space<vmem>>, %arg14: memref<16xi32, #tpu.memory_space<vmem>>, %arg15: memref<256xi32, #tpu.memory_space<vmem_shared>>, %arg16: memref<256xi32, #tpu.memory_space<vmem>>, %arg17: memref<5888xi32, #tpu.memory_space<vmem>>, %arg18: memref<5888xf32, #tpu.memory_space<vmem>>, %arg19: memref<94208xi32, #tpu.memory_space<vmem_shared>>, %arg20: memref<94208xf32, #tpu.memory_space<vmem_shared>>, %arg21: memref<368xi32, #tpu.memory_space<vmem>>, %arg22: memref<368xf32, #tpu.memory_space<vmem>>, %arg23: memref<368xi32, #tpu.memory_space<vmem>>, %arg24: memref<368xf32, #tpu.memory_space<vmem>>, %arg25: memref<2x16x1024xf32, #tpu.memory_space<vmem>>, %arg26: memref<256xi32, #tpu.memory_space<vmem>>, %arg27: memref<256xi32, #tpu.memory_space<vmem>>, %arg28: memref<!tpu.dma_semaphore, #tpu.memory_space<semaphore_mem>>, %arg29: memref<!tpu.dma_semaphore, #tpu.memory_space<semaphore_mem>>) attributes {dimension_semantics = [#tpu.dimension_semantics<core_parallel>, #tpu.dimension_semantics<subcore_parallel>], iteration_bounds = array<i64: 1, 16>, scalar_prefetch = 0 : i64, scratch_operands = 22 : i64, tpu.core_type = #tpu.core_type<sc_vector_subcore>, window_params = [{transform_indices = #map}, {transform_indices = #map1}, {transform_indices = #map1}, {transform_indices = #map}, {transform_indices = #map}, {transform_indices = #map}]} {
    %mul3A = arith.constant 256 : i32
    %mul3A_0 = arith.muli %arg1, %mul3A : i32
    %iota3A = tpu.iota {dimensions = array<i32: 0>} : vector<16xi32>
    %mul3A_1 = arith.constant 128 : i32
    %mul3A_2 = arith.muli %mul3A_0, %mul3A_1 : i32
    "tpu.region"() ({
      %run_scoped3A_104 = tpu.sem_alloc : memref<!tpu.dma_semaphore, #tpu.memory_space<semaphore_mem>>
      %dma_start3A_105 = tpu.memref_slice %arg2[%mul3A_2] : memref<524288xf32, #tpu.memory_space<hbm>> -> memref<32768xf32, #tpu.memory_space<hbm>>
      %dma_start3A_106 = tpu.memref_slice %arg2[%mul3A_2] : memref<524288xf32, #tpu.memory_space<hbm>> -> memref<32768xf32, #tpu.memory_space<hbm>>
      tpu.enqueue_dma source(%dma_start3A_106 : memref<32768xf32, #tpu.memory_space<hbm>>) target(%arg8 : memref<32768xf32, #tpu.memory_space<vmem>>) target_semaphore(%run_scoped3A_104 : memref<!tpu.dma_semaphore, #tpu.memory_space<semaphore_mem>>)
      %dma_wait3A_107 = tpu.memref_slice %arg2[%mul3A_2] : memref<524288xf32, #tpu.memory_space<hbm>> -> memref<32768xf32, #tpu.memory_space<hbm>>
      %dma_wait3A_108 = tpu.memref_slice %arg2[%mul3A_2] : memref<524288xf32, #tpu.memory_space<hbm>> -> memref<32768xf32, #tpu.memory_space<hbm>>
      tpu.wait_dma2 semaphore(%run_scoped3A_104 : memref<!tpu.dma_semaphore, #tpu.memory_space<semaphore_mem>>) src(%dma_wait3A_108 : memref<32768xf32, #tpu.memory_space<hbm>>) dst(%arg8 : memref<32768xf32, #tpu.memory_space<vmem>>)
      tpu.yield
    }) : () -> ()
    %scan3A = arith.constant 0 : i32
    %scan3A_3 = arith.constant 0 : i32
    %scan3A_4 = arith.constant 16 : i32
    %scan3A_5 = arith.addi %scan3A_3, %scan3A_4 : i32
    %scan3A_6 = arith.constant 1 : i32
    scf.for %scan3A_104 = %scan3A_3 to %scan3A_5 step %scan3A_6  : i32 {
      %mul3A_105 = arith.constant 16 : i32
      %mul3A_106 = arith.muli %scan3A_104, %mul3A_105 : i32
      %add3A_107 = vector.broadcast %mul3A_106 : i32 to vector<16xi32>
      %add3A_108 = arith.addi %iota3A, %add3A_107 : vector<16xi32>
      %mul3A_109 = arith.constant 128 : i32
      %mul3A_110 = vector.broadcast %mul3A_109 : i32 to vector<16xi32>
      %mul3A_111 = arith.muli %add3A_108, %mul3A_110 : vector<16xi32>
      %add3A_112 = arith.constant 0 : i32
      %add3A_113 = vector.broadcast %add3A_112 : i32 to vector<16xi32>
      %add3A_114 = arith.addi %mul3A_111, %add3A_113 : vector<16xi32>
      %gather3A = tpu.vector_load_idx %arg8[%add3A_114] : memref<32768xf32, #tpu.memory_space<vmem>>[vector<16xi32>], vector<16xf32>,
      %mul3A_115 = arith.constant 128 : i32
      %mul3A_116 = vector.broadcast %mul3A_115 : i32 to vector<16xi32>
      %mul3A_117 = arith.muli %add3A_108, %mul3A_116 : vector<16xi32>
      %add3A_118 = arith.constant 1 : i32
      %add3A_119 = vector.broadcast %add3A_118 : i32 to vector<16xi32>
      %add3A_120 = arith.addi %mul3A_117, %add3A_119 : vector<16xi32>
      %gather3A_121 = tpu.vector_load_idx %arg8[%add3A_120] : memref<32768xf32, #tpu.memory_space<vmem>>[vector<16xi32>], vector<16xf32>,
      %mul3A_122 = arith.constant 128 : i32
      %mul3A_123 = vector.broadcast %mul3A_122 : i32 to vector<16xi32>
      %mul3A_124 = arith.muli %add3A_108, %mul3A_123 : vector<16xi32>
      %add3A_125 = arith.constant 2 : i32
      %add3A_126 = vector.broadcast %add3A_125 : i32 to vector<16xi32>
      %add3A_127 = arith.addi %mul3A_124, %add3A_126 : vector<16xi32>
      %gather3A_128 = tpu.vector_load_idx %arg8[%add3A_127] : memref<32768xf32, #tpu.memory_space<vmem>>[vector<16xi32>], vector<16xf32>,
      %mul3A_129 = arith.constant 128 : i32
      %mul3A_130 = vector.broadcast %mul3A_129 : i32 to vector<16xi32>
      %mul3A_131 = arith.muli %add3A_108, %mul3A_130 : vector<16xi32>
      %add3A_132 = arith.constant 3 : i32
      %add3A_133 = vector.broadcast %add3A_132 : i32 to vector<16xi32>
      %add3A_134 = arith.addi %mul3A_131, %add3A_133 : vector<16xi32>
      %gather3A_135 = tpu.vector_load_idx %arg8[%add3A_134] : memref<32768xf32, #tpu.memory_space<vmem>>[vector<16xi32>], vector<16xf32>,
      %mul3A_136 = arith.constant 128 : i32
      %mul3A_137 = vector.broadcast %mul3A_136 : i32 to vector<16xi32>
      %mul3A_138 = arith.muli %add3A_108, %mul3A_137 : vector<16xi32>
      %add3A_139 = arith.constant 4 : i32
      %add3A_140 = vector.broadcast %add3A_139 : i32 to vector<16xi32>
      %add3A_141 = arith.addi %mul3A_138, %add3A_140 : vector<16xi32>
      %gather3A_142 = tpu.vector_load_idx %arg8[%add3A_141] : memref<32768xf32, #tpu.memory_space<vmem>>[vector<16xi32>], vector<16xf32>,
      %mul3A_143 = arith.constant 128 : i32
      %mul3A_144 = vector.broadcast %mul3A_143 : i32 to vector<16xi32>
      %mul3A_145 = arith.muli %add3A_108, %mul3A_144 : vector<16xi32>
      %add3A_146 = arith.constant 5 : i32
      %add3A_147 = vector.broadcast %add3A_146 : i32 to vector<16xi32>
      %add3A_148 = arith.addi %mul3A_145, %add3A_147 : vector<16xi32>
      %gather3A_149 = tpu.vector_load_idx %arg8[%add3A_148] : memref<32768xf32, #tpu.memory_space<vmem>>[vector<16xi32>], vector<16xf32>,
      %mul3A_150 = arith.constant 128 : i32
      %mul3A_151 = vector.broadcast %mul3A_150 : i32 to vector<16xi32>
      %mul3A_152 = arith.muli %add3A_108, %mul3A_151 : vector<16xi32>
      %add3A_153 = arith.constant 6 : i32
      %add3A_154 = vector.broadcast %add3A_153 : i32 to vector<16xi32>
      %add3A_155 = arith.addi %mul3A_152, %add3A_154 : vector<16xi32>
      %gather3A_156 = tpu.vector_load_idx %arg8[%add3A_155] : memref<32768xf32, #tpu.memory_space<vmem>>[vector<16xi32>], vector<16xf32>,
      %mul3A_157 = arith.constant 128 : i32
      %mul3A_158 = vector.broadcast %mul3A_157 : i32 to vector<16xi32>
      %mul3A_159 = arith.muli %add3A_108, %mul3A_158 : vector<16xi32>
      %add3A_160 = arith.constant 7 : i32
      %add3A_161 = vector.broadcast %add3A_160 : i32 to vector<16xi32>
      %add3A_162 = arith.addi %mul3A_159, %add3A_161 : vector<16xi32>
      %gather3A_163 = tpu.vector_load_idx %arg8[%add3A_162] : memref<32768xf32, #tpu.memory_space<vmem>>[vector<16xi32>], vector<16xf32>,
      %max3A = arith.maximumf %gather3A, %gather3A_121 : vector<16xf32>
      %max3A_164 = arith.maximumf %max3A, %gather3A_128 : vector<16xf32>
      %max3A_165 = arith.maximumf %max3A_164, %gather3A_135 : vector<16xf32>
      %max3A_166 = arith.maximumf %max3A_165, %gather3A_142 : vector<16xf32>
      %max3A_167 = arith.maximumf %max3A_166, %gather3A_149 : vector<16xf32>
      %max3A_168 = arith.maximumf %max3A_167, %gather3A_156 : vector<16xf32>
      %max3A_169 = arith.maximumf %max3A_168, %gather3A_163 : vector<16xf32>
      %broadcast_in_dim3A_170 = arith.constant 8 : i32
      %broadcast_in_dim3A_171 = vector.broadcast %broadcast_in_dim3A_170 : i32 to vector<16xi32>
      %eq3A = arith.cmpf oeq, %gather3A, %max3A_169 : vector<16xf32>
      %jit3A = arith.constant 0 : i32
      %jit3A_172 = arith.constant 8 : i32
      %broadcast_in_dim3A_173 = vector.broadcast %jit3A : i32 to vector<16xi32>
      %broadcast_in_dim3A_174 = vector.broadcast %jit3A_172 : i32 to vector<16xi32>
      %select_n3A = arith.select %eq3A, %broadcast_in_dim3A_173, %broadcast_in_dim3A_174 : vector<16xi1>, vector<16xi32>
      %min3A = arith.minsi %broadcast_in_dim3A_171, %select_n3A : vector<16xi32>
      %eq3A_175 = arith.cmpf oeq, %gather3A_121, %max3A_169 : vector<16xf32>
      %jit3A_176 = arith.constant 1 : i32
      %jit3A_177 = arith.constant 8 : i32
      %broadcast_in_dim3A_178 = vector.broadcast %jit3A_176 : i32 to vector<16xi32>
      %broadcast_in_dim3A_179 = vector.broadcast %jit3A_177 : i32 to vector<16xi32>
      %select_n3A_180 = arith.select %eq3A_175, %broadcast_in_dim3A_178, %broadcast_in_dim3A_179 : vector<16xi1>, vector<16xi32>
      %min3A_181 = arith.minsi %min3A, %select_n3A_180 : vector<16xi32>
      %eq3A_182 = arith.cmpf oeq, %gather3A_128, %max3A_169 : vector<16xf32>
      %jit3A_183 = arith.constant 2 : i32
      %jit3A_184 = arith.constant 8 : i32
      %broadcast_in_dim3A_185 = vector.broadcast %jit3A_183 : i32 to vector<16xi32>
      %broadcast_in_dim3A_186 = vector.broadcast %jit3A_184 : i32 to vector<16xi32>
      %select_n3A_187 = arith.select %eq3A_182, %broadcast_in_dim3A_185, %broadcast_in_dim3A_186 : vector<16xi1>, vector<16xi32>
      %min3A_188 = arith.minsi %min3A_181, %select_n3A_187 : vector<16xi32>
      %eq3A_189 = arith.cmpf oeq, %gather3A_135, %max3A_169 : vector<16xf32>
      %jit3A_190 = arith.constant 3 : i32
      %jit3A_191 = arith.constant 8 : i32
      %broadcast_in_dim3A_192 = vector.broadcast %jit3A_190 : i32 to vector<16xi32>
      %broadcast_in_dim3A_193 = vector.broadcast %jit3A_191 : i32 to vector<16xi32>
      %select_n3A_194 = arith.select %eq3A_189, %broadcast_in_dim3A_192, %broadcast_in_dim3A_193 : vector<16xi1>, vector<16xi32>
      %min3A_195 = arith.minsi %min3A_188, %select_n3A_194 : vector<16xi32>
      %eq3A_196 = arith.cmpf oeq, %gather3A_142, %max3A_169 : vector<16xf32>
      %jit3A_197 = arith.constant 4 : i32
      %jit3A_198 = arith.constant 8 : i32
      %broadcast_in_dim3A_199 = vector.broadcast %jit3A_197 : i32 to vector<16xi32>
      %broadcast_in_dim3A_200 = vector.broadcast %jit3A_198 : i32 to vector<16xi32>
      %select_n3A_201 = arith.select %eq3A_196, %broadcast_in_dim3A_199, %broadcast_in_dim3A_200 : vector<16xi1>, vector<16xi32>
      %min3A_202 = arith.minsi %min3A_195, %select_n3A_201 : vector<16xi32>
      %eq3A_203 = arith.cmpf oeq, %gather3A_149, %max3A_169 : vector<16xf32>
      %jit3A_204 = arith.constant 5 : i32
      %jit3A_205 = arith.constant 8 : i32
      %broadcast_in_dim3A_206 = vector.broadcast %jit3A_204 : i32 to vector<16xi32>
      %broadcast_in_dim3A_207 = vector.broadcast %jit3A_205 : i32 to vector<16xi32>
      %select_n3A_208 = arith.select %eq3A_203, %broadcast_in_dim3A_206, %broadcast_in_dim3A_207 : vector<16xi1>, vector<16xi32>
      %min3A_209 = arith.minsi %min3A_202, %select_n3A_208 : vector<16xi32>
      %eq3A_210 = arith.cmpf oeq, %gather3A_156, %max3A_169 : vector<16xf32>
      %jit3A_211 = arith.constant 6 : i32
      %jit3A_212 = arith.constant 8 : i32
      %broadcast_in_dim3A_213 = vector.broadcast %jit3A_211 : i32 to vector<16xi32>
      %broadcast_in_dim3A_214 = vector.broadcast %jit3A_212 : i32 to vector<16xi32>
      %select_n3A_215 = arith.select %eq3A_210, %broadcast_in_dim3A_213, %broadcast_in_dim3A_214 : vector<16xi1>, vector<16xi32>
      %min3A_216 = arith.minsi %min3A_209, %select_n3A_215 : vector<16xi32>
      %eq3A_217 = arith.cmpf oeq, %gather3A_163, %max3A_169 : vector<16xf32>
      %jit3A_218 = arith.constant 7 : i32
      %jit3A_219 = arith.constant 8 : i32
      %broadcast_in_dim3A_220 = vector.broadcast %jit3A_218 : i32 to vector<16xi32>
      %broadcast_in_dim3A_221 = vector.broadcast %jit3A_219 : i32 to vector<16xi32>
      %select_n3A_222 = arith.select %eq3A_217, %broadcast_in_dim3A_220, %broadcast_in_dim3A_221 : vector<16xi1>, vector<16xi32>
      %min3A_223 = arith.minsi %min3A_216, %select_n3A_222 : vector<16xi32>
      %broadcast_in_dim3A_224 = arith.constant -1.000000e+00 : f32
      %broadcast_in_dim3A_225 = vector.broadcast %broadcast_in_dim3A_224 : f32 to vector<16xf32>
      %eq3A_226 = arith.constant 0 : i32
      %eq3A_227 = vector.broadcast %eq3A_226 : i32 to vector<16xi32>
      %eq3A_228 = arith.cmpi eq, %min3A_223, %eq3A_227 : vector<16xi32>
      %jit3A_229 = arith.constant -1.000000e+00 : f32
      %broadcast_in_dim3A_230 = vector.broadcast %jit3A_229 : f32 to vector<16xf32>
      %select_n3A_231 = arith.select %eq3A_228, %broadcast_in_dim3A_230, %gather3A : vector<16xi1>, vector<16xf32>
      %max3A_232 = arith.maximumf %broadcast_in_dim3A_225, %select_n3A_231 : vector<16xf32>
      %eq3A_233 = arith.constant 1 : i32
      %eq3A_234 = vector.broadcast %eq3A_233 : i32 to vector<16xi32>
      %eq3A_235 = arith.cmpi eq, %min3A_223, %eq3A_234 : vector<16xi32>
      %jit3A_236 = arith.constant -1.000000e+00 : f32
      %broadcast_in_dim3A_237 = vector.broadcast %jit3A_236 : f32 to vector<16xf32>
      %select_n3A_238 = arith.select %eq3A_235, %broadcast_in_dim3A_237, %gather3A_121 : vector<16xi1>, vector<16xf32>
      %max3A_239 = arith.maximumf %max3A_232, %select_n3A_238 : vector<16xf32>
      %eq3A_240 = arith.constant 2 : i32
      %eq3A_241 = vector.broadcast %eq3A_240 : i32 to vector<16xi32>
      %eq3A_242 = arith.cmpi eq, %min3A_223, %eq3A_241 : vector<16xi32>
      %jit3A_243 = arith.constant -1.000000e+00 : f32
      %broadcast_in_dim3A_244 = vector.broadcast %jit3A_243 : f32 to vector<16xf32>
      %select_n3A_245 = arith.select %eq3A_242, %broadcast_in_dim3A_244, %gather3A_128 : vector<16xi1>, vector<16xf32>
      %max3A_246 = arith.maximumf %max3A_239, %select_n3A_245 : vector<16xf32>
      %eq3A_247 = arith.constant 3 : i32
      %eq3A_248 = vector.broadcast %eq3A_247 : i32 to vector<16xi32>
      %eq3A_249 = arith.cmpi eq, %min3A_223, %eq3A_248 : vector<16xi32>
      %jit3A_250 = arith.constant -1.000000e+00 : f32
      %broadcast_in_dim3A_251 = vector.broadcast %jit3A_250 : f32 to vector<16xf32>
      %select_n3A_252 = arith.select %eq3A_249, %broadcast_in_dim3A_251, %gather3A_135 : vector<16xi1>, vector<16xf32>
      %max3A_253 = arith.maximumf %max3A_246, %select_n3A_252 : vector<16xf32>
      %eq3A_254 = arith.constant 4 : i32
      %eq3A_255 = vector.broadcast %eq3A_254 : i32 to vector<16xi32>
      %eq3A_256 = arith.cmpi eq, %min3A_223, %eq3A_255 : vector<16xi32>
      %jit3A_257 = arith.constant -1.000000e+00 : f32
      %broadcast_in_dim3A_258 = vector.broadcast %jit3A_257 : f32 to vector<16xf32>
      %select_n3A_259 = arith.select %eq3A_256, %broadcast_in_dim3A_258, %gather3A_142 : vector<16xi1>, vector<16xf32>
      %max3A_260 = arith.maximumf %max3A_253, %select_n3A_259 : vector<16xf32>
      %eq3A_261 = arith.constant 5 : i32
      %eq3A_262 = vector.broadcast %eq3A_261 : i32 to vector<16xi32>
      %eq3A_263 = arith.cmpi eq, %min3A_223, %eq3A_262 : vector<16xi32>
      %jit3A_264 = arith.constant -1.000000e+00 : f32
      %broadcast_in_dim3A_265 = vector.broadcast %jit3A_264 : f32 to vector<16xf32>
      %select_n3A_266 = arith.select %eq3A_263, %broadcast_in_dim3A_265, %gather3A_149 : vector<16xi1>, vector<16xf32>
      %max3A_267 = arith.maximumf %max3A_260, %select_n3A_266 : vector<16xf32>
      %eq3A_268 = arith.constant 6 : i32
      %eq3A_269 = vector.broadcast %eq3A_268 : i32 to vector<16xi32>
      %eq3A_270 = arith.cmpi eq, %min3A_223, %eq3A_269 : vector<16xi32>
      %jit3A_271 = arith.constant -1.000000e+00 : f32
      %broadcast_in_dim3A_272 = vector.broadcast %jit3A_271 : f32 to vector<16xf32>
      %select_n3A_273 = arith.select %eq3A_270, %broadcast_in_dim3A_272, %gather3A_156 : vector<16xi1>, vector<16xf32>
      %max3A_274 = arith.maximumf %max3A_267, %select_n3A_273 : vector<16xf32>
      %eq3A_275 = arith.constant 7 : i32
      %eq3A_276 = vector.broadcast %eq3A_275 : i32 to vector<16xi32>
      %eq3A_277 = arith.cmpi eq, %min3A_223, %eq3A_276 : vector<16xi32>
      %jit3A_278 = arith.constant -1.000000e+00 : f32
      %broadcast_in_dim3A_279 = vector.broadcast %jit3A_278 : f32 to vector<16xf32>
      %select_n3A_280 = arith.select %eq3A_277, %broadcast_in_dim3A_279, %gather3A_163 : vector<16xi1>, vector<16xf32>
      %max3A_281 = arith.maximumf %max3A_274, %select_n3A_280 : vector<16xf32>
      %broadcast_in_dim3A_282 = arith.constant 8 : i32
      %broadcast_in_dim3A_283 = vector.broadcast %broadcast_in_dim3A_282 : i32 to vector<16xi32>
      %eq3A_284 = arith.constant 0 : i32
      %eq3A_285 = vector.broadcast %eq3A_284 : i32 to vector<16xi32>
      %eq3A_286 = arith.cmpi eq, %min3A_223, %eq3A_285 : vector<16xi32>
      %jit3A_287 = arith.constant -1.000000e+00 : f32
      %broadcast_in_dim3A_288 = vector.broadcast %jit3A_287 : f32 to vector<16xf32>
      %select_n3A_289 = arith.select %eq3A_286, %broadcast_in_dim3A_288, %gather3A : vector<16xi1>, vector<16xf32>
      %eq3A_290 = arith.cmpf oeq, %select_n3A_289, %max3A_281 : vector<16xf32>
      %jit3A_291 = arith.constant 0 : i32
      %jit3A_292 = arith.constant 8 : i32
      %broadcast_in_dim3A_293 = vector.broadcast %jit3A_291 : i32 to vector<16xi32>
      %broadcast_in_dim3A_294 = vector.broadcast %jit3A_292 : i32 to vector<16xi32>
      %select_n3A_295 = arith.select %eq3A_290, %broadcast_in_dim3A_293, %broadcast_in_dim3A_294 : vector<16xi1>, vector<16xi32>
      %min3A_296 = arith.minsi %broadcast_in_dim3A_283, %select_n3A_295 : vector<16xi32>
      %eq3A_297 = arith.constant 1 : i32
      %eq3A_298 = vector.broadcast %eq3A_297 : i32 to vector<16xi32>
      %eq3A_299 = arith.cmpi eq, %min3A_223, %eq3A_298 : vector<16xi32>
      %jit3A_300 = arith.constant -1.000000e+00 : f32
      %broadcast_in_dim3A_301 = vector.broadcast %jit3A_300 : f32 to vector<16xf32>
      %select_n3A_302 = arith.select %eq3A_299, %broadcast_in_dim3A_301, %gather3A_121 : vector<16xi1>, vector<16xf32>
      %eq3A_303 = arith.cmpf oeq, %select_n3A_302, %max3A_281 : vector<16xf32>
      %jit3A_304 = arith.constant 1 : i32
      %jit3A_305 = arith.constant 8 : i32
      %broadcast_in_dim3A_306 = vector.broadcast %jit3A_304 : i32 to vector<16xi32>
      %broadcast_in_dim3A_307 = vector.broadcast %jit3A_305 : i32 to vector<16xi32>
      %select_n3A_308 = arith.select %eq3A_303, %broadcast_in_dim3A_306, %broadcast_in_dim3A_307 : vector<16xi1>, vector<16xi32>
      %min3A_309 = arith.minsi %min3A_296, %select_n3A_308 : vector<16xi32>
      %eq3A_310 = arith.constant 2 : i32
      %eq3A_311 = vector.broadcast %eq3A_310 : i32 to vector<16xi32>
      %eq3A_312 = arith.cmpi eq, %min3A_223, %eq3A_311 : vector<16xi32>
      %jit3A_313 = arith.constant -1.000000e+00 : f32
      %broadcast_in_dim3A_314 = vector.broadcast %jit3A_313 : f32 to vector<16xf32>
      %select_n3A_315 = arith.select %eq3A_312, %broadcast_in_dim3A_314, %gather3A_128 : vector<16xi1>, vector<16xf32>
      %eq3A_316 = arith.cmpf oeq, %select_n3A_315, %max3A_281 : vector<16xf32>
      %jit3A_317 = arith.constant 2 : i32
      %jit3A_318 = arith.constant 8 : i32
      %broadcast_in_dim3A_319 = vector.broadcast %jit3A_317 : i32 to vector<16xi32>
      %broadcast_in_dim3A_320 = vector.broadcast %jit3A_318 : i32 to vector<16xi32>
      %select_n3A_321 = arith.select %eq3A_316, %broadcast_in_dim3A_319, %broadcast_in_dim3A_320 : vector<16xi1>, vector<16xi32>
      %min3A_322 = arith.minsi %min3A_309, %select_n3A_321 : vector<16xi32>
      %eq3A_323 = arith.constant 3 : i32
      %eq3A_324 = vector.broadcast %eq3A_323 : i32 to vector<16xi32>
      %eq3A_325 = arith.cmpi eq, %min3A_223, %eq3A_324 : vector<16xi32>
      %jit3A_326 = arith.constant -1.000000e+00 : f32
      %broadcast_in_dim3A_327 = vector.broadcast %jit3A_326 : f32 to vector<16xf32>
      %select_n3A_328 = arith.select %eq3A_325, %broadcast_in_dim3A_327, %gather3A_135 : vector<16xi1>, vector<16xf32>
      %eq3A_329 = arith.cmpf oeq, %select_n3A_328, %max3A_281 : vector<16xf32>
      %jit3A_330 = arith.constant 3 : i32
      %jit3A_331 = arith.constant 8 : i32
      %broadcast_in_dim3A_332 = vector.broadcast %jit3A_330 : i32 to vector<16xi32>
      %broadcast_in_dim3A_333 = vector.broadcast %jit3A_331 : i32 to vector<16xi32>
      %select_n3A_334 = arith.select %eq3A_329, %broadcast_in_dim3A_332, %broadcast_in_dim3A_333 : vector<16xi1>, vector<16xi32>
      %min3A_335 = arith.minsi %min3A_322, %select_n3A_334 : vector<16xi32>
      %eq3A_336 = arith.constant 4 : i32
      %eq3A_337 = vector.broadcast %eq3A_336 : i32 to vector<16xi32>
      %eq3A_338 = arith.cmpi eq, %min3A_223, %eq3A_337 : vector<16xi32>
      %jit3A_339 = arith.constant -1.000000e+00 : f32
      %broadcast_in_dim3A_340 = vector.broadcast %jit3A_339 : f32 to vector<16xf32>
      %select_n3A_341 = arith.select %eq3A_338, %broadcast_in_dim3A_340, %gather3A_142 : vector<16xi1>, vector<16xf32>
      %eq3A_342 = arith.cmpf oeq, %select_n3A_341, %max3A_281 : vector<16xf32>
      %jit3A_343 = arith.constant 4 : i32
      %jit3A_344 = arith.constant 8 : i32
      %broadcast_in_dim3A_345 = vector.broadcast %jit3A_343 : i32 to vector<16xi32>
      %broadcast_in_dim3A_346 = vector.broadcast %jit3A_344 : i32 to vector<16xi32>
      %select_n3A_347 = arith.select %eq3A_342, %broadcast_in_dim3A_345, %broadcast_in_dim3A_346 : vector<16xi1>, vector<16xi32>
      %min3A_348 = arith.minsi %min3A_335, %select_n3A_347 : vector<16xi32>
      %eq3A_349 = arith.constant 5 : i32
      %eq3A_350 = vector.broadcast %eq3A_349 : i32 to vector<16xi32>
      %eq3A_351 = arith.cmpi eq, %min3A_223, %eq3A_350 : vector<16xi32>
      %jit3A_352 = arith.constant -1.000000e+00 : f32
      %broadcast_in_dim3A_353 = vector.broadcast %jit3A_352 : f32 to vector<16xf32>
      %select_n3A_354 = arith.select %eq3A_351, %broadcast_in_dim3A_353, %gather3A_149 : vector<16xi1>, vector<16xf32>
      %eq3A_355 = arith.cmpf oeq, %select_n3A_354, %max3A_281 : vector<16xf32>
      %jit3A_356 = arith.constant 5 : i32
      %jit3A_357 = arith.constant 8 : i32
      %broadcast_in_dim3A_358 = vector.broadcast %jit3A_356 : i32 to vector<16xi32>
      %broadcast_in_dim3A_359 = vector.broadcast %jit3A_357 : i32 to vector<16xi32>
      %select_n3A_360 = arith.select %eq3A_355, %broadcast_in_dim3A_358, %broadcast_in_dim3A_359 : vector<16xi1>, vector<16xi32>
      %min3A_361 = arith.minsi %min3A_348, %select_n3A_360 : vector<16xi32>
      %eq3A_362 = arith.constant 6 : i32
      %eq3A_363 = vector.broadcast %eq3A_362 : i32 to vector<16xi32>
      %eq3A_364 = arith.cmpi eq, %min3A_223, %eq3A_363 : vector<16xi32>
      %jit3A_365 = arith.constant -1.000000e+00 : f32
      %broadcast_in_dim3A_366 = vector.broadcast %jit3A_365 : f32 to vector<16xf32>
      %select_n3A_367 = arith.select %eq3A_364, %broadcast_in_dim3A_366, %gather3A_156 : vector<16xi1>, vector<16xf32>
      %eq3A_368 = arith.cmpf oeq, %select_n3A_367, %max3A_281 : vector<16xf32>
      %jit3A_369 = arith.constant 6 : i32
      %jit3A_370 = arith.constant 8 : i32
      %broadcast_in_dim3A_371 = vector.broadcast %jit3A_369 : i32 to vector<16xi32>
      %broadcast_in_dim3A_372 = vector.broadcast %jit3A_370 : i32 to vector<16xi32>
      %select_n3A_373 = arith.select %eq3A_368, %broadcast_in_dim3A_371, %broadcast_in_dim3A_372 : vector<16xi1>, vector<16xi32>
      %min3A_374 = arith.minsi %min3A_361, %select_n3A_373 : vector<16xi32>
      %eq3A_375 = arith.constant 7 : i32
      %eq3A_376 = vector.broadcast %eq3A_375 : i32 to vector<16xi32>
      %eq3A_377 = arith.cmpi eq, %min3A_223, %eq3A_376 : vector<16xi32>
      %jit3A_378 = arith.constant -1.000000e+00 : f32
      %broadcast_in_dim3A_379 = vector.broadcast %jit3A_378 : f32 to vector<16xf32>
      %select_n3A_380 = arith.select %eq3A_377, %broadcast_in_dim3A_379, %gather3A_163 : vector<16xi1>, vector<16xf32>
      %eq3A_381 = arith.cmpf oeq, %select_n3A_380, %max3A_281 : vector<16xf32>
      %jit3A_382 = arith.constant 7 : i32
      %jit3A_383 = arith.constant 8 : i32
      %broadcast_in_dim3A_384 = vector.broadcast %jit3A_382 : i32 to vector<16xi32>
      %broadcast_in_dim3A_385 = vector.broadcast %jit3A_383 : i32 to vector<16xi32>
      %select_n3A_386 = arith.select %eq3A_381, %broadcast_in_dim3A_384, %broadcast_in_dim3A_385 : vector<16xi1>, vector<16xi32>
      %min3A_387 = arith.minsi %min3A_374, %select_n3A_386 : vector<16xi32>
      %mul3A_388 = arith.constant 2 : i32
      %mul3A_389 = vector.broadcast %mul3A_388 : i32 to vector<16xi32>
      %mul3A_390 = arith.muli %mul3A_389, %add3A_108 : vector<16xi32>
      tpu.vector_store_idx %arg9[%mul3A_390], %min3A_223 : memref<512xi32, #tpu.memory_space<vmem>>[vector<16xi32>], vector<16xi32>,
      %add3A_391 = arith.constant 1 : i32
      %add3A_392 = vector.broadcast %add3A_391 : i32 to vector<16xi32>
      %add3A_393 = arith.addi %mul3A_390, %add3A_392 : vector<16xi32>
      tpu.vector_store_idx %arg9[%add3A_393], %min3A_387 : memref<512xi32, #tpu.memory_space<vmem>>[vector<16xi32>], vector<16xi32>,
      tpu.vector_store_idx %arg10[%mul3A_390], %max3A_169 : memref<512xf32, #tpu.memory_space<vmem>>[vector<16xi32>], vector<16xf32>,
      %add3A_394 = arith.constant 1 : i32
      %add3A_395 = vector.broadcast %add3A_394 : i32 to vector<16xi32>
      %add3A_396 = arith.addi %mul3A_390, %add3A_395 : vector<16xi32>
      tpu.vector_store_idx %arg10[%add3A_396], %max3A_281 : memref<512xf32, #tpu.memory_space<vmem>>[vector<16xi32>], vector<16xf32>,
    }
    %scan3A_7 = arith.constant 16 : i32
    %broadcast_in_dim3A = arith.constant 0 : i32
    %broadcast_in_dim3A_8 = vector.broadcast %broadcast_in_dim3A : i32 to vector<16xi32>
    %scan3A_9 = arith.constant 0 : i32
    %scan3A_10 = arith.constant 32 : i32
    %scan3A_11 = arith.addi %scan3A_9, %scan3A_10 : i32
    %scan3A_12 = arith.constant 1 : i32
    %scan3A_13 = scf.for %scan3A_104 = %scan3A_9 to %scan3A_11 step %scan3A_12 iter_args(%scan3A_105 = %broadcast_in_dim3A_8) -> (vector<16xi32>)  : i32 {
      %mul3A_106 = arith.constant 16 : i32
      %mul3A_107 = arith.muli %scan3A_104, %mul3A_106 : i32
      %get3A = arith.index_cast %mul3A_107 : i32 to index
      %get3A_108 = tpu.vector_load %arg9[%get3A] {strides = array<i32>} : memref<512xi32, #tpu.memory_space<vmem>>, vector<16xi32>,
      %mul3A_109 = arith.constant 16 : i32
      %mul3A_110 = arith.muli %scan3A_104, %mul3A_109 : i32
      %add3A_111 = vector.broadcast %mul3A_110 : i32 to vector<16xi32>
      %add3A_112 = arith.addi %add3A_111, %iota3A : vector<16xi32>
      %jit3A = arith.constant 2 : i32
      %div3A = vector.broadcast %jit3A : i32 to vector<16xi32>
      %div3A_113 = arith.divsi %add3A_112, %div3A : vector<16xi32>
      %sign3A = arith.constant 0 : i32
      %sign3A_114 = vector.broadcast %sign3A : i32 to vector<16xi32>
      %sign3A_115 = arith.cmpi sgt, %add3A_112, %sign3A_114 : vector<16xi32>
      %sign3A_116 = arith.extui %sign3A_115 : vector<16xi1> to vector<16xi32>
      %sign3A_117 = arith.constant 0 : i32
      %sign3A_118 = vector.broadcast %sign3A_117 : i32 to vector<16xi32>
      %sign3A_119 = arith.cmpi slt, %add3A_112, %sign3A_118 : vector<16xi32>
      %sign3A_120 = arith.extui %sign3A_119 : vector<16xi1> to vector<16xi32>
      %sign3A_121 = arith.subi %sign3A_116, %sign3A_120 : vector<16xi32>
      %sign3A_122 = arith.constant 0 : i32
      %sign3A_123 = arith.cmpi sgt, %jit3A, %sign3A_122 : i32
      %sign3A_124 = arith.extui %sign3A_123 : i1 to i32
      %sign3A_125 = arith.constant 0 : i32
      %sign3A_126 = arith.cmpi slt, %jit3A, %sign3A_125 : i32
      %sign3A_127 = arith.extui %sign3A_126 : i1 to i32
      %sign3A_128 = arith.subi %sign3A_124, %sign3A_127 : i32
      %ne3A = vector.broadcast %sign3A_128 : i32 to vector<16xi32>
      %ne3A_129 = arith.cmpi ne, %sign3A_121, %ne3A : vector<16xi32>
      %rem3A = vector.broadcast %jit3A : i32 to vector<16xi32>
      %rem3A_130 = arith.remsi %add3A_112, %rem3A : vector<16xi32>
      %ne3A_131 = arith.constant 0 : i32
      %ne3A_132 = vector.broadcast %ne3A_131 : i32 to vector<16xi32>
      %ne3A_133 = arith.cmpi ne, %rem3A_130, %ne3A_132 : vector<16xi32>
      %and3A = arith.andi %ne3A_129, %ne3A_133 : vector<16xi1>
      %sub3A = arith.constant 1 : i32
      %sub3A_134 = vector.broadcast %sub3A : i32 to vector<16xi32>
      %sub3A_135 = arith.subi %div3A_113, %sub3A_134 : vector<16xi32>
      %select_n3A = arith.select %and3A, %sub3A_135, %div3A_113 : vector<16xi1>, vector<16xi32>
      %add3A_136 = vector.broadcast %mul3A_0 : i32 to vector<16xi32>
      %add3A_137 = arith.addi %add3A_136, %select_n3A : vector<16xi32>
      %jit3A_138 = arith.constant 2048 : i32
      %div3A_139 = vector.broadcast %jit3A_138 : i32 to vector<16xi32>
      %div3A_140 = arith.divsi %add3A_137, %div3A_139 : vector<16xi32>
      %sign3A_141 = arith.constant 0 : i32
      %sign3A_142 = vector.broadcast %sign3A_141 : i32 to vector<16xi32>
      %sign3A_143 = arith.cmpi sgt, %add3A_137, %sign3A_142 : vector<16xi32>
      %sign3A_144 = arith.extui %sign3A_143 : vector<16xi1> to vector<16xi32>
      %sign3A_145 = arith.constant 0 : i32
      %sign3A_146 = vector.broadcast %sign3A_145 : i32 to vector<16xi32>
      %sign3A_147 = arith.cmpi slt, %add3A_137, %sign3A_146 : vector<16xi32>
      %sign3A_148 = arith.extui %sign3A_147 : vector<16xi1> to vector<16xi32>
      %sign3A_149 = arith.subi %sign3A_144, %sign3A_148 : vector<16xi32>
      %sign3A_150 = arith.constant 0 : i32
      %sign3A_151 = arith.cmpi sgt, %jit3A_138, %sign3A_150 : i32
      %sign3A_152 = arith.extui %sign3A_151 : i1 to i32
      %sign3A_153 = arith.constant 0 : i32
      %sign3A_154 = arith.cmpi slt, %jit3A_138, %sign3A_153 : i32
      %sign3A_155 = arith.extui %sign3A_154 : i1 to i32
      %sign3A_156 = arith.subi %sign3A_152, %sign3A_155 : i32
      %ne3A_157 = vector.broadcast %sign3A_156 : i32 to vector<16xi32>
      %ne3A_158 = arith.cmpi ne, %sign3A_149, %ne3A_157 : vector<16xi32>
      %rem3A_159 = vector.broadcast %jit3A_138 : i32 to vector<16xi32>
      %rem3A_160 = arith.remsi %add3A_137, %rem3A_159 : vector<16xi32>
      %ne3A_161 = arith.constant 0 : i32
      %ne3A_162 = vector.broadcast %ne3A_161 : i32 to vector<16xi32>
      %ne3A_163 = arith.cmpi ne, %rem3A_160, %ne3A_162 : vector<16xi32>
      %and3A_164 = arith.andi %ne3A_158, %ne3A_163 : vector<16xi1>
      %sub3A_165 = arith.constant 1 : i32
      %sub3A_166 = vector.broadcast %sub3A_165 : i32 to vector<16xi32>
      %sub3A_167 = arith.subi %div3A_140, %sub3A_166 : vector<16xi32>
      %select_n3A_168 = arith.select %and3A_164, %sub3A_167, %div3A_140 : vector<16xi1>, vector<16xi32>
      %mul3A_169 = arith.constant 2 : i32
      %mul3A_170 = vector.broadcast %mul3A_169 : i32 to vector<16xi32>
      %mul3A_171 = arith.muli %get3A_108, %mul3A_170 : vector<16xi32>
      %add3A_172 = arith.addi %mul3A_171, %select_n3A_168 : vector<16xi32>
      %broadcast_in_dim3A_173 = arith.constant 0 : i32
      %broadcast_in_dim3A_174 = vector.broadcast %broadcast_in_dim3A_173 : i32 to vector<16xi32>
      %eq3A = arith.constant 0 : i32
      %eq3A_175 = vector.broadcast %eq3A : i32 to vector<16xi32>
      %eq3A_176 = arith.cmpi eq, %add3A_172, %eq3A_175 : vector<16xi32>
      %jit3A_177 = arith.constant 1 : i32
      %jit3A_178 = arith.constant 0 : i32
      %broadcast_in_dim3A_179 = vector.broadcast %jit3A_177 : i32 to vector<16xi32>
      %broadcast_in_dim3A_180 = vector.broadcast %jit3A_178 : i32 to vector<16xi32>
      %select_n3A_181 = arith.select %eq3A_176, %broadcast_in_dim3A_179, %broadcast_in_dim3A_180 : vector<16xi1>, vector<16xi32>
      %broadcast_in_dim3A_182 = arith.constant true
      %broadcast_in_dim3A_183 = vector.broadcast %broadcast_in_dim3A_182 : i1 to vector<16xi1>
      %masked_cumsum3A = tpu.scan <sum>, %select_n3A_181 masked %broadcast_in_dim3A_183 : vector<16xi32>, vector<16xi1> -> vector<16xi32>
      %eq3A_184 = arith.constant 0 : i32
      %eq3A_185 = vector.broadcast %eq3A_184 : i32 to vector<16xi32>
      %eq3A_186 = arith.cmpi eq, %iota3A, %eq3A_185 : vector<16xi32>
      %jit3A_187 = arith.constant 0 : i32
      %broadcast_in_dim3A_188 = vector.broadcast %jit3A_187 : i32 to vector<16xi32>
      %select_n3A_189 = arith.select %eq3A_186, %scan3A_105, %broadcast_in_dim3A_188 : vector<16xi1>, vector<16xi32>
      %reduce_sum3A = arith.constant true
      %reduce_sum3A_190 = vector.broadcast %reduce_sum3A : i1 to vector<16xi1>
      %reduce_sum3A_191 = tpu.scan <sum>, %select_n3A_189 masked %reduce_sum3A_190 : vector<16xi32>, vector<16xi1> -> vector<16xi32>
      %reduce_sum3A_192 = vector.extract %reduce_sum3A_191[15] : i32 from vector<16xi32>
      %add3A_193 = vector.broadcast %reduce_sum3A_192 : i32 to vector<16xi32>
      %add3A_194 = arith.addi %add3A_193, %masked_cumsum3A : vector<16xi32>
      %sub3A_195 = arith.constant 1 : i32
      %sub3A_196 = vector.broadcast %sub3A_195 : i32 to vector<16xi32>
      %sub3A_197 = arith.subi %add3A_194, %sub3A_196 : vector<16xi32>
      %select_n3A_198 = arith.select %eq3A_176, %sub3A_197, %broadcast_in_dim3A_174 : vector<16xi1>, vector<16xi32>
      %eq3A_199 = arith.constant 0 : i32
      %eq3A_200 = vector.broadcast %eq3A_199 : i32 to vector<16xi32>
      %eq3A_201 = arith.cmpi eq, %iota3A, %eq3A_200 : vector<16xi32>
      %reduce_sum3A_202 = arith.constant true
      %reduce_sum3A_203 = vector.broadcast %reduce_sum3A_202 : i1 to vector<16xi1>
      %reduce_sum3A_204 = tpu.scan <sum>, %select_n3A_181 masked %reduce_sum3A_203 : vector<16xi32>, vector<16xi1> -> vector<16xi32>
      %reduce_sum3A_205 = vector.extract %reduce_sum3A_204[15] : i32 from vector<16xi32>
      %jit3A_206 = arith.constant 0 : i32
      %broadcast_in_dim3A_207 = vector.broadcast %reduce_sum3A_205 : i32 to vector<16xi32>
      %broadcast_in_dim3A_208 = vector.broadcast %jit3A_206 : i32 to vector<16xi32>
      %select_n3A_209 = arith.select %eq3A_201, %broadcast_in_dim3A_207, %broadcast_in_dim3A_208 : vector<16xi1>, vector<16xi32>
      %add3A_210 = arith.addi %scan3A_105, %select_n3A_209 : vector<16xi32>
      %eq3A_211 = arith.constant 1 : i32
      %eq3A_212 = vector.broadcast %eq3A_211 : i32 to vector<16xi32>
      %eq3A_213 = arith.cmpi eq, %add3A_172, %eq3A_212 : vector<16xi32>
      %jit3A_214 = arith.constant 1 : i32
      %jit3A_215 = arith.constant 0 : i32
      %broadcast_in_dim3A_216 = vector.broadcast %jit3A_214 : i32 to vector<16xi32>
      %broadcast_in_dim3A_217 = vector.broadcast %jit3A_215 : i32 to vector<16xi32>
      %select_n3A_218 = arith.select %eq3A_213, %broadcast_in_dim3A_216, %broadcast_in_dim3A_217 : vector<16xi1>, vector<16xi32>
      %broadcast_in_dim3A_219 = arith.constant true
      %broadcast_in_dim3A_220 = vector.broadcast %broadcast_in_dim3A_219 : i1 to vector<16xi1>
      %masked_cumsum3A_221 = tpu.scan <sum>, %select_n3A_218 masked %broadcast_in_dim3A_220 : vector<16xi32>, vector<16xi1> -> vector<16xi32>
      %eq3A_222 = arith.constant 1 : i32
      %eq3A_223 = vector.broadcast %eq3A_222 : i32 to vector<16xi32>
      %eq3A_224 = arith.cmpi eq, %iota3A, %eq3A_223 : vector<16xi32>
      %jit3A_225 = arith.constant 0 : i32
      %broadcast_in_dim3A_226 = vector.broadcast %jit3A_225 : i32 to vector<16xi32>
      %select_n3A_227 = arith.select %eq3A_224, %add3A_210, %broadcast_in_dim3A_226 : vector<16xi1>, vector<16xi32>
      %reduce_sum3A_228 = arith.constant true
      %reduce_sum3A_229 = vector.broadcast %reduce_sum3A_228 : i1 to vector<16xi1>
      %reduce_sum3A_230 = tpu.scan <sum>, %select_n3A_227 masked %reduce_sum3A_229 : vector<16xi32>, vector<16xi1> -> vector<16xi32>
      %reduce_sum3A_231 = vector.extract %reduce_sum3A_230[15] : i32 from vector<16xi32>
      %add3A_232 = vector.broadcast %reduce_sum3A_231 : i32 to vector<16xi32>
      %add3A_233 = arith.addi %add3A_232, %masked_cumsum3A_221 : vector<16xi32>
      %sub3A_234 = arith.constant 1 : i32
      %sub3A_235 = vector.broadcast %sub3A_234 : i32 to vector<16xi32>
      %sub3A_236 = arith.subi %add3A_233, %sub3A_235 : vector<16xi32>
      %select_n3A_237 = arith.select %eq3A_213, %sub3A_236, %select_n3A_198 : vector<16xi1>, vector<16xi32>
      %eq3A_238 = arith.constant 1 : i32
      %eq3A_239 = vector.broadcast %eq3A_238 : i32 to vector<16xi32>
      %eq3A_240 = arith.cmpi eq, %iota3A, %eq3A_239 : vector<16xi32>
      %reduce_sum3A_241 = arith.constant true
      %reduce_sum3A_242 = vector.broadcast %reduce_sum3A_241 : i1 to vector<16xi1>
      %reduce_sum3A_243 = tpu.scan <sum>, %select_n3A_218 masked %reduce_sum3A_242 : vector<16xi32>, vector<16xi1> -> vector<16xi32>
      %reduce_sum3A_244 = vector.extract %reduce_sum3A_243[15] : i32 from vector<16xi32>
      %jit3A_245 = arith.constant 0 : i32
      %broadcast_in_dim3A_246 = vector.broadcast %reduce_sum3A_244 : i32 to vector<16xi32>
      %broadcast_in_dim3A_247 = vector.broadcast %jit3A_245 : i32 to vector<16xi32>
      %select_n3A_248 = arith.select %eq3A_240, %broadcast_in_dim3A_246, %broadcast_in_dim3A_247 : vector<16xi1>, vector<16xi32>
      %add3A_249 = arith.addi %add3A_210, %select_n3A_248 : vector<16xi32>
      %eq3A_250 = arith.constant 2 : i32
      %eq3A_251 = vector.broadcast %eq3A_250 : i32 to vector<16xi32>
      %eq3A_252 = arith.cmpi eq, %add3A_172, %eq3A_251 : vector<16xi32>
      %jit3A_253 = arith.constant 1 : i32
      %jit3A_254 = arith.constant 0 : i32
      %broadcast_in_dim3A_255 = vector.broadcast %jit3A_253 : i32 to vector<16xi32>
      %broadcast_in_dim3A_256 = vector.broadcast %jit3A_254 : i32 to vector<16xi32>
      %select_n3A_257 = arith.select %eq3A_252, %broadcast_in_dim3A_255, %broadcast_in_dim3A_256 : vector<16xi1>, vector<16xi32>
      %broadcast_in_dim3A_258 = arith.constant true
      %broadcast_in_dim3A_259 = vector.broadcast %broadcast_in_dim3A_258 : i1 to vector<16xi1>
      %masked_cumsum3A_260 = tpu.scan <sum>, %select_n3A_257 masked %broadcast_in_dim3A_259 : vector<16xi32>, vector<16xi1> -> vector<16xi32>
      %eq3A_261 = arith.constant 2 : i32
      %eq3A_262 = vector.broadcast %eq3A_261 : i32 to vector<16xi32>
      %eq3A_263 = arith.cmpi eq, %iota3A, %eq3A_262 : vector<16xi32>
      %jit3A_264 = arith.constant 0 : i32
      %broadcast_in_dim3A_265 = vector.broadcast %jit3A_264 : i32 to vector<16xi32>
      %select_n3A_266 = arith.select %eq3A_263, %add3A_249, %broadcast_in_dim3A_265 : vector<16xi1>, vector<16xi32>
      %reduce_sum3A_267 = arith.constant true
      %reduce_sum3A_268 = vector.broadcast %reduce_sum3A_267 : i1 to vector<16xi1>
      %reduce_sum3A_269 = tpu.scan <sum>, %select_n3A_266 masked %reduce_sum3A_268 : vector<16xi32>, vector<16xi1> -> vector<16xi32>
      %reduce_sum3A_270 = vector.extract %reduce_sum3A_269[15] : i32 from vector<16xi32>
      %add3A_271 = vector.broadcast %reduce_sum3A_270 : i32 to vector<16xi32>
      %add3A_272 = arith.addi %add3A_271, %masked_cumsum3A_260 : vector<16xi32>
      %sub3A_273 = arith.constant 1 : i32
      %sub3A_274 = vector.broadcast %sub3A_273 : i32 to vector<16xi32>
      %sub3A_275 = arith.subi %add3A_272, %sub3A_274 : vector<16xi32>
      %select_n3A_276 = arith.select %eq3A_252, %sub3A_275, %select_n3A_237 : vector<16xi1>, vector<16xi32>
      %eq3A_277 = arith.constant 2 : i32
      %eq3A_278 = vector.broadcast %eq3A_277 : i32 to vector<16xi32>
      %eq3A_279 = arith.cmpi eq, %iota3A, %eq3A_278 : vector<16xi32>
      %reduce_sum3A_280 = arith.constant true
      %reduce_sum3A_281 = vector.broadcast %reduce_sum3A_280 : i1 to vector<16xi1>
      %reduce_sum3A_282 = tpu.scan <sum>, %select_n3A_257 masked %reduce_sum3A_281 : vector<16xi32>, vector<16xi1> -> vector<16xi32>
      %reduce_sum3A_283 = vector.extract %reduce_sum3A_282[15] : i32 from vector<16xi32>
      %jit3A_284 = arith.constant 0 : i32
      %broadcast_in_dim3A_285 = vector.broadcast %reduce_sum3A_283 : i32 to vector<16xi32>
      %broadcast_in_dim3A_286 = vector.broadcast %jit3A_284 : i32 to vector<16xi32>
      %select_n3A_287 = arith.select %eq3A_279, %broadcast_in_dim3A_285, %broadcast_in_dim3A_286 : vector<16xi1>, vector<16xi32>
      %add3A_288 = arith.addi %add3A_249, %select_n3A_287 : vector<16xi32>
      %eq3A_289 = arith.constant 3 : i32
      %eq3A_290 = vector.broadcast %eq3A_289 : i32 to vector<16xi32>
      %eq3A_291 = arith.cmpi eq, %add3A_172, %eq3A_290 : vector<16xi32>
      %jit3A_292 = arith.constant 1 : i32
      %jit3A_293 = arith.constant 0 : i32
      %broadcast_in_dim3A_294 = vector.broadcast %jit3A_292 : i32 to vector<16xi32>
      %broadcast_in_dim3A_295 = vector.broadcast %jit3A_293 : i32 to vector<16xi32>
      %select_n3A_296 = arith.select %eq3A_291, %broadcast_in_dim3A_294, %broadcast_in_dim3A_295 : vector<16xi1>, vector<16xi32>
      %broadcast_in_dim3A_297 = arith.constant true
      %broadcast_in_dim3A_298 = vector.broadcast %broadcast_in_dim3A_297 : i1 to vector<16xi1>
      %masked_cumsum3A_299 = tpu.scan <sum>, %select_n3A_296 masked %broadcast_in_dim3A_298 : vector<16xi32>, vector<16xi1> -> vector<16xi32>
      %eq3A_300 = arith.constant 3 : i32
      %eq3A_301 = vector.broadcast %eq3A_300 : i32 to vector<16xi32>
      %eq3A_302 = arith.cmpi eq, %iota3A, %eq3A_301 : vector<16xi32>
      %jit3A_303 = arith.constant 0 : i32
      %broadcast_in_dim3A_304 = vector.broadcast %jit3A_303 : i32 to vector<16xi32>
      %select_n3A_305 = arith.select %eq3A_302, %add3A_288, %broadcast_in_dim3A_304 : vector<16xi1>, vector<16xi32>
      %reduce_sum3A_306 = arith.constant true
      %reduce_sum3A_307 = vector.broadcast %reduce_sum3A_306 : i1 to vector<16xi1>
      %reduce_sum3A_308 = tpu.scan <sum>, %select_n3A_305 masked %reduce_sum3A_307 : vector<16xi32>, vector<16xi1> -> vector<16xi32>
      %reduce_sum3A_309 = vector.extract %reduce_sum3A_308[15] : i32 from vector<16xi32>
      %add3A_310 = vector.broadcast %reduce_sum3A_309 : i32 to vector<16xi32>
      %add3A_311 = arith.addi %add3A_310, %masked_cumsum3A_299 : vector<16xi32>
      %sub3A_312 = arith.constant 1 : i32
      %sub3A_313 = vector.broadcast %sub3A_312 : i32 to vector<16xi32>
      %sub3A_314 = arith.subi %add3A_311, %sub3A_313 : vector<16xi32>
      %select_n3A_315 = arith.select %eq3A_291, %sub3A_314, %select_n3A_276 : vector<16xi1>, vector<16xi32>
      %eq3A_316 = arith.constant 3 : i32
      %eq3A_317 = vector.broadcast %eq3A_316 : i32 to vector<16xi32>
      %eq3A_318 = arith.cmpi eq, %iota3A, %eq3A_317 : vector<16xi32>
      %reduce_sum3A_319 = arith.constant true
      %reduce_sum3A_320 = vector.broadcast %reduce_sum3A_319 : i1 to vector<16xi1>
      %reduce_sum3A_321 = tpu.scan <sum>, %select_n3A_296 masked %reduce_sum3A_320 : vector<16xi32>, vector<16xi1> -> vector<16xi32>
      %reduce_sum3A_322 = vector.extract %reduce_sum3A_321[15] : i32 from vector<16xi32>
      %jit3A_323 = arith.constant 0 : i32
      %broadcast_in_dim3A_324 = vector.broadcast %reduce_sum3A_322 : i32 to vector<16xi32>
      %broadcast_in_dim3A_325 = vector.broadcast %jit3A_323 : i32 to vector<16xi32>
      %select_n3A_326 = arith.select %eq3A_318, %broadcast_in_dim3A_324, %broadcast_in_dim3A_325 : vector<16xi1>, vector<16xi32>
      %add3A_327 = arith.addi %add3A_288, %select_n3A_326 : vector<16xi32>
      %eq3A_328 = arith.constant 4 : i32
      %eq3A_329 = vector.broadcast %eq3A_328 : i32 to vector<16xi32>
      %eq3A_330 = arith.cmpi eq, %add3A_172, %eq3A_329 : vector<16xi32>
      %jit3A_331 = arith.constant 1 : i32
      %jit3A_332 = arith.constant 0 : i32
      %broadcast_in_dim3A_333 = vector.broadcast %jit3A_331 : i32 to vector<16xi32>
      %broadcast_in_dim3A_334 = vector.broadcast %jit3A_332 : i32 to vector<16xi32>
      %select_n3A_335 = arith.select %eq3A_330, %broadcast_in_dim3A_333, %broadcast_in_dim3A_334 : vector<16xi1>, vector<16xi32>
      %broadcast_in_dim3A_336 = arith.constant true
      %broadcast_in_dim3A_337 = vector.broadcast %broadcast_in_dim3A_336 : i1 to vector<16xi1>
      %masked_cumsum3A_338 = tpu.scan <sum>, %select_n3A_335 masked %broadcast_in_dim3A_337 : vector<16xi32>, vector<16xi1> -> vector<16xi32>
      %eq3A_339 = arith.constant 4 : i32
      %eq3A_340 = vector.broadcast %eq3A_339 : i32 to vector<16xi32>
      %eq3A_341 = arith.cmpi eq, %iota3A, %eq3A_340 : vector<16xi32>
      %jit3A_342 = arith.constant 0 : i32
      %broadcast_in_dim3A_343 = vector.broadcast %jit3A_342 : i32 to vector<16xi32>
      %select_n3A_344 = arith.select %eq3A_341, %add3A_327, %broadcast_in_dim3A_343 : vector<16xi1>, vector<16xi32>
      %reduce_sum3A_345 = arith.constant true
      %reduce_sum3A_346 = vector.broadcast %reduce_sum3A_345 : i1 to vector<16xi1>
      %reduce_sum3A_347 = tpu.scan <sum>, %select_n3A_344 masked %reduce_sum3A_346 : vector<16xi32>, vector<16xi1> -> vector<16xi32>
      %reduce_sum3A_348 = vector.extract %reduce_sum3A_347[15] : i32 from vector<16xi32>
      %add3A_349 = vector.broadcast %reduce_sum3A_348 : i32 to vector<16xi32>
      %add3A_350 = arith.addi %add3A_349, %masked_cumsum3A_338 : vector<16xi32>
      %sub3A_351 = arith.constant 1 : i32
      %sub3A_352 = vector.broadcast %sub3A_351 : i32 to vector<16xi32>
      %sub3A_353 = arith.subi %add3A_350, %sub3A_352 : vector<16xi32>
      %select_n3A_354 = arith.select %eq3A_330, %sub3A_353, %select_n3A_315 : vector<16xi1>, vector<16xi32>
      %eq3A_355 = arith.constant 4 : i32
      %eq3A_356 = vector.broadcast %eq3A_355 : i32 to vector<16xi32>
      %eq3A_357 = arith.cmpi eq, %iota3A, %eq3A_356 : vector<16xi32>
      %reduce_sum3A_358 = arith.constant true
      %reduce_sum3A_359 = vector.broadcast %reduce_sum3A_358 : i1 to vector<16xi1>
      %reduce_sum3A_360 = tpu.scan <sum>, %select_n3A_335 masked %reduce_sum3A_359 : vector<16xi32>, vector<16xi1> -> vector<16xi32>
      %reduce_sum3A_361 = vector.extract %reduce_sum3A_360[15] : i32 from vector<16xi32>
      %jit3A_362 = arith.constant 0 : i32
      %broadcast_in_dim3A_363 = vector.broadcast %reduce_sum3A_361 : i32 to vector<16xi32>
      %broadcast_in_dim3A_364 = vector.broadcast %jit3A_362 : i32 to vector<16xi32>
      %select_n3A_365 = arith.select %eq3A_357, %broadcast_in_dim3A_363, %broadcast_in_dim3A_364 : vector<16xi1>, vector<16xi32>
      %add3A_366 = arith.addi %add3A_327, %select_n3A_365 : vector<16xi32>
      %eq3A_367 = arith.constant 5 : i32
      %eq3A_368 = vector.broadcast %eq3A_367 : i32 to vector<16xi32>
      %eq3A_369 = arith.cmpi eq, %add3A_172, %eq3A_368 : vector<16xi32>
      %jit3A_370 = arith.constant 1 : i32
      %jit3A_371 = arith.constant 0 : i32
      %broadcast_in_dim3A_372 = vector.broadcast %jit3A_370 : i32 to vector<16xi32>
      %broadcast_in_dim3A_373 = vector.broadcast %jit3A_371 : i32 to vector<16xi32>
      %select_n3A_374 = arith.select %eq3A_369, %broadcast_in_dim3A_372, %broadcast_in_dim3A_373 : vector<16xi1>, vector<16xi32>
      %broadcast_in_dim3A_375 = arith.constant true
      %broadcast_in_dim3A_376 = vector.broadcast %broadcast_in_dim3A_375 : i1 to vector<16xi1>
      %masked_cumsum3A_377 = tpu.scan <sum>, %select_n3A_374 masked %broadcast_in_dim3A_376 : vector<16xi32>, vector<16xi1> -> vector<16xi32>
      %eq3A_378 = arith.constant 5 : i32
      %eq3A_379 = vector.broadcast %eq3A_378 : i32 to vector<16xi32>
      %eq3A_380 = arith.cmpi eq, %iota3A, %eq3A_379 : vector<16xi32>
      %jit3A_381 = arith.constant 0 : i32
      %broadcast_in_dim3A_382 = vector.broadcast %jit3A_381 : i32 to vector<16xi32>
      %select_n3A_383 = arith.select %eq3A_380, %add3A_366, %broadcast_in_dim3A_382 : vector<16xi1>, vector<16xi32>
      %reduce_sum3A_384 = arith.constant true
      %reduce_sum3A_385 = vector.broadcast %reduce_sum3A_384 : i1 to vector<16xi1>
      %reduce_sum3A_386 = tpu.scan <sum>, %select_n3A_383 masked %reduce_sum3A_385 : vector<16xi32>, vector<16xi1> -> vector<16xi32>
      %reduce_sum3A_387 = vector.extract %reduce_sum3A_386[15] : i32 from vector<16xi32>
      %add3A_388 = vector.broadcast %reduce_sum3A_387 : i32 to vector<16xi32>
      %add3A_389 = arith.addi %add3A_388, %masked_cumsum3A_377 : vector<16xi32>
      %sub3A_390 = arith.constant 1 : i32
      %sub3A_391 = vector.broadcast %sub3A_390 : i32 to vector<16xi32>
      %sub3A_392 = arith.subi %add3A_389, %sub3A_391 : vector<16xi32>
      %select_n3A_393 = arith.select %eq3A_369, %sub3A_392, %select_n3A_354 : vector<16xi1>, vector<16xi32>
      %eq3A_394 = arith.constant 5 : i32
      %eq3A_395 = vector.broadcast %eq3A_394 : i32 to vector<16xi32>
      %eq3A_396 = arith.cmpi eq, %iota3A, %eq3A_395 : vector<16xi32>
      %reduce_sum3A_397 = arith.constant true
      %reduce_sum3A_398 = vector.broadcast %reduce_sum3A_397 : i1 to vector<16xi1>
      %reduce_sum3A_399 = tpu.scan <sum>, %select_n3A_374 masked %reduce_sum3A_398 : vector<16xi32>, vector<16xi1> -> vector<16xi32>
      %reduce_sum3A_400 = vector.extract %reduce_sum3A_399[15] : i32 from vector<16xi32>
      %jit3A_401 = arith.constant 0 : i32
      %broadcast_in_dim3A_402 = vector.broadcast %reduce_sum3A_400 : i32 to vector<16xi32>
      %broadcast_in_dim3A_403 = vector.broadcast %jit3A_401 : i32 to vector<16xi32>
      %select_n3A_404 = arith.select %eq3A_396, %broadcast_in_dim3A_402, %broadcast_in_dim3A_403 : vector<16xi1>, vector<16xi32>
      %add3A_405 = arith.addi %add3A_366, %select_n3A_404 : vector<16xi32>
      %eq3A_406 = arith.constant 6 : i32
      %eq3A_407 = vector.broadcast %eq3A_406 : i32 to vector<16xi32>
      %eq3A_408 = arith.cmpi eq, %add3A_172, %eq3A_407 : vector<16xi32>
      %jit3A_409 = arith.constant 1 : i32
      %jit3A_410 = arith.constant 0 : i32
      %broadcast_in_dim3A_411 = vector.broadcast %jit3A_409 : i32 to vector<16xi32>
      %broadcast_in_dim3A_412 = vector.broadcast %jit3A_410 : i32 to vector<16xi32>
      %select_n3A_413 = arith.select %eq3A_408, %broadcast_in_dim3A_411, %broadcast_in_dim3A_412 : vector<16xi1>, vector<16xi32>
      %broadcast_in_dim3A_414 = arith.constant true
      %broadcast_in_dim3A_415 = vector.broadcast %broadcast_in_dim3A_414 : i1 to vector<16xi1>
      %masked_cumsum3A_416 = tpu.scan <sum>, %select_n3A_413 masked %broadcast_in_dim3A_415 : vector<16xi32>, vector<16xi1> -> vector<16xi32>
      %eq3A_417 = arith.constant 6 : i32
      %eq3A_418 = vector.broadcast %eq3A_417 : i32 to vector<16xi32>
      %eq3A_419 = arith.cmpi eq, %iota3A, %eq3A_418 : vector<16xi32>
      %jit3A_420 = arith.constant 0 : i32
      %broadcast_in_dim3A_421 = vector.broadcast %jit3A_420 : i32 to vector<16xi32>
      %select_n3A_422 = arith.select %eq3A_419, %add3A_405, %broadcast_in_dim3A_421 : vector<16xi1>, vector<16xi32>
      %reduce_sum3A_423 = arith.constant true
      %reduce_sum3A_424 = vector.broadcast %reduce_sum3A_423 : i1 to vector<16xi1>
      %reduce_sum3A_425 = tpu.scan <sum>, %select_n3A_422 masked %reduce_sum3A_424 : vector<16xi32>, vector<16xi1> -> vector<16xi32>
      %reduce_sum3A_426 = vector.extract %reduce_sum3A_425[15] : i32 from vector<16xi32>
      %add3A_427 = vector.broadcast %reduce_sum3A_426 : i32 to vector<16xi32>
      %add3A_428 = arith.addi %add3A_427, %masked_cumsum3A_416 : vector<16xi32>
      %sub3A_429 = arith.constant 1 : i32
      %sub3A_430 = vector.broadcast %sub3A_429 : i32 to vector<16xi32>
      %sub3A_431 = arith.subi %add3A_428, %sub3A_430 : vector<16xi32>
      %select_n3A_432 = arith.select %eq3A_408, %sub3A_431, %select_n3A_393 : vector<16xi1>, vector<16xi32>
      %eq3A_433 = arith.constant 6 : i32
      %eq3A_434 = vector.broadcast %eq3A_433 : i32 to vector<16xi32>
      %eq3A_435 = arith.cmpi eq, %iota3A, %eq3A_434 : vector<16xi32>
      %reduce_sum3A_436 = arith.constant true
      %reduce_sum3A_437 = vector.broadcast %reduce_sum3A_436 : i1 to vector<16xi1>
      %reduce_sum3A_438 = tpu.scan <sum>, %select_n3A_413 masked %reduce_sum3A_437 : vector<16xi32>, vector<16xi1> -> vector<16xi32>
      %reduce_sum3A_439 = vector.extract %reduce_sum3A_438[15] : i32 from vector<16xi32>
      %jit3A_440 = arith.constant 0 : i32
      %broadcast_in_dim3A_441 = vector.broadcast %reduce_sum3A_439 : i32 to vector<16xi32>
      %broadcast_in_dim3A_442 = vector.broadcast %jit3A_440 : i32 to vector<16xi32>
      %select_n3A_443 = arith.select %eq3A_435, %broadcast_in_dim3A_441, %broadcast_in_dim3A_442 : vector<16xi1>, vector<16xi32>
      %add3A_444 = arith.addi %add3A_405, %select_n3A_443 : vector<16xi32>
      %eq3A_445 = arith.constant 7 : i32
      %eq3A_446 = vector.broadcast %eq3A_445 : i32 to vector<16xi32>
      %eq3A_447 = arith.cmpi eq, %add3A_172, %eq3A_446 : vector<16xi32>
      %jit3A_448 = arith.constant 1 : i32
      %jit3A_449 = arith.constant 0 : i32
      %broadcast_in_dim3A_450 = vector.broadcast %jit3A_448 : i32 to vector<16xi32>
      %broadcast_in_dim3A_451 = vector.broadcast %jit3A_449 : i32 to vector<16xi32>
      %select_n3A_452 = arith.select %eq3A_447, %broadcast_in_dim3A_450, %broadcast_in_dim3A_451 : vector<16xi1>, vector<16xi32>
      %broadcast_in_dim3A_453 = arith.constant true
      %broadcast_in_dim3A_454 = vector.broadcast %broadcast_in_dim3A_453 : i1 to vector<16xi1>
      %masked_cumsum3A_455 = tpu.scan <sum>, %select_n3A_452 masked %broadcast_in_dim3A_454 : vector<16xi32>, vector<16xi1> -> vector<16xi32>
      %eq3A_456 = arith.constant 7 : i32
      %eq3A_457 = vector.broadcast %eq3A_456 : i32 to vector<16xi32>
      %eq3A_458 = arith.cmpi eq, %iota3A, %eq3A_457 : vector<16xi32>
      %jit3A_459 = arith.constant 0 : i32
      %broadcast_in_dim3A_460 = vector.broadcast %jit3A_459 : i32 to vector<16xi32>
      %select_n3A_461 = arith.select %eq3A_458, %add3A_444, %broadcast_in_dim3A_460 : vector<16xi1>, vector<16xi32>
      %reduce_sum3A_462 = arith.constant true
      %reduce_sum3A_463 = vector.broadcast %reduce_sum3A_462 : i1 to vector<16xi1>
      %reduce_sum3A_464 = tpu.scan <sum>, %select_n3A_461 masked %reduce_sum3A_463 : vector<16xi32>, vector<16xi1> -> vector<16xi32>
      %reduce_sum3A_465 = vector.extract %reduce_sum3A_464[15] : i32 from vector<16xi32>
      %add3A_466 = vector.broadcast %reduce_sum3A_465 : i32 to vector<16xi32>
      %add3A_467 = arith.addi %add3A_466, %masked_cumsum3A_455 : vector<16xi32>
      %sub3A_468 = arith.constant 1 : i32
      %sub3A_469 = vector.broadcast %sub3A_468 : i32 to vector<16xi32>
      %sub3A_470 = arith.subi %add3A_467, %sub3A_469 : vector<16xi32>
      %select_n3A_471 = arith.select %eq3A_447, %sub3A_470, %select_n3A_432 : vector<16xi1>, vector<16xi32>
      %eq3A_472 = arith.constant 7 : i32
      %eq3A_473 = vector.broadcast %eq3A_472 : i32 to vector<16xi32>
      %eq3A_474 = arith.cmpi eq, %iota3A, %eq3A_473 : vector<16xi32>
      %reduce_sum3A_475 = arith.constant true
      %reduce_sum3A_476 = vector.broadcast %reduce_sum3A_475 : i1 to vector<16xi1>
      %reduce_sum3A_477 = tpu.scan <sum>, %select_n3A_452 masked %reduce_sum3A_476 : vector<16xi32>, vector<16xi1> -> vector<16xi32>
      %reduce_sum3A_478 = vector.extract %reduce_sum3A_477[15] : i32 from vector<16xi32>
      %jit3A_479 = arith.constant 0 : i32
      %broadcast_in_dim3A_480 = vector.broadcast %reduce_sum3A_478 : i32 to vector<16xi32>
      %broadcast_in_dim3A_481 = vector.broadcast %jit3A_479 : i32 to vector<16xi32>
      %select_n3A_482 = arith.select %eq3A_474, %broadcast_in_dim3A_480, %broadcast_in_dim3A_481 : vector<16xi1>, vector<16xi32>
      %add3A_483 = arith.addi %add3A_444, %select_n3A_482 : vector<16xi32>
      %eq3A_484 = arith.constant 8 : i32
      %eq3A_485 = vector.broadcast %eq3A_484 : i32 to vector<16xi32>
      %eq3A_486 = arith.cmpi eq, %add3A_172, %eq3A_485 : vector<16xi32>
      %jit3A_487 = arith.constant 1 : i32
      %jit3A_488 = arith.constant 0 : i32
      %broadcast_in_dim3A_489 = vector.broadcast %jit3A_487 : i32 to vector<16xi32>
      %broadcast_in_dim3A_490 = vector.broadcast %jit3A_488 : i32 to vector<16xi32>
      %select_n3A_491 = arith.select %eq3A_486, %broadcast_in_dim3A_489, %broadcast_in_dim3A_490 : vector<16xi1>, vector<16xi32>
      %broadcast_in_dim3A_492 = arith.constant true
      %broadcast_in_dim3A_493 = vector.broadcast %broadcast_in_dim3A_492 : i1 to vector<16xi1>
      %masked_cumsum3A_494 = tpu.scan <sum>, %select_n3A_491 masked %broadcast_in_dim3A_493 : vector<16xi32>, vector<16xi1> -> vector<16xi32>
      %eq3A_495 = arith.constant 8 : i32
      %eq3A_496 = vector.broadcast %eq3A_495 : i32 to vector<16xi32>
      %eq3A_497 = arith.cmpi eq, %iota3A, %eq3A_496 : vector<16xi32>
      %jit3A_498 = arith.constant 0 : i32
      %broadcast_in_dim3A_499 = vector.broadcast %jit3A_498 : i32 to vector<16xi32>
      %select_n3A_500 = arith.select %eq3A_497, %add3A_483, %broadcast_in_dim3A_499 : vector<16xi1>, vector<16xi32>
      %reduce_sum3A_501 = arith.constant true
      %reduce_sum3A_502 = vector.broadcast %reduce_sum3A_501 : i1 to vector<16xi1>
      %reduce_sum3A_503 = tpu.scan <sum>, %select_n3A_500 masked %reduce_sum3A_502 : vector<16xi32>, vector<16xi1> -> vector<16xi32>
      %reduce_sum3A_504 = vector.extract %reduce_sum3A_503[15] : i32 from vector<16xi32>
      %add3A_505 = vector.broadcast %reduce_sum3A_504 : i32 to vector<16xi32>
      %add3A_506 = arith.addi %add3A_505, %masked_cumsum3A_494 : vector<16xi32>
      %sub3A_507 = arith.constant 1 : i32
      %sub3A_508 = vector.broadcast %sub3A_507 : i32 to vector<16xi32>
      %sub3A_509 = arith.subi %add3A_506, %sub3A_508 : vector<16xi32>
      %select_n3A_510 = arith.select %eq3A_486, %sub3A_509, %select_n3A_471 : vector<16xi1>, vector<16xi32>
      %eq3A_511 = arith.constant 8 : i32
      %eq3A_512 = vector.broadcast %eq3A_511 : i32 to vector<16xi32>
      %eq3A_513 = arith.cmpi eq, %iota3A, %eq3A_512 : vector<16xi32>
      %reduce_sum3A_514 = arith.constant true
      %reduce_sum3A_515 = vector.broadcast %reduce_sum3A_514 : i1 to vector<16xi1>
      %reduce_sum3A_516 = tpu.scan <sum>, %select_n3A_491 masked %reduce_sum3A_515 : vector<16xi32>, vector<16xi1> -> vector<16xi32>
      %reduce_sum3A_517 = vector.extract %reduce_sum3A_516[15] : i32 from vector<16xi32>
      %jit3A_518 = arith.constant 0 : i32
      %broadcast_in_dim3A_519 = vector.broadcast %reduce_sum3A_517 : i32 to vector<16xi32>
      %broadcast_in_dim3A_520 = vector.broadcast %jit3A_518 : i32 to vector<16xi32>
      %select_n3A_521 = arith.select %eq3A_513, %broadcast_in_dim3A_519, %broadcast_in_dim3A_520 : vector<16xi1>, vector<16xi32>
      %add3A_522 = arith.addi %add3A_483, %select_n3A_521 : vector<16xi32>
      %eq3A_523 = arith.constant 9 : i32
      %eq3A_524 = vector.broadcast %eq3A_523 : i32 to vector<16xi32>
      %eq3A_525 = arith.cmpi eq, %add3A_172, %eq3A_524 : vector<16xi32>
      %jit3A_526 = arith.constant 1 : i32
      %jit3A_527 = arith.constant 0 : i32
      %broadcast_in_dim3A_528 = vector.broadcast %jit3A_526 : i32 to vector<16xi32>
      %broadcast_in_dim3A_529 = vector.broadcast %jit3A_527 : i32 to vector<16xi32>
      %select_n3A_530 = arith.select %eq3A_525, %broadcast_in_dim3A_528, %broadcast_in_dim3A_529 : vector<16xi1>, vector<16xi32>
      %broadcast_in_dim3A_531 = arith.constant true
      %broadcast_in_dim3A_532 = vector.broadcast %broadcast_in_dim3A_531 : i1 to vector<16xi1>
      %masked_cumsum3A_533 = tpu.scan <sum>, %select_n3A_530 masked %broadcast_in_dim3A_532 : vector<16xi32>, vector<16xi1> -> vector<16xi32>
      %eq3A_534 = arith.constant 9 : i32
      %eq3A_535 = vector.broadcast %eq3A_534 : i32 to vector<16xi32>
      %eq3A_536 = arith.cmpi eq, %iota3A, %eq3A_535 : vector<16xi32>
      %jit3A_537 = arith.constant 0 : i32
      %broadcast_in_dim3A_538 = vector.broadcast %jit3A_537 : i32 to vector<16xi32>
      %select_n3A_539 = arith.select %eq3A_536, %add3A_522, %broadcast_in_dim3A_538 : vector<16xi1>, vector<16xi32>
      %reduce_sum3A_540 = arith.constant true
      %reduce_sum3A_541 = vector.broadcast %reduce_sum3A_540 : i1 to vector<16xi1>
      %reduce_sum3A_542 = tpu.scan <sum>, %select_n3A_539 masked %reduce_sum3A_541 : vector<16xi32>, vector<16xi1> -> vector<16xi32>
      %reduce_sum3A_543 = vector.extract %reduce_sum3A_542[15] : i32 from vector<16xi32>
      %add3A_544 = vector.broadcast %reduce_sum3A_543 : i32 to vector<16xi32>
      %add3A_545 = arith.addi %add3A_544, %masked_cumsum3A_533 : vector<16xi32>
      %sub3A_546 = arith.constant 1 : i32
      %sub3A_547 = vector.broadcast %sub3A_546 : i32 to vector<16xi32>
      %sub3A_548 = arith.subi %add3A_545, %sub3A_547 : vector<16xi32>
      %select_n3A_549 = arith.select %eq3A_525, %sub3A_548, %select_n3A_510 : vector<16xi1>, vector<16xi32>
      %eq3A_550 = arith.constant 9 : i32
      %eq3A_551 = vector.broadcast %eq3A_550 : i32 to vector<16xi32>
      %eq3A_552 = arith.cmpi eq, %iota3A, %eq3A_551 : vector<16xi32>
      %reduce_sum3A_553 = arith.constant true
      %reduce_sum3A_554 = vector.broadcast %reduce_sum3A_553 : i1 to vector<16xi1>
      %reduce_sum3A_555 = tpu.scan <sum>, %select_n3A_530 masked %reduce_sum3A_554 : vector<16xi32>, vector<16xi1> -> vector<16xi32>
      %reduce_sum3A_556 = vector.extract %reduce_sum3A_555[15] : i32 from vector<16xi32>
      %jit3A_557 = arith.constant 0 : i32
      %broadcast_in_dim3A_558 = vector.broadcast %reduce_sum3A_556 : i32 to vector<16xi32>
      %broadcast_in_dim3A_559 = vector.broadcast %jit3A_557 : i32 to vector<16xi32>
      %select_n3A_560 = arith.select %eq3A_552, %broadcast_in_dim3A_558, %broadcast_in_dim3A_559 : vector<16xi1>, vector<16xi32>
      %add3A_561 = arith.addi %add3A_522, %select_n3A_560 : vector<16xi32>
      %eq3A_562 = arith.constant 10 : i32
      %eq3A_563 = vector.broadcast %eq3A_562 : i32 to vector<16xi32>
      %eq3A_564 = arith.cmpi eq, %add3A_172, %eq3A_563 : vector<16xi32>
      %jit3A_565 = arith.constant 1 : i32
      %jit3A_566 = arith.constant 0 : i32
      %broadcast_in_dim3A_567 = vector.broadcast %jit3A_565 : i32 to vector<16xi32>
      %broadcast_in_dim3A_568 = vector.broadcast %jit3A_566 : i32 to vector<16xi32>
      %select_n3A_569 = arith.select %eq3A_564, %broadcast_in_dim3A_567, %broadcast_in_dim3A_568 : vector<16xi1>, vector<16xi32>
      %broadcast_in_dim3A_570 = arith.constant true
      %broadcast_in_dim3A_571 = vector.broadcast %broadcast_in_dim3A_570 : i1 to vector<16xi1>
      %masked_cumsum3A_572 = tpu.scan <sum>, %select_n3A_569 masked %broadcast_in_dim3A_571 : vector<16xi32>, vector<16xi1> -> vector<16xi32>
      %eq3A_573 = arith.constant 10 : i32
      %eq3A_574 = vector.broadcast %eq3A_573 : i32 to vector<16xi32>
      %eq3A_575 = arith.cmpi eq, %iota3A, %eq3A_574 : vector<16xi32>
      %jit3A_576 = arith.constant 0 : i32
      %broadcast_in_dim3A_577 = vector.broadcast %jit3A_576 : i32 to vector<16xi32>
      %select_n3A_578 = arith.select %eq3A_575, %add3A_561, %broadcast_in_dim3A_577 : vector<16xi1>, vector<16xi32>
      %reduce_sum3A_579 = arith.constant true
      %reduce_sum3A_580 = vector.broadcast %reduce_sum3A_579 : i1 to vector<16xi1>
      %reduce_sum3A_581 = tpu.scan <sum>, %select_n3A_578 masked %reduce_sum3A_580 : vector<16xi32>, vector<16xi1> -> vector<16xi32>
      %reduce_sum3A_582 = vector.extract %reduce_sum3A_581[15] : i32 from vector<16xi32>
      %add3A_583 = vector.broadcast %reduce_sum3A_582 : i32 to vector<16xi32>
      %add3A_584 = arith.addi %add3A_583, %masked_cumsum3A_572 : vector<16xi32>
      %sub3A_585 = arith.constant 1 : i32
      %sub3A_586 = vector.broadcast %sub3A_585 : i32 to vector<16xi32>
      %sub3A_587 = arith.subi %add3A_584, %sub3A_586 : vector<16xi32>
      %select_n3A_588 = arith.select %eq3A_564, %sub3A_587, %select_n3A_549 : vector<16xi1>, vector<16xi32>
      %eq3A_589 = arith.constant 10 : i32
      %eq3A_590 = vector.broadcast %eq3A_589 : i32 to vector<16xi32>
      %eq3A_591 = arith.cmpi eq, %iota3A, %eq3A_590 : vector<16xi32>
      %reduce_sum3A_592 = arith.constant true
      %reduce_sum3A_593 = vector.broadcast %reduce_sum3A_592 : i1 to vector<16xi1>
      %reduce_sum3A_594 = tpu.scan <sum>, %select_n3A_569 masked %reduce_sum3A_593 : vector<16xi32>, vector<16xi1> -> vector<16xi32>
      %reduce_sum3A_595 = vector.extract %reduce_sum3A_594[15] : i32 from vector<16xi32>
      %jit3A_596 = arith.constant 0 : i32
      %broadcast_in_dim3A_597 = vector.broadcast %reduce_sum3A_595 : i32 to vector<16xi32>
      %broadcast_in_dim3A_598 = vector.broadcast %jit3A_596 : i32 to vector<16xi32>
      %select_n3A_599 = arith.select %eq3A_591, %broadcast_in_dim3A_597, %broadcast_in_dim3A_598 : vector<16xi1>, vector<16xi32>
      %add3A_600 = arith.addi %add3A_561, %select_n3A_599 : vector<16xi32>
      %eq3A_601 = arith.constant 11 : i32
      %eq3A_602 = vector.broadcast %eq3A_601 : i32 to vector<16xi32>
      %eq3A_603 = arith.cmpi eq, %add3A_172, %eq3A_602 : vector<16xi32>
      %jit3A_604 = arith.constant 1 : i32
      %jit3A_605 = arith.constant 0 : i32
      %broadcast_in_dim3A_606 = vector.broadcast %jit3A_604 : i32 to vector<16xi32>
      %broadcast_in_dim3A_607 = vector.broadcast %jit3A_605 : i32 to vector<16xi32>
      %select_n3A_608 = arith.select %eq3A_603, %broadcast_in_dim3A_606, %broadcast_in_dim3A_607 : vector<16xi1>, vector<16xi32>
      %broadcast_in_dim3A_609 = arith.constant true
      %broadcast_in_dim3A_610 = vector.broadcast %broadcast_in_dim3A_609 : i1 to vector<16xi1>
      %masked_cumsum3A_611 = tpu.scan <sum>, %select_n3A_608 masked %broadcast_in_dim3A_610 : vector<16xi32>, vector<16xi1> -> vector<16xi32>
      %eq3A_612 = arith.constant 11 : i32
      %eq3A_613 = vector.broadcast %eq3A_612 : i32 to vector<16xi32>
      %eq3A_614 = arith.cmpi eq, %iota3A, %eq3A_613 : vector<16xi32>
      %jit3A_615 = arith.constant 0 : i32
      %broadcast_in_dim3A_616 = vector.broadcast %jit3A_615 : i32 to vector<16xi32>
      %select_n3A_617 = arith.select %eq3A_614, %add3A_600, %broadcast_in_dim3A_616 : vector<16xi1>, vector<16xi32>
      %reduce_sum3A_618 = arith.constant true
      %reduce_sum3A_619 = vector.broadcast %reduce_sum3A_618 : i1 to vector<16xi1>
      %reduce_sum3A_620 = tpu.scan <sum>, %select_n3A_617 masked %reduce_sum3A_619 : vector<16xi32>, vector<16xi1> -> vector<16xi32>
      %reduce_sum3A_621 = vector.extract %reduce_sum3A_620[15] : i32 from vector<16xi32>
      %add3A_622 = vector.broadcast %reduce_sum3A_621 : i32 to vector<16xi32>
      %add3A_623 = arith.addi %add3A_622, %masked_cumsum3A_611 : vector<16xi32>
      %sub3A_624 = arith.constant 1 : i32
      %sub3A_625 = vector.broadcast %sub3A_624 : i32 to vector<16xi32>
      %sub3A_626 = arith.subi %add3A_623, %sub3A_625 : vector<16xi32>
      %select_n3A_627 = arith.select %eq3A_603, %sub3A_626, %select_n3A_588 : vector<16xi1>, vector<16xi32>
      %eq3A_628 = arith.constant 11 : i32
      %eq3A_629 = vector.broadcast %eq3A_628 : i32 to vector<16xi32>
      %eq3A_630 = arith.cmpi eq, %iota3A, %eq3A_629 : vector<16xi32>
      %reduce_sum3A_631 = arith.constant true
      %reduce_sum3A_632 = vector.broadcast %reduce_sum3A_631 : i1 to vector<16xi1>
      %reduce_sum3A_633 = tpu.scan <sum>, %select_n3A_608 masked %reduce_sum3A_632 : vector<16xi32>, vector<16xi1> -> vector<16xi32>
      %reduce_sum3A_634 = vector.extract %reduce_sum3A_633[15] : i32 from vector<16xi32>
      %jit3A_635 = arith.constant 0 : i32
      %broadcast_in_dim3A_636 = vector.broadcast %reduce_sum3A_634 : i32 to vector<16xi32>
      %broadcast_in_dim3A_637 = vector.broadcast %jit3A_635 : i32 to vector<16xi32>
      %select_n3A_638 = arith.select %eq3A_630, %broadcast_in_dim3A_636, %broadcast_in_dim3A_637 : vector<16xi1>, vector<16xi32>
      %add3A_639 = arith.addi %add3A_600, %select_n3A_638 : vector<16xi32>
      %eq3A_640 = arith.constant 12 : i32
      %eq3A_641 = vector.broadcast %eq3A_640 : i32 to vector<16xi32>
      %eq3A_642 = arith.cmpi eq, %add3A_172, %eq3A_641 : vector<16xi32>
      %jit3A_643 = arith.constant 1 : i32
      %jit3A_644 = arith.constant 0 : i32
      %broadcast_in_dim3A_645 = vector.broadcast %jit3A_643 : i32 to vector<16xi32>
      %broadcast_in_dim3A_646 = vector.broadcast %jit3A_644 : i32 to vector<16xi32>
      %select_n3A_647 = arith.select %eq3A_642, %broadcast_in_dim3A_645, %broadcast_in_dim3A_646 : vector<16xi1>, vector<16xi32>
      %broadcast_in_dim3A_648 = arith.constant true
      %broadcast_in_dim3A_649 = vector.broadcast %broadcast_in_dim3A_648 : i1 to vector<16xi1>
      %masked_cumsum3A_650 = tpu.scan <sum>, %select_n3A_647 masked %broadcast_in_dim3A_649 : vector<16xi32>, vector<16xi1> -> vector<16xi32>
      %eq3A_651 = arith.constant 12 : i32
      %eq3A_652 = vector.broadcast %eq3A_651 : i32 to vector<16xi32>
      %eq3A_653 = arith.cmpi eq, %iota3A, %eq3A_652 : vector<16xi32>
      %jit3A_654 = arith.constant 0 : i32
      %broadcast_in_dim3A_655 = vector.broadcast %jit3A_654 : i32 to vector<16xi32>
      %select_n3A_656 = arith.select %eq3A_653, %add3A_639, %broadcast_in_dim3A_655 : vector<16xi1>, vector<16xi32>
      %reduce_sum3A_657 = arith.constant true
      %reduce_sum3A_658 = vector.broadcast %reduce_sum3A_657 : i1 to vector<16xi1>
      %reduce_sum3A_659 = tpu.scan <sum>, %select_n3A_656 masked %reduce_sum3A_658 : vector<16xi32>, vector<16xi1> -> vector<16xi32>
      %reduce_sum3A_660 = vector.extract %reduce_sum3A_659[15] : i32 from vector<16xi32>
      %add3A_661 = vector.broadcast %reduce_sum3A_660 : i32 to vector<16xi32>
      %add3A_662 = arith.addi %add3A_661, %masked_cumsum3A_650 : vector<16xi32>
      %sub3A_663 = arith.constant 1 : i32
      %sub3A_664 = vector.broadcast %sub3A_663 : i32 to vector<16xi32>
      %sub3A_665 = arith.subi %add3A_662, %sub3A_664 : vector<16xi32>
      %select_n3A_666 = arith.select %eq3A_642, %sub3A_665, %select_n3A_627 : vector<16xi1>, vector<16xi32>
      %eq3A_667 = arith.constant 12 : i32
      %eq3A_668 = vector.broadcast %eq3A_667 : i32 to vector<16xi32>
      %eq3A_669 = arith.cmpi eq, %iota3A, %eq3A_668 : vector<16xi32>
      %reduce_sum3A_670 = arith.constant true
      %reduce_sum3A_671 = vector.broadcast %reduce_sum3A_670 : i1 to vector<16xi1>
      %reduce_sum3A_672 = tpu.scan <sum>, %select_n3A_647 masked %reduce_sum3A_671 : vector<16xi32>, vector<16xi1> -> vector<16xi32>
      %reduce_sum3A_673 = vector.extract %reduce_sum3A_672[15] : i32 from vector<16xi32>
      %jit3A_674 = arith.constant 0 : i32
      %broadcast_in_dim3A_675 = vector.broadcast %reduce_sum3A_673 : i32 to vector<16xi32>
      %broadcast_in_dim3A_676 = vector.broadcast %jit3A_674 : i32 to vector<16xi32>
      %select_n3A_677 = arith.select %eq3A_669, %broadcast_in_dim3A_675, %broadcast_in_dim3A_676 : vector<16xi1>, vector<16xi32>
      %add3A_678 = arith.addi %add3A_639, %select_n3A_677 : vector<16xi32>
      %eq3A_679 = arith.constant 13 : i32
      %eq3A_680 = vector.broadcast %eq3A_679 : i32 to vector<16xi32>
      %eq3A_681 = arith.cmpi eq, %add3A_172, %eq3A_680 : vector<16xi32>
      %jit3A_682 = arith.constant 1 : i32
      %jit3A_683 = arith.constant 0 : i32
      %broadcast_in_dim3A_684 = vector.broadcast %jit3A_682 : i32 to vector<16xi32>
      %broadcast_in_dim3A_685 = vector.broadcast %jit3A_683 : i32 to vector<16xi32>
      %select_n3A_686 = arith.select %eq3A_681, %broadcast_in_dim3A_684, %broadcast_in_dim3A_685 : vector<16xi1>, vector<16xi32>
      %broadcast_in_dim3A_687 = arith.constant true
      %broadcast_in_dim3A_688 = vector.broadcast %broadcast_in_dim3A_687 : i1 to vector<16xi1>
      %masked_cumsum3A_689 = tpu.scan <sum>, %select_n3A_686 masked %broadcast_in_dim3A_688 : vector<16xi32>, vector<16xi1> -> vector<16xi32>
      %eq3A_690 = arith.constant 13 : i32
      %eq3A_691 = vector.broadcast %eq3A_690 : i32 to vector<16xi32>
      %eq3A_692 = arith.cmpi eq, %iota3A, %eq3A_691 : vector<16xi32>
      %jit3A_693 = arith.constant 0 : i32
      %broadcast_in_dim3A_694 = vector.broadcast %jit3A_693 : i32 to vector<16xi32>
      %select_n3A_695 = arith.select %eq3A_692, %add3A_678, %broadcast_in_dim3A_694 : vector<16xi1>, vector<16xi32>
      %reduce_sum3A_696 = arith.constant true
      %reduce_sum3A_697 = vector.broadcast %reduce_sum3A_696 : i1 to vector<16xi1>
      %reduce_sum3A_698 = tpu.scan <sum>, %select_n3A_695 masked %reduce_sum3A_697 : vector<16xi32>, vector<16xi1> -> vector<16xi32>
      %reduce_sum3A_699 = vector.extract %reduce_sum3A_698[15] : i32 from vector<16xi32>
      %add3A_700 = vector.broadcast %reduce_sum3A_699 : i32 to vector<16xi32>
      %add3A_701 = arith.addi %add3A_700, %masked_cumsum3A_689 : vector<16xi32>
      %sub3A_702 = arith.constant 1 : i32
      %sub3A_703 = vector.broadcast %sub3A_702 : i32 to vector<16xi32>
      %sub3A_704 = arith.subi %add3A_701, %sub3A_703 : vector<16xi32>
      %select_n3A_705 = arith.select %eq3A_681, %sub3A_704, %select_n3A_666 : vector<16xi1>, vector<16xi32>
      %eq3A_706 = arith.constant 13 : i32
      %eq3A_707 = vector.broadcast %eq3A_706 : i32 to vector<16xi32>
      %eq3A_708 = arith.cmpi eq, %iota3A, %eq3A_707 : vector<16xi32>
      %reduce_sum3A_709 = arith.constant true
      %reduce_sum3A_710 = vector.broadcast %reduce_sum3A_709 : i1 to vector<16xi1>
      %reduce_sum3A_711 = tpu.scan <sum>, %select_n3A_686 masked %reduce_sum3A_710 : vector<16xi32>, vector<16xi1> -> vector<16xi32>
      %reduce_sum3A_712 = vector.extract %reduce_sum3A_711[15] : i32 from vector<16xi32>
      %jit3A_713 = arith.constant 0 : i32
      %broadcast_in_dim3A_714 = vector.broadcast %reduce_sum3A_712 : i32 to vector<16xi32>
      %broadcast_in_dim3A_715 = vector.broadcast %jit3A_713 : i32 to vector<16xi32>
      %select_n3A_716 = arith.select %eq3A_708, %broadcast_in_dim3A_714, %broadcast_in_dim3A_715 : vector<16xi1>, vector<16xi32>
      %add3A_717 = arith.addi %add3A_678, %select_n3A_716 : vector<16xi32>
      %eq3A_718 = arith.constant 14 : i32
      %eq3A_719 = vector.broadcast %eq3A_718 : i32 to vector<16xi32>
      %eq3A_720 = arith.cmpi eq, %add3A_172, %eq3A_719 : vector<16xi32>
      %jit3A_721 = arith.constant 1 : i32
      %jit3A_722 = arith.constant 0 : i32
      %broadcast_in_dim3A_723 = vector.broadcast %jit3A_721 : i32 to vector<16xi32>
      %broadcast_in_dim3A_724 = vector.broadcast %jit3A_722 : i32 to vector<16xi32>
      %select_n3A_725 = arith.select %eq3A_720, %broadcast_in_dim3A_723, %broadcast_in_dim3A_724 : vector<16xi1>, vector<16xi32>
      %broadcast_in_dim3A_726 = arith.constant true
      %broadcast_in_dim3A_727 = vector.broadcast %broadcast_in_dim3A_726 : i1 to vector<16xi1>
      %masked_cumsum3A_728 = tpu.scan <sum>, %select_n3A_725 masked %broadcast_in_dim3A_727 : vector<16xi32>, vector<16xi1> -> vector<16xi32>
      %eq3A_729 = arith.constant 14 : i32
      %eq3A_730 = vector.broadcast %eq3A_729 : i32 to vector<16xi32>
      %eq3A_731 = arith.cmpi eq, %iota3A, %eq3A_730 : vector<16xi32>
      %jit3A_732 = arith.constant 0 : i32
      %broadcast_in_dim3A_733 = vector.broadcast %jit3A_732 : i32 to vector<16xi32>
      %select_n3A_734 = arith.select %eq3A_731, %add3A_717, %broadcast_in_dim3A_733 : vector<16xi1>, vector<16xi32>
      %reduce_sum3A_735 = arith.constant true
      %reduce_sum3A_736 = vector.broadcast %reduce_sum3A_735 : i1 to vector<16xi1>
      %reduce_sum3A_737 = tpu.scan <sum>, %select_n3A_734 masked %reduce_sum3A_736 : vector<16xi32>, vector<16xi1> -> vector<16xi32>
      %reduce_sum3A_738 = vector.extract %reduce_sum3A_737[15] : i32 from vector<16xi32>
      %add3A_739 = vector.broadcast %reduce_sum3A_738 : i32 to vector<16xi32>
      %add3A_740 = arith.addi %add3A_739, %masked_cumsum3A_728 : vector<16xi32>
      %sub3A_741 = arith.constant 1 : i32
      %sub3A_742 = vector.broadcast %sub3A_741 : i32 to vector<16xi32>
      %sub3A_743 = arith.subi %add3A_740, %sub3A_742 : vector<16xi32>
      %select_n3A_744 = arith.select %eq3A_720, %sub3A_743, %select_n3A_705 : vector<16xi1>, vector<16xi32>
      %eq3A_745 = arith.constant 14 : i32
      %eq3A_746 = vector.broadcast %eq3A_745 : i32 to vector<16xi32>
      %eq3A_747 = arith.cmpi eq, %iota3A, %eq3A_746 : vector<16xi32>
      %reduce_sum3A_748 = arith.constant true
      %reduce_sum3A_749 = vector.broadcast %reduce_sum3A_748 : i1 to vector<16xi1>
      %reduce_sum3A_750 = tpu.scan <sum>, %select_n3A_725 masked %reduce_sum3A_749 : vector<16xi32>, vector<16xi1> -> vector<16xi32>
      %reduce_sum3A_751 = vector.extract %reduce_sum3A_750[15] : i32 from vector<16xi32>
      %jit3A_752 = arith.constant 0 : i32
      %broadcast_in_dim3A_753 = vector.broadcast %reduce_sum3A_751 : i32 to vector<16xi32>
      %broadcast_in_dim3A_754 = vector.broadcast %jit3A_752 : i32 to vector<16xi32>
      %select_n3A_755 = arith.select %eq3A_747, %broadcast_in_dim3A_753, %broadcast_in_dim3A_754 : vector<16xi1>, vector<16xi32>
      %add3A_756 = arith.addi %add3A_717, %select_n3A_755 : vector<16xi32>
      %eq3A_757 = arith.constant 15 : i32
      %eq3A_758 = vector.broadcast %eq3A_757 : i32 to vector<16xi32>
      %eq3A_759 = arith.cmpi eq, %add3A_172, %eq3A_758 : vector<16xi32>
      %jit3A_760 = arith.constant 1 : i32
      %jit3A_761 = arith.constant 0 : i32
      %broadcast_in_dim3A_762 = vector.broadcast %jit3A_760 : i32 to vector<16xi32>
      %broadcast_in_dim3A_763 = vector.broadcast %jit3A_761 : i32 to vector<16xi32>
      %select_n3A_764 = arith.select %eq3A_759, %broadcast_in_dim3A_762, %broadcast_in_dim3A_763 : vector<16xi1>, vector<16xi32>
      %broadcast_in_dim3A_765 = arith.constant true
      %broadcast_in_dim3A_766 = vector.broadcast %broadcast_in_dim3A_765 : i1 to vector<16xi1>
      %masked_cumsum3A_767 = tpu.scan <sum>, %select_n3A_764 masked %broadcast_in_dim3A_766 : vector<16xi32>, vector<16xi1> -> vector<16xi32>
      %eq3A_768 = arith.constant 15 : i32
      %eq3A_769 = vector.broadcast %eq3A_768 : i32 to vector<16xi32>
      %eq3A_770 = arith.cmpi eq, %iota3A, %eq3A_769 : vector<16xi32>
      %jit3A_771 = arith.constant 0 : i32
      %broadcast_in_dim3A_772 = vector.broadcast %jit3A_771 : i32 to vector<16xi32>
      %select_n3A_773 = arith.select %eq3A_770, %add3A_756, %broadcast_in_dim3A_772 : vector<16xi1>, vector<16xi32>
      %reduce_sum3A_774 = arith.constant true
      %reduce_sum3A_775 = vector.broadcast %reduce_sum3A_774 : i1 to vector<16xi1>
      %reduce_sum3A_776 = tpu.scan <sum>, %select_n3A_773 masked %reduce_sum3A_775 : vector<16xi32>, vector<16xi1> -> vector<16xi32>
      %reduce_sum3A_777 = vector.extract %reduce_sum3A_776[15] : i32 from vector<16xi32>
      %add3A_778 = vector.broadcast %reduce_sum3A_777 : i32 to vector<16xi32>
      %add3A_779 = arith.addi %add3A_778, %masked_cumsum3A_767 : vector<16xi32>
      %sub3A_780 = arith.constant 1 : i32
      %sub3A_781 = vector.broadcast %sub3A_780 : i32 to vector<16xi32>
      %sub3A_782 = arith.subi %add3A_779, %sub3A_781 : vector<16xi32>
      %select_n3A_783 = arith.select %eq3A_759, %sub3A_782, %select_n3A_744 : vector<16xi1>, vector<16xi32>
      %eq3A_784 = arith.constant 15 : i32
      %eq3A_785 = vector.broadcast %eq3A_784 : i32 to vector<16xi32>
      %eq3A_786 = arith.cmpi eq, %iota3A, %eq3A_785 : vector<16xi32>
      %reduce_sum3A_787 = arith.constant true
      %reduce_sum3A_788 = vector.broadcast %reduce_sum3A_787 : i1 to vector<16xi1>
      %reduce_sum3A_789 = tpu.scan <sum>, %select_n3A_764 masked %reduce_sum3A_788 : vector<16xi32>, vector<16xi1> -> vector<16xi32>
      %reduce_sum3A_790 = vector.extract %reduce_sum3A_789[15] : i32 from vector<16xi32>
      %jit3A_791 = arith.constant 0 : i32
      %broadcast_in_dim3A_792 = vector.broadcast %reduce_sum3A_790 : i32 to vector<16xi32>
      %broadcast_in_dim3A_793 = vector.broadcast %jit3A_791 : i32 to vector<16xi32>
      %select_n3A_794 = arith.select %eq3A_786, %broadcast_in_dim3A_792, %broadcast_in_dim3A_793 : vector<16xi1>, vector<16xi32>
      %add3A_795 = arith.addi %add3A_756, %select_n3A_794 : vector<16xi32>
      %mul3A_796 = arith.constant 16 : i32
      %mul3A_797 = arith.muli %scan3A_104, %mul3A_796 : i32
      %swap3A_798 = arith.index_cast %mul3A_797 : i32 to index
      %swap3A_799 = tpu.vector_load %arg11[%swap3A_798] {strides = array<i32>} : memref<512xi32, #tpu.memory_space<vmem>>, vector<16xi32>,
      tpu.vector_store %arg11[%swap3A_798], %add3A_172 {strides = array<i32>} : memref<512xi32, #tpu.memory_space<vmem>>, vector<16xi32>,
      %mul3A_800 = arith.constant 16 : i32
      %mul3A_801 = arith.muli %scan3A_104, %mul3A_800 : i32
      %swap3A_802 = arith.index_cast %mul3A_801 : i32 to index
      %swap3A_803 = tpu.vector_load %arg12[%swap3A_802] {strides = array<i32>} : memref<512xi32, #tpu.memory_space<vmem>>, vector<16xi32>,
      tpu.vector_store %arg12[%swap3A_802], %select_n3A_783 {strides = array<i32>} : memref<512xi32, #tpu.memory_space<vmem>>, vector<16xi32>,
      scf.yield %add3A_795 : vector<16xi32>
    }
    %scan3A_14 = arith.constant 32 : i32
    %swap3A = arith.constant 0 : index
    %swap3A_15 = tpu.vector_load %arg14[%swap3A] {strides = array<i32>} : memref<16xi32, #tpu.memory_space<vmem>>, vector<16xi32>,
    tpu.vector_store %arg14[%swap3A], %scan3A_13 {strides = array<i32>} : memref<16xi32, #tpu.memory_space<vmem>>, vector<16xi32>,
    %mul3A_16 = arith.constant 16 : i32
    %mul3A_17 = arith.muli %arg1, %mul3A_16 : i32
    "tpu.region"() ({
      %run_scoped3A_104 = tpu.sem_alloc : memref<!tpu.dma_semaphore, #tpu.memory_space<semaphore_mem>>
      %dma_start3A_105 = tpu.memref_slice %arg15[%mul3A_17] : memref<256xi32, #tpu.memory_space<vmem_shared>> -> memref<16xi32, #tpu.memory_space<vmem_shared>>
      %dma_start3A_106 = tpu.memref_slice %arg15[%mul3A_17] : memref<256xi32, #tpu.memory_space<vmem_shared>> -> memref<16xi32, #tpu.memory_space<vmem_shared>>
      tpu.enqueue_dma source(%arg14 : memref<16xi32, #tpu.memory_space<vmem>>) target(%dma_start3A_106 : memref<16xi32, #tpu.memory_space<vmem_shared>>) target_semaphore(%run_scoped3A_104 : memref<!tpu.dma_semaphore, #tpu.memory_space<semaphore_mem>>)
      %dma_wait3A_107 = tpu.memref_slice %arg15[%mul3A_17] : memref<256xi32, #tpu.memory_space<vmem_shared>> -> memref<16xi32, #tpu.memory_space<vmem_shared>>
      %dma_wait3A_108 = tpu.memref_slice %arg15[%mul3A_17] : memref<256xi32, #tpu.memory_space<vmem_shared>> -> memref<16xi32, #tpu.memory_space<vmem_shared>>
      tpu.wait_dma2 semaphore(%run_scoped3A_104 : memref<!tpu.dma_semaphore, #tpu.memory_space<semaphore_mem>>) src(%arg14 : memref<16xi32, #tpu.memory_space<vmem>>) dst(%dma_wait3A_108 : memref<16xi32, #tpu.memory_space<vmem_shared>>)
      tpu.yield
    }) : () -> ()
    %barrier3A = arith.constant 0 : index
    tpu.barrier barrier_id(%barrier3A)
    "tpu.region"() ({
      %run_scoped3A_104 = tpu.sem_alloc : memref<!tpu.dma_semaphore, #tpu.memory_space<semaphore_mem>>
      tpu.enqueue_dma source(%arg15 : memref<256xi32, #tpu.memory_space<vmem_shared>>) target(%arg16 : memref<256xi32, #tpu.memory_space<vmem>>) target_semaphore(%run_scoped3A_104 : memref<!tpu.dma_semaphore, #tpu.memory_space<semaphore_mem>>)
      tpu.wait_dma2 semaphore(%run_scoped3A_104 : memref<!tpu.dma_semaphore, #tpu.memory_space<semaphore_mem>>) src(%arg15 : memref<256xi32, #tpu.memory_space<vmem_shared>>) dst(%arg16 : memref<256xi32, #tpu.memory_space<vmem>>)
      tpu.yield
    }) : () -> ()
    %broadcast_in_dim3A_18 = arith.constant 0 : i32
    %broadcast_in_dim3A_19 = vector.broadcast %broadcast_in_dim3A_18 : i32 to vector<16xi32>
    %scan3A_20 = arith.constant 0 : i32
    %scan3A_21 = arith.constant 16 : i32
    %scan3A_22 = arith.addi %scan3A_20, %scan3A_21 : i32
    %scan3A_23 = arith.constant 1 : i32
    %scan3A_24 = scf.for %scan3A_104 = %scan3A_20 to %scan3A_22 step %scan3A_23 iter_args(%scan3A_105 = %broadcast_in_dim3A_19) -> (vector<16xi32>)  : i32 {
      %mul3A_106 = arith.constant 16 : i32
      %mul3A_107 = arith.muli %scan3A_104, %mul3A_106 : i32
      %get3A = arith.index_cast %mul3A_107 : i32 to index
      %get3A_108 = tpu.vector_load %arg16[%get3A] {strides = array<i32>} : memref<256xi32, #tpu.memory_space<vmem>>, vector<16xi32>,
      %lt3A = arith.cmpi slt, %scan3A_104, %arg1 : i32
      %add3A_109 = arith.addi %scan3A_105, %get3A_108 : vector<16xi32>
      %select_n3A = arith.select %lt3A, %add3A_109, %scan3A_105 : vector<16xi32>
      scf.yield %select_n3A : vector<16xi32>
    }
    %scan3A_25 = arith.constant 16 : i32
    %broadcast_in_dim3A_26 = arith.constant -1 : i32
    %broadcast_in_dim3A_27 = vector.broadcast %broadcast_in_dim3A_26 : i32 to vector<16xi32>
    %broadcast_in_dim3A_28 = arith.constant -1.000000e+00 : f32
    %broadcast_in_dim3A_29 = vector.broadcast %broadcast_in_dim3A_28 : f32 to vector<16xf32>
    %scan3A_30 = arith.constant 0 : i32
    %scan3A_31 = arith.constant 0 : i32
    %scan3A_32 = arith.constant 368 : i32
    %scan3A_33 = arith.addi %scan3A_31, %scan3A_32 : i32
    %scan3A_34 = arith.constant 1 : i32
    scf.for %scan3A_104 = %scan3A_31 to %scan3A_33 step %scan3A_34  : i32 {
      %mul3A_105 = arith.constant 16 : i32
      %mul3A_106 = arith.muli %scan3A_104, %mul3A_105 : i32
      %swap3A_107 = arith.index_cast %mul3A_106 : i32 to index
      %swap3A_108 = tpu.vector_load %arg17[%swap3A_107] {strides = array<i32>} : memref<5888xi32, #tpu.memory_space<vmem>>, vector<16xi32>,
      tpu.vector_store %arg17[%swap3A_107], %broadcast_in_dim3A_27 {strides = array<i32>} : memref<5888xi32, #tpu.memory_space<vmem>>, vector<16xi32>,
      %mul3A_109 = arith.constant 16 : i32
      %mul3A_110 = arith.muli %scan3A_104, %mul3A_109 : i32
      %swap3A_111 = arith.index_cast %mul3A_110 : i32 to index
      %swap3A_112 = tpu.vector_load %arg18[%swap3A_111] {strides = array<i32>} : memref<5888xf32, #tpu.memory_space<vmem>>, vector<16xf32>,
      tpu.vector_store %arg18[%swap3A_111], %broadcast_in_dim3A_29 {strides = array<i32>} : memref<5888xf32, #tpu.memory_space<vmem>>, vector<16xf32>,
    }
    %scan3A_35 = arith.constant 368 : i32
    %scan3A_36 = arith.constant 0 : i32
    %scan3A_37 = arith.constant 0 : i32
    %scan3A_38 = arith.constant 32 : i32
    %scan3A_39 = arith.addi %scan3A_37, %scan3A_38 : i32
    %scan3A_40 = arith.constant 1 : i32
    scf.for %scan3A_104 = %scan3A_37 to %scan3A_39 step %scan3A_40  : i32 {
      %mul3A_105 = arith.constant 16 : i32
      %mul3A_106 = arith.muli %scan3A_104, %mul3A_105 : i32
      %add3A_107 = vector.broadcast %mul3A_106 : i32 to vector<16xi32>
      %add3A_108 = arith.addi %add3A_107, %iota3A : vector<16xi32>
      %jit3A = arith.constant 2 : i32
      %div3A = vector.broadcast %jit3A : i32 to vector<16xi32>
      %div3A_109 = arith.divsi %add3A_108, %div3A : vector<16xi32>
      %sign3A = arith.constant 0 : i32
      %sign3A_110 = vector.broadcast %sign3A : i32 to vector<16xi32>
      %sign3A_111 = arith.cmpi sgt, %add3A_108, %sign3A_110 : vector<16xi32>
      %sign3A_112 = arith.extui %sign3A_111 : vector<16xi1> to vector<16xi32>
      %sign3A_113 = arith.constant 0 : i32
      %sign3A_114 = vector.broadcast %sign3A_113 : i32 to vector<16xi32>
      %sign3A_115 = arith.cmpi slt, %add3A_108, %sign3A_114 : vector<16xi32>
      %sign3A_116 = arith.extui %sign3A_115 : vector<16xi1> to vector<16xi32>
      %sign3A_117 = arith.subi %sign3A_112, %sign3A_116 : vector<16xi32>
      %sign3A_118 = arith.constant 0 : i32
      %sign3A_119 = arith.cmpi sgt, %jit3A, %sign3A_118 : i32
      %sign3A_120 = arith.extui %sign3A_119 : i1 to i32
      %sign3A_121 = arith.constant 0 : i32
      %sign3A_122 = arith.cmpi slt, %jit3A, %sign3A_121 : i32
      %sign3A_123 = arith.extui %sign3A_122 : i1 to i32
      %sign3A_124 = arith.subi %sign3A_120, %sign3A_123 : i32
      %ne3A = vector.broadcast %sign3A_124 : i32 to vector<16xi32>
      %ne3A_125 = arith.cmpi ne, %sign3A_117, %ne3A : vector<16xi32>
      %rem3A = vector.broadcast %jit3A : i32 to vector<16xi32>
      %rem3A_126 = arith.remsi %add3A_108, %rem3A : vector<16xi32>
      %ne3A_127 = arith.constant 0 : i32
      %ne3A_128 = vector.broadcast %ne3A_127 : i32 to vector<16xi32>
      %ne3A_129 = arith.cmpi ne, %rem3A_126, %ne3A_128 : vector<16xi32>
      %and3A = arith.andi %ne3A_125, %ne3A_129 : vector<16xi1>
      %sub3A = arith.constant 1 : i32
      %sub3A_130 = vector.broadcast %sub3A : i32 to vector<16xi32>
      %sub3A_131 = arith.subi %div3A_109, %sub3A_130 : vector<16xi32>
      %select_n3A = arith.select %and3A, %sub3A_131, %div3A_109 : vector<16xi1>, vector<16xi32>
      %add3A_132 = vector.broadcast %mul3A_0 : i32 to vector<16xi32>
      %add3A_133 = arith.addi %add3A_132, %select_n3A : vector<16xi32>
      %mul3A_134 = arith.constant 16 : i32
      %mul3A_135 = arith.muli %scan3A_104, %mul3A_134 : i32
      %get3A = arith.index_cast %mul3A_135 : i32 to index
      %get3A_136 = tpu.vector_load %arg11[%get3A] {strides = array<i32>} : memref<512xi32, #tpu.memory_space<vmem>>, vector<16xi32>,
      %mul3A_137 = arith.constant 16 : i32
      %mul3A_138 = arith.muli %scan3A_104, %mul3A_137 : i32
      %get3A_139 = arith.index_cast %mul3A_138 : i32 to index
      %get3A_140 = tpu.vector_load %arg12[%get3A_139] {strides = array<i32>} : memref<512xi32, #tpu.memory_space<vmem>>, vector<16xi32>,
      %mul3A_141 = arith.constant 16 : i32
      %mul3A_142 = arith.muli %scan3A_104, %mul3A_141 : i32
      %get3A_143 = arith.index_cast %mul3A_142 : i32 to index
      %get3A_144 = tpu.vector_load %arg10[%get3A_143] {strides = array<i32>} : memref<512xf32, #tpu.memory_space<vmem>>, vector<16xf32>,
      %broadcast_in_dim3A_145 = vector.shape_cast %get3A_136 : vector<16xi32> to vector<16x1xi32>
      %gather3A = vector.shape_cast %broadcast_in_dim3A_145 : vector<16x1xi32> to vector<16xi32>
      %gather3A_146 = tpu.dynamic_gather %scan3A_24[%gather3A] in [0] : vector<16xi32>, vector<16xi32> -> vector<16xi32>
      %add3A_147 = arith.addi %gather3A_146, %get3A_140 : vector<16xi32>
      %lt3A = arith.constant 320 : i32
      %lt3A_148 = vector.broadcast %lt3A : i32 to vector<16xi32>
      %lt3A_149 = arith.cmpi slt, %add3A_147, %lt3A_148 : vector<16xi32>
      %mul3A_150 = arith.constant 320 : i32
      %mul3A_151 = vector.broadcast %mul3A_150 : i32 to vector<16xi32>
      %mul3A_152 = arith.muli %get3A_136, %mul3A_151 : vector<16xi32>
      %add3A_153 = arith.addi %mul3A_152, %add3A_147 : vector<16xi32>
      %jit3A_154 = arith.constant 640 : i32
      %eq3A = arith.constant 0 : i32
      %eq3A_155 = arith.cmpi eq, %jit3A_154, %eq3A : i32
      %jit3A_156 = arith.constant 1 : i32
      %select_n3A_157 = arith.select %eq3A_155, %jit3A_156, %jit3A_154 : i32
      %rem3A_158 = vector.broadcast %select_n3A_157 : i32 to vector<16xi32>
      %rem3A_159 = arith.remsi %add3A_108, %rem3A_158 : vector<16xi32>
      %ne3A_160 = arith.constant 0 : i32
      %ne3A_161 = vector.broadcast %ne3A_160 : i32 to vector<16xi32>
      %ne3A_162 = arith.cmpi ne, %rem3A_159, %ne3A_161 : vector<16xi32>
      %lt3A_163 = arith.constant 0 : i32
      %lt3A_164 = vector.broadcast %lt3A_163 : i32 to vector<16xi32>
      %lt3A_165 = arith.cmpi slt, %rem3A_159, %lt3A_164 : vector<16xi32>
      %lt3A_166 = arith.constant 0 : i32
      %lt3A_167 = arith.cmpi slt, %select_n3A_157, %lt3A_166 : i32
      %ne3A_168 = vector.broadcast %lt3A_167 : i1 to vector<16xi1>
      %ne3A_169 = vector.broadcast %ne3A_168 : vector<16xi1> to vector<16xi1>
      %ne3A_170 = arith.xori %lt3A_165, %ne3A_169 : vector<16xi1>
      %and3A_171 = arith.andi %ne3A_170, %ne3A_162 : vector<16xi1>
      %add3A_172 = vector.broadcast %select_n3A_157 : i32 to vector<16xi32>
      %add3A_173 = arith.addi %rem3A_159, %add3A_172 : vector<16xi32>
      %select_n3A_174 = arith.select %and3A_171, %add3A_173, %rem3A_159 : vector<16xi1>, vector<16xi32>
      %add3A_175 = arith.constant 5120 : i32
      %add3A_176 = vector.broadcast %add3A_175 : i32 to vector<16xi32>
      %add3A_177 = arith.addi %add3A_176, %select_n3A_174 : vector<16xi32>
      %select_n3A_178 = arith.select %lt3A_149, %add3A_153, %add3A_177 : vector<16xi1>, vector<16xi32>
      %mul3A_179 = arith.constant 16 : i32
      %mul3A_180 = arith.muli %scan3A_104, %mul3A_179 : i32
      %swap3A_181 = arith.index_cast %mul3A_180 : i32 to index
      %swap3A_182 = tpu.vector_load %arg13[%swap3A_181] {strides = array<i32>} : memref<512xi32, #tpu.memory_space<vmem>>, vector<16xi32>,
      tpu.vector_store %arg13[%swap3A_181], %select_n3A_178 {strides = array<i32>} : memref<512xi32, #tpu.memory_space<vmem>>, vector<16xi32>,
      tpu.vector_store_idx %arg17[%select_n3A_178], %add3A_133 : memref<5888xi32, #tpu.memory_space<vmem>>[vector<16xi32>], vector<16xi32>,
      %jit3A_183 = arith.constant 0.000000e+00 : f32
      %broadcast_in_dim3A_184 = vector.broadcast %jit3A_183 : f32 to vector<16xf32>
      %select_n3A_185 = arith.select %lt3A_149, %get3A_144, %broadcast_in_dim3A_184 : vector<16xi1>, vector<16xf32>
      tpu.vector_store_idx %arg18[%select_n3A_178], %select_n3A_185 : memref<5888xf32, #tpu.memory_space<vmem>>[vector<16xi32>], vector<16xf32>,
    }
    %scan3A_41 = arith.constant 32 : i32
    %scan3A_42 = arith.constant 0 : i32
    %scan3A_43 = arith.constant 0 : i32
    %scan3A_44 = arith.constant 16 : i32
    %scan3A_45 = arith.addi %scan3A_43, %scan3A_44 : i32
    %scan3A_46 = arith.constant 1 : i32
    scf.for %scan3A_104 = %scan3A_43 to %scan3A_45 step %scan3A_46  : i32 {
      %mul3A_105 = arith.constant 16 : i32
      %mul3A_106 = arith.muli %scan3A_104, %mul3A_105 : i32
      %add3A_107 = vector.broadcast %mul3A_106 : i32 to vector<16xi32>
      %add3A_108 = arith.addi %add3A_107, %iota3A : vector<16xi32>
      %mul3A_109 = arith.constant 2 : i32
      %mul3A_110 = vector.broadcast %mul3A_109 : i32 to vector<16xi32>
      %mul3A_111 = arith.muli %mul3A_110, %add3A_108 : vector<16xi32>
      %gather3A = tpu.vector_load_idx %arg13[%mul3A_111] : memref<512xi32, #tpu.memory_space<vmem>>[vector<16xi32>], vector<16xi32>,
      %mul3A_112 = arith.constant 16 : i32
      %mul3A_113 = arith.muli %scan3A_104, %mul3A_112 : i32
      %swap3A_114 = arith.index_cast %mul3A_113 : i32 to index
      %swap3A_115 = tpu.vector_load %arg26[%swap3A_114] {strides = array<i32>} : memref<256xi32, #tpu.memory_space<vmem>>, vector<16xi32>,
      tpu.vector_store %arg26[%swap3A_114], %gather3A {strides = array<i32>} : memref<256xi32, #tpu.memory_space<vmem>>, vector<16xi32>,
      %mul3A_116 = arith.constant 2 : i32
      %mul3A_117 = vector.broadcast %mul3A_116 : i32 to vector<16xi32>
      %mul3A_118 = arith.muli %mul3A_117, %add3A_108 : vector<16xi32>
      %add3A_119 = arith.constant 1 : i32
      %add3A_120 = vector.broadcast %add3A_119 : i32 to vector<16xi32>
      %add3A_121 = arith.addi %mul3A_118, %add3A_120 : vector<16xi32>
      %gather3A_122 = tpu.vector_load_idx %arg13[%add3A_121] : memref<512xi32, #tpu.memory_space<vmem>>[vector<16xi32>], vector<16xi32>,
      %mul3A_123 = arith.constant 16 : i32
      %mul3A_124 = arith.muli %scan3A_104, %mul3A_123 : i32
      %swap3A_125 = arith.index_cast %mul3A_124 : i32 to index
      %swap3A_126 = tpu.vector_load %arg27[%swap3A_125] {strides = array<i32>} : memref<256xi32, #tpu.memory_space<vmem>>, vector<16xi32>,
      tpu.vector_store %arg27[%swap3A_125], %gather3A_122 {strides = array<i32>} : memref<256xi32, #tpu.memory_space<vmem>>, vector<16xi32>,
    }
    %scan3A_47 = arith.constant 16 : i32
    %mul3A_48 = arith.constant 256 : i32
    %mul3A_49 = arith.muli %arg1, %mul3A_48 : i32
    "tpu.region"() ({
      %run_scoped3A_104 = tpu.sem_alloc : memref<!tpu.dma_semaphore, #tpu.memory_space<semaphore_mem>>
      %dma_start3A_105 = tpu.memref_slice %arg5[%mul3A_49] : memref<4096xi32, #tpu.memory_space<hbm>> -> memref<256xi32, #tpu.memory_space<hbm>>
      %dma_start3A_106 = tpu.memref_slice %arg5[%mul3A_49] : memref<4096xi32, #tpu.memory_space<hbm>> -> memref<256xi32, #tpu.memory_space<hbm>>
      tpu.enqueue_dma source(%arg26 : memref<256xi32, #tpu.memory_space<vmem>>) target(%dma_start3A_106 : memref<256xi32, #tpu.memory_space<hbm>>) target_semaphore(%run_scoped3A_104 : memref<!tpu.dma_semaphore, #tpu.memory_space<semaphore_mem>>)
      %dma_wait3A_107 = tpu.memref_slice %arg5[%mul3A_49] : memref<4096xi32, #tpu.memory_space<hbm>> -> memref<256xi32, #tpu.memory_space<hbm>>
      %dma_wait3A_108 = tpu.memref_slice %arg5[%mul3A_49] : memref<4096xi32, #tpu.memory_space<hbm>> -> memref<256xi32, #tpu.memory_space<hbm>>
      tpu.wait_dma2 semaphore(%run_scoped3A_104 : memref<!tpu.dma_semaphore, #tpu.memory_space<semaphore_mem>>) src(%arg26 : memref<256xi32, #tpu.memory_space<vmem>>) dst(%dma_wait3A_108 : memref<256xi32, #tpu.memory_space<hbm>>)
      tpu.yield
    }) : () -> ()
    %mul3A_50 = arith.constant 256 : i32
    %mul3A_51 = arith.muli %arg1, %mul3A_50 : i32
    "tpu.region"() ({
      %run_scoped3A_104 = tpu.sem_alloc : memref<!tpu.dma_semaphore, #tpu.memory_space<semaphore_mem>>
      %dma_start3A_105 = tpu.memref_slice %arg6[%mul3A_51] : memref<4096xi32, #tpu.memory_space<hbm>> -> memref<256xi32, #tpu.memory_space<hbm>>
      %dma_start3A_106 = tpu.memref_slice %arg6[%mul3A_51] : memref<4096xi32, #tpu.memory_space<hbm>> -> memref<256xi32, #tpu.memory_space<hbm>>
      tpu.enqueue_dma source(%arg27 : memref<256xi32, #tpu.memory_space<vmem>>) target(%dma_start3A_106 : memref<256xi32, #tpu.memory_space<hbm>>) target_semaphore(%run_scoped3A_104 : memref<!tpu.dma_semaphore, #tpu.memory_space<semaphore_mem>>)
      %dma_wait3A_107 = tpu.memref_slice %arg6[%mul3A_51] : memref<4096xi32, #tpu.memory_space<hbm>> -> memref<256xi32, #tpu.memory_space<hbm>>
      %dma_wait3A_108 = tpu.memref_slice %arg6[%mul3A_51] : memref<4096xi32, #tpu.memory_space<hbm>> -> memref<256xi32, #tpu.memory_space<hbm>>
      tpu.wait_dma2 semaphore(%run_scoped3A_104 : memref<!tpu.dma_semaphore, #tpu.memory_space<semaphore_mem>>) src(%arg27 : memref<256xi32, #tpu.memory_space<vmem>>) dst(%dma_wait3A_108 : memref<256xi32, #tpu.memory_space<hbm>>)
      tpu.yield
    }) : () -> ()
    %mul3A_52 = arith.constant 5888 : i32
    %mul3A_53 = arith.muli %arg1, %mul3A_52 : i32
    "tpu.region"() ({
      %run_scoped3A_104 = tpu.sem_alloc : memref<!tpu.dma_semaphore, #tpu.memory_space<semaphore_mem>>
      %dma_start3A_105 = tpu.memref_slice %arg19[%mul3A_53] : memref<94208xi32, #tpu.memory_space<vmem_shared>> -> memref<5888xi32, #tpu.memory_space<vmem_shared>>
      %dma_start3A_106 = tpu.memref_slice %arg19[%mul3A_53] : memref<94208xi32, #tpu.memory_space<vmem_shared>> -> memref<5888xi32, #tpu.memory_space<vmem_shared>>
      tpu.enqueue_dma source(%arg17 : memref<5888xi32, #tpu.memory_space<vmem>>) target(%dma_start3A_106 : memref<5888xi32, #tpu.memory_space<vmem_shared>>) target_semaphore(%run_scoped3A_104 : memref<!tpu.dma_semaphore, #tpu.memory_space<semaphore_mem>>)
      %dma_wait3A_107 = tpu.memref_slice %arg19[%mul3A_53] : memref<94208xi32, #tpu.memory_space<vmem_shared>> -> memref<5888xi32, #tpu.memory_space<vmem_shared>>
      %dma_wait3A_108 = tpu.memref_slice %arg19[%mul3A_53] : memref<94208xi32, #tpu.memory_space<vmem_shared>> -> memref<5888xi32, #tpu.memory_space<vmem_shared>>
      tpu.wait_dma2 semaphore(%run_scoped3A_104 : memref<!tpu.dma_semaphore, #tpu.memory_space<semaphore_mem>>) src(%arg17 : memref<5888xi32, #tpu.memory_space<vmem>>) dst(%dma_wait3A_108 : memref<5888xi32, #tpu.memory_space<vmem_shared>>)
      tpu.yield
    }) : () -> ()
    %mul3A_54 = arith.constant 5888 : i32
    %mul3A_55 = arith.muli %arg1, %mul3A_54 : i32
    "tpu.region"() ({
      %run_scoped3A_104 = tpu.sem_alloc : memref<!tpu.dma_semaphore, #tpu.memory_space<semaphore_mem>>
      %dma_start3A_105 = tpu.memref_slice %arg20[%mul3A_55] : memref<94208xf32, #tpu.memory_space<vmem_shared>> -> memref<5888xf32, #tpu.memory_space<vmem_shared>>
      %dma_start3A_106 = tpu.memref_slice %arg20[%mul3A_55] : memref<94208xf32, #tpu.memory_space<vmem_shared>> -> memref<5888xf32, #tpu.memory_space<vmem_shared>>
      tpu.enqueue_dma source(%arg18 : memref<5888xf32, #tpu.memory_space<vmem>>) target(%dma_start3A_106 : memref<5888xf32, #tpu.memory_space<vmem_shared>>) target_semaphore(%run_scoped3A_104 : memref<!tpu.dma_semaphore, #tpu.memory_space<semaphore_mem>>)
      %dma_wait3A_107 = tpu.memref_slice %arg20[%mul3A_55] : memref<94208xf32, #tpu.memory_space<vmem_shared>> -> memref<5888xf32, #tpu.memory_space<vmem_shared>>
      %dma_wait3A_108 = tpu.memref_slice %arg20[%mul3A_55] : memref<94208xf32, #tpu.memory_space<vmem_shared>> -> memref<5888xf32, #tpu.memory_space<vmem_shared>>
      tpu.wait_dma2 semaphore(%run_scoped3A_104 : memref<!tpu.dma_semaphore, #tpu.memory_space<semaphore_mem>>) src(%arg18 : memref<5888xf32, #tpu.memory_space<vmem>>) dst(%dma_wait3A_108 : memref<5888xf32, #tpu.memory_space<vmem_shared>>)
      tpu.yield
    }) : () -> ()
    %barrier3A_56 = arith.constant 0 : index
    tpu.barrier barrier_id(%barrier3A_56)
    %mul3A_57 = arith.constant 368 : i32
    %mul3A_58 = arith.muli %arg1, %mul3A_57 : i32
    %scan3A_59 = arith.constant 0 : i32
    %scan3A_60 = arith.constant 0 : i32
    %scan3A_61 = arith.constant 23 : i32
    %scan3A_62 = arith.addi %scan3A_60, %scan3A_61 : i32
    %scan3A_63 = arith.constant 1 : i32
    scf.for %scan3A_104 = %scan3A_60 to %scan3A_62 step %scan3A_63  : i32 {
      %mul3A_105 = arith.constant 16 : i32
      %mul3A_106 = arith.muli %scan3A_104, %mul3A_105 : i32
      %swap3A_107 = arith.index_cast %mul3A_106 : i32 to index
      %swap3A_108 = tpu.vector_load %arg23[%swap3A_107] {strides = array<i32>} : memref<368xi32, #tpu.memory_space<vmem>>, vector<16xi32>,
      tpu.vector_store %arg23[%swap3A_107], %broadcast_in_dim3A_27 {strides = array<i32>} : memref<368xi32, #tpu.memory_space<vmem>>, vector<16xi32>,
      %mul3A_109 = arith.constant 16 : i32
      %mul3A_110 = arith.muli %scan3A_104, %mul3A_109 : i32
      %swap3A_111 = arith.index_cast %mul3A_110 : i32 to index
      %swap3A_112 = tpu.vector_load %arg24[%swap3A_111] {strides = array<i32>} : memref<368xf32, #tpu.memory_space<vmem>>, vector<16xf32>,
      tpu.vector_store %arg24[%swap3A_111], %broadcast_in_dim3A_29 {strides = array<i32>} : memref<368xf32, #tpu.memory_space<vmem>>, vector<16xf32>,
    }
    %scan3A_64 = arith.constant 23 : i32
    %scan3A_65 = arith.constant 0 : i32
    %scan3A_66 = arith.constant 0 : i32
    %scan3A_67 = arith.constant 16 : i32
    %scan3A_68 = arith.addi %scan3A_66, %scan3A_67 : i32
    %scan3A_69 = arith.constant 1 : i32
    scf.for %scan3A_104 = %scan3A_66 to %scan3A_68 step %scan3A_69  : i32 {
      %mul3A_105 = arith.constant 5888 : i32
      %mul3A_106 = arith.muli %scan3A_104, %mul3A_105 : i32
      %add3A_107 = arith.addi %mul3A_106, %mul3A_58 : i32
      "tpu.region"() ({
        %run_scoped3A_117 = tpu.sem_alloc : memref<!tpu.dma_semaphore, #tpu.memory_space<semaphore_mem>>
        %dma_start3A_118 = tpu.memref_slice %arg19[%add3A_107] : memref<94208xi32, #tpu.memory_space<vmem_shared>> -> memref<368xi32, #tpu.memory_space<vmem_shared>>
        %dma_start3A_119 = tpu.memref_slice %arg19[%add3A_107] : memref<94208xi32, #tpu.memory_space<vmem_shared>> -> memref<368xi32, #tpu.memory_space<vmem_shared>>
        tpu.enqueue_dma source(%dma_start3A_119 : memref<368xi32, #tpu.memory_space<vmem_shared>>) target(%arg21 : memref<368xi32, #tpu.memory_space<vmem>>) target_semaphore(%run_scoped3A_117 : memref<!tpu.dma_semaphore, #tpu.memory_space<semaphore_mem>>)
        %dma_wait3A_120 = tpu.memref_slice %arg19[%add3A_107] : memref<94208xi32, #tpu.memory_space<vmem_shared>> -> memref<368xi32, #tpu.memory_space<vmem_shared>>
        %dma_wait3A_121 = tpu.memref_slice %arg19[%add3A_107] : memref<94208xi32, #tpu.memory_space<vmem_shared>> -> memref<368xi32, #tpu.memory_space<vmem_shared>>
        tpu.wait_dma2 semaphore(%run_scoped3A_117 : memref<!tpu.dma_semaphore, #tpu.memory_space<semaphore_mem>>) src(%dma_wait3A_121 : memref<368xi32, #tpu.memory_space<vmem_shared>>) dst(%arg21 : memref<368xi32, #tpu.memory_space<vmem>>)
        tpu.yield
      }) : () -> ()
      %mul3A_108 = arith.constant 5888 : i32
      %mul3A_109 = arith.muli %scan3A_104, %mul3A_108 : i32
      %add3A_110 = arith.addi %mul3A_109, %mul3A_58 : i32
      "tpu.region"() ({
        %run_scoped3A_117 = tpu.sem_alloc : memref<!tpu.dma_semaphore, #tpu.memory_space<semaphore_mem>>
        %dma_start3A_118 = tpu.memref_slice %arg20[%add3A_110] : memref<94208xf32, #tpu.memory_space<vmem_shared>> -> memref<368xf32, #tpu.memory_space<vmem_shared>>
        %dma_start3A_119 = tpu.memref_slice %arg20[%add3A_110] : memref<94208xf32, #tpu.memory_space<vmem_shared>> -> memref<368xf32, #tpu.memory_space<vmem_shared>>
        tpu.enqueue_dma source(%dma_start3A_119 : memref<368xf32, #tpu.memory_space<vmem_shared>>) target(%arg22 : memref<368xf32, #tpu.memory_space<vmem>>) target_semaphore(%run_scoped3A_117 : memref<!tpu.dma_semaphore, #tpu.memory_space<semaphore_mem>>)
        %dma_wait3A_120 = tpu.memref_slice %arg20[%add3A_110] : memref<94208xf32, #tpu.memory_space<vmem_shared>> -> memref<368xf32, #tpu.memory_space<vmem_shared>>
        %dma_wait3A_121 = tpu.memref_slice %arg20[%add3A_110] : memref<94208xf32, #tpu.memory_space<vmem_shared>> -> memref<368xf32, #tpu.memory_space<vmem_shared>>
        tpu.wait_dma2 semaphore(%run_scoped3A_117 : memref<!tpu.dma_semaphore, #tpu.memory_space<semaphore_mem>>) src(%dma_wait3A_121 : memref<368xf32, #tpu.memory_space<vmem_shared>>) dst(%arg22 : memref<368xf32, #tpu.memory_space<vmem>>)
        tpu.yield
      }) : () -> ()
      %scan3A_111 = arith.constant 0 : i32
      %scan3A_112 = arith.constant 0 : i32
      %scan3A_113 = arith.constant 23 : i32
      %scan3A_114 = arith.addi %scan3A_112, %scan3A_113 : i32
      %scan3A_115 = arith.constant 1 : i32
      scf.for %scan3A_117 = %scan3A_112 to %scan3A_114 step %scan3A_115  : i32 {
        %mul3A_118 = arith.constant 16 : i32
        %mul3A_119 = arith.muli %scan3A_117, %mul3A_118 : i32
        %get3A = arith.index_cast %mul3A_119 : i32 to index
        %get3A_120 = tpu.vector_load %arg23[%get3A] {strides = array<i32>} : memref<368xi32, #tpu.memory_space<vmem>>, vector<16xi32>,
        %get3A_121 = arith.index_cast %mul3A_119 : i32 to index
        %get3A_122 = tpu.vector_load %arg21[%get3A_121] {strides = array<i32>} : memref<368xi32, #tpu.memory_space<vmem>>, vector<16xi32>,
        %max3A = arith.maxsi %get3A_120, %get3A_122 : vector<16xi32>
        %swap3A_123 = arith.index_cast %mul3A_119 : i32 to index
        %swap3A_124 = tpu.vector_load %arg23[%swap3A_123] {strides = array<i32>} : memref<368xi32, #tpu.memory_space<vmem>>, vector<16xi32>,
        tpu.vector_store %arg23[%swap3A_123], %max3A {strides = array<i32>} : memref<368xi32, #tpu.memory_space<vmem>>, vector<16xi32>,
        %get3A_125 = arith.index_cast %mul3A_119 : i32 to index
        %get3A_126 = tpu.vector_load %arg24[%get3A_125] {strides = array<i32>} : memref<368xf32, #tpu.memory_space<vmem>>, vector<16xf32>,
        %get3A_127 = arith.index_cast %mul3A_119 : i32 to index
        %get3A_128 = tpu.vector_load %arg22[%get3A_127] {strides = array<i32>} : memref<368xf32, #tpu.memory_space<vmem>>, vector<16xf32>,
        %max3A_129 = arith.maximumf %get3A_126, %get3A_128 : vector<16xf32>
        %swap3A_130 = arith.index_cast %mul3A_119 : i32 to index
        %swap3A_131 = tpu.vector_load %arg24[%swap3A_130] {strides = array<i32>} : memref<368xf32, #tpu.memory_space<vmem>>, vector<16xf32>,
        tpu.vector_store %arg24[%swap3A_130], %max3A_129 {strides = array<i32>} : memref<368xf32, #tpu.memory_space<vmem>>, vector<16xf32>,
      }
      %scan3A_116 = arith.constant 23 : i32
    }
    %scan3A_70 = arith.constant 16 : i32
    %scan3A_71 = arith.constant 0 : i32
    %scan3A_72 = arith.constant 0 : i32
    %scan3A_73 = arith.constant 23 : i32
    %scan3A_74 = arith.addi %scan3A_72, %scan3A_73 : i32
    %scan3A_75 = arith.constant 1 : i32
    scf.for %scan3A_104 = %scan3A_72 to %scan3A_74 step %scan3A_75  : i32 {
      %mul3A_105 = arith.constant 16 : i32
      %mul3A_106 = arith.muli %scan3A_104, %mul3A_105 : i32
      %get3A = arith.index_cast %mul3A_106 : i32 to index
      %get3A_107 = tpu.vector_load %arg23[%get3A] {strides = array<i32>} : memref<368xi32, #tpu.memory_space<vmem>>, vector<16xi32>,
      %max3A = arith.constant 0 : i32
      %max3A_108 = vector.broadcast %max3A : i32 to vector<16xi32>
      %max3A_109 = arith.maxsi %get3A_107, %max3A_108 : vector<16xi32>
      %min3A = arith.constant 4095 : i32
      %min3A_110 = vector.broadcast %min3A : i32 to vector<16xi32>
      %min3A_111 = arith.minsi %max3A_109, %min3A_110 : vector<16xi32>
      %swap3A_112 = arith.index_cast %mul3A_106 : i32 to index
      %swap3A_113 = tpu.vector_load %arg23[%swap3A_112] {strides = array<i32>} : memref<368xi32, #tpu.memory_space<vmem>>, vector<16xi32>,
      tpu.vector_store %arg23[%swap3A_112], %min3A_111 {strides = array<i32>} : memref<368xi32, #tpu.memory_space<vmem>>, vector<16xi32>,
      %get3A_114 = arith.index_cast %mul3A_106 : i32 to index
      %get3A_115 = tpu.vector_load %arg24[%get3A_114] {strides = array<i32>} : memref<368xf32, #tpu.memory_space<vmem>>, vector<16xf32>,
      %max3A_116 = arith.constant 0.000000e+00 : f32
      %max3A_117 = vector.broadcast %max3A_116 : f32 to vector<16xf32>
      %max3A_118 = arith.maximumf %get3A_115, %max3A_117 : vector<16xf32>
      %swap3A_119 = arith.index_cast %mul3A_106 : i32 to index
      %swap3A_120 = tpu.vector_load %arg24[%swap3A_119] {strides = array<i32>} : memref<368xf32, #tpu.memory_space<vmem>>, vector<16xf32>,
      tpu.vector_store %arg24[%swap3A_119], %max3A_118 {strides = array<i32>} : memref<368xf32, #tpu.memory_space<vmem>>, vector<16xf32>,
    }
    %scan3A_76 = arith.constant 23 : i32
    %mul3A_77 = arith.constant 368 : i32
    %mul3A_78 = arith.muli %arg1, %mul3A_77 : i32
    "tpu.region"() ({
      %run_scoped3A_104 = tpu.sem_alloc : memref<!tpu.dma_semaphore, #tpu.memory_space<semaphore_mem>>
      %dma_start3A_105 = tpu.memref_slice %arg7[%mul3A_78] : memref<5888xf32, #tpu.memory_space<hbm>> -> memref<368xf32, #tpu.memory_space<hbm>>
      %dma_start3A_106 = tpu.memref_slice %arg7[%mul3A_78] : memref<5888xf32, #tpu.memory_space<hbm>> -> memref<368xf32, #tpu.memory_space<hbm>>
      tpu.enqueue_dma source(%arg24 : memref<368xf32, #tpu.memory_space<vmem>>) target(%dma_start3A_106 : memref<368xf32, #tpu.memory_space<hbm>>) target_semaphore(%run_scoped3A_104 : memref<!tpu.dma_semaphore, #tpu.memory_space<semaphore_mem>>)
      %dma_wait3A_107 = tpu.memref_slice %arg7[%mul3A_78] : memref<5888xf32, #tpu.memory_space<hbm>> -> memref<368xf32, #tpu.memory_space<hbm>>
      %dma_wait3A_108 = tpu.memref_slice %arg7[%mul3A_78] : memref<5888xf32, #tpu.memory_space<hbm>> -> memref<368xf32, #tpu.memory_space<hbm>>
      tpu.wait_dma2 semaphore(%run_scoped3A_104 : memref<!tpu.dma_semaphore, #tpu.memory_space<semaphore_mem>>) src(%arg24 : memref<368xf32, #tpu.memory_space<vmem>>) dst(%dma_wait3A_108 : memref<368xf32, #tpu.memory_space<hbm>>)
      tpu.yield
    }) : () -> ()
    %scan3A_79 = arith.constant 0 : i32
    %scan3A_80 = arith.constant 0 : i32
    %scan3A_81 = arith.constant 11 : i32
    %scan3A_82 = arith.addi %scan3A_80, %scan3A_81 : i32
    %scan3A_83 = arith.constant 1 : i32
    scf.for %scan3A_104 = %scan3A_80 to %scan3A_82 step %scan3A_83  : i32 {
      %mul3A_105 = arith.constant 2 : i32
      %mul3A_106 = arith.muli %scan3A_104, %mul3A_105 : i32
      %mul3A_107 = arith.constant 2 : i32
      %mul3A_108 = arith.muli %scan3A_104, %mul3A_107 : i32
      %add3A_109 = arith.constant 1 : i32
      %add3A_110 = arith.addi %mul3A_108, %add3A_109 : i32
      %mul3A_111 = arith.constant 16 : i32
      %mul3A_112 = arith.muli %mul3A_106, %mul3A_111 : i32
      %dma_start3A_113 = arith.constant 0 : i32
      %dma_start3A_114 = arith.constant 0 : i32
      %dma_start3A_115 = arith.constant 0 : i32
      %dma_start3A_116 = tpu.memref_slice %arg25[%dma_start3A_113, %dma_start3A_114, %dma_start3A_115] : memref<2x16x1024xf32, #tpu.memory_space<vmem>> -> memref<1x16x1024xf32, #tpu.memory_space<vmem>>
      %dma_start3A_117 = tpu.memref_squeeze %dma_start3A_116 : memref<1x16x1024xf32, #tpu.memory_space<vmem>> -> memref<16x1024xf32, #tpu.memory_space<vmem>>
      %dma_start3A_118 = tpu.memref_slice %arg23[%mul3A_112] : memref<368xi32, #tpu.memory_space<vmem>> -> memref<16xi32, #tpu.memory_space<vmem>>
      %dma_start3A_119 = arith.constant 0 : i32
      %dma_start3A_120 = arith.constant 0 : i32
      %dma_start3A_121 = tpu.memref_slice %arg3[%dma_start3A_119, %dma_start3A_120] : memref<4096x1024xf32, #tpu.memory_space<hbm>> -> memref<4096x1024xf32, #tpu.memory_space<hbm>>
      tpu.enqueue_indirect_dma source(%dma_start3A_121 : memref<4096x1024xf32, #tpu.memory_space<hbm>>) target(%dma_start3A_117 : memref<16x1024xf32, #tpu.memory_space<vmem>>) offsets(%dma_start3A_118 : memref<16xi32, #tpu.memory_space<vmem>>) semaphore(%arg28 : memref<!tpu.dma_semaphore, #tpu.memory_space<semaphore_mem>>)
      %mul3A_122 = arith.constant 16 : i32
      %mul3A_123 = arith.muli %add3A_110, %mul3A_122 : i32
      %dma_start3A_124 = arith.constant 1 : i32
      %dma_start3A_125 = arith.constant 0 : i32
      %dma_start3A_126 = arith.constant 0 : i32
      %dma_start3A_127 = tpu.memref_slice %arg25[%dma_start3A_124, %dma_start3A_125, %dma_start3A_126] : memref<2x16x1024xf32, #tpu.memory_space<vmem>> -> memref<1x16x1024xf32, #tpu.memory_space<vmem>>
      %dma_start3A_128 = tpu.memref_squeeze %dma_start3A_127 : memref<1x16x1024xf32, #tpu.memory_space<vmem>> -> memref<16x1024xf32, #tpu.memory_space<vmem>>
      %dma_start3A_129 = tpu.memref_slice %arg23[%mul3A_123] : memref<368xi32, #tpu.memory_space<vmem>> -> memref<16xi32, #tpu.memory_space<vmem>>
      %dma_start3A_130 = arith.constant 0 : i32
      %dma_start3A_131 = arith.constant 0 : i32
      %dma_start3A_132 = tpu.memref_slice %arg3[%dma_start3A_130, %dma_start3A_131] : memref<4096x1024xf32, #tpu.memory_space<hbm>> -> memref<4096x1024xf32, #tpu.memory_space<hbm>>
      tpu.enqueue_indirect_dma source(%dma_start3A_132 : memref<4096x1024xf32, #tpu.memory_space<hbm>>) target(%dma_start3A_128 : memref<16x1024xf32, #tpu.memory_space<vmem>>) offsets(%dma_start3A_129 : memref<16xi32, #tpu.memory_space<vmem>>) semaphore(%arg29 : memref<!tpu.dma_semaphore, #tpu.memory_space<semaphore_mem>>)
      %dma_wait3A_133 = arith.constant 0 : i32
      %dma_wait3A_134 = arith.constant 0 : i32
      %dma_wait3A_135 = arith.constant 0 : i32
      %dma_wait3A_136 = tpu.memref_slice %arg25[%dma_wait3A_133, %dma_wait3A_134, %dma_wait3A_135] : memref<2x16x1024xf32, #tpu.memory_space<vmem>> -> memref<1x16x1024xf32, #tpu.memory_space<vmem>>
      %dma_wait3A_137 = tpu.memref_squeeze %dma_wait3A_136 : memref<1x16x1024xf32, #tpu.memory_space<vmem>> -> memref<16x1024xf32, #tpu.memory_space<vmem>>
      %dma_wait3A_138 = tpu.memref_slice %arg23[%mul3A_112] : memref<368xi32, #tpu.memory_space<vmem>> -> memref<16xi32, #tpu.memory_space<vmem>>
      %dma_wait3A_139 = arith.constant 0 : i32
      %dma_wait3A_140 = arith.constant 0 : i32
      %dma_wait3A_141 = tpu.memref_slice %arg3[%dma_wait3A_139, %dma_wait3A_140] : memref<4096x1024xf32, #tpu.memory_space<hbm>> -> memref<4096x1024xf32, #tpu.memory_space<hbm>>
      tpu.wait_indirect_dma semaphore(%arg28 : memref<!tpu.dma_semaphore, #tpu.memory_space<semaphore_mem>>) src(%dma_wait3A_141 : memref<4096x1024xf32, #tpu.memory_space<hbm>>) dst(%dma_wait3A_137 : memref<16x1024xf32, #tpu.memory_space<vmem>>)
      %mul3A_142 = arith.constant 16 : i32
      %mul3A_143 = arith.muli %mul3A_106, %mul3A_142 : i32
      %add3A_144 = arith.addi %mul3A_58, %mul3A_143 : i32
      %run_scoped3A_145 = arith.constant 0 : i32
      "tpu.region"() ({
        %run_scoped3A_159 = tpu.sem_alloc : memref<!tpu.dma_semaphore, #tpu.memory_space<semaphore_mem>>
        %dma_start3A_160 = arith.constant 0 : i32
        %dma_start3A_161 = arith.constant 0 : i32
        %dma_start3A_162 = tpu.memref_slice %arg25[%run_scoped3A_145, %dma_start3A_160, %dma_start3A_161] : memref<2x16x1024xf32, #tpu.memory_space<vmem>> -> memref<1x16x1024xf32, #tpu.memory_space<vmem>>
        %dma_start3A_163 = tpu.memref_squeeze %dma_start3A_162 : memref<1x16x1024xf32, #tpu.memory_space<vmem>> -> memref<16x1024xf32, #tpu.memory_space<vmem>>
        %dma_start3A_164 = arith.constant 0 : i32
        %dma_start3A_165 = tpu.memref_slice %arg4[%add3A_144, %dma_start3A_164] : memref<5888x1024xf32, #tpu.memory_space<hbm>> -> memref<16x1024xf32, #tpu.memory_space<hbm>>
        %dma_start3A_166 = arith.constant 0 : i32
        %dma_start3A_167 = tpu.memref_slice %arg4[%add3A_144, %dma_start3A_166] : memref<5888x1024xf32, #tpu.memory_space<hbm>> -> memref<16x1024xf32, #tpu.memory_space<hbm>>
        %dma_start3A_168 = arith.constant 0 : i32
        %dma_start3A_169 = arith.constant 0 : i32
        %dma_start3A_170 = tpu.memref_slice %arg25[%run_scoped3A_145, %dma_start3A_168, %dma_start3A_169] : memref<2x16x1024xf32, #tpu.memory_space<vmem>> -> memref<1x16x1024xf32, #tpu.memory_space<vmem>>
        %dma_start3A_171 = tpu.memref_squeeze %dma_start3A_170 : memref<1x16x1024xf32, #tpu.memory_space<vmem>> -> memref<16x1024xf32, #tpu.memory_space<vmem>>
        tpu.enqueue_dma source(%dma_start3A_171 : memref<16x1024xf32, #tpu.memory_space<vmem>>) target(%dma_start3A_167 : memref<16x1024xf32, #tpu.memory_space<hbm>>) target_semaphore(%run_scoped3A_159 : memref<!tpu.dma_semaphore, #tpu.memory_space<semaphore_mem>>)
        %dma_wait3A_172 = arith.constant 0 : i32
        %dma_wait3A_173 = arith.constant 0 : i32
        %dma_wait3A_174 = tpu.memref_slice %arg25[%run_scoped3A_145, %dma_wait3A_172, %dma_wait3A_173] : memref<2x16x1024xf32, #tpu.memory_space<vmem>> -> memref<1x16x1024xf32, #tpu.memory_space<vmem>>
        %dma_wait3A_175 = tpu.memref_squeeze %dma_wait3A_174 : memref<1x16x1024xf32, #tpu.memory_space<vmem>> -> memref<16x1024xf32, #tpu.memory_space<vmem>>
        %dma_wait3A_176 = arith.constant 0 : i32
        %dma_wait3A_177 = tpu.memref_slice %arg4[%add3A_144, %dma_wait3A_176] : memref<5888x1024xf32, #tpu.memory_space<hbm>> -> memref<16x1024xf32, #tpu.memory_space<hbm>>
        %dma_wait3A_178 = arith.constant 0 : i32
        %dma_wait3A_179 = tpu.memref_slice %arg4[%add3A_144, %dma_wait3A_178] : memref<5888x1024xf32, #tpu.memory_space<hbm>> -> memref<16x1024xf32, #tpu.memory_space<hbm>>
        %dma_wait3A_180 = arith.constant 0 : i32
        %dma_wait3A_181 = arith.constant 0 : i32
        %dma_wait3A_182 = tpu.memref_slice %arg25[%run_scoped3A_145, %dma_wait3A_180, %dma_wait3A_181] : memref<2x16x1024xf32, #tpu.memory_space<vmem>> -> memref<1x16x1024xf32, #tpu.memory_space<vmem>>
        %dma_wait3A_183 = tpu.memref_squeeze %dma_wait3A_182 : memref<1x16x1024xf32, #tpu.memory_space<vmem>> -> memref<16x1024xf32, #tpu.memory_space<vmem>>
        tpu.wait_dma2 semaphore(%run_scoped3A_159 : memref<!tpu.dma_semaphore, #tpu.memory_space<semaphore_mem>>) src(%dma_wait3A_183 : memref<16x1024xf32, #tpu.memory_space<vmem>>) dst(%dma_wait3A_179 : memref<16x1024xf32, #tpu.memory_space<hbm>>)
        tpu.yield
      }) : () -> ()
      %dma_wait3A_146 = arith.constant 1 : i32
      %dma_wait3A_147 = arith.constant 0 : i32
      %dma_wait3A_148 = arith.constant 0 : i32
      %dma_wait3A_149 = tpu.memref_slice %arg25[%dma_wait3A_146, %dma_wait3A_147, %dma_wait3A_148] : memref<2x16x1024xf32, #tpu.memory_space<vmem>> -> memref<1x16x1024xf32, #tpu.memory_space<vmem>>
      %dma_wait3A_150 = tpu.memref_squeeze %dma_wait3A_149 : memref<1x16x1024xf32, #tpu.memory_space<vmem>> -> memref<16x1024xf32, #tpu.memory_space<vmem>>
      %dma_wait3A_151 = tpu.memref_slice %arg23[%mul3A_123] : memref<368xi32, #tpu.memory_space<vmem>> -> memref<16xi32, #tpu.memory_space<vmem>>
      %dma_wait3A_152 = arith.constant 0 : i32
      %dma_wait3A_153 = arith.constant 0 : i32
      %dma_wait3A_154 = tpu.memref_slice %arg3[%dma_wait3A_152, %dma_wait3A_153] : memref<4096x1024xf32, #tpu.memory_space<hbm>> -> memref<4096x1024xf32, #tpu.memory_space<hbm>>
      tpu.wait_indirect_dma semaphore(%arg29 : memref<!tpu.dma_semaphore, #tpu.memory_space<semaphore_mem>>) src(%dma_wait3A_154 : memref<4096x1024xf32, #tpu.memory_space<hbm>>) dst(%dma_wait3A_150 : memref<16x1024xf32, #tpu.memory_space<vmem>>)
      %mul3A_155 = arith.constant 16 : i32
      %mul3A_156 = arith.muli %add3A_110, %mul3A_155 : i32
      %add3A_157 = arith.addi %mul3A_58, %mul3A_156 : i32
      %run_scoped3A_158 = arith.constant 1 : i32
      "tpu.region"() ({
        %run_scoped3A_159 = tpu.sem_alloc : memref<!tpu.dma_semaphore, #tpu.memory_space<semaphore_mem>>
        %dma_start3A_160 = arith.constant 0 : i32
        %dma_start3A_161 = arith.constant 0 : i32
        %dma_start3A_162 = tpu.memref_slice %arg25[%run_scoped3A_158, %dma_start3A_160, %dma_start3A_161] : memref<2x16x1024xf32, #tpu.memory_space<vmem>> -> memref<1x16x1024xf32, #tpu.memory_space<vmem>>
        %dma_start3A_163 = tpu.memref_squeeze %dma_start3A_162 : memref<1x16x1024xf32, #tpu.memory_space<vmem>> -> memref<16x1024xf32, #tpu.memory_space<vmem>>
        %dma_start3A_164 = arith.constant 0 : i32
        %dma_start3A_165 = tpu.memref_slice %arg4[%add3A_157, %dma_start3A_164] : memref<5888x1024xf32, #tpu.memory_space<hbm>> -> memref<16x1024xf32, #tpu.memory_space<hbm>>
        %dma_start3A_166 = arith.constant 0 : i32
        %dma_start3A_167 = tpu.memref_slice %arg4[%add3A_157, %dma_start3A_166] : memref<5888x1024xf32, #tpu.memory_space<hbm>> -> memref<16x1024xf32, #tpu.memory_space<hbm>>
        %dma_start3A_168 = arith.constant 0 : i32
        %dma_start3A_169 = arith.constant 0 : i32
        %dma_start3A_170 = tpu.memref_slice %arg25[%run_scoped3A_158, %dma_start3A_168, %dma_start3A_169] : memref<2x16x1024xf32, #tpu.memory_space<vmem>> -> memref<1x16x1024xf32, #tpu.memory_space<vmem>>
        %dma_start3A_171 = tpu.memref_squeeze %dma_start3A_170 : memref<1x16x1024xf32, #tpu.memory_space<vmem>> -> memref<16x1024xf32, #tpu.memory_space<vmem>>
        tpu.enqueue_dma source(%dma_start3A_171 : memref<16x1024xf32, #tpu.memory_space<vmem>>) target(%dma_start3A_167 : memref<16x1024xf32, #tpu.memory_space<hbm>>) target_semaphore(%run_scoped3A_159 : memref<!tpu.dma_semaphore, #tpu.memory_space<semaphore_mem>>)
        %dma_wait3A_172 = arith.constant 0 : i32
        %dma_wait3A_173 = arith.constant 0 : i32
        %dma_wait3A_174 = tpu.memref_slice %arg25[%run_scoped3A_158, %dma_wait3A_172, %dma_wait3A_173] : memref<2x16x1024xf32, #tpu.memory_space<vmem>> -> memref<1x16x1024xf32, #tpu.memory_space<vmem>>
        %dma_wait3A_175 = tpu.memref_squeeze %dma_wait3A_174 : memref<1x16x1024xf32, #tpu.memory_space<vmem>> -> memref<16x1024xf32, #tpu.memory_space<vmem>>
        %dma_wait3A_176 = arith.constant 0 : i32
        %dma_wait3A_177 = tpu.memref_slice %arg4[%add3A_157, %dma_wait3A_176] : memref<5888x1024xf32, #tpu.memory_space<hbm>> -> memref<16x1024xf32, #tpu.memory_space<hbm>>
        %dma_wait3A_178 = arith.constant 0 : i32
        %dma_wait3A_179 = tpu.memref_slice %arg4[%add3A_157, %dma_wait3A_178] : memref<5888x1024xf32, #tpu.memory_space<hbm>> -> memref<16x1024xf32, #tpu.memory_space<hbm>>
        %dma_wait3A_180 = arith.constant 0 : i32
        %dma_wait3A_181 = arith.constant 0 : i32
        %dma_wait3A_182 = tpu.memref_slice %arg25[%run_scoped3A_158, %dma_wait3A_180, %dma_wait3A_181] : memref<2x16x1024xf32, #tpu.memory_space<vmem>> -> memref<1x16x1024xf32, #tpu.memory_space<vmem>>
        %dma_wait3A_183 = tpu.memref_squeeze %dma_wait3A_182 : memref<1x16x1024xf32, #tpu.memory_space<vmem>> -> memref<16x1024xf32, #tpu.memory_space<vmem>>
        tpu.wait_dma2 semaphore(%run_scoped3A_159 : memref<!tpu.dma_semaphore, #tpu.memory_space<semaphore_mem>>) src(%dma_wait3A_183 : memref<16x1024xf32, #tpu.memory_space<vmem>>) dst(%dma_wait3A_179 : memref<16x1024xf32, #tpu.memory_space<hbm>>)
        tpu.yield
      }) : () -> ()
    }
    %scan3A_84 = arith.constant 11 : i32
    %dma_start3A = arith.constant 0 : i32
    %dma_start3A_85 = arith.constant 0 : i32
    %dma_start3A_86 = arith.constant 0 : i32
    %dma_start3A_87 = tpu.memref_slice %arg25[%dma_start3A, %dma_start3A_85, %dma_start3A_86] : memref<2x16x1024xf32, #tpu.memory_space<vmem>> -> memref<1x16x1024xf32, #tpu.memory_space<vmem>>
    %dma_start3A_88 = tpu.memref_squeeze %dma_start3A_87 : memref<1x16x1024xf32, #tpu.memory_space<vmem>> -> memref<16x1024xf32, #tpu.memory_space<vmem>>
    %dma_start3A_89 = arith.constant 352 : i32
    %dma_start3A_90 = tpu.memref_slice %arg23[%dma_start3A_89] : memref<368xi32, #tpu.memory_space<vmem>> -> memref<16xi32, #tpu.memory_space<vmem>>
    %dma_start3A_91 = arith.constant 0 : i32
    %dma_start3A_92 = arith.constant 0 : i32
    %dma_start3A_93 = tpu.memref_slice %arg3[%dma_start3A_91, %dma_start3A_92] : memref<4096x1024xf32, #tpu.memory_space<hbm>> -> memref<4096x1024xf32, #tpu.memory_space<hbm>>
    tpu.enqueue_indirect_dma source(%dma_start3A_93 : memref<4096x1024xf32, #tpu.memory_space<hbm>>) target(%dma_start3A_88 : memref<16x1024xf32, #tpu.memory_space<vmem>>) offsets(%dma_start3A_90 : memref<16xi32, #tpu.memory_space<vmem>>) semaphore(%arg28 : memref<!tpu.dma_semaphore, #tpu.memory_space<semaphore_mem>>)
    %dma_wait3A = arith.constant 0 : i32
    %dma_wait3A_94 = arith.constant 0 : i32
    %dma_wait3A_95 = arith.constant 0 : i32
    %dma_wait3A_96 = tpu.memref_slice %arg25[%dma_wait3A, %dma_wait3A_94, %dma_wait3A_95] : memref<2x16x1024xf32, #tpu.memory_space<vmem>> -> memref<1x16x1024xf32, #tpu.memory_space<vmem>>
    %dma_wait3A_97 = tpu.memref_squeeze %dma_wait3A_96 : memref<1x16x1024xf32, #tpu.memory_space<vmem>> -> memref<16x1024xf32, #tpu.memory_space<vmem>>
    %dma_wait3A_98 = arith.constant 352 : i32
    %dma_wait3A_99 = tpu.memref_slice %arg23[%dma_wait3A_98] : memref<368xi32, #tpu.memory_space<vmem>> -> memref<16xi32, #tpu.memory_space<vmem>>
    %dma_wait3A_100 = arith.constant 0 : i32
    %dma_wait3A_101 = arith.constant 0 : i32
    %dma_wait3A_102 = tpu.memref_slice %arg3[%dma_wait3A_100, %dma_wait3A_101] : memref<4096x1024xf32, #tpu.memory_space<hbm>> -> memref<4096x1024xf32, #tpu.memory_space<hbm>>
    tpu.wait_indirect_dma semaphore(%arg28 : memref<!tpu.dma_semaphore, #tpu.memory_space<semaphore_mem>>) src(%dma_wait3A_102 : memref<4096x1024xf32, #tpu.memory_space<hbm>>) dst(%dma_wait3A_97 : memref<16x1024xf32, #tpu.memory_space<vmem>>)
    %add3A = arith.constant 352 : i32
    %add3A_103 = arith.addi %mul3A_58, %add3A : i32
    %run_scoped3A = arith.constant 0 : i32
    "tpu.region"() ({
      %run_scoped3A_104 = tpu.sem_alloc : memref<!tpu.dma_semaphore, #tpu.memory_space<semaphore_mem>>
      %dma_start3A_105 = arith.constant 0 : i32
      %dma_start3A_106 = arith.constant 0 : i32
      %dma_start3A_107 = tpu.memref_slice %arg25[%run_scoped3A, %dma_start3A_105, %dma_start3A_106] : memref<2x16x1024xf32, #tpu.memory_space<vmem>> -> memref<1x16x1024xf32, #tpu.memory_space<vmem>>
      %dma_start3A_108 = tpu.memref_squeeze %dma_start3A_107 : memref<1x16x1024xf32, #tpu.memory_space<vmem>> -> memref<16x1024xf32, #tpu.memory_space<vmem>>
      %dma_start3A_109 = arith.constant 0 : i32
      %dma_start3A_110 = tpu.memref_slice %arg4[%add3A_103, %dma_start3A_109] : memref<5888x1024xf32, #tpu.memory_space<hbm>> -> memref<16x1024xf32, #tpu.memory_space<hbm>>
      %dma_start3A_111 = arith.constant 0 : i32
      %dma_start3A_112 = tpu.memref_slice %arg4[%add3A_103, %dma_start3A_111] : memref<5888x1024xf32, #tpu.memory_space<hbm>> -> memref<16x1024xf32, #tpu.memory_space<hbm>>
      %dma_start3A_113 = arith.constant 0 : i32
      %dma_start3A_114 = arith.constant 0 : i32
      %dma_start3A_115 = tpu.memref_slice %arg25[%run_scoped3A, %dma_start3A_113, %dma_start3A_114] : memref<2x16x1024xf32, #tpu.memory_space<vmem>> -> memref<1x16x1024xf32, #tpu.memory_space<vmem>>
      %dma_start3A_116 = tpu.memref_squeeze %dma_start3A_115 : memref<1x16x1024xf32, #tpu.memory_space<vmem>> -> memref<16x1024xf32, #tpu.memory_space<vmem>>
      tpu.enqueue_dma source(%dma_start3A_116 : memref<16x1024xf32, #tpu.memory_space<vmem>>) target(%dma_start3A_112 : memref<16x1024xf32, #tpu.memory_space<hbm>>) target_semaphore(%run_scoped3A_104 : memref<!tpu.dma_semaphore, #tpu.memory_space<semaphore_mem>>)
      %dma_wait3A_117 = arith.constant 0 : i32
      %dma_wait3A_118 = arith.constant 0 : i32
      %dma_wait3A_119 = tpu.memref_slice %arg25[%run_scoped3A, %dma_wait3A_117, %dma_wait3A_118] : memref<2x16x1024xf32, #tpu.memory_space<vmem>> -> memref<1x16x1024xf32, #tpu.memory_space<vmem>>
      %dma_wait3A_120 = tpu.memref_squeeze %dma_wait3A_119 : memref<1x16x1024xf32, #tpu.memory_space<vmem>> -> memref<16x1024xf32, #tpu.memory_space<vmem>>
      %dma_wait3A_121 = arith.constant 0 : i32
      %dma_wait3A_122 = tpu.memref_slice %arg4[%add3A_103, %dma_wait3A_121] : memref<5888x1024xf32, #tpu.memory_space<hbm>> -> memref<16x1024xf32, #tpu.memory_space<hbm>>
      %dma_wait3A_123 = arith.constant 0 : i32
      %dma_wait3A_124 = tpu.memref_slice %arg4[%add3A_103, %dma_wait3A_123] : memref<5888x1024xf32, #tpu.memory_space<hbm>> -> memref<16x1024xf32, #tpu.memory_space<hbm>>
      %dma_wait3A_125 = arith.constant 0 : i32
      %dma_wait3A_126 = arith.constant 0 : i32
      %dma_wait3A_127 = tpu.memref_slice %arg25[%run_scoped3A, %dma_wait3A_125, %dma_wait3A_126] : memref<2x16x1024xf32, #tpu.memory_space<vmem>> -> memref<1x16x1024xf32, #tpu.memory_space<vmem>>
      %dma_wait3A_128 = tpu.memref_squeeze %dma_wait3A_127 : memref<1x16x1024xf32, #tpu.memory_space<vmem>> -> memref<16x1024xf32, #tpu.memory_space<vmem>>
      tpu.wait_dma2 semaphore(%run_scoped3A_104 : memref<!tpu.dma_semaphore, #tpu.memory_space<semaphore_mem>>) src(%dma_wait3A_128 : memref<16x1024xf32, #tpu.memory_space<vmem>>) dst(%dma_wait3A_124 : memref<16x1024xf32, #tpu.memory_space<hbm>>)
      tpu.yield
    }) : () -> ()
    return
  }
}

#map = affine_map<(d0, d1) -> (0, 0)>
#map1 = affine_map<(d0, d1) -> (0)>
module attributes {stable_mosaic.version = 14 : i64} {
  func.func @k(%arg0: i32, %arg1: i32, %arg2: memref<5760x1024xf32, #tpu.memory_space<hbm>>, %arg3: memref<4096xi32, #tpu.memory_space<hbm>>, %arg4: memref<4096xi32, #tpu.memory_space<hbm>>, %arg5: memref<4096x1024xf32, #tpu.memory_space<hbm>>, %arg6: memref<128xi32, #tpu.memory_space<vmem>>, %arg7: memref<128xi32, #tpu.memory_space<vmem>>, %arg8: memref<2x16x1024xf32, #tpu.memory_space<vmem>>, %arg9: memref<2x16x1024xf32, #tpu.memory_space<vmem>>, %arg10: memref<!tpu.dma_semaphore, #tpu.memory_space<semaphore_mem>>, %arg11: memref<!tpu.dma_semaphore, #tpu.memory_space<semaphore_mem>>, %arg12: memref<!tpu.dma_semaphore, #tpu.memory_space<semaphore_mem>>, %arg13: memref<!tpu.dma_semaphore, #tpu.memory_space<semaphore_mem>>) attributes {dimension_semantics = [#tpu.dimension_semantics<core_parallel>, #tpu.dimension_semantics<subcore_parallel>], iteration_bounds = array<i64: 2, 16>, scalar_prefetch = 0 : i64, scratch_operands = 8 : i64, tpu.core_type = #tpu.core_type<sc_vector_subcore>, window_params = [{transform_indices = #map}, {transform_indices = #map1}, {transform_indices = #map1}, {transform_indices = #map}]} {
    %mul3A = arith.constant 16 : i32
    %mul3A_0 = arith.muli %arg0, %mul3A : i32
    %add3A = arith.addi %mul3A_0, %arg1 : i32
    %mul3A_1 = arith.constant 128 : i32
    %mul3A_2 = arith.muli %add3A, %mul3A_1 : i32
    "tpu.region"() ({
      %run_scoped3A = tpu.sem_alloc : memref<!tpu.dma_semaphore, #tpu.memory_space<semaphore_mem>>
      %dma_start3A = tpu.memref_slice %arg3[%mul3A_2] : memref<4096xi32, #tpu.memory_space<hbm>> -> memref<128xi32, #tpu.memory_space<hbm>>
      %dma_start3A_8 = tpu.memref_slice %arg3[%mul3A_2] : memref<4096xi32, #tpu.memory_space<hbm>> -> memref<128xi32, #tpu.memory_space<hbm>>
      tpu.enqueue_dma source(%dma_start3A_8 : memref<128xi32, #tpu.memory_space<hbm>>) target(%arg6 : memref<128xi32, #tpu.memory_space<vmem>>) target_semaphore(%run_scoped3A : memref<!tpu.dma_semaphore, #tpu.memory_space<semaphore_mem>>)
      %dma_wait3A = tpu.memref_slice %arg3[%mul3A_2] : memref<4096xi32, #tpu.memory_space<hbm>> -> memref<128xi32, #tpu.memory_space<hbm>>
      %dma_wait3A_9 = tpu.memref_slice %arg3[%mul3A_2] : memref<4096xi32, #tpu.memory_space<hbm>> -> memref<128xi32, #tpu.memory_space<hbm>>
      tpu.wait_dma2 semaphore(%run_scoped3A : memref<!tpu.dma_semaphore, #tpu.memory_space<semaphore_mem>>) src(%dma_wait3A_9 : memref<128xi32, #tpu.memory_space<hbm>>) dst(%arg6 : memref<128xi32, #tpu.memory_space<vmem>>)
      tpu.yield
    }) : () -> ()
    "tpu.region"() ({
      %run_scoped3A = tpu.sem_alloc : memref<!tpu.dma_semaphore, #tpu.memory_space<semaphore_mem>>
      %dma_start3A = tpu.memref_slice %arg4[%mul3A_2] : memref<4096xi32, #tpu.memory_space<hbm>> -> memref<128xi32, #tpu.memory_space<hbm>>
      %dma_start3A_8 = tpu.memref_slice %arg4[%mul3A_2] : memref<4096xi32, #tpu.memory_space<hbm>> -> memref<128xi32, #tpu.memory_space<hbm>>
      tpu.enqueue_dma source(%dma_start3A_8 : memref<128xi32, #tpu.memory_space<hbm>>) target(%arg7 : memref<128xi32, #tpu.memory_space<vmem>>) target_semaphore(%run_scoped3A : memref<!tpu.dma_semaphore, #tpu.memory_space<semaphore_mem>>)
      %dma_wait3A = tpu.memref_slice %arg4[%mul3A_2] : memref<4096xi32, #tpu.memory_space<hbm>> -> memref<128xi32, #tpu.memory_space<hbm>>
      %dma_wait3A_9 = tpu.memref_slice %arg4[%mul3A_2] : memref<4096xi32, #tpu.memory_space<hbm>> -> memref<128xi32, #tpu.memory_space<hbm>>
      tpu.wait_dma2 semaphore(%run_scoped3A : memref<!tpu.dma_semaphore, #tpu.memory_space<semaphore_mem>>) src(%dma_wait3A_9 : memref<128xi32, #tpu.memory_space<hbm>>) dst(%arg7 : memref<128xi32, #tpu.memory_space<vmem>>)
      tpu.yield
    }) : () -> ()
    %scan3A = arith.constant 0 : i32
    %scan3A_3 = arith.constant 0 : i32
    %scan3A_4 = arith.constant 4 : i32
    %scan3A_5 = arith.addi %scan3A_3, %scan3A_4 : i32
    %scan3A_6 = arith.constant 1 : i32
    scf.for %scan3A_8 = %scan3A_3 to %scan3A_5 step %scan3A_6  : i32 {
      %mul3A_9 = arith.constant 2 : i32
      %mul3A_10 = arith.muli %scan3A_8, %mul3A_9 : i32
      %mul3A_11 = arith.constant 2 : i32
      %mul3A_12 = arith.muli %scan3A_8, %mul3A_11 : i32
      %add3A_13 = arith.constant 1 : i32
      %add3A_14 = arith.addi %mul3A_12, %add3A_13 : i32
      %mul3A_15 = arith.constant 16 : i32
      %mul3A_16 = arith.muli %mul3A_10, %mul3A_15 : i32
      %dma_start3A = arith.constant 0 : i32
      %dma_start3A_17 = arith.constant 0 : i32
      %dma_start3A_18 = arith.constant 0 : i32
      %dma_start3A_19 = tpu.memref_slice %arg8[%dma_start3A, %dma_start3A_17, %dma_start3A_18] : memref<2x16x1024xf32, #tpu.memory_space<vmem>> -> memref<1x16x1024xf32, #tpu.memory_space<vmem>>
      %dma_start3A_20 = tpu.memref_squeeze %dma_start3A_19 : memref<1x16x1024xf32, #tpu.memory_space<vmem>> -> memref<16x1024xf32, #tpu.memory_space<vmem>>
      %dma_start3A_21 = tpu.memref_slice %arg6[%mul3A_16] : memref<128xi32, #tpu.memory_space<vmem>> -> memref<16xi32, #tpu.memory_space<vmem>>
      %dma_start3A_22 = arith.constant 0 : i32
      %dma_start3A_23 = arith.constant 0 : i32
      %dma_start3A_24 = tpu.memref_slice %arg2[%dma_start3A_22, %dma_start3A_23] : memref<5760x1024xf32, #tpu.memory_space<hbm>> -> memref<5760x1024xf32, #tpu.memory_space<hbm>>
      tpu.enqueue_indirect_dma source(%dma_start3A_24 : memref<5760x1024xf32, #tpu.memory_space<hbm>>) target(%dma_start3A_20 : memref<16x1024xf32, #tpu.memory_space<vmem>>) offsets(%dma_start3A_21 : memref<16xi32, #tpu.memory_space<vmem>>) semaphore(%arg10 : memref<!tpu.dma_semaphore, #tpu.memory_space<semaphore_mem>>)
      %mul3A_25 = arith.constant 16 : i32
      %mul3A_26 = arith.muli %mul3A_10, %mul3A_25 : i32
      %dma_start3A_27 = arith.constant 0 : i32
      %dma_start3A_28 = arith.constant 0 : i32
      %dma_start3A_29 = arith.constant 0 : i32
      %dma_start3A_30 = tpu.memref_slice %arg9[%dma_start3A_27, %dma_start3A_28, %dma_start3A_29] : memref<2x16x1024xf32, #tpu.memory_space<vmem>> -> memref<1x16x1024xf32, #tpu.memory_space<vmem>>
      %dma_start3A_31 = tpu.memref_squeeze %dma_start3A_30 : memref<1x16x1024xf32, #tpu.memory_space<vmem>> -> memref<16x1024xf32, #tpu.memory_space<vmem>>
      %dma_start3A_32 = tpu.memref_slice %arg7[%mul3A_26] : memref<128xi32, #tpu.memory_space<vmem>> -> memref<16xi32, #tpu.memory_space<vmem>>
      %dma_start3A_33 = arith.constant 0 : i32
      %dma_start3A_34 = arith.constant 0 : i32
      %dma_start3A_35 = tpu.memref_slice %arg2[%dma_start3A_33, %dma_start3A_34] : memref<5760x1024xf32, #tpu.memory_space<hbm>> -> memref<5760x1024xf32, #tpu.memory_space<hbm>>
      tpu.enqueue_indirect_dma source(%dma_start3A_35 : memref<5760x1024xf32, #tpu.memory_space<hbm>>) target(%dma_start3A_31 : memref<16x1024xf32, #tpu.memory_space<vmem>>) offsets(%dma_start3A_32 : memref<16xi32, #tpu.memory_space<vmem>>) semaphore(%arg12 : memref<!tpu.dma_semaphore, #tpu.memory_space<semaphore_mem>>)
      %mul3A_36 = arith.constant 16 : i32
      %mul3A_37 = arith.muli %add3A_14, %mul3A_36 : i32
      %dma_start3A_38 = arith.constant 1 : i32
      %dma_start3A_39 = arith.constant 0 : i32
      %dma_start3A_40 = arith.constant 0 : i32
      %dma_start3A_41 = tpu.memref_slice %arg8[%dma_start3A_38, %dma_start3A_39, %dma_start3A_40] : memref<2x16x1024xf32, #tpu.memory_space<vmem>> -> memref<1x16x1024xf32, #tpu.memory_space<vmem>>
      %dma_start3A_42 = tpu.memref_squeeze %dma_start3A_41 : memref<1x16x1024xf32, #tpu.memory_space<vmem>> -> memref<16x1024xf32, #tpu.memory_space<vmem>>
      %dma_start3A_43 = tpu.memref_slice %arg6[%mul3A_37] : memref<128xi32, #tpu.memory_space<vmem>> -> memref<16xi32, #tpu.memory_space<vmem>>
      %dma_start3A_44 = arith.constant 0 : i32
      %dma_start3A_45 = arith.constant 0 : i32
      %dma_start3A_46 = tpu.memref_slice %arg2[%dma_start3A_44, %dma_start3A_45] : memref<5760x1024xf32, #tpu.memory_space<hbm>> -> memref<5760x1024xf32, #tpu.memory_space<hbm>>
      tpu.enqueue_indirect_dma source(%dma_start3A_46 : memref<5760x1024xf32, #tpu.memory_space<hbm>>) target(%dma_start3A_42 : memref<16x1024xf32, #tpu.memory_space<vmem>>) offsets(%dma_start3A_43 : memref<16xi32, #tpu.memory_space<vmem>>) semaphore(%arg11 : memref<!tpu.dma_semaphore, #tpu.memory_space<semaphore_mem>>)
      %mul3A_47 = arith.constant 16 : i32
      %mul3A_48 = arith.muli %add3A_14, %mul3A_47 : i32
      %dma_start3A_49 = arith.constant 1 : i32
      %dma_start3A_50 = arith.constant 0 : i32
      %dma_start3A_51 = arith.constant 0 : i32
      %dma_start3A_52 = tpu.memref_slice %arg9[%dma_start3A_49, %dma_start3A_50, %dma_start3A_51] : memref<2x16x1024xf32, #tpu.memory_space<vmem>> -> memref<1x16x1024xf32, #tpu.memory_space<vmem>>
      %dma_start3A_53 = tpu.memref_squeeze %dma_start3A_52 : memref<1x16x1024xf32, #tpu.memory_space<vmem>> -> memref<16x1024xf32, #tpu.memory_space<vmem>>
      %dma_start3A_54 = tpu.memref_slice %arg7[%mul3A_48] : memref<128xi32, #tpu.memory_space<vmem>> -> memref<16xi32, #tpu.memory_space<vmem>>
      %dma_start3A_55 = arith.constant 0 : i32
      %dma_start3A_56 = arith.constant 0 : i32
      %dma_start3A_57 = tpu.memref_slice %arg2[%dma_start3A_55, %dma_start3A_56] : memref<5760x1024xf32, #tpu.memory_space<hbm>> -> memref<5760x1024xf32, #tpu.memory_space<hbm>>
      tpu.enqueue_indirect_dma source(%dma_start3A_57 : memref<5760x1024xf32, #tpu.memory_space<hbm>>) target(%dma_start3A_53 : memref<16x1024xf32, #tpu.memory_space<vmem>>) offsets(%dma_start3A_54 : memref<16xi32, #tpu.memory_space<vmem>>) semaphore(%arg13 : memref<!tpu.dma_semaphore, #tpu.memory_space<semaphore_mem>>)
      %dma_wait3A = arith.constant 0 : i32
      %dma_wait3A_58 = arith.constant 0 : i32
      %dma_wait3A_59 = arith.constant 0 : i32
      %dma_wait3A_60 = tpu.memref_slice %arg8[%dma_wait3A, %dma_wait3A_58, %dma_wait3A_59] : memref<2x16x1024xf32, #tpu.memory_space<vmem>> -> memref<1x16x1024xf32, #tpu.memory_space<vmem>>
      %dma_wait3A_61 = tpu.memref_squeeze %dma_wait3A_60 : memref<1x16x1024xf32, #tpu.memory_space<vmem>> -> memref<16x1024xf32, #tpu.memory_space<vmem>>
      %dma_wait3A_62 = tpu.memref_slice %arg6[%mul3A_16] : memref<128xi32, #tpu.memory_space<vmem>> -> memref<16xi32, #tpu.memory_space<vmem>>
      %dma_wait3A_63 = arith.constant 0 : i32
      %dma_wait3A_64 = arith.constant 0 : i32
      %dma_wait3A_65 = tpu.memref_slice %arg2[%dma_wait3A_63, %dma_wait3A_64] : memref<5760x1024xf32, #tpu.memory_space<hbm>> -> memref<5760x1024xf32, #tpu.memory_space<hbm>>
      tpu.wait_indirect_dma semaphore(%arg10 : memref<!tpu.dma_semaphore, #tpu.memory_space<semaphore_mem>>) src(%dma_wait3A_65 : memref<5760x1024xf32, #tpu.memory_space<hbm>>) dst(%dma_wait3A_61 : memref<16x1024xf32, #tpu.memory_space<vmem>>)
      %dma_wait3A_66 = arith.constant 0 : i32
      %dma_wait3A_67 = arith.constant 0 : i32
      %dma_wait3A_68 = arith.constant 0 : i32
      %dma_wait3A_69 = tpu.memref_slice %arg9[%dma_wait3A_66, %dma_wait3A_67, %dma_wait3A_68] : memref<2x16x1024xf32, #tpu.memory_space<vmem>> -> memref<1x16x1024xf32, #tpu.memory_space<vmem>>
      %dma_wait3A_70 = tpu.memref_squeeze %dma_wait3A_69 : memref<1x16x1024xf32, #tpu.memory_space<vmem>> -> memref<16x1024xf32, #tpu.memory_space<vmem>>
      %dma_wait3A_71 = tpu.memref_slice %arg7[%mul3A_26] : memref<128xi32, #tpu.memory_space<vmem>> -> memref<16xi32, #tpu.memory_space<vmem>>
      %dma_wait3A_72 = arith.constant 0 : i32
      %dma_wait3A_73 = arith.constant 0 : i32
      %dma_wait3A_74 = tpu.memref_slice %arg2[%dma_wait3A_72, %dma_wait3A_73] : memref<5760x1024xf32, #tpu.memory_space<hbm>> -> memref<5760x1024xf32, #tpu.memory_space<hbm>>
      tpu.wait_indirect_dma semaphore(%arg12 : memref<!tpu.dma_semaphore, #tpu.memory_space<semaphore_mem>>) src(%dma_wait3A_74 : memref<5760x1024xf32, #tpu.memory_space<hbm>>) dst(%dma_wait3A_70 : memref<16x1024xf32, #tpu.memory_space<vmem>>)
      %scan3A_75 = arith.constant 0 : i32
      %scan3A_76 = arith.constant 0 : i32
      %scan3A_77 = arith.constant 16 : i32
      %scan3A_78 = arith.addi %scan3A_76, %scan3A_77 : i32
      %scan3A_79 = arith.constant 1 : i32
      scf.for %scan3A_112 = %scan3A_76 to %scan3A_78 step %scan3A_79  : i32 {
        %get3A = arith.constant 0 : i32
        %get3A_113 = arith.index_cast %get3A : i32 to index
        %get3A_114 = arith.index_cast %scan3A_112 : i32 to index
        %get3A_115 = arith.constant 0 : index
        %get3A_116 = tpu.vector_load %arg8[%get3A_113, %get3A_114, %get3A_115] {strides = array<i32>} : memref<2x16x1024xf32, #tpu.memory_space<vmem>>, vector<16xf32>,
        %get3A_117 = arith.constant 0 : i32
        %get3A_118 = arith.index_cast %get3A_117 : i32 to index
        %get3A_119 = arith.index_cast %scan3A_112 : i32 to index
        %get3A_120 = arith.constant 0 : index
        %get3A_121 = tpu.vector_load %arg9[%get3A_118, %get3A_119, %get3A_120] {strides = array<i32>} : memref<2x16x1024xf32, #tpu.memory_space<vmem>>, vector<16xf32>,
        %add3A_122 = arith.addf %get3A_116, %get3A_121 : vector<16xf32>
        %swap3A = arith.constant 0 : i32
        %swap3A_123 = arith.index_cast %swap3A : i32 to index
        %swap3A_124 = arith.index_cast %scan3A_112 : i32 to index
        %swap3A_125 = arith.constant 0 : index
        %swap3A_126 = tpu.vector_load %arg8[%swap3A_123, %swap3A_124, %swap3A_125] {strides = array<i32>} : memref<2x16x1024xf32, #tpu.memory_space<vmem>>, vector<16xf32>,
        tpu.vector_store %arg8[%swap3A_123, %swap3A_124, %swap3A_125], %add3A_122 {strides = array<i32>} : memref<2x16x1024xf32, #tpu.memory_space<vmem>>, vector<16xf32>,
        %get3A_127 = arith.constant 0 : i32
        %get3A_128 = arith.index_cast %get3A_127 : i32 to index
        %get3A_129 = arith.index_cast %scan3A_112 : i32 to index
        %get3A_130 = arith.constant 16 : index
        %get3A_131 = tpu.vector_load %arg8[%get3A_128, %get3A_129, %get3A_130] {strides = array<i32>} : memref<2x16x1024xf32, #tpu.memory_space<vmem>>, vector<16xf32>,
        %get3A_132 = arith.constant 0 : i32
        %get3A_133 = arith.index_cast %get3A_132 : i32 to index
        %get3A_134 = arith.index_cast %scan3A_112 : i32 to index
        %get3A_135 = arith.constant 16 : index
        %get3A_136 = tpu.vector_load %arg9[%get3A_133, %get3A_134, %get3A_135] {strides = array<i32>} : memref<2x16x1024xf32, #tpu.memory_space<vmem>>, vector<16xf32>,
        %add3A_137 = arith.addf %get3A_131, %get3A_136 : vector<16xf32>
        %swap3A_138 = arith.constant 0 : i32
        %swap3A_139 = arith.index_cast %swap3A_138 : i32 to index
        %swap3A_140 = arith.index_cast %scan3A_112 : i32 to index
        %swap3A_141 = arith.constant 16 : index
        %swap3A_142 = tpu.vector_load %arg8[%swap3A_139, %swap3A_140, %swap3A_141] {strides = array<i32>} : memref<2x16x1024xf32, #tpu.memory_space<vmem>>, vector<16xf32>,
        tpu.vector_store %arg8[%swap3A_139, %swap3A_140, %swap3A_141], %add3A_137 {strides = array<i32>} : memref<2x16x1024xf32, #tpu.memory_space<vmem>>, vector<16xf32>,
        %get3A_143 = arith.constant 0 : i32
        %get3A_144 = arith.index_cast %get3A_143 : i32 to index
        %get3A_145 = arith.index_cast %scan3A_112 : i32 to index
        %get3A_146 = arith.constant 32 : index
        %get3A_147 = tpu.vector_load %arg8[%get3A_144, %get3A_145, %get3A_146] {strides = array<i32>} : memref<2x16x1024xf32, #tpu.memory_space<vmem>>, vector<16xf32>,
        %get3A_148 = arith.constant 0 : i32
        %get3A_149 = arith.index_cast %get3A_148 : i32 to index
        %get3A_150 = arith.index_cast %scan3A_112 : i32 to index
        %get3A_151 = arith.constant 32 : index
        %get3A_152 = tpu.vector_load %arg9[%get3A_149, %get3A_150, %get3A_151] {strides = array<i32>} : memref<2x16x1024xf32, #tpu.memory_space<vmem>>, vector<16xf32>,
        %add3A_153 = arith.addf %get3A_147, %get3A_152 : vector<16xf32>
        %swap3A_154 = arith.constant 0 : i32
        %swap3A_155 = arith.index_cast %swap3A_154 : i32 to index
        %swap3A_156 = arith.index_cast %scan3A_112 : i32 to index
        %swap3A_157 = arith.constant 32 : index
        %swap3A_158 = tpu.vector_load %arg8[%swap3A_155, %swap3A_156, %swap3A_157] {strides = array<i32>} : memref<2x16x1024xf32, #tpu.memory_space<vmem>>, vector<16xf32>,
        tpu.vector_store %arg8[%swap3A_155, %swap3A_156, %swap3A_157], %add3A_153 {strides = array<i32>} : memref<2x16x1024xf32, #tpu.memory_space<vmem>>, vector<16xf32>,
        %get3A_159 = arith.constant 0 : i32
        %get3A_160 = arith.index_cast %get3A_159 : i32 to index
        %get3A_161 = arith.index_cast %scan3A_112 : i32 to index
        %get3A_162 = arith.constant 48 : index
        %get3A_163 = tpu.vector_load %arg8[%get3A_160, %get3A_161, %get3A_162] {strides = array<i32>} : memref<2x16x1024xf32, #tpu.memory_space<vmem>>, vector<16xf32>,
        %get3A_164 = arith.constant 0 : i32
        %get3A_165 = arith.index_cast %get3A_164 : i32 to index
        %get3A_166 = arith.index_cast %scan3A_112 : i32 to index
        %get3A_167 = arith.constant 48 : index
        %get3A_168 = tpu.vector_load %arg9[%get3A_165, %get3A_166, %get3A_167] {strides = array<i32>} : memref<2x16x1024xf32, #tpu.memory_space<vmem>>, vector<16xf32>,
        %add3A_169 = arith.addf %get3A_163, %get3A_168 : vector<16xf32>
        %swap3A_170 = arith.constant 0 : i32
        %swap3A_171 = arith.index_cast %swap3A_170 : i32 to index
        %swap3A_172 = arith.index_cast %scan3A_112 : i32 to index
        %swap3A_173 = arith.constant 48 : index
        %swap3A_174 = tpu.vector_load %arg8[%swap3A_171, %swap3A_172, %swap3A_173] {strides = array<i32>} : memref<2x16x1024xf32, #tpu.memory_space<vmem>>, vector<16xf32>,
        tpu.vector_store %arg8[%swap3A_171, %swap3A_172, %swap3A_173], %add3A_169 {strides = array<i32>} : memref<2x16x1024xf32, #tpu.memory_space<vmem>>, vector<16xf32>,
        %get3A_175 = arith.constant 0 : i32
        %get3A_176 = arith.index_cast %get3A_175 : i32 to index
        %get3A_177 = arith.index_cast %scan3A_112 : i32 to index
        %get3A_178 = arith.constant 64 : index
        %get3A_179 = tpu.vector_load %arg8[%get3A_176, %get3A_177, %get3A_178] {strides = array<i32>} : memref<2x16x1024xf32, #tpu.memory_space<vmem>>, vector<16xf32>,
        %get3A_180 = arith.constant 0 : i32
        %get3A_181 = arith.index_cast %get3A_180 : i32 to index
        %get3A_182 = arith.index_cast %scan3A_112 : i32 to index
        %get3A_183 = arith.constant 64 : index
        %get3A_184 = tpu.vector_load %arg9[%get3A_181, %get3A_182, %get3A_183] {strides = array<i32>} : memref<2x16x1024xf32, #tpu.memory_space<vmem>>, vector<16xf32>,
        %add3A_185 = arith.addf %get3A_179, %get3A_184 : vector<16xf32>
        %swap3A_186 = arith.constant 0 : i32
        %swap3A_187 = arith.index_cast %swap3A_186 : i32 to index
        %swap3A_188 = arith.index_cast %scan3A_112 : i32 to index
        %swap3A_189 = arith.constant 64 : index
        %swap3A_190 = tpu.vector_load %arg8[%swap3A_187, %swap3A_188, %swap3A_189] {strides = array<i32>} : memref<2x16x1024xf32, #tpu.memory_space<vmem>>, vector<16xf32>,
        tpu.vector_store %arg8[%swap3A_187, %swap3A_188, %swap3A_189], %add3A_185 {strides = array<i32>} : memref<2x16x1024xf32, #tpu.memory_space<vmem>>, vector<16xf32>,
        %get3A_191 = arith.constant 0 : i32
        %get3A_192 = arith.index_cast %get3A_191 : i32 to index
        %get3A_193 = arith.index_cast %scan3A_112 : i32 to index
        %get3A_194 = arith.constant 80 : index
        %get3A_195 = tpu.vector_load %arg8[%get3A_192, %get3A_193, %get3A_194] {strides = array<i32>} : memref<2x16x1024xf32, #tpu.memory_space<vmem>>, vector<16xf32>,
        %get3A_196 = arith.constant 0 : i32
        %get3A_197 = arith.index_cast %get3A_196 : i32 to index
        %get3A_198 = arith.index_cast %scan3A_112 : i32 to index
        %get3A_199 = arith.constant 80 : index
        %get3A_200 = tpu.vector_load %arg9[%get3A_197, %get3A_198, %get3A_199] {strides = array<i32>} : memref<2x16x1024xf32, #tpu.memory_space<vmem>>, vector<16xf32>,
        %add3A_201 = arith.addf %get3A_195, %get3A_200 : vector<16xf32>
        %swap3A_202 = arith.constant 0 : i32
        %swap3A_203 = arith.index_cast %swap3A_202 : i32 to index
        %swap3A_204 = arith.index_cast %scan3A_112 : i32 to index
        %swap3A_205 = arith.constant 80 : index
        %swap3A_206 = tpu.vector_load %arg8[%swap3A_203, %swap3A_204, %swap3A_205] {strides = array<i32>} : memref<2x16x1024xf32, #tpu.memory_space<vmem>>, vector<16xf32>,
        tpu.vector_store %arg8[%swap3A_203, %swap3A_204, %swap3A_205], %add3A_201 {strides = array<i32>} : memref<2x16x1024xf32, #tpu.memory_space<vmem>>, vector<16xf32>,
        %get3A_207 = arith.constant 0 : i32
        %get3A_208 = arith.index_cast %get3A_207 : i32 to index
        %get3A_209 = arith.index_cast %scan3A_112 : i32 to index
        %get3A_210 = arith.constant 96 : index
        %get3A_211 = tpu.vector_load %arg8[%get3A_208, %get3A_209, %get3A_210] {strides = array<i32>} : memref<2x16x1024xf32, #tpu.memory_space<vmem>>, vector<16xf32>,
        %get3A_212 = arith.constant 0 : i32
        %get3A_213 = arith.index_cast %get3A_212 : i32 to index
        %get3A_214 = arith.index_cast %scan3A_112 : i32 to index
        %get3A_215 = arith.constant 96 : index
        %get3A_216 = tpu.vector_load %arg9[%get3A_213, %get3A_214, %get3A_215] {strides = array<i32>} : memref<2x16x1024xf32, #tpu.memory_space<vmem>>, vector<16xf32>,
        %add3A_217 = arith.addf %get3A_211, %get3A_216 : vector<16xf32>
        %swap3A_218 = arith.constant 0 : i32
        %swap3A_219 = arith.index_cast %swap3A_218 : i32 to index
        %swap3A_220 = arith.index_cast %scan3A_112 : i32 to index
        %swap3A_221 = arith.constant 96 : index
        %swap3A_222 = tpu.vector_load %arg8[%swap3A_219, %swap3A_220, %swap3A_221] {strides = array<i32>} : memref<2x16x1024xf32, #tpu.memory_space<vmem>>, vector<16xf32>,
        tpu.vector_store %arg8[%swap3A_219, %swap3A_220, %swap3A_221], %add3A_217 {strides = array<i32>} : memref<2x16x1024xf32, #tpu.memory_space<vmem>>, vector<16xf32>,
        %get3A_223 = arith.constant 0 : i32
        %get3A_224 = arith.index_cast %get3A_223 : i32 to index
        %get3A_225 = arith.index_cast %scan3A_112 : i32 to index
        %get3A_226 = arith.constant 112 : index
        %get3A_227 = tpu.vector_load %arg8[%get3A_224, %get3A_225, %get3A_226] {strides = array<i32>} : memref<2x16x1024xf32, #tpu.memory_space<vmem>>, vector<16xf32>,
        %get3A_228 = arith.constant 0 : i32
        %get3A_229 = arith.index_cast %get3A_228 : i32 to index
        %get3A_230 = arith.index_cast %scan3A_112 : i32 to index
        %get3A_231 = arith.constant 112 : index
        %get3A_232 = tpu.vector_load %arg9[%get3A_229, %get3A_230, %get3A_231] {strides = array<i32>} : memref<2x16x1024xf32, #tpu.memory_space<vmem>>, vector<16xf32>,
        %add3A_233 = arith.addf %get3A_227, %get3A_232 : vector<16xf32>
        %swap3A_234 = arith.constant 0 : i32
        %swap3A_235 = arith.index_cast %swap3A_234 : i32 to index
        %swap3A_236 = arith.index_cast %scan3A_112 : i32 to index
        %swap3A_237 = arith.constant 112 : index
        %swap3A_238 = tpu.vector_load %arg8[%swap3A_235, %swap3A_236, %swap3A_237] {strides = array<i32>} : memref<2x16x1024xf32, #tpu.memory_space<vmem>>, vector<16xf32>,
        tpu.vector_store %arg8[%swap3A_235, %swap3A_236, %swap3A_237], %add3A_233 {strides = array<i32>} : memref<2x16x1024xf32, #tpu.memory_space<vmem>>, vector<16xf32>,
        %get3A_239 = arith.constant 0 : i32
        %get3A_240 = arith.index_cast %get3A_239 : i32 to index
        %get3A_241 = arith.index_cast %scan3A_112 : i32 to index
        %get3A_242 = arith.constant 128 : index
        %get3A_243 = tpu.vector_load %arg8[%get3A_240, %get3A_241, %get3A_242] {strides = array<i32>} : memref<2x16x1024xf32, #tpu.memory_space<vmem>>, vector<16xf32>,
        %get3A_244 = arith.constant 0 : i32
        %get3A_245 = arith.index_cast %get3A_244 : i32 to index
        %get3A_246 = arith.index_cast %scan3A_112 : i32 to index
        %get3A_247 = arith.constant 128 : index
        %get3A_248 = tpu.vector_load %arg9[%get3A_245, %get3A_246, %get3A_247] {strides = array<i32>} : memref<2x16x1024xf32, #tpu.memory_space<vmem>>, vector<16xf32>,
        %add3A_249 = arith.addf %get3A_243, %get3A_248 : vector<16xf32>
        %swap3A_250 = arith.constant 0 : i32
        %swap3A_251 = arith.index_cast %swap3A_250 : i32 to index
        %swap3A_252 = arith.index_cast %scan3A_112 : i32 to index
        %swap3A_253 = arith.constant 128 : index
        %swap3A_254 = tpu.vector_load %arg8[%swap3A_251, %swap3A_252, %swap3A_253] {strides = array<i32>} : memref<2x16x1024xf32, #tpu.memory_space<vmem>>, vector<16xf32>,
        tpu.vector_store %arg8[%swap3A_251, %swap3A_252, %swap3A_253], %add3A_249 {strides = array<i32>} : memref<2x16x1024xf32, #tpu.memory_space<vmem>>, vector<16xf32>,
        %get3A_255 = arith.constant 0 : i32
        %get3A_256 = arith.index_cast %get3A_255 : i32 to index
        %get3A_257 = arith.index_cast %scan3A_112 : i32 to index
        %get3A_258 = arith.constant 144 : index
        %get3A_259 = tpu.vector_load %arg8[%get3A_256, %get3A_257, %get3A_258] {strides = array<i32>} : memref<2x16x1024xf32, #tpu.memory_space<vmem>>, vector<16xf32>,
        %get3A_260 = arith.constant 0 : i32
        %get3A_261 = arith.index_cast %get3A_260 : i32 to index
        %get3A_262 = arith.index_cast %scan3A_112 : i32 to index
        %get3A_263 = arith.constant 144 : index
        %get3A_264 = tpu.vector_load %arg9[%get3A_261, %get3A_262, %get3A_263] {strides = array<i32>} : memref<2x16x1024xf32, #tpu.memory_space<vmem>>, vector<16xf32>,
        %add3A_265 = arith.addf %get3A_259, %get3A_264 : vector<16xf32>
        %swap3A_266 = arith.constant 0 : i32
        %swap3A_267 = arith.index_cast %swap3A_266 : i32 to index
        %swap3A_268 = arith.index_cast %scan3A_112 : i32 to index
        %swap3A_269 = arith.constant 144 : index
        %swap3A_270 = tpu.vector_load %arg8[%swap3A_267, %swap3A_268, %swap3A_269] {strides = array<i32>} : memref<2x16x1024xf32, #tpu.memory_space<vmem>>, vector<16xf32>,
        tpu.vector_store %arg8[%swap3A_267, %swap3A_268, %swap3A_269], %add3A_265 {strides = array<i32>} : memref<2x16x1024xf32, #tpu.memory_space<vmem>>, vector<16xf32>,
        %get3A_271 = arith.constant 0 : i32
        %get3A_272 = arith.index_cast %get3A_271 : i32 to index
        %get3A_273 = arith.index_cast %scan3A_112 : i32 to index
        %get3A_274 = arith.constant 160 : index
        %get3A_275 = tpu.vector_load %arg8[%get3A_272, %get3A_273, %get3A_274] {strides = array<i32>} : memref<2x16x1024xf32, #tpu.memory_space<vmem>>, vector<16xf32>,
        %get3A_276 = arith.constant 0 : i32
        %get3A_277 = arith.index_cast %get3A_276 : i32 to index
        %get3A_278 = arith.index_cast %scan3A_112 : i32 to index
        %get3A_279 = arith.constant 160 : index
        %get3A_280 = tpu.vector_load %arg9[%get3A_277, %get3A_278, %get3A_279] {strides = array<i32>} : memref<2x16x1024xf32, #tpu.memory_space<vmem>>, vector<16xf32>,
        %add3A_281 = arith.addf %get3A_275, %get3A_280 : vector<16xf32>
        %swap3A_282 = arith.constant 0 : i32
        %swap3A_283 = arith.index_cast %swap3A_282 : i32 to index
        %swap3A_284 = arith.index_cast %scan3A_112 : i32 to index
        %swap3A_285 = arith.constant 160 : index
        %swap3A_286 = tpu.vector_load %arg8[%swap3A_283, %swap3A_284, %swap3A_285] {strides = array<i32>} : memref<2x16x1024xf32, #tpu.memory_space<vmem>>, vector<16xf32>,
        tpu.vector_store %arg8[%swap3A_283, %swap3A_284, %swap3A_285], %add3A_281 {strides = array<i32>} : memref<2x16x1024xf32, #tpu.memory_space<vmem>>, vector<16xf32>,
        %get3A_287 = arith.constant 0 : i32
        %get3A_288 = arith.index_cast %get3A_287 : i32 to index
        %get3A_289 = arith.index_cast %scan3A_112 : i32 to index
        %get3A_290 = arith.constant 176 : index
        %get3A_291 = tpu.vector_load %arg8[%get3A_288, %get3A_289, %get3A_290] {strides = array<i32>} : memref<2x16x1024xf32, #tpu.memory_space<vmem>>, vector<16xf32>,
        %get3A_292 = arith.constant 0 : i32
        %get3A_293 = arith.index_cast %get3A_292 : i32 to index
        %get3A_294 = arith.index_cast %scan3A_112 : i32 to index
        %get3A_295 = arith.constant 176 : index
        %get3A_296 = tpu.vector_load %arg9[%get3A_293, %get3A_294, %get3A_295] {strides = array<i32>} : memref<2x16x1024xf32, #tpu.memory_space<vmem>>, vector<16xf32>,
        %add3A_297 = arith.addf %get3A_291, %get3A_296 : vector<16xf32>
        %swap3A_298 = arith.constant 0 : i32
        %swap3A_299 = arith.index_cast %swap3A_298 : i32 to index
        %swap3A_300 = arith.index_cast %scan3A_112 : i32 to index
        %swap3A_301 = arith.constant 176 : index
        %swap3A_302 = tpu.vector_load %arg8[%swap3A_299, %swap3A_300, %swap3A_301] {strides = array<i32>} : memref<2x16x1024xf32, #tpu.memory_space<vmem>>, vector<16xf32>,
        tpu.vector_store %arg8[%swap3A_299, %swap3A_300, %swap3A_301], %add3A_297 {strides = array<i32>} : memref<2x16x1024xf32, #tpu.memory_space<vmem>>, vector<16xf32>,
        %get3A_303 = arith.constant 0 : i32
        %get3A_304 = arith.index_cast %get3A_303 : i32 to index
        %get3A_305 = arith.index_cast %scan3A_112 : i32 to index
        %get3A_306 = arith.constant 192 : index
        %get3A_307 = tpu.vector_load %arg8[%get3A_304, %get3A_305, %get3A_306] {strides = array<i32>} : memref<2x16x1024xf32, #tpu.memory_space<vmem>>, vector<16xf32>,
        %get3A_308 = arith.constant 0 : i32
        %get3A_309 = arith.index_cast %get3A_308 : i32 to index
        %get3A_310 = arith.index_cast %scan3A_112 : i32 to index
        %get3A_311 = arith.constant 192 : index
        %get3A_312 = tpu.vector_load %arg9[%get3A_309, %get3A_310, %get3A_311] {strides = array<i32>} : memref<2x16x1024xf32, #tpu.memory_space<vmem>>, vector<16xf32>,
        %add3A_313 = arith.addf %get3A_307, %get3A_312 : vector<16xf32>
        %swap3A_314 = arith.constant 0 : i32
        %swap3A_315 = arith.index_cast %swap3A_314 : i32 to index
        %swap3A_316 = arith.index_cast %scan3A_112 : i32 to index
        %swap3A_317 = arith.constant 192 : index
        %swap3A_318 = tpu.vector_load %arg8[%swap3A_315, %swap3A_316, %swap3A_317] {strides = array<i32>} : memref<2x16x1024xf32, #tpu.memory_space<vmem>>, vector<16xf32>,
        tpu.vector_store %arg8[%swap3A_315, %swap3A_316, %swap3A_317], %add3A_313 {strides = array<i32>} : memref<2x16x1024xf32, #tpu.memory_space<vmem>>, vector<16xf32>,
        %get3A_319 = arith.constant 0 : i32
        %get3A_320 = arith.index_cast %get3A_319 : i32 to index
        %get3A_321 = arith.index_cast %scan3A_112 : i32 to index
        %get3A_322 = arith.constant 208 : index
        %get3A_323 = tpu.vector_load %arg8[%get3A_320, %get3A_321, %get3A_322] {strides = array<i32>} : memref<2x16x1024xf32, #tpu.memory_space<vmem>>, vector<16xf32>,
        %get3A_324 = arith.constant 0 : i32
        %get3A_325 = arith.index_cast %get3A_324 : i32 to index
        %get3A_326 = arith.index_cast %scan3A_112 : i32 to index
        %get3A_327 = arith.constant 208 : index
        %get3A_328 = tpu.vector_load %arg9[%get3A_325, %get3A_326, %get3A_327] {strides = array<i32>} : memref<2x16x1024xf32, #tpu.memory_space<vmem>>, vector<16xf32>,
        %add3A_329 = arith.addf %get3A_323, %get3A_328 : vector<16xf32>
        %swap3A_330 = arith.constant 0 : i32
        %swap3A_331 = arith.index_cast %swap3A_330 : i32 to index
        %swap3A_332 = arith.index_cast %scan3A_112 : i32 to index
        %swap3A_333 = arith.constant 208 : index
        %swap3A_334 = tpu.vector_load %arg8[%swap3A_331, %swap3A_332, %swap3A_333] {strides = array<i32>} : memref<2x16x1024xf32, #tpu.memory_space<vmem>>, vector<16xf32>,
        tpu.vector_store %arg8[%swap3A_331, %swap3A_332, %swap3A_333], %add3A_329 {strides = array<i32>} : memref<2x16x1024xf32, #tpu.memory_space<vmem>>, vector<16xf32>,
        %get3A_335 = arith.constant 0 : i32
        %get3A_336 = arith.index_cast %get3A_335 : i32 to index
        %get3A_337 = arith.index_cast %scan3A_112 : i32 to index
        %get3A_338 = arith.constant 224 : index
        %get3A_339 = tpu.vector_load %arg8[%get3A_336, %get3A_337, %get3A_338] {strides = array<i32>} : memref<2x16x1024xf32, #tpu.memory_space<vmem>>, vector<16xf32>,
        %get3A_340 = arith.constant 0 : i32
        %get3A_341 = arith.index_cast %get3A_340 : i32 to index
        %get3A_342 = arith.index_cast %scan3A_112 : i32 to index
        %get3A_343 = arith.constant 224 : index
        %get3A_344 = tpu.vector_load %arg9[%get3A_341, %get3A_342, %get3A_343] {strides = array<i32>} : memref<2x16x1024xf32, #tpu.memory_space<vmem>>, vector<16xf32>,
        %add3A_345 = arith.addf %get3A_339, %get3A_344 : vector<16xf32>
        %swap3A_346 = arith.constant 0 : i32
        %swap3A_347 = arith.index_cast %swap3A_346 : i32 to index
        %swap3A_348 = arith.index_cast %scan3A_112 : i32 to index
        %swap3A_349 = arith.constant 224 : index
        %swap3A_350 = tpu.vector_load %arg8[%swap3A_347, %swap3A_348, %swap3A_349] {strides = array<i32>} : memref<2x16x1024xf32, #tpu.memory_space<vmem>>, vector<16xf32>,
        tpu.vector_store %arg8[%swap3A_347, %swap3A_348, %swap3A_349], %add3A_345 {strides = array<i32>} : memref<2x16x1024xf32, #tpu.memory_space<vmem>>, vector<16xf32>,
        %get3A_351 = arith.constant 0 : i32
        %get3A_352 = arith.index_cast %get3A_351 : i32 to index
        %get3A_353 = arith.index_cast %scan3A_112 : i32 to index
        %get3A_354 = arith.constant 240 : index
        %get3A_355 = tpu.vector_load %arg8[%get3A_352, %get3A_353, %get3A_354] {strides = array<i32>} : memref<2x16x1024xf32, #tpu.memory_space<vmem>>, vector<16xf32>,
        %get3A_356 = arith.constant 0 : i32
        %get3A_357 = arith.index_cast %get3A_356 : i32 to index
        %get3A_358 = arith.index_cast %scan3A_112 : i32 to index
        %get3A_359 = arith.constant 240 : index
        %get3A_360 = tpu.vector_load %arg9[%get3A_357, %get3A_358, %get3A_359] {strides = array<i32>} : memref<2x16x1024xf32, #tpu.memory_space<vmem>>, vector<16xf32>,
        %add3A_361 = arith.addf %get3A_355, %get3A_360 : vector<16xf32>
        %swap3A_362 = arith.constant 0 : i32
        %swap3A_363 = arith.index_cast %swap3A_362 : i32 to index
        %swap3A_364 = arith.index_cast %scan3A_112 : i32 to index
        %swap3A_365 = arith.constant 240 : index
        %swap3A_366 = tpu.vector_load %arg8[%swap3A_363, %swap3A_364, %swap3A_365] {strides = array<i32>} : memref<2x16x1024xf32, #tpu.memory_space<vmem>>, vector<16xf32>,
        tpu.vector_store %arg8[%swap3A_363, %swap3A_364, %swap3A_365], %add3A_361 {strides = array<i32>} : memref<2x16x1024xf32, #tpu.memory_space<vmem>>, vector<16xf32>,
        %get3A_367 = arith.constant 0 : i32
        %get3A_368 = arith.index_cast %get3A_367 : i32 to index
        %get3A_369 = arith.index_cast %scan3A_112 : i32 to index
        %get3A_370 = arith.constant 256 : index
        %get3A_371 = tpu.vector_load %arg8[%get3A_368, %get3A_369, %get3A_370] {strides = array<i32>} : memref<2x16x1024xf32, #tpu.memory_space<vmem>>, vector<16xf32>,
        %get3A_372 = arith.constant 0 : i32
        %get3A_373 = arith.index_cast %get3A_372 : i32 to index
        %get3A_374 = arith.index_cast %scan3A_112 : i32 to index
        %get3A_375 = arith.constant 256 : index
        %get3A_376 = tpu.vector_load %arg9[%get3A_373, %get3A_374, %get3A_375] {strides = array<i32>} : memref<2x16x1024xf32, #tpu.memory_space<vmem>>, vector<16xf32>,
        %add3A_377 = arith.addf %get3A_371, %get3A_376 : vector<16xf32>
        %swap3A_378 = arith.constant 0 : i32
        %swap3A_379 = arith.index_cast %swap3A_378 : i32 to index
        %swap3A_380 = arith.index_cast %scan3A_112 : i32 to index
        %swap3A_381 = arith.constant 256 : index
        %swap3A_382 = tpu.vector_load %arg8[%swap3A_379, %swap3A_380, %swap3A_381] {strides = array<i32>} : memref<2x16x1024xf32, #tpu.memory_space<vmem>>, vector<16xf32>,
        tpu.vector_store %arg8[%swap3A_379, %swap3A_380, %swap3A_381], %add3A_377 {strides = array<i32>} : memref<2x16x1024xf32, #tpu.memory_space<vmem>>, vector<16xf32>,
        %get3A_383 = arith.constant 0 : i32
        %get3A_384 = arith.index_cast %get3A_383 : i32 to index
        %get3A_385 = arith.index_cast %scan3A_112 : i32 to index
        %get3A_386 = arith.constant 272 : index
        %get3A_387 = tpu.vector_load %arg8[%get3A_384, %get3A_385, %get3A_386] {strides = array<i32>} : memref<2x16x1024xf32, #tpu.memory_space<vmem>>, vector<16xf32>,
        %get3A_388 = arith.constant 0 : i32
        %get3A_389 = arith.index_cast %get3A_388 : i32 to index
        %get3A_390 = arith.index_cast %scan3A_112 : i32 to index
        %get3A_391 = arith.constant 272 : index
        %get3A_392 = tpu.vector_load %arg9[%get3A_389, %get3A_390, %get3A_391] {strides = array<i32>} : memref<2x16x1024xf32, #tpu.memory_space<vmem>>, vector<16xf32>,
        %add3A_393 = arith.addf %get3A_387, %get3A_392 : vector<16xf32>
        %swap3A_394 = arith.constant 0 : i32
        %swap3A_395 = arith.index_cast %swap3A_394 : i32 to index
        %swap3A_396 = arith.index_cast %scan3A_112 : i32 to index
        %swap3A_397 = arith.constant 272 : index
        %swap3A_398 = tpu.vector_load %arg8[%swap3A_395, %swap3A_396, %swap3A_397] {strides = array<i32>} : memref<2x16x1024xf32, #tpu.memory_space<vmem>>, vector<16xf32>,
        tpu.vector_store %arg8[%swap3A_395, %swap3A_396, %swap3A_397], %add3A_393 {strides = array<i32>} : memref<2x16x1024xf32, #tpu.memory_space<vmem>>, vector<16xf32>,
        %get3A_399 = arith.constant 0 : i32
        %get3A_400 = arith.index_cast %get3A_399 : i32 to index
        %get3A_401 = arith.index_cast %scan3A_112 : i32 to index
        %get3A_402 = arith.constant 288 : index
        %get3A_403 = tpu.vector_load %arg8[%get3A_400, %get3A_401, %get3A_402] {strides = array<i32>} : memref<2x16x1024xf32, #tpu.memory_space<vmem>>, vector<16xf32>,
        %get3A_404 = arith.constant 0 : i32
        %get3A_405 = arith.index_cast %get3A_404 : i32 to index
        %get3A_406 = arith.index_cast %scan3A_112 : i32 to index
        %get3A_407 = arith.constant 288 : index
        %get3A_408 = tpu.vector_load %arg9[%get3A_405, %get3A_406, %get3A_407] {strides = array<i32>} : memref<2x16x1024xf32, #tpu.memory_space<vmem>>, vector<16xf32>,
        %add3A_409 = arith.addf %get3A_403, %get3A_408 : vector<16xf32>
        %swap3A_410 = arith.constant 0 : i32
        %swap3A_411 = arith.index_cast %swap3A_410 : i32 to index
        %swap3A_412 = arith.index_cast %scan3A_112 : i32 to index
        %swap3A_413 = arith.constant 288 : index
        %swap3A_414 = tpu.vector_load %arg8[%swap3A_411, %swap3A_412, %swap3A_413] {strides = array<i32>} : memref<2x16x1024xf32, #tpu.memory_space<vmem>>, vector<16xf32>,
        tpu.vector_store %arg8[%swap3A_411, %swap3A_412, %swap3A_413], %add3A_409 {strides = array<i32>} : memref<2x16x1024xf32, #tpu.memory_space<vmem>>, vector<16xf32>,
        %get3A_415 = arith.constant 0 : i32
        %get3A_416 = arith.index_cast %get3A_415 : i32 to index
        %get3A_417 = arith.index_cast %scan3A_112 : i32 to index
        %get3A_418 = arith.constant 304 : index
        %get3A_419 = tpu.vector_load %arg8[%get3A_416, %get3A_417, %get3A_418] {strides = array<i32>} : memref<2x16x1024xf32, #tpu.memory_space<vmem>>, vector<16xf32>,
        %get3A_420 = arith.constant 0 : i32
        %get3A_421 = arith.index_cast %get3A_420 : i32 to index
        %get3A_422 = arith.index_cast %scan3A_112 : i32 to index
        %get3A_423 = arith.constant 304 : index
        %get3A_424 = tpu.vector_load %arg9[%get3A_421, %get3A_422, %get3A_423] {strides = array<i32>} : memref<2x16x1024xf32, #tpu.memory_space<vmem>>, vector<16xf32>,
        %add3A_425 = arith.addf %get3A_419, %get3A_424 : vector<16xf32>
        %swap3A_426 = arith.constant 0 : i32
        %swap3A_427 = arith.index_cast %swap3A_426 : i32 to index
        %swap3A_428 = arith.index_cast %scan3A_112 : i32 to index
        %swap3A_429 = arith.constant 304 : index
        %swap3A_430 = tpu.vector_load %arg8[%swap3A_427, %swap3A_428, %swap3A_429] {strides = array<i32>} : memref<2x16x1024xf32, #tpu.memory_space<vmem>>, vector<16xf32>,
        tpu.vector_store %arg8[%swap3A_427, %swap3A_428, %swap3A_429], %add3A_425 {strides = array<i32>} : memref<2x16x1024xf32, #tpu.memory_space<vmem>>, vector<16xf32>,
        %get3A_431 = arith.constant 0 : i32
        %get3A_432 = arith.index_cast %get3A_431 : i32 to index
        %get3A_433 = arith.index_cast %scan3A_112 : i32 to index
        %get3A_434 = arith.constant 320 : index
        %get3A_435 = tpu.vector_load %arg8[%get3A_432, %get3A_433, %get3A_434] {strides = array<i32>} : memref<2x16x1024xf32, #tpu.memory_space<vmem>>, vector<16xf32>,
        %get3A_436 = arith.constant 0 : i32
        %get3A_437 = arith.index_cast %get3A_436 : i32 to index
        %get3A_438 = arith.index_cast %scan3A_112 : i32 to index
        %get3A_439 = arith.constant 320 : index
        %get3A_440 = tpu.vector_load %arg9[%get3A_437, %get3A_438, %get3A_439] {strides = array<i32>} : memref<2x16x1024xf32, #tpu.memory_space<vmem>>, vector<16xf32>,
        %add3A_441 = arith.addf %get3A_435, %get3A_440 : vector<16xf32>
        %swap3A_442 = arith.constant 0 : i32
        %swap3A_443 = arith.index_cast %swap3A_442 : i32 to index
        %swap3A_444 = arith.index_cast %scan3A_112 : i32 to index
        %swap3A_445 = arith.constant 320 : index
        %swap3A_446 = tpu.vector_load %arg8[%swap3A_443, %swap3A_444, %swap3A_445] {strides = array<i32>} : memref<2x16x1024xf32, #tpu.memory_space<vmem>>, vector<16xf32>,
        tpu.vector_store %arg8[%swap3A_443, %swap3A_444, %swap3A_445], %add3A_441 {strides = array<i32>} : memref<2x16x1024xf32, #tpu.memory_space<vmem>>, vector<16xf32>,
        %get3A_447 = arith.constant 0 : i32
        %get3A_448 = arith.index_cast %get3A_447 : i32 to index
        %get3A_449 = arith.index_cast %scan3A_112 : i32 to index
        %get3A_450 = arith.constant 336 : index
        %get3A_451 = tpu.vector_load %arg8[%get3A_448, %get3A_449, %get3A_450] {strides = array<i32>} : memref<2x16x1024xf32, #tpu.memory_space<vmem>>, vector<16xf32>,
        %get3A_452 = arith.constant 0 : i32
        %get3A_453 = arith.index_cast %get3A_452 : i32 to index
        %get3A_454 = arith.index_cast %scan3A_112 : i32 to index
        %get3A_455 = arith.constant 336 : index
        %get3A_456 = tpu.vector_load %arg9[%get3A_453, %get3A_454, %get3A_455] {strides = array<i32>} : memref<2x16x1024xf32, #tpu.memory_space<vmem>>, vector<16xf32>,
        %add3A_457 = arith.addf %get3A_451, %get3A_456 : vector<16xf32>
        %swap3A_458 = arith.constant 0 : i32
        %swap3A_459 = arith.index_cast %swap3A_458 : i32 to index
        %swap3A_460 = arith.index_cast %scan3A_112 : i32 to index
        %swap3A_461 = arith.constant 336 : index
        %swap3A_462 = tpu.vector_load %arg8[%swap3A_459, %swap3A_460, %swap3A_461] {strides = array<i32>} : memref<2x16x1024xf32, #tpu.memory_space<vmem>>, vector<16xf32>,
        tpu.vector_store %arg8[%swap3A_459, %swap3A_460, %swap3A_461], %add3A_457 {strides = array<i32>} : memref<2x16x1024xf32, #tpu.memory_space<vmem>>, vector<16xf32>,
        %get3A_463 = arith.constant 0 : i32
        %get3A_464 = arith.index_cast %get3A_463 : i32 to index
        %get3A_465 = arith.index_cast %scan3A_112 : i32 to index
        %get3A_466 = arith.constant 352 : index
        %get3A_467 = tpu.vector_load %arg8[%get3A_464, %get3A_465, %get3A_466] {strides = array<i32>} : memref<2x16x1024xf32, #tpu.memory_space<vmem>>, vector<16xf32>,
        %get3A_468 = arith.constant 0 : i32
        %get3A_469 = arith.index_cast %get3A_468 : i32 to index
        %get3A_470 = arith.index_cast %scan3A_112 : i32 to index
        %get3A_471 = arith.constant 352 : index
        %get3A_472 = tpu.vector_load %arg9[%get3A_469, %get3A_470, %get3A_471] {strides = array<i32>} : memref<2x16x1024xf32, #tpu.memory_space<vmem>>, vector<16xf32>,
        %add3A_473 = arith.addf %get3A_467, %get3A_472 : vector<16xf32>
        %swap3A_474 = arith.constant 0 : i32
        %swap3A_475 = arith.index_cast %swap3A_474 : i32 to index
        %swap3A_476 = arith.index_cast %scan3A_112 : i32 to index
        %swap3A_477 = arith.constant 352 : index
        %swap3A_478 = tpu.vector_load %arg8[%swap3A_475, %swap3A_476, %swap3A_477] {strides = array<i32>} : memref<2x16x1024xf32, #tpu.memory_space<vmem>>, vector<16xf32>,
        tpu.vector_store %arg8[%swap3A_475, %swap3A_476, %swap3A_477], %add3A_473 {strides = array<i32>} : memref<2x16x1024xf32, #tpu.memory_space<vmem>>, vector<16xf32>,
        %get3A_479 = arith.constant 0 : i32
        %get3A_480 = arith.index_cast %get3A_479 : i32 to index
        %get3A_481 = arith.index_cast %scan3A_112 : i32 to index
        %get3A_482 = arith.constant 368 : index
        %get3A_483 = tpu.vector_load %arg8[%get3A_480, %get3A_481, %get3A_482] {strides = array<i32>} : memref<2x16x1024xf32, #tpu.memory_space<vmem>>, vector<16xf32>,
        %get3A_484 = arith.constant 0 : i32
        %get3A_485 = arith.index_cast %get3A_484 : i32 to index
        %get3A_486 = arith.index_cast %scan3A_112 : i32 to index
        %get3A_487 = arith.constant 368 : index
        %get3A_488 = tpu.vector_load %arg9[%get3A_485, %get3A_486, %get3A_487] {strides = array<i32>} : memref<2x16x1024xf32, #tpu.memory_space<vmem>>, vector<16xf32>,
        %add3A_489 = arith.addf %get3A_483, %get3A_488 : vector<16xf32>
        %swap3A_490 = arith.constant 0 : i32
        %swap3A_491 = arith.index_cast %swap3A_490 : i32 to index
        %swap3A_492 = arith.index_cast %scan3A_112 : i32 to index
        %swap3A_493 = arith.constant 368 : index
        %swap3A_494 = tpu.vector_load %arg8[%swap3A_491, %swap3A_492, %swap3A_493] {strides = array<i32>} : memref<2x16x1024xf32, #tpu.memory_space<vmem>>, vector<16xf32>,
        tpu.vector_store %arg8[%swap3A_491, %swap3A_492, %swap3A_493], %add3A_489 {strides = array<i32>} : memref<2x16x1024xf32, #tpu.memory_space<vmem>>, vector<16xf32>,
        %get3A_495 = arith.constant 0 : i32
        %get3A_496 = arith.index_cast %get3A_495 : i32 to index
        %get3A_497 = arith.index_cast %scan3A_112 : i32 to index
        %get3A_498 = arith.constant 384 : index
        %get3A_499 = tpu.vector_load %arg8[%get3A_496, %get3A_497, %get3A_498] {strides = array<i32>} : memref<2x16x1024xf32, #tpu.memory_space<vmem>>, vector<16xf32>,
        %get3A_500 = arith.constant 0 : i32
        %get3A_501 = arith.index_cast %get3A_500 : i32 to index
        %get3A_502 = arith.index_cast %scan3A_112 : i32 to index
        %get3A_503 = arith.constant 384 : index
        %get3A_504 = tpu.vector_load %arg9[%get3A_501, %get3A_502, %get3A_503] {strides = array<i32>} : memref<2x16x1024xf32, #tpu.memory_space<vmem>>, vector<16xf32>,
        %add3A_505 = arith.addf %get3A_499, %get3A_504 : vector<16xf32>
        %swap3A_506 = arith.constant 0 : i32
        %swap3A_507 = arith.index_cast %swap3A_506 : i32 to index
        %swap3A_508 = arith.index_cast %scan3A_112 : i32 to index
        %swap3A_509 = arith.constant 384 : index
        %swap3A_510 = tpu.vector_load %arg8[%swap3A_507, %swap3A_508, %swap3A_509] {strides = array<i32>} : memref<2x16x1024xf32, #tpu.memory_space<vmem>>, vector<16xf32>,
        tpu.vector_store %arg8[%swap3A_507, %swap3A_508, %swap3A_509], %add3A_505 {strides = array<i32>} : memref<2x16x1024xf32, #tpu.memory_space<vmem>>, vector<16xf32>,
        %get3A_511 = arith.constant 0 : i32
        %get3A_512 = arith.index_cast %get3A_511 : i32 to index
        %get3A_513 = arith.index_cast %scan3A_112 : i32 to index
        %get3A_514 = arith.constant 400 : index
        %get3A_515 = tpu.vector_load %arg8[%get3A_512, %get3A_513, %get3A_514] {strides = array<i32>} : memref<2x16x1024xf32, #tpu.memory_space<vmem>>, vector<16xf32>,
        %get3A_516 = arith.constant 0 : i32
        %get3A_517 = arith.index_cast %get3A_516 : i32 to index
        %get3A_518 = arith.index_cast %scan3A_112 : i32 to index
        %get3A_519 = arith.constant 400 : index
        %get3A_520 = tpu.vector_load %arg9[%get3A_517, %get3A_518, %get3A_519] {strides = array<i32>} : memref<2x16x1024xf32, #tpu.memory_space<vmem>>, vector<16xf32>,
        %add3A_521 = arith.addf %get3A_515, %get3A_520 : vector<16xf32>
        %swap3A_522 = arith.constant 0 : i32
        %swap3A_523 = arith.index_cast %swap3A_522 : i32 to index
        %swap3A_524 = arith.index_cast %scan3A_112 : i32 to index
        %swap3A_525 = arith.constant 400 : index
        %swap3A_526 = tpu.vector_load %arg8[%swap3A_523, %swap3A_524, %swap3A_525] {strides = array<i32>} : memref<2x16x1024xf32, #tpu.memory_space<vmem>>, vector<16xf32>,
        tpu.vector_store %arg8[%swap3A_523, %swap3A_524, %swap3A_525], %add3A_521 {strides = array<i32>} : memref<2x16x1024xf32, #tpu.memory_space<vmem>>, vector<16xf32>,
        %get3A_527 = arith.constant 0 : i32
        %get3A_528 = arith.index_cast %get3A_527 : i32 to index
        %get3A_529 = arith.index_cast %scan3A_112 : i32 to index
        %get3A_530 = arith.constant 416 : index
        %get3A_531 = tpu.vector_load %arg8[%get3A_528, %get3A_529, %get3A_530] {strides = array<i32>} : memref<2x16x1024xf32, #tpu.memory_space<vmem>>, vector<16xf32>,
        %get3A_532 = arith.constant 0 : i32
        %get3A_533 = arith.index_cast %get3A_532 : i32 to index
        %get3A_534 = arith.index_cast %scan3A_112 : i32 to index
        %get3A_535 = arith.constant 416 : index
        %get3A_536 = tpu.vector_load %arg9[%get3A_533, %get3A_534, %get3A_535] {strides = array<i32>} : memref<2x16x1024xf32, #tpu.memory_space<vmem>>, vector<16xf32>,
        %add3A_537 = arith.addf %get3A_531, %get3A_536 : vector<16xf32>
        %swap3A_538 = arith.constant 0 : i32
        %swap3A_539 = arith.index_cast %swap3A_538 : i32 to index
        %swap3A_540 = arith.index_cast %scan3A_112 : i32 to index
        %swap3A_541 = arith.constant 416 : index
        %swap3A_542 = tpu.vector_load %arg8[%swap3A_539, %swap3A_540, %swap3A_541] {strides = array<i32>} : memref<2x16x1024xf32, #tpu.memory_space<vmem>>, vector<16xf32>,
        tpu.vector_store %arg8[%swap3A_539, %swap3A_540, %swap3A_541], %add3A_537 {strides = array<i32>} : memref<2x16x1024xf32, #tpu.memory_space<vmem>>, vector<16xf32>,
        %get3A_543 = arith.constant 0 : i32
        %get3A_544 = arith.index_cast %get3A_543 : i32 to index
        %get3A_545 = arith.index_cast %scan3A_112 : i32 to index
        %get3A_546 = arith.constant 432 : index
        %get3A_547 = tpu.vector_load %arg8[%get3A_544, %get3A_545, %get3A_546] {strides = array<i32>} : memref<2x16x1024xf32, #tpu.memory_space<vmem>>, vector<16xf32>,
        %get3A_548 = arith.constant 0 : i32
        %get3A_549 = arith.index_cast %get3A_548 : i32 to index
        %get3A_550 = arith.index_cast %scan3A_112 : i32 to index
        %get3A_551 = arith.constant 432 : index
        %get3A_552 = tpu.vector_load %arg9[%get3A_549, %get3A_550, %get3A_551] {strides = array<i32>} : memref<2x16x1024xf32, #tpu.memory_space<vmem>>, vector<16xf32>,
        %add3A_553 = arith.addf %get3A_547, %get3A_552 : vector<16xf32>
        %swap3A_554 = arith.constant 0 : i32
        %swap3A_555 = arith.index_cast %swap3A_554 : i32 to index
        %swap3A_556 = arith.index_cast %scan3A_112 : i32 to index
        %swap3A_557 = arith.constant 432 : index
        %swap3A_558 = tpu.vector_load %arg8[%swap3A_555, %swap3A_556, %swap3A_557] {strides = array<i32>} : memref<2x16x1024xf32, #tpu.memory_space<vmem>>, vector<16xf32>,
        tpu.vector_store %arg8[%swap3A_555, %swap3A_556, %swap3A_557], %add3A_553 {strides = array<i32>} : memref<2x16x1024xf32, #tpu.memory_space<vmem>>, vector<16xf32>,
        %get3A_559 = arith.constant 0 : i32
        %get3A_560 = arith.index_cast %get3A_559 : i32 to index
        %get3A_561 = arith.index_cast %scan3A_112 : i32 to index
        %get3A_562 = arith.constant 448 : index
        %get3A_563 = tpu.vector_load %arg8[%get3A_560, %get3A_561, %get3A_562] {strides = array<i32>} : memref<2x16x1024xf32, #tpu.memory_space<vmem>>, vector<16xf32>,
        %get3A_564 = arith.constant 0 : i32
        %get3A_565 = arith.index_cast %get3A_564 : i32 to index
        %get3A_566 = arith.index_cast %scan3A_112 : i32 to index
        %get3A_567 = arith.constant 448 : index
        %get3A_568 = tpu.vector_load %arg9[%get3A_565, %get3A_566, %get3A_567] {strides = array<i32>} : memref<2x16x1024xf32, #tpu.memory_space<vmem>>, vector<16xf32>,
        %add3A_569 = arith.addf %get3A_563, %get3A_568 : vector<16xf32>
        %swap3A_570 = arith.constant 0 : i32
        %swap3A_571 = arith.index_cast %swap3A_570 : i32 to index
        %swap3A_572 = arith.index_cast %scan3A_112 : i32 to index
        %swap3A_573 = arith.constant 448 : index
        %swap3A_574 = tpu.vector_load %arg8[%swap3A_571, %swap3A_572, %swap3A_573] {strides = array<i32>} : memref<2x16x1024xf32, #tpu.memory_space<vmem>>, vector<16xf32>,
        tpu.vector_store %arg8[%swap3A_571, %swap3A_572, %swap3A_573], %add3A_569 {strides = array<i32>} : memref<2x16x1024xf32, #tpu.memory_space<vmem>>, vector<16xf32>,
        %get3A_575 = arith.constant 0 : i32
        %get3A_576 = arith.index_cast %get3A_575 : i32 to index
        %get3A_577 = arith.index_cast %scan3A_112 : i32 to index
        %get3A_578 = arith.constant 464 : index
        %get3A_579 = tpu.vector_load %arg8[%get3A_576, %get3A_577, %get3A_578] {strides = array<i32>} : memref<2x16x1024xf32, #tpu.memory_space<vmem>>, vector<16xf32>,
        %get3A_580 = arith.constant 0 : i32
        %get3A_581 = arith.index_cast %get3A_580 : i32 to index
        %get3A_582 = arith.index_cast %scan3A_112 : i32 to index
        %get3A_583 = arith.constant 464 : index
        %get3A_584 = tpu.vector_load %arg9[%get3A_581, %get3A_582, %get3A_583] {strides = array<i32>} : memref<2x16x1024xf32, #tpu.memory_space<vmem>>, vector<16xf32>,
        %add3A_585 = arith.addf %get3A_579, %get3A_584 : vector<16xf32>
        %swap3A_586 = arith.constant 0 : i32
        %swap3A_587 = arith.index_cast %swap3A_586 : i32 to index
        %swap3A_588 = arith.index_cast %scan3A_112 : i32 to index
        %swap3A_589 = arith.constant 464 : index
        %swap3A_590 = tpu.vector_load %arg8[%swap3A_587, %swap3A_588, %swap3A_589] {strides = array<i32>} : memref<2x16x1024xf32, #tpu.memory_space<vmem>>, vector<16xf32>,
        tpu.vector_store %arg8[%swap3A_587, %swap3A_588, %swap3A_589], %add3A_585 {strides = array<i32>} : memref<2x16x1024xf32, #tpu.memory_space<vmem>>, vector<16xf32>,
        %get3A_591 = arith.constant 0 : i32
        %get3A_592 = arith.index_cast %get3A_591 : i32 to index
        %get3A_593 = arith.index_cast %scan3A_112 : i32 to index
        %get3A_594 = arith.constant 480 : index
        %get3A_595 = tpu.vector_load %arg8[%get3A_592, %get3A_593, %get3A_594] {strides = array<i32>} : memref<2x16x1024xf32, #tpu.memory_space<vmem>>, vector<16xf32>,
        %get3A_596 = arith.constant 0 : i32
        %get3A_597 = arith.index_cast %get3A_596 : i32 to index
        %get3A_598 = arith.index_cast %scan3A_112 : i32 to index
        %get3A_599 = arith.constant 480 : index
        %get3A_600 = tpu.vector_load %arg9[%get3A_597, %get3A_598, %get3A_599] {strides = array<i32>} : memref<2x16x1024xf32, #tpu.memory_space<vmem>>, vector<16xf32>,
        %add3A_601 = arith.addf %get3A_595, %get3A_600 : vector<16xf32>
        %swap3A_602 = arith.constant 0 : i32
        %swap3A_603 = arith.index_cast %swap3A_602 : i32 to index
        %swap3A_604 = arith.index_cast %scan3A_112 : i32 to index
        %swap3A_605 = arith.constant 480 : index
        %swap3A_606 = tpu.vector_load %arg8[%swap3A_603, %swap3A_604, %swap3A_605] {strides = array<i32>} : memref<2x16x1024xf32, #tpu.memory_space<vmem>>, vector<16xf32>,
        tpu.vector_store %arg8[%swap3A_603, %swap3A_604, %swap3A_605], %add3A_601 {strides = array<i32>} : memref<2x16x1024xf32, #tpu.memory_space<vmem>>, vector<16xf32>,
        %get3A_607 = arith.constant 0 : i32
        %get3A_608 = arith.index_cast %get3A_607 : i32 to index
        %get3A_609 = arith.index_cast %scan3A_112 : i32 to index
        %get3A_610 = arith.constant 496 : index
        %get3A_611 = tpu.vector_load %arg8[%get3A_608, %get3A_609, %get3A_610] {strides = array<i32>} : memref<2x16x1024xf32, #tpu.memory_space<vmem>>, vector<16xf32>,
        %get3A_612 = arith.constant 0 : i32
        %get3A_613 = arith.index_cast %get3A_612 : i32 to index
        %get3A_614 = arith.index_cast %scan3A_112 : i32 to index
        %get3A_615 = arith.constant 496 : index
        %get3A_616 = tpu.vector_load %arg9[%get3A_613, %get3A_614, %get3A_615] {strides = array<i32>} : memref<2x16x1024xf32, #tpu.memory_space<vmem>>, vector<16xf32>,
        %add3A_617 = arith.addf %get3A_611, %get3A_616 : vector<16xf32>
        %swap3A_618 = arith.constant 0 : i32
        %swap3A_619 = arith.index_cast %swap3A_618 : i32 to index
        %swap3A_620 = arith.index_cast %scan3A_112 : i32 to index
        %swap3A_621 = arith.constant 496 : index
        %swap3A_622 = tpu.vector_load %arg8[%swap3A_619, %swap3A_620, %swap3A_621] {strides = array<i32>} : memref<2x16x1024xf32, #tpu.memory_space<vmem>>, vector<16xf32>,
        tpu.vector_store %arg8[%swap3A_619, %swap3A_620, %swap3A_621], %add3A_617 {strides = array<i32>} : memref<2x16x1024xf32, #tpu.memory_space<vmem>>, vector<16xf32>,
        %get3A_623 = arith.constant 0 : i32
        %get3A_624 = arith.index_cast %get3A_623 : i32 to index
        %get3A_625 = arith.index_cast %scan3A_112 : i32 to index
        %get3A_626 = arith.constant 512 : index
        %get3A_627 = tpu.vector_load %arg8[%get3A_624, %get3A_625, %get3A_626] {strides = array<i32>} : memref<2x16x1024xf32, #tpu.memory_space<vmem>>, vector<16xf32>,
        %get3A_628 = arith.constant 0 : i32
        %get3A_629 = arith.index_cast %get3A_628 : i32 to index
        %get3A_630 = arith.index_cast %scan3A_112 : i32 to index
        %get3A_631 = arith.constant 512 : index
        %get3A_632 = tpu.vector_load %arg9[%get3A_629, %get3A_630, %get3A_631] {strides = array<i32>} : memref<2x16x1024xf32, #tpu.memory_space<vmem>>, vector<16xf32>,
        %add3A_633 = arith.addf %get3A_627, %get3A_632 : vector<16xf32>
        %swap3A_634 = arith.constant 0 : i32
        %swap3A_635 = arith.index_cast %swap3A_634 : i32 to index
        %swap3A_636 = arith.index_cast %scan3A_112 : i32 to index
        %swap3A_637 = arith.constant 512 : index
        %swap3A_638 = tpu.vector_load %arg8[%swap3A_635, %swap3A_636, %swap3A_637] {strides = array<i32>} : memref<2x16x1024xf32, #tpu.memory_space<vmem>>, vector<16xf32>,
        tpu.vector_store %arg8[%swap3A_635, %swap3A_636, %swap3A_637], %add3A_633 {strides = array<i32>} : memref<2x16x1024xf32, #tpu.memory_space<vmem>>, vector<16xf32>,
        %get3A_639 = arith.constant 0 : i32
        %get3A_640 = arith.index_cast %get3A_639 : i32 to index
        %get3A_641 = arith.index_cast %scan3A_112 : i32 to index
        %get3A_642 = arith.constant 528 : index
        %get3A_643 = tpu.vector_load %arg8[%get3A_640, %get3A_641, %get3A_642] {strides = array<i32>} : memref<2x16x1024xf32, #tpu.memory_space<vmem>>, vector<16xf32>,
        %get3A_644 = arith.constant 0 : i32
        %get3A_645 = arith.index_cast %get3A_644 : i32 to index
        %get3A_646 = arith.index_cast %scan3A_112 : i32 to index
        %get3A_647 = arith.constant 528 : index
        %get3A_648 = tpu.vector_load %arg9[%get3A_645, %get3A_646, %get3A_647] {strides = array<i32>} : memref<2x16x1024xf32, #tpu.memory_space<vmem>>, vector<16xf32>,
        %add3A_649 = arith.addf %get3A_643, %get3A_648 : vector<16xf32>
        %swap3A_650 = arith.constant 0 : i32
        %swap3A_651 = arith.index_cast %swap3A_650 : i32 to index
        %swap3A_652 = arith.index_cast %scan3A_112 : i32 to index
        %swap3A_653 = arith.constant 528 : index
        %swap3A_654 = tpu.vector_load %arg8[%swap3A_651, %swap3A_652, %swap3A_653] {strides = array<i32>} : memref<2x16x1024xf32, #tpu.memory_space<vmem>>, vector<16xf32>,
        tpu.vector_store %arg8[%swap3A_651, %swap3A_652, %swap3A_653], %add3A_649 {strides = array<i32>} : memref<2x16x1024xf32, #tpu.memory_space<vmem>>, vector<16xf32>,
        %get3A_655 = arith.constant 0 : i32
        %get3A_656 = arith.index_cast %get3A_655 : i32 to index
        %get3A_657 = arith.index_cast %scan3A_112 : i32 to index
        %get3A_658 = arith.constant 544 : index
        %get3A_659 = tpu.vector_load %arg8[%get3A_656, %get3A_657, %get3A_658] {strides = array<i32>} : memref<2x16x1024xf32, #tpu.memory_space<vmem>>, vector<16xf32>,
        %get3A_660 = arith.constant 0 : i32
        %get3A_661 = arith.index_cast %get3A_660 : i32 to index
        %get3A_662 = arith.index_cast %scan3A_112 : i32 to index
        %get3A_663 = arith.constant 544 : index
        %get3A_664 = tpu.vector_load %arg9[%get3A_661, %get3A_662, %get3A_663] {strides = array<i32>} : memref<2x16x1024xf32, #tpu.memory_space<vmem>>, vector<16xf32>,
        %add3A_665 = arith.addf %get3A_659, %get3A_664 : vector<16xf32>
        %swap3A_666 = arith.constant 0 : i32
        %swap3A_667 = arith.index_cast %swap3A_666 : i32 to index
        %swap3A_668 = arith.index_cast %scan3A_112 : i32 to index
        %swap3A_669 = arith.constant 544 : index
        %swap3A_670 = tpu.vector_load %arg8[%swap3A_667, %swap3A_668, %swap3A_669] {strides = array<i32>} : memref<2x16x1024xf32, #tpu.memory_space<vmem>>, vector<16xf32>,
        tpu.vector_store %arg8[%swap3A_667, %swap3A_668, %swap3A_669], %add3A_665 {strides = array<i32>} : memref<2x16x1024xf32, #tpu.memory_space<vmem>>, vector<16xf32>,
        %get3A_671 = arith.constant 0 : i32
        %get3A_672 = arith.index_cast %get3A_671 : i32 to index
        %get3A_673 = arith.index_cast %scan3A_112 : i32 to index
        %get3A_674 = arith.constant 560 : index
        %get3A_675 = tpu.vector_load %arg8[%get3A_672, %get3A_673, %get3A_674] {strides = array<i32>} : memref<2x16x1024xf32, #tpu.memory_space<vmem>>, vector<16xf32>,
        %get3A_676 = arith.constant 0 : i32
        %get3A_677 = arith.index_cast %get3A_676 : i32 to index
        %get3A_678 = arith.index_cast %scan3A_112 : i32 to index
        %get3A_679 = arith.constant 560 : index
        %get3A_680 = tpu.vector_load %arg9[%get3A_677, %get3A_678, %get3A_679] {strides = array<i32>} : memref<2x16x1024xf32, #tpu.memory_space<vmem>>, vector<16xf32>,
        %add3A_681 = arith.addf %get3A_675, %get3A_680 : vector<16xf32>
        %swap3A_682 = arith.constant 0 : i32
        %swap3A_683 = arith.index_cast %swap3A_682 : i32 to index
        %swap3A_684 = arith.index_cast %scan3A_112 : i32 to index
        %swap3A_685 = arith.constant 560 : index
        %swap3A_686 = tpu.vector_load %arg8[%swap3A_683, %swap3A_684, %swap3A_685] {strides = array<i32>} : memref<2x16x1024xf32, #tpu.memory_space<vmem>>, vector<16xf32>,
        tpu.vector_store %arg8[%swap3A_683, %swap3A_684, %swap3A_685], %add3A_681 {strides = array<i32>} : memref<2x16x1024xf32, #tpu.memory_space<vmem>>, vector<16xf32>,
        %get3A_687 = arith.constant 0 : i32
        %get3A_688 = arith.index_cast %get3A_687 : i32 to index
        %get3A_689 = arith.index_cast %scan3A_112 : i32 to index
        %get3A_690 = arith.constant 576 : index
        %get3A_691 = tpu.vector_load %arg8[%get3A_688, %get3A_689, %get3A_690] {strides = array<i32>} : memref<2x16x1024xf32, #tpu.memory_space<vmem>>, vector<16xf32>,
        %get3A_692 = arith.constant 0 : i32
        %get3A_693 = arith.index_cast %get3A_692 : i32 to index
        %get3A_694 = arith.index_cast %scan3A_112 : i32 to index
        %get3A_695 = arith.constant 576 : index
        %get3A_696 = tpu.vector_load %arg9[%get3A_693, %get3A_694, %get3A_695] {strides = array<i32>} : memref<2x16x1024xf32, #tpu.memory_space<vmem>>, vector<16xf32>,
        %add3A_697 = arith.addf %get3A_691, %get3A_696 : vector<16xf32>
        %swap3A_698 = arith.constant 0 : i32
        %swap3A_699 = arith.index_cast %swap3A_698 : i32 to index
        %swap3A_700 = arith.index_cast %scan3A_112 : i32 to index
        %swap3A_701 = arith.constant 576 : index
        %swap3A_702 = tpu.vector_load %arg8[%swap3A_699, %swap3A_700, %swap3A_701] {strides = array<i32>} : memref<2x16x1024xf32, #tpu.memory_space<vmem>>, vector<16xf32>,
        tpu.vector_store %arg8[%swap3A_699, %swap3A_700, %swap3A_701], %add3A_697 {strides = array<i32>} : memref<2x16x1024xf32, #tpu.memory_space<vmem>>, vector<16xf32>,
        %get3A_703 = arith.constant 0 : i32
        %get3A_704 = arith.index_cast %get3A_703 : i32 to index
        %get3A_705 = arith.index_cast %scan3A_112 : i32 to index
        %get3A_706 = arith.constant 592 : index
        %get3A_707 = tpu.vector_load %arg8[%get3A_704, %get3A_705, %get3A_706] {strides = array<i32>} : memref<2x16x1024xf32, #tpu.memory_space<vmem>>, vector<16xf32>,
        %get3A_708 = arith.constant 0 : i32
        %get3A_709 = arith.index_cast %get3A_708 : i32 to index
        %get3A_710 = arith.index_cast %scan3A_112 : i32 to index
        %get3A_711 = arith.constant 592 : index
        %get3A_712 = tpu.vector_load %arg9[%get3A_709, %get3A_710, %get3A_711] {strides = array<i32>} : memref<2x16x1024xf32, #tpu.memory_space<vmem>>, vector<16xf32>,
        %add3A_713 = arith.addf %get3A_707, %get3A_712 : vector<16xf32>
        %swap3A_714 = arith.constant 0 : i32
        %swap3A_715 = arith.index_cast %swap3A_714 : i32 to index
        %swap3A_716 = arith.index_cast %scan3A_112 : i32 to index
        %swap3A_717 = arith.constant 592 : index
        %swap3A_718 = tpu.vector_load %arg8[%swap3A_715, %swap3A_716, %swap3A_717] {strides = array<i32>} : memref<2x16x1024xf32, #tpu.memory_space<vmem>>, vector<16xf32>,
        tpu.vector_store %arg8[%swap3A_715, %swap3A_716, %swap3A_717], %add3A_713 {strides = array<i32>} : memref<2x16x1024xf32, #tpu.memory_space<vmem>>, vector<16xf32>,
        %get3A_719 = arith.constant 0 : i32
        %get3A_720 = arith.index_cast %get3A_719 : i32 to index
        %get3A_721 = arith.index_cast %scan3A_112 : i32 to index
        %get3A_722 = arith.constant 608 : index
        %get3A_723 = tpu.vector_load %arg8[%get3A_720, %get3A_721, %get3A_722] {strides = array<i32>} : memref<2x16x1024xf32, #tpu.memory_space<vmem>>, vector<16xf32>,
        %get3A_724 = arith.constant 0 : i32
        %get3A_725 = arith.index_cast %get3A_724 : i32 to index
        %get3A_726 = arith.index_cast %scan3A_112 : i32 to index
        %get3A_727 = arith.constant 608 : index
        %get3A_728 = tpu.vector_load %arg9[%get3A_725, %get3A_726, %get3A_727] {strides = array<i32>} : memref<2x16x1024xf32, #tpu.memory_space<vmem>>, vector<16xf32>,
        %add3A_729 = arith.addf %get3A_723, %get3A_728 : vector<16xf32>
        %swap3A_730 = arith.constant 0 : i32
        %swap3A_731 = arith.index_cast %swap3A_730 : i32 to index
        %swap3A_732 = arith.index_cast %scan3A_112 : i32 to index
        %swap3A_733 = arith.constant 608 : index
        %swap3A_734 = tpu.vector_load %arg8[%swap3A_731, %swap3A_732, %swap3A_733] {strides = array<i32>} : memref<2x16x1024xf32, #tpu.memory_space<vmem>>, vector<16xf32>,
        tpu.vector_store %arg8[%swap3A_731, %swap3A_732, %swap3A_733], %add3A_729 {strides = array<i32>} : memref<2x16x1024xf32, #tpu.memory_space<vmem>>, vector<16xf32>,
        %get3A_735 = arith.constant 0 : i32
        %get3A_736 = arith.index_cast %get3A_735 : i32 to index
        %get3A_737 = arith.index_cast %scan3A_112 : i32 to index
        %get3A_738 = arith.constant 624 : index
        %get3A_739 = tpu.vector_load %arg8[%get3A_736, %get3A_737, %get3A_738] {strides = array<i32>} : memref<2x16x1024xf32, #tpu.memory_space<vmem>>, vector<16xf32>,
        %get3A_740 = arith.constant 0 : i32
        %get3A_741 = arith.index_cast %get3A_740 : i32 to index
        %get3A_742 = arith.index_cast %scan3A_112 : i32 to index
        %get3A_743 = arith.constant 624 : index
        %get3A_744 = tpu.vector_load %arg9[%get3A_741, %get3A_742, %get3A_743] {strides = array<i32>} : memref<2x16x1024xf32, #tpu.memory_space<vmem>>, vector<16xf32>,
        %add3A_745 = arith.addf %get3A_739, %get3A_744 : vector<16xf32>
        %swap3A_746 = arith.constant 0 : i32
        %swap3A_747 = arith.index_cast %swap3A_746 : i32 to index
        %swap3A_748 = arith.index_cast %scan3A_112 : i32 to index
        %swap3A_749 = arith.constant 624 : index
        %swap3A_750 = tpu.vector_load %arg8[%swap3A_747, %swap3A_748, %swap3A_749] {strides = array<i32>} : memref<2x16x1024xf32, #tpu.memory_space<vmem>>, vector<16xf32>,
        tpu.vector_store %arg8[%swap3A_747, %swap3A_748, %swap3A_749], %add3A_745 {strides = array<i32>} : memref<2x16x1024xf32, #tpu.memory_space<vmem>>, vector<16xf32>,
        %get3A_751 = arith.constant 0 : i32
        %get3A_752 = arith.index_cast %get3A_751 : i32 to index
        %get3A_753 = arith.index_cast %scan3A_112 : i32 to index
        %get3A_754 = arith.constant 640 : index
        %get3A_755 = tpu.vector_load %arg8[%get3A_752, %get3A_753, %get3A_754] {strides = array<i32>} : memref<2x16x1024xf32, #tpu.memory_space<vmem>>, vector<16xf32>,
        %get3A_756 = arith.constant 0 : i32
        %get3A_757 = arith.index_cast %get3A_756 : i32 to index
        %get3A_758 = arith.index_cast %scan3A_112 : i32 to index
        %get3A_759 = arith.constant 640 : index
        %get3A_760 = tpu.vector_load %arg9[%get3A_757, %get3A_758, %get3A_759] {strides = array<i32>} : memref<2x16x1024xf32, #tpu.memory_space<vmem>>, vector<16xf32>,
        %add3A_761 = arith.addf %get3A_755, %get3A_760 : vector<16xf32>
        %swap3A_762 = arith.constant 0 : i32
        %swap3A_763 = arith.index_cast %swap3A_762 : i32 to index
        %swap3A_764 = arith.index_cast %scan3A_112 : i32 to index
        %swap3A_765 = arith.constant 640 : index
        %swap3A_766 = tpu.vector_load %arg8[%swap3A_763, %swap3A_764, %swap3A_765] {strides = array<i32>} : memref<2x16x1024xf32, #tpu.memory_space<vmem>>, vector<16xf32>,
        tpu.vector_store %arg8[%swap3A_763, %swap3A_764, %swap3A_765], %add3A_761 {strides = array<i32>} : memref<2x16x1024xf32, #tpu.memory_space<vmem>>, vector<16xf32>,
        %get3A_767 = arith.constant 0 : i32
        %get3A_768 = arith.index_cast %get3A_767 : i32 to index
        %get3A_769 = arith.index_cast %scan3A_112 : i32 to index
        %get3A_770 = arith.constant 656 : index
        %get3A_771 = tpu.vector_load %arg8[%get3A_768, %get3A_769, %get3A_770] {strides = array<i32>} : memref<2x16x1024xf32, #tpu.memory_space<vmem>>, vector<16xf32>,
        %get3A_772 = arith.constant 0 : i32
        %get3A_773 = arith.index_cast %get3A_772 : i32 to index
        %get3A_774 = arith.index_cast %scan3A_112 : i32 to index
        %get3A_775 = arith.constant 656 : index
        %get3A_776 = tpu.vector_load %arg9[%get3A_773, %get3A_774, %get3A_775] {strides = array<i32>} : memref<2x16x1024xf32, #tpu.memory_space<vmem>>, vector<16xf32>,
        %add3A_777 = arith.addf %get3A_771, %get3A_776 : vector<16xf32>
        %swap3A_778 = arith.constant 0 : i32
        %swap3A_779 = arith.index_cast %swap3A_778 : i32 to index
        %swap3A_780 = arith.index_cast %scan3A_112 : i32 to index
        %swap3A_781 = arith.constant 656 : index
        %swap3A_782 = tpu.vector_load %arg8[%swap3A_779, %swap3A_780, %swap3A_781] {strides = array<i32>} : memref<2x16x1024xf32, #tpu.memory_space<vmem>>, vector<16xf32>,
        tpu.vector_store %arg8[%swap3A_779, %swap3A_780, %swap3A_781], %add3A_777 {strides = array<i32>} : memref<2x16x1024xf32, #tpu.memory_space<vmem>>, vector<16xf32>,
        %get3A_783 = arith.constant 0 : i32
        %get3A_784 = arith.index_cast %get3A_783 : i32 to index
        %get3A_785 = arith.index_cast %scan3A_112 : i32 to index
        %get3A_786 = arith.constant 672 : index
        %get3A_787 = tpu.vector_load %arg8[%get3A_784, %get3A_785, %get3A_786] {strides = array<i32>} : memref<2x16x1024xf32, #tpu.memory_space<vmem>>, vector<16xf32>,
        %get3A_788 = arith.constant 0 : i32
        %get3A_789 = arith.index_cast %get3A_788 : i32 to index
        %get3A_790 = arith.index_cast %scan3A_112 : i32 to index
        %get3A_791 = arith.constant 672 : index
        %get3A_792 = tpu.vector_load %arg9[%get3A_789, %get3A_790, %get3A_791] {strides = array<i32>} : memref<2x16x1024xf32, #tpu.memory_space<vmem>>, vector<16xf32>,
        %add3A_793 = arith.addf %get3A_787, %get3A_792 : vector<16xf32>
        %swap3A_794 = arith.constant 0 : i32
        %swap3A_795 = arith.index_cast %swap3A_794 : i32 to index
        %swap3A_796 = arith.index_cast %scan3A_112 : i32 to index
        %swap3A_797 = arith.constant 672 : index
        %swap3A_798 = tpu.vector_load %arg8[%swap3A_795, %swap3A_796, %swap3A_797] {strides = array<i32>} : memref<2x16x1024xf32, #tpu.memory_space<vmem>>, vector<16xf32>,
        tpu.vector_store %arg8[%swap3A_795, %swap3A_796, %swap3A_797], %add3A_793 {strides = array<i32>} : memref<2x16x1024xf32, #tpu.memory_space<vmem>>, vector<16xf32>,
        %get3A_799 = arith.constant 0 : i32
        %get3A_800 = arith.index_cast %get3A_799 : i32 to index
        %get3A_801 = arith.index_cast %scan3A_112 : i32 to index
        %get3A_802 = arith.constant 688 : index
        %get3A_803 = tpu.vector_load %arg8[%get3A_800, %get3A_801, %get3A_802] {strides = array<i32>} : memref<2x16x1024xf32, #tpu.memory_space<vmem>>, vector<16xf32>,
        %get3A_804 = arith.constant 0 : i32
        %get3A_805 = arith.index_cast %get3A_804 : i32 to index
        %get3A_806 = arith.index_cast %scan3A_112 : i32 to index
        %get3A_807 = arith.constant 688 : index
        %get3A_808 = tpu.vector_load %arg9[%get3A_805, %get3A_806, %get3A_807] {strides = array<i32>} : memref<2x16x1024xf32, #tpu.memory_space<vmem>>, vector<16xf32>,
        %add3A_809 = arith.addf %get3A_803, %get3A_808 : vector<16xf32>
        %swap3A_810 = arith.constant 0 : i32
        %swap3A_811 = arith.index_cast %swap3A_810 : i32 to index
        %swap3A_812 = arith.index_cast %scan3A_112 : i32 to index
        %swap3A_813 = arith.constant 688 : index
        %swap3A_814 = tpu.vector_load %arg8[%swap3A_811, %swap3A_812, %swap3A_813] {strides = array<i32>} : memref<2x16x1024xf32, #tpu.memory_space<vmem>>, vector<16xf32>,
        tpu.vector_store %arg8[%swap3A_811, %swap3A_812, %swap3A_813], %add3A_809 {strides = array<i32>} : memref<2x16x1024xf32, #tpu.memory_space<vmem>>, vector<16xf32>,
        %get3A_815 = arith.constant 0 : i32
        %get3A_816 = arith.index_cast %get3A_815 : i32 to index
        %get3A_817 = arith.index_cast %scan3A_112 : i32 to index
        %get3A_818 = arith.constant 704 : index
        %get3A_819 = tpu.vector_load %arg8[%get3A_816, %get3A_817, %get3A_818] {strides = array<i32>} : memref<2x16x1024xf32, #tpu.memory_space<vmem>>, vector<16xf32>,
        %get3A_820 = arith.constant 0 : i32
        %get3A_821 = arith.index_cast %get3A_820 : i32 to index
        %get3A_822 = arith.index_cast %scan3A_112 : i32 to index
        %get3A_823 = arith.constant 704 : index
        %get3A_824 = tpu.vector_load %arg9[%get3A_821, %get3A_822, %get3A_823] {strides = array<i32>} : memref<2x16x1024xf32, #tpu.memory_space<vmem>>, vector<16xf32>,
        %add3A_825 = arith.addf %get3A_819, %get3A_824 : vector<16xf32>
        %swap3A_826 = arith.constant 0 : i32
        %swap3A_827 = arith.index_cast %swap3A_826 : i32 to index
        %swap3A_828 = arith.index_cast %scan3A_112 : i32 to index
        %swap3A_829 = arith.constant 704 : index
        %swap3A_830 = tpu.vector_load %arg8[%swap3A_827, %swap3A_828, %swap3A_829] {strides = array<i32>} : memref<2x16x1024xf32, #tpu.memory_space<vmem>>, vector<16xf32>,
        tpu.vector_store %arg8[%swap3A_827, %swap3A_828, %swap3A_829], %add3A_825 {strides = array<i32>} : memref<2x16x1024xf32, #tpu.memory_space<vmem>>, vector<16xf32>,
        %get3A_831 = arith.constant 0 : i32
        %get3A_832 = arith.index_cast %get3A_831 : i32 to index
        %get3A_833 = arith.index_cast %scan3A_112 : i32 to index
        %get3A_834 = arith.constant 720 : index
        %get3A_835 = tpu.vector_load %arg8[%get3A_832, %get3A_833, %get3A_834] {strides = array<i32>} : memref<2x16x1024xf32, #tpu.memory_space<vmem>>, vector<16xf32>,
        %get3A_836 = arith.constant 0 : i32
        %get3A_837 = arith.index_cast %get3A_836 : i32 to index
        %get3A_838 = arith.index_cast %scan3A_112 : i32 to index
        %get3A_839 = arith.constant 720 : index
        %get3A_840 = tpu.vector_load %arg9[%get3A_837, %get3A_838, %get3A_839] {strides = array<i32>} : memref<2x16x1024xf32, #tpu.memory_space<vmem>>, vector<16xf32>,
        %add3A_841 = arith.addf %get3A_835, %get3A_840 : vector<16xf32>
        %swap3A_842 = arith.constant 0 : i32
        %swap3A_843 = arith.index_cast %swap3A_842 : i32 to index
        %swap3A_844 = arith.index_cast %scan3A_112 : i32 to index
        %swap3A_845 = arith.constant 720 : index
        %swap3A_846 = tpu.vector_load %arg8[%swap3A_843, %swap3A_844, %swap3A_845] {strides = array<i32>} : memref<2x16x1024xf32, #tpu.memory_space<vmem>>, vector<16xf32>,
        tpu.vector_store %arg8[%swap3A_843, %swap3A_844, %swap3A_845], %add3A_841 {strides = array<i32>} : memref<2x16x1024xf32, #tpu.memory_space<vmem>>, vector<16xf32>,
        %get3A_847 = arith.constant 0 : i32
        %get3A_848 = arith.index_cast %get3A_847 : i32 to index
        %get3A_849 = arith.index_cast %scan3A_112 : i32 to index
        %get3A_850 = arith.constant 736 : index
        %get3A_851 = tpu.vector_load %arg8[%get3A_848, %get3A_849, %get3A_850] {strides = array<i32>} : memref<2x16x1024xf32, #tpu.memory_space<vmem>>, vector<16xf32>,
        %get3A_852 = arith.constant 0 : i32
        %get3A_853 = arith.index_cast %get3A_852 : i32 to index
        %get3A_854 = arith.index_cast %scan3A_112 : i32 to index
        %get3A_855 = arith.constant 736 : index
        %get3A_856 = tpu.vector_load %arg9[%get3A_853, %get3A_854, %get3A_855] {strides = array<i32>} : memref<2x16x1024xf32, #tpu.memory_space<vmem>>, vector<16xf32>,
        %add3A_857 = arith.addf %get3A_851, %get3A_856 : vector<16xf32>
        %swap3A_858 = arith.constant 0 : i32
        %swap3A_859 = arith.index_cast %swap3A_858 : i32 to index
        %swap3A_860 = arith.index_cast %scan3A_112 : i32 to index
        %swap3A_861 = arith.constant 736 : index
        %swap3A_862 = tpu.vector_load %arg8[%swap3A_859, %swap3A_860, %swap3A_861] {strides = array<i32>} : memref<2x16x1024xf32, #tpu.memory_space<vmem>>, vector<16xf32>,
        tpu.vector_store %arg8[%swap3A_859, %swap3A_860, %swap3A_861], %add3A_857 {strides = array<i32>} : memref<2x16x1024xf32, #tpu.memory_space<vmem>>, vector<16xf32>,
        %get3A_863 = arith.constant 0 : i32
        %get3A_864 = arith.index_cast %get3A_863 : i32 to index
        %get3A_865 = arith.index_cast %scan3A_112 : i32 to index
        %get3A_866 = arith.constant 752 : index
        %get3A_867 = tpu.vector_load %arg8[%get3A_864, %get3A_865, %get3A_866] {strides = array<i32>} : memref<2x16x1024xf32, #tpu.memory_space<vmem>>, vector<16xf32>,
        %get3A_868 = arith.constant 0 : i32
        %get3A_869 = arith.index_cast %get3A_868 : i32 to index
        %get3A_870 = arith.index_cast %scan3A_112 : i32 to index
        %get3A_871 = arith.constant 752 : index
        %get3A_872 = tpu.vector_load %arg9[%get3A_869, %get3A_870, %get3A_871] {strides = array<i32>} : memref<2x16x1024xf32, #tpu.memory_space<vmem>>, vector<16xf32>,
        %add3A_873 = arith.addf %get3A_867, %get3A_872 : vector<16xf32>
        %swap3A_874 = arith.constant 0 : i32
        %swap3A_875 = arith.index_cast %swap3A_874 : i32 to index
        %swap3A_876 = arith.index_cast %scan3A_112 : i32 to index
        %swap3A_877 = arith.constant 752 : index
        %swap3A_878 = tpu.vector_load %arg8[%swap3A_875, %swap3A_876, %swap3A_877] {strides = array<i32>} : memref<2x16x1024xf32, #tpu.memory_space<vmem>>, vector<16xf32>,
        tpu.vector_store %arg8[%swap3A_875, %swap3A_876, %swap3A_877], %add3A_873 {strides = array<i32>} : memref<2x16x1024xf32, #tpu.memory_space<vmem>>, vector<16xf32>,
        %get3A_879 = arith.constant 0 : i32
        %get3A_880 = arith.index_cast %get3A_879 : i32 to index
        %get3A_881 = arith.index_cast %scan3A_112 : i32 to index
        %get3A_882 = arith.constant 768 : index
        %get3A_883 = tpu.vector_load %arg8[%get3A_880, %get3A_881, %get3A_882] {strides = array<i32>} : memref<2x16x1024xf32, #tpu.memory_space<vmem>>, vector<16xf32>,
        %get3A_884 = arith.constant 0 : i32
        %get3A_885 = arith.index_cast %get3A_884 : i32 to index
        %get3A_886 = arith.index_cast %scan3A_112 : i32 to index
        %get3A_887 = arith.constant 768 : index
        %get3A_888 = tpu.vector_load %arg9[%get3A_885, %get3A_886, %get3A_887] {strides = array<i32>} : memref<2x16x1024xf32, #tpu.memory_space<vmem>>, vector<16xf32>,
        %add3A_889 = arith.addf %get3A_883, %get3A_888 : vector<16xf32>
        %swap3A_890 = arith.constant 0 : i32
        %swap3A_891 = arith.index_cast %swap3A_890 : i32 to index
        %swap3A_892 = arith.index_cast %scan3A_112 : i32 to index
        %swap3A_893 = arith.constant 768 : index
        %swap3A_894 = tpu.vector_load %arg8[%swap3A_891, %swap3A_892, %swap3A_893] {strides = array<i32>} : memref<2x16x1024xf32, #tpu.memory_space<vmem>>, vector<16xf32>,
        tpu.vector_store %arg8[%swap3A_891, %swap3A_892, %swap3A_893], %add3A_889 {strides = array<i32>} : memref<2x16x1024xf32, #tpu.memory_space<vmem>>, vector<16xf32>,
        %get3A_895 = arith.constant 0 : i32
        %get3A_896 = arith.index_cast %get3A_895 : i32 to index
        %get3A_897 = arith.index_cast %scan3A_112 : i32 to index
        %get3A_898 = arith.constant 784 : index
        %get3A_899 = tpu.vector_load %arg8[%get3A_896, %get3A_897, %get3A_898] {strides = array<i32>} : memref<2x16x1024xf32, #tpu.memory_space<vmem>>, vector<16xf32>,
        %get3A_900 = arith.constant 0 : i32
        %get3A_901 = arith.index_cast %get3A_900 : i32 to index
        %get3A_902 = arith.index_cast %scan3A_112 : i32 to index
        %get3A_903 = arith.constant 784 : index
        %get3A_904 = tpu.vector_load %arg9[%get3A_901, %get3A_902, %get3A_903] {strides = array<i32>} : memref<2x16x1024xf32, #tpu.memory_space<vmem>>, vector<16xf32>,
        %add3A_905 = arith.addf %get3A_899, %get3A_904 : vector<16xf32>
        %swap3A_906 = arith.constant 0 : i32
        %swap3A_907 = arith.index_cast %swap3A_906 : i32 to index
        %swap3A_908 = arith.index_cast %scan3A_112 : i32 to index
        %swap3A_909 = arith.constant 784 : index
        %swap3A_910 = tpu.vector_load %arg8[%swap3A_907, %swap3A_908, %swap3A_909] {strides = array<i32>} : memref<2x16x1024xf32, #tpu.memory_space<vmem>>, vector<16xf32>,
        tpu.vector_store %arg8[%swap3A_907, %swap3A_908, %swap3A_909], %add3A_905 {strides = array<i32>} : memref<2x16x1024xf32, #tpu.memory_space<vmem>>, vector<16xf32>,
        %get3A_911 = arith.constant 0 : i32
        %get3A_912 = arith.index_cast %get3A_911 : i32 to index
        %get3A_913 = arith.index_cast %scan3A_112 : i32 to index
        %get3A_914 = arith.constant 800 : index
        %get3A_915 = tpu.vector_load %arg8[%get3A_912, %get3A_913, %get3A_914] {strides = array<i32>} : memref<2x16x1024xf32, #tpu.memory_space<vmem>>, vector<16xf32>,
        %get3A_916 = arith.constant 0 : i32
        %get3A_917 = arith.index_cast %get3A_916 : i32 to index
        %get3A_918 = arith.index_cast %scan3A_112 : i32 to index
        %get3A_919 = arith.constant 800 : index
        %get3A_920 = tpu.vector_load %arg9[%get3A_917, %get3A_918, %get3A_919] {strides = array<i32>} : memref<2x16x1024xf32, #tpu.memory_space<vmem>>, vector<16xf32>,
        %add3A_921 = arith.addf %get3A_915, %get3A_920 : vector<16xf32>
        %swap3A_922 = arith.constant 0 : i32
        %swap3A_923 = arith.index_cast %swap3A_922 : i32 to index
        %swap3A_924 = arith.index_cast %scan3A_112 : i32 to index
        %swap3A_925 = arith.constant 800 : index
        %swap3A_926 = tpu.vector_load %arg8[%swap3A_923, %swap3A_924, %swap3A_925] {strides = array<i32>} : memref<2x16x1024xf32, #tpu.memory_space<vmem>>, vector<16xf32>,
        tpu.vector_store %arg8[%swap3A_923, %swap3A_924, %swap3A_925], %add3A_921 {strides = array<i32>} : memref<2x16x1024xf32, #tpu.memory_space<vmem>>, vector<16xf32>,
        %get3A_927 = arith.constant 0 : i32
        %get3A_928 = arith.index_cast %get3A_927 : i32 to index
        %get3A_929 = arith.index_cast %scan3A_112 : i32 to index
        %get3A_930 = arith.constant 816 : index
        %get3A_931 = tpu.vector_load %arg8[%get3A_928, %get3A_929, %get3A_930] {strides = array<i32>} : memref<2x16x1024xf32, #tpu.memory_space<vmem>>, vector<16xf32>,
        %get3A_932 = arith.constant 0 : i32
        %get3A_933 = arith.index_cast %get3A_932 : i32 to index
        %get3A_934 = arith.index_cast %scan3A_112 : i32 to index
        %get3A_935 = arith.constant 816 : index
        %get3A_936 = tpu.vector_load %arg9[%get3A_933, %get3A_934, %get3A_935] {strides = array<i32>} : memref<2x16x1024xf32, #tpu.memory_space<vmem>>, vector<16xf32>,
        %add3A_937 = arith.addf %get3A_931, %get3A_936 : vector<16xf32>
        %swap3A_938 = arith.constant 0 : i32
        %swap3A_939 = arith.index_cast %swap3A_938 : i32 to index
        %swap3A_940 = arith.index_cast %scan3A_112 : i32 to index
        %swap3A_941 = arith.constant 816 : index
        %swap3A_942 = tpu.vector_load %arg8[%swap3A_939, %swap3A_940, %swap3A_941] {strides = array<i32>} : memref<2x16x1024xf32, #tpu.memory_space<vmem>>, vector<16xf32>,
        tpu.vector_store %arg8[%swap3A_939, %swap3A_940, %swap3A_941], %add3A_937 {strides = array<i32>} : memref<2x16x1024xf32, #tpu.memory_space<vmem>>, vector<16xf32>,
        %get3A_943 = arith.constant 0 : i32
        %get3A_944 = arith.index_cast %get3A_943 : i32 to index
        %get3A_945 = arith.index_cast %scan3A_112 : i32 to index
        %get3A_946 = arith.constant 832 : index
        %get3A_947 = tpu.vector_load %arg8[%get3A_944, %get3A_945, %get3A_946] {strides = array<i32>} : memref<2x16x1024xf32, #tpu.memory_space<vmem>>, vector<16xf32>,
        %get3A_948 = arith.constant 0 : i32
        %get3A_949 = arith.index_cast %get3A_948 : i32 to index
        %get3A_950 = arith.index_cast %scan3A_112 : i32 to index
        %get3A_951 = arith.constant 832 : index
        %get3A_952 = tpu.vector_load %arg9[%get3A_949, %get3A_950, %get3A_951] {strides = array<i32>} : memref<2x16x1024xf32, #tpu.memory_space<vmem>>, vector<16xf32>,
        %add3A_953 = arith.addf %get3A_947, %get3A_952 : vector<16xf32>
        %swap3A_954 = arith.constant 0 : i32
        %swap3A_955 = arith.index_cast %swap3A_954 : i32 to index
        %swap3A_956 = arith.index_cast %scan3A_112 : i32 to index
        %swap3A_957 = arith.constant 832 : index
        %swap3A_958 = tpu.vector_load %arg8[%swap3A_955, %swap3A_956, %swap3A_957] {strides = array<i32>} : memref<2x16x1024xf32, #tpu.memory_space<vmem>>, vector<16xf32>,
        tpu.vector_store %arg8[%swap3A_955, %swap3A_956, %swap3A_957], %add3A_953 {strides = array<i32>} : memref<2x16x1024xf32, #tpu.memory_space<vmem>>, vector<16xf32>,
        %get3A_959 = arith.constant 0 : i32
        %get3A_960 = arith.index_cast %get3A_959 : i32 to index
        %get3A_961 = arith.index_cast %scan3A_112 : i32 to index
        %get3A_962 = arith.constant 848 : index
        %get3A_963 = tpu.vector_load %arg8[%get3A_960, %get3A_961, %get3A_962] {strides = array<i32>} : memref<2x16x1024xf32, #tpu.memory_space<vmem>>, vector<16xf32>,
        %get3A_964 = arith.constant 0 : i32
        %get3A_965 = arith.index_cast %get3A_964 : i32 to index
        %get3A_966 = arith.index_cast %scan3A_112 : i32 to index
        %get3A_967 = arith.constant 848 : index
        %get3A_968 = tpu.vector_load %arg9[%get3A_965, %get3A_966, %get3A_967] {strides = array<i32>} : memref<2x16x1024xf32, #tpu.memory_space<vmem>>, vector<16xf32>,
        %add3A_969 = arith.addf %get3A_963, %get3A_968 : vector<16xf32>
        %swap3A_970 = arith.constant 0 : i32
        %swap3A_971 = arith.index_cast %swap3A_970 : i32 to index
        %swap3A_972 = arith.index_cast %scan3A_112 : i32 to index
        %swap3A_973 = arith.constant 848 : index
        %swap3A_974 = tpu.vector_load %arg8[%swap3A_971, %swap3A_972, %swap3A_973] {strides = array<i32>} : memref<2x16x1024xf32, #tpu.memory_space<vmem>>, vector<16xf32>,
        tpu.vector_store %arg8[%swap3A_971, %swap3A_972, %swap3A_973], %add3A_969 {strides = array<i32>} : memref<2x16x1024xf32, #tpu.memory_space<vmem>>, vector<16xf32>,
        %get3A_975 = arith.constant 0 : i32
        %get3A_976 = arith.index_cast %get3A_975 : i32 to index
        %get3A_977 = arith.index_cast %scan3A_112 : i32 to index
        %get3A_978 = arith.constant 864 : index
        %get3A_979 = tpu.vector_load %arg8[%get3A_976, %get3A_977, %get3A_978] {strides = array<i32>} : memref<2x16x1024xf32, #tpu.memory_space<vmem>>, vector<16xf32>,
        %get3A_980 = arith.constant 0 : i32
        %get3A_981 = arith.index_cast %get3A_980 : i32 to index
        %get3A_982 = arith.index_cast %scan3A_112 : i32 to index
        %get3A_983 = arith.constant 864 : index
        %get3A_984 = tpu.vector_load %arg9[%get3A_981, %get3A_982, %get3A_983] {strides = array<i32>} : memref<2x16x1024xf32, #tpu.memory_space<vmem>>, vector<16xf32>,
        %add3A_985 = arith.addf %get3A_979, %get3A_984 : vector<16xf32>
        %swap3A_986 = arith.constant 0 : i32
        %swap3A_987 = arith.index_cast %swap3A_986 : i32 to index
        %swap3A_988 = arith.index_cast %scan3A_112 : i32 to index
        %swap3A_989 = arith.constant 864 : index
        %swap3A_990 = tpu.vector_load %arg8[%swap3A_987, %swap3A_988, %swap3A_989] {strides = array<i32>} : memref<2x16x1024xf32, #tpu.memory_space<vmem>>, vector<16xf32>,
        tpu.vector_store %arg8[%swap3A_987, %swap3A_988, %swap3A_989], %add3A_985 {strides = array<i32>} : memref<2x16x1024xf32, #tpu.memory_space<vmem>>, vector<16xf32>,
        %get3A_991 = arith.constant 0 : i32
        %get3A_992 = arith.index_cast %get3A_991 : i32 to index
        %get3A_993 = arith.index_cast %scan3A_112 : i32 to index
        %get3A_994 = arith.constant 880 : index
        %get3A_995 = tpu.vector_load %arg8[%get3A_992, %get3A_993, %get3A_994] {strides = array<i32>} : memref<2x16x1024xf32, #tpu.memory_space<vmem>>, vector<16xf32>,
        %get3A_996 = arith.constant 0 : i32
        %get3A_997 = arith.index_cast %get3A_996 : i32 to index
        %get3A_998 = arith.index_cast %scan3A_112 : i32 to index
        %get3A_999 = arith.constant 880 : index
        %get3A_1000 = tpu.vector_load %arg9[%get3A_997, %get3A_998, %get3A_999] {strides = array<i32>} : memref<2x16x1024xf32, #tpu.memory_space<vmem>>, vector<16xf32>,
        %add3A_1001 = arith.addf %get3A_995, %get3A_1000 : vector<16xf32>
        %swap3A_1002 = arith.constant 0 : i32
        %swap3A_1003 = arith.index_cast %swap3A_1002 : i32 to index
        %swap3A_1004 = arith.index_cast %scan3A_112 : i32 to index
        %swap3A_1005 = arith.constant 880 : index
        %swap3A_1006 = tpu.vector_load %arg8[%swap3A_1003, %swap3A_1004, %swap3A_1005] {strides = array<i32>} : memref<2x16x1024xf32, #tpu.memory_space<vmem>>, vector<16xf32>,
        tpu.vector_store %arg8[%swap3A_1003, %swap3A_1004, %swap3A_1005], %add3A_1001 {strides = array<i32>} : memref<2x16x1024xf32, #tpu.memory_space<vmem>>, vector<16xf32>,
        %get3A_1007 = arith.constant 0 : i32
        %get3A_1008 = arith.index_cast %get3A_1007 : i32 to index
        %get3A_1009 = arith.index_cast %scan3A_112 : i32 to index
        %get3A_1010 = arith.constant 896 : index
        %get3A_1011 = tpu.vector_load %arg8[%get3A_1008, %get3A_1009, %get3A_1010] {strides = array<i32>} : memref<2x16x1024xf32, #tpu.memory_space<vmem>>, vector<16xf32>,
        %get3A_1012 = arith.constant 0 : i32
        %get3A_1013 = arith.index_cast %get3A_1012 : i32 to index
        %get3A_1014 = arith.index_cast %scan3A_112 : i32 to index
        %get3A_1015 = arith.constant 896 : index
        %get3A_1016 = tpu.vector_load %arg9[%get3A_1013, %get3A_1014, %get3A_1015] {strides = array<i32>} : memref<2x16x1024xf32, #tpu.memory_space<vmem>>, vector<16xf32>,
        %add3A_1017 = arith.addf %get3A_1011, %get3A_1016 : vector<16xf32>
        %swap3A_1018 = arith.constant 0 : i32
        %swap3A_1019 = arith.index_cast %swap3A_1018 : i32 to index
        %swap3A_1020 = arith.index_cast %scan3A_112 : i32 to index
        %swap3A_1021 = arith.constant 896 : index
        %swap3A_1022 = tpu.vector_load %arg8[%swap3A_1019, %swap3A_1020, %swap3A_1021] {strides = array<i32>} : memref<2x16x1024xf32, #tpu.memory_space<vmem>>, vector<16xf32>,
        tpu.vector_store %arg8[%swap3A_1019, %swap3A_1020, %swap3A_1021], %add3A_1017 {strides = array<i32>} : memref<2x16x1024xf32, #tpu.memory_space<vmem>>, vector<16xf32>,
        %get3A_1023 = arith.constant 0 : i32
        %get3A_1024 = arith.index_cast %get3A_1023 : i32 to index
        %get3A_1025 = arith.index_cast %scan3A_112 : i32 to index
        %get3A_1026 = arith.constant 912 : index
        %get3A_1027 = tpu.vector_load %arg8[%get3A_1024, %get3A_1025, %get3A_1026] {strides = array<i32>} : memref<2x16x1024xf32, #tpu.memory_space<vmem>>, vector<16xf32>,
        %get3A_1028 = arith.constant 0 : i32
        %get3A_1029 = arith.index_cast %get3A_1028 : i32 to index
        %get3A_1030 = arith.index_cast %scan3A_112 : i32 to index
        %get3A_1031 = arith.constant 912 : index
        %get3A_1032 = tpu.vector_load %arg9[%get3A_1029, %get3A_1030, %get3A_1031] {strides = array<i32>} : memref<2x16x1024xf32, #tpu.memory_space<vmem>>, vector<16xf32>,
        %add3A_1033 = arith.addf %get3A_1027, %get3A_1032 : vector<16xf32>
        %swap3A_1034 = arith.constant 0 : i32
        %swap3A_1035 = arith.index_cast %swap3A_1034 : i32 to index
        %swap3A_1036 = arith.index_cast %scan3A_112 : i32 to index
        %swap3A_1037 = arith.constant 912 : index
        %swap3A_1038 = tpu.vector_load %arg8[%swap3A_1035, %swap3A_1036, %swap3A_1037] {strides = array<i32>} : memref<2x16x1024xf32, #tpu.memory_space<vmem>>, vector<16xf32>,
        tpu.vector_store %arg8[%swap3A_1035, %swap3A_1036, %swap3A_1037], %add3A_1033 {strides = array<i32>} : memref<2x16x1024xf32, #tpu.memory_space<vmem>>, vector<16xf32>,
        %get3A_1039 = arith.constant 0 : i32
        %get3A_1040 = arith.index_cast %get3A_1039 : i32 to index
        %get3A_1041 = arith.index_cast %scan3A_112 : i32 to index
        %get3A_1042 = arith.constant 928 : index
        %get3A_1043 = tpu.vector_load %arg8[%get3A_1040, %get3A_1041, %get3A_1042] {strides = array<i32>} : memref<2x16x1024xf32, #tpu.memory_space<vmem>>, vector<16xf32>,
        %get3A_1044 = arith.constant 0 : i32
        %get3A_1045 = arith.index_cast %get3A_1044 : i32 to index
        %get3A_1046 = arith.index_cast %scan3A_112 : i32 to index
        %get3A_1047 = arith.constant 928 : index
        %get3A_1048 = tpu.vector_load %arg9[%get3A_1045, %get3A_1046, %get3A_1047] {strides = array<i32>} : memref<2x16x1024xf32, #tpu.memory_space<vmem>>, vector<16xf32>,
        %add3A_1049 = arith.addf %get3A_1043, %get3A_1048 : vector<16xf32>
        %swap3A_1050 = arith.constant 0 : i32
        %swap3A_1051 = arith.index_cast %swap3A_1050 : i32 to index
        %swap3A_1052 = arith.index_cast %scan3A_112 : i32 to index
        %swap3A_1053 = arith.constant 928 : index
        %swap3A_1054 = tpu.vector_load %arg8[%swap3A_1051, %swap3A_1052, %swap3A_1053] {strides = array<i32>} : memref<2x16x1024xf32, #tpu.memory_space<vmem>>, vector<16xf32>,
        tpu.vector_store %arg8[%swap3A_1051, %swap3A_1052, %swap3A_1053], %add3A_1049 {strides = array<i32>} : memref<2x16x1024xf32, #tpu.memory_space<vmem>>, vector<16xf32>,
        %get3A_1055 = arith.constant 0 : i32
        %get3A_1056 = arith.index_cast %get3A_1055 : i32 to index
        %get3A_1057 = arith.index_cast %scan3A_112 : i32 to index
        %get3A_1058 = arith.constant 944 : index
        %get3A_1059 = tpu.vector_load %arg8[%get3A_1056, %get3A_1057, %get3A_1058] {strides = array<i32>} : memref<2x16x1024xf32, #tpu.memory_space<vmem>>, vector<16xf32>,
        %get3A_1060 = arith.constant 0 : i32
        %get3A_1061 = arith.index_cast %get3A_1060 : i32 to index
        %get3A_1062 = arith.index_cast %scan3A_112 : i32 to index
        %get3A_1063 = arith.constant 944 : index
        %get3A_1064 = tpu.vector_load %arg9[%get3A_1061, %get3A_1062, %get3A_1063] {strides = array<i32>} : memref<2x16x1024xf32, #tpu.memory_space<vmem>>, vector<16xf32>,
        %add3A_1065 = arith.addf %get3A_1059, %get3A_1064 : vector<16xf32>
        %swap3A_1066 = arith.constant 0 : i32
        %swap3A_1067 = arith.index_cast %swap3A_1066 : i32 to index
        %swap3A_1068 = arith.index_cast %scan3A_112 : i32 to index
        %swap3A_1069 = arith.constant 944 : index
        %swap3A_1070 = tpu.vector_load %arg8[%swap3A_1067, %swap3A_1068, %swap3A_1069] {strides = array<i32>} : memref<2x16x1024xf32, #tpu.memory_space<vmem>>, vector<16xf32>,
        tpu.vector_store %arg8[%swap3A_1067, %swap3A_1068, %swap3A_1069], %add3A_1065 {strides = array<i32>} : memref<2x16x1024xf32, #tpu.memory_space<vmem>>, vector<16xf32>,
        %get3A_1071 = arith.constant 0 : i32
        %get3A_1072 = arith.index_cast %get3A_1071 : i32 to index
        %get3A_1073 = arith.index_cast %scan3A_112 : i32 to index
        %get3A_1074 = arith.constant 960 : index
        %get3A_1075 = tpu.vector_load %arg8[%get3A_1072, %get3A_1073, %get3A_1074] {strides = array<i32>} : memref<2x16x1024xf32, #tpu.memory_space<vmem>>, vector<16xf32>,
        %get3A_1076 = arith.constant 0 : i32
        %get3A_1077 = arith.index_cast %get3A_1076 : i32 to index
        %get3A_1078 = arith.index_cast %scan3A_112 : i32 to index
        %get3A_1079 = arith.constant 960 : index
        %get3A_1080 = tpu.vector_load %arg9[%get3A_1077, %get3A_1078, %get3A_1079] {strides = array<i32>} : memref<2x16x1024xf32, #tpu.memory_space<vmem>>, vector<16xf32>,
        %add3A_1081 = arith.addf %get3A_1075, %get3A_1080 : vector<16xf32>
        %swap3A_1082 = arith.constant 0 : i32
        %swap3A_1083 = arith.index_cast %swap3A_1082 : i32 to index
        %swap3A_1084 = arith.index_cast %scan3A_112 : i32 to index
        %swap3A_1085 = arith.constant 960 : index
        %swap3A_1086 = tpu.vector_load %arg8[%swap3A_1083, %swap3A_1084, %swap3A_1085] {strides = array<i32>} : memref<2x16x1024xf32, #tpu.memory_space<vmem>>, vector<16xf32>,
        tpu.vector_store %arg8[%swap3A_1083, %swap3A_1084, %swap3A_1085], %add3A_1081 {strides = array<i32>} : memref<2x16x1024xf32, #tpu.memory_space<vmem>>, vector<16xf32>,
        %get3A_1087 = arith.constant 0 : i32
        %get3A_1088 = arith.index_cast %get3A_1087 : i32 to index
        %get3A_1089 = arith.index_cast %scan3A_112 : i32 to index
        %get3A_1090 = arith.constant 976 : index
        %get3A_1091 = tpu.vector_load %arg8[%get3A_1088, %get3A_1089, %get3A_1090] {strides = array<i32>} : memref<2x16x1024xf32, #tpu.memory_space<vmem>>, vector<16xf32>,
        %get3A_1092 = arith.constant 0 : i32
        %get3A_1093 = arith.index_cast %get3A_1092 : i32 to index
        %get3A_1094 = arith.index_cast %scan3A_112 : i32 to index
        %get3A_1095 = arith.constant 976 : index
        %get3A_1096 = tpu.vector_load %arg9[%get3A_1093, %get3A_1094, %get3A_1095] {strides = array<i32>} : memref<2x16x1024xf32, #tpu.memory_space<vmem>>, vector<16xf32>,
        %add3A_1097 = arith.addf %get3A_1091, %get3A_1096 : vector<16xf32>
        %swap3A_1098 = arith.constant 0 : i32
        %swap3A_1099 = arith.index_cast %swap3A_1098 : i32 to index
        %swap3A_1100 = arith.index_cast %scan3A_112 : i32 to index
        %swap3A_1101 = arith.constant 976 : index
        %swap3A_1102 = tpu.vector_load %arg8[%swap3A_1099, %swap3A_1100, %swap3A_1101] {strides = array<i32>} : memref<2x16x1024xf32, #tpu.memory_space<vmem>>, vector<16xf32>,
        tpu.vector_store %arg8[%swap3A_1099, %swap3A_1100, %swap3A_1101], %add3A_1097 {strides = array<i32>} : memref<2x16x1024xf32, #tpu.memory_space<vmem>>, vector<16xf32>,
        %get3A_1103 = arith.constant 0 : i32
        %get3A_1104 = arith.index_cast %get3A_1103 : i32 to index
        %get3A_1105 = arith.index_cast %scan3A_112 : i32 to index
        %get3A_1106 = arith.constant 992 : index
        %get3A_1107 = tpu.vector_load %arg8[%get3A_1104, %get3A_1105, %get3A_1106] {strides = array<i32>} : memref<2x16x1024xf32, #tpu.memory_space<vmem>>, vector<16xf32>,
        %get3A_1108 = arith.constant 0 : i32
        %get3A_1109 = arith.index_cast %get3A_1108 : i32 to index
        %get3A_1110 = arith.index_cast %scan3A_112 : i32 to index
        %get3A_1111 = arith.constant 992 : index
        %get3A_1112 = tpu.vector_load %arg9[%get3A_1109, %get3A_1110, %get3A_1111] {strides = array<i32>} : memref<2x16x1024xf32, #tpu.memory_space<vmem>>, vector<16xf32>,
        %add3A_1113 = arith.addf %get3A_1107, %get3A_1112 : vector<16xf32>
        %swap3A_1114 = arith.constant 0 : i32
        %swap3A_1115 = arith.index_cast %swap3A_1114 : i32 to index
        %swap3A_1116 = arith.index_cast %scan3A_112 : i32 to index
        %swap3A_1117 = arith.constant 992 : index
        %swap3A_1118 = tpu.vector_load %arg8[%swap3A_1115, %swap3A_1116, %swap3A_1117] {strides = array<i32>} : memref<2x16x1024xf32, #tpu.memory_space<vmem>>, vector<16xf32>,
        tpu.vector_store %arg8[%swap3A_1115, %swap3A_1116, %swap3A_1117], %add3A_1113 {strides = array<i32>} : memref<2x16x1024xf32, #tpu.memory_space<vmem>>, vector<16xf32>,
        %get3A_1119 = arith.constant 0 : i32
        %get3A_1120 = arith.index_cast %get3A_1119 : i32 to index
        %get3A_1121 = arith.index_cast %scan3A_112 : i32 to index
        %get3A_1122 = arith.constant 1008 : index
        %get3A_1123 = tpu.vector_load %arg8[%get3A_1120, %get3A_1121, %get3A_1122] {strides = array<i32>} : memref<2x16x1024xf32, #tpu.memory_space<vmem>>, vector<16xf32>,
        %get3A_1124 = arith.constant 0 : i32
        %get3A_1125 = arith.index_cast %get3A_1124 : i32 to index
        %get3A_1126 = arith.index_cast %scan3A_112 : i32 to index
        %get3A_1127 = arith.constant 1008 : index
        %get3A_1128 = tpu.vector_load %arg9[%get3A_1125, %get3A_1126, %get3A_1127] {strides = array<i32>} : memref<2x16x1024xf32, #tpu.memory_space<vmem>>, vector<16xf32>,
        %add3A_1129 = arith.addf %get3A_1123, %get3A_1128 : vector<16xf32>
        %swap3A_1130 = arith.constant 0 : i32
        %swap3A_1131 = arith.index_cast %swap3A_1130 : i32 to index
        %swap3A_1132 = arith.index_cast %scan3A_112 : i32 to index
        %swap3A_1133 = arith.constant 1008 : index
        %swap3A_1134 = tpu.vector_load %arg8[%swap3A_1131, %swap3A_1132, %swap3A_1133] {strides = array<i32>} : memref<2x16x1024xf32, #tpu.memory_space<vmem>>, vector<16xf32>,
        tpu.vector_store %arg8[%swap3A_1131, %swap3A_1132, %swap3A_1133], %add3A_1129 {strides = array<i32>} : memref<2x16x1024xf32, #tpu.memory_space<vmem>>, vector<16xf32>,
      }
      %scan3A_80 = arith.constant 16 : i32
      %mul3A_81 = arith.constant 16 : i32
      %mul3A_82 = arith.muli %mul3A_10, %mul3A_81 : i32
      %add3A_83 = arith.addi %mul3A_2, %mul3A_82 : i32
      %run_scoped3A = arith.constant 0 : i32
      "tpu.region"() ({
        %run_scoped3A_112 = tpu.sem_alloc : memref<!tpu.dma_semaphore, #tpu.memory_space<semaphore_mem>>
        %dma_start3A_113 = arith.constant 0 : i32
        %dma_start3A_114 = arith.constant 0 : i32
        %dma_start3A_115 = tpu.memref_slice %arg8[%run_scoped3A, %dma_start3A_113, %dma_start3A_114] : memref<2x16x1024xf32, #tpu.memory_space<vmem>> -> memref<1x16x1024xf32, #tpu.memory_space<vmem>>
        %dma_start3A_116 = tpu.memref_squeeze %dma_start3A_115 : memref<1x16x1024xf32, #tpu.memory_space<vmem>> -> memref<16x1024xf32, #tpu.memory_space<vmem>>
        %dma_start3A_117 = arith.constant 0 : i32
        %dma_start3A_118 = tpu.memref_slice %arg5[%add3A_83, %dma_start3A_117] : memref<4096x1024xf32, #tpu.memory_space<hbm>> -> memref<16x1024xf32, #tpu.memory_space<hbm>>
        %dma_start3A_119 = arith.constant 0 : i32
        %dma_start3A_120 = tpu.memref_slice %arg5[%add3A_83, %dma_start3A_119] : memref<4096x1024xf32, #tpu.memory_space<hbm>> -> memref<16x1024xf32, #tpu.memory_space<hbm>>
        %dma_start3A_121 = arith.constant 0 : i32
        %dma_start3A_122 = arith.constant 0 : i32
        %dma_start3A_123 = tpu.memref_slice %arg8[%run_scoped3A, %dma_start3A_121, %dma_start3A_122] : memref<2x16x1024xf32, #tpu.memory_space<vmem>> -> memref<1x16x1024xf32, #tpu.memory_space<vmem>>
        %dma_start3A_124 = tpu.memref_squeeze %dma_start3A_123 : memref<1x16x1024xf32, #tpu.memory_space<vmem>> -> memref<16x1024xf32, #tpu.memory_space<vmem>>
        tpu.enqueue_dma source(%dma_start3A_124 : memref<16x1024xf32, #tpu.memory_space<vmem>>) target(%dma_start3A_120 : memref<16x1024xf32, #tpu.memory_space<hbm>>) target_semaphore(%run_scoped3A_112 : memref<!tpu.dma_semaphore, #tpu.memory_space<semaphore_mem>>)
        %dma_wait3A_125 = arith.constant 0 : i32
        %dma_wait3A_126 = arith.constant 0 : i32
        %dma_wait3A_127 = tpu.memref_slice %arg8[%run_scoped3A, %dma_wait3A_125, %dma_wait3A_126] : memref<2x16x1024xf32, #tpu.memory_space<vmem>> -> memref<1x16x1024xf32, #tpu.memory_space<vmem>>
        %dma_wait3A_128 = tpu.memref_squeeze %dma_wait3A_127 : memref<1x16x1024xf32, #tpu.memory_space<vmem>> -> memref<16x1024xf32, #tpu.memory_space<vmem>>
        %dma_wait3A_129 = arith.constant 0 : i32
        %dma_wait3A_130 = tpu.memref_slice %arg5[%add3A_83, %dma_wait3A_129] : memref<4096x1024xf32, #tpu.memory_space<hbm>> -> memref<16x1024xf32, #tpu.memory_space<hbm>>
        %dma_wait3A_131 = arith.constant 0 : i32
        %dma_wait3A_132 = tpu.memref_slice %arg5[%add3A_83, %dma_wait3A_131] : memref<4096x1024xf32, #tpu.memory_space<hbm>> -> memref<16x1024xf32, #tpu.memory_space<hbm>>
        %dma_wait3A_133 = arith.constant 0 : i32
        %dma_wait3A_134 = arith.constant 0 : i32
        %dma_wait3A_135 = tpu.memref_slice %arg8[%run_scoped3A, %dma_wait3A_133, %dma_wait3A_134] : memref<2x16x1024xf32, #tpu.memory_space<vmem>> -> memref<1x16x1024xf32, #tpu.memory_space<vmem>>
        %dma_wait3A_136 = tpu.memref_squeeze %dma_wait3A_135 : memref<1x16x1024xf32, #tpu.memory_space<vmem>> -> memref<16x1024xf32, #tpu.memory_space<vmem>>
        tpu.wait_dma2 semaphore(%run_scoped3A_112 : memref<!tpu.dma_semaphore, #tpu.memory_space<semaphore_mem>>) src(%dma_wait3A_136 : memref<16x1024xf32, #tpu.memory_space<vmem>>) dst(%dma_wait3A_132 : memref<16x1024xf32, #tpu.memory_space<hbm>>)
        tpu.yield
      }) : () -> ()
      %dma_wait3A_84 = arith.constant 1 : i32
      %dma_wait3A_85 = arith.constant 0 : i32
      %dma_wait3A_86 = arith.constant 0 : i32
      %dma_wait3A_87 = tpu.memref_slice %arg8[%dma_wait3A_84, %dma_wait3A_85, %dma_wait3A_86] : memref<2x16x1024xf32, #tpu.memory_space<vmem>> -> memref<1x16x1024xf32, #tpu.memory_space<vmem>>
      %dma_wait3A_88 = tpu.memref_squeeze %dma_wait3A_87 : memref<1x16x1024xf32, #tpu.memory_space<vmem>> -> memref<16x1024xf32, #tpu.memory_space<vmem>>
      %dma_wait3A_89 = tpu.memref_slice %arg6[%mul3A_37] : memref<128xi32, #tpu.memory_space<vmem>> -> memref<16xi32, #tpu.memory_space<vmem>>
      %dma_wait3A_90 = arith.constant 0 : i32
      %dma_wait3A_91 = arith.constant 0 : i32
      %dma_wait3A_92 = tpu.memref_slice %arg2[%dma_wait3A_90, %dma_wait3A_91] : memref<5760x1024xf32, #tpu.memory_space<hbm>> -> memref<5760x1024xf32, #tpu.memory_space<hbm>>
      tpu.wait_indirect_dma semaphore(%arg11 : memref<!tpu.dma_semaphore, #tpu.memory_space<semaphore_mem>>) src(%dma_wait3A_92 : memref<5760x1024xf32, #tpu.memory_space<hbm>>) dst(%dma_wait3A_88 : memref<16x1024xf32, #tpu.memory_space<vmem>>)
      %dma_wait3A_93 = arith.constant 1 : i32
      %dma_wait3A_94 = arith.constant 0 : i32
      %dma_wait3A_95 = arith.constant 0 : i32
      %dma_wait3A_96 = tpu.memref_slice %arg9[%dma_wait3A_93, %dma_wait3A_94, %dma_wait3A_95] : memref<2x16x1024xf32, #tpu.memory_space<vmem>> -> memref<1x16x1024xf32, #tpu.memory_space<vmem>>
      %dma_wait3A_97 = tpu.memref_squeeze %dma_wait3A_96 : memref<1x16x1024xf32, #tpu.memory_space<vmem>> -> memref<16x1024xf32, #tpu.memory_space<vmem>>
      %dma_wait3A_98 = tpu.memref_slice %arg7[%mul3A_48] : memref<128xi32, #tpu.memory_space<vmem>> -> memref<16xi32, #tpu.memory_space<vmem>>
      %dma_wait3A_99 = arith.constant 0 : i32
      %dma_wait3A_100 = arith.constant 0 : i32
      %dma_wait3A_101 = tpu.memref_slice %arg2[%dma_wait3A_99, %dma_wait3A_100] : memref<5760x1024xf32, #tpu.memory_space<hbm>> -> memref<5760x1024xf32, #tpu.memory_space<hbm>>
      tpu.wait_indirect_dma semaphore(%arg13 : memref<!tpu.dma_semaphore, #tpu.memory_space<semaphore_mem>>) src(%dma_wait3A_101 : memref<5760x1024xf32, #tpu.memory_space<hbm>>) dst(%dma_wait3A_97 : memref<16x1024xf32, #tpu.memory_space<vmem>>)
      %scan3A_102 = arith.constant 0 : i32
      %scan3A_103 = arith.constant 0 : i32
      %scan3A_104 = arith.constant 16 : i32
      %scan3A_105 = arith.addi %scan3A_103, %scan3A_104 : i32
      %scan3A_106 = arith.constant 1 : i32
      scf.for %scan3A_112 = %scan3A_103 to %scan3A_105 step %scan3A_106  : i32 {
        %get3A = arith.constant 1 : i32
        %get3A_113 = arith.index_cast %get3A : i32 to index
        %get3A_114 = arith.index_cast %scan3A_112 : i32 to index
        %get3A_115 = arith.constant 0 : index
        %get3A_116 = tpu.vector_load %arg8[%get3A_113, %get3A_114, %get3A_115] {strides = array<i32>} : memref<2x16x1024xf32, #tpu.memory_space<vmem>>, vector<16xf32>,
        %get3A_117 = arith.constant 1 : i32
        %get3A_118 = arith.index_cast %get3A_117 : i32 to index
        %get3A_119 = arith.index_cast %scan3A_112 : i32 to index
        %get3A_120 = arith.constant 0 : index
        %get3A_121 = tpu.vector_load %arg9[%get3A_118, %get3A_119, %get3A_120] {strides = array<i32>} : memref<2x16x1024xf32, #tpu.memory_space<vmem>>, vector<16xf32>,
        %add3A_122 = arith.addf %get3A_116, %get3A_121 : vector<16xf32>
        %swap3A = arith.constant 1 : i32
        %swap3A_123 = arith.index_cast %swap3A : i32 to index
        %swap3A_124 = arith.index_cast %scan3A_112 : i32 to index
        %swap3A_125 = arith.constant 0 : index
        %swap3A_126 = tpu.vector_load %arg8[%swap3A_123, %swap3A_124, %swap3A_125] {strides = array<i32>} : memref<2x16x1024xf32, #tpu.memory_space<vmem>>, vector<16xf32>,
        tpu.vector_store %arg8[%swap3A_123, %swap3A_124, %swap3A_125], %add3A_122 {strides = array<i32>} : memref<2x16x1024xf32, #tpu.memory_space<vmem>>, vector<16xf32>,
        %get3A_127 = arith.constant 1 : i32
        %get3A_128 = arith.index_cast %get3A_127 : i32 to index
        %get3A_129 = arith.index_cast %scan3A_112 : i32 to index
        %get3A_130 = arith.constant 16 : index
        %get3A_131 = tpu.vector_load %arg8[%get3A_128, %get3A_129, %get3A_130] {strides = array<i32>} : memref<2x16x1024xf32, #tpu.memory_space<vmem>>, vector<16xf32>,
        %get3A_132 = arith.constant 1 : i32
        %get3A_133 = arith.index_cast %get3A_132 : i32 to index
        %get3A_134 = arith.index_cast %scan3A_112 : i32 to index
        %get3A_135 = arith.constant 16 : index
        %get3A_136 = tpu.vector_load %arg9[%get3A_133, %get3A_134, %get3A_135] {strides = array<i32>} : memref<2x16x1024xf32, #tpu.memory_space<vmem>>, vector<16xf32>,
        %add3A_137 = arith.addf %get3A_131, %get3A_136 : vector<16xf32>
        %swap3A_138 = arith.constant 1 : i32
        %swap3A_139 = arith.index_cast %swap3A_138 : i32 to index
        %swap3A_140 = arith.index_cast %scan3A_112 : i32 to index
        %swap3A_141 = arith.constant 16 : index
        %swap3A_142 = tpu.vector_load %arg8[%swap3A_139, %swap3A_140, %swap3A_141] {strides = array<i32>} : memref<2x16x1024xf32, #tpu.memory_space<vmem>>, vector<16xf32>,
        tpu.vector_store %arg8[%swap3A_139, %swap3A_140, %swap3A_141], %add3A_137 {strides = array<i32>} : memref<2x16x1024xf32, #tpu.memory_space<vmem>>, vector<16xf32>,
        %get3A_143 = arith.constant 1 : i32
        %get3A_144 = arith.index_cast %get3A_143 : i32 to index
        %get3A_145 = arith.index_cast %scan3A_112 : i32 to index
        %get3A_146 = arith.constant 32 : index
        %get3A_147 = tpu.vector_load %arg8[%get3A_144, %get3A_145, %get3A_146] {strides = array<i32>} : memref<2x16x1024xf32, #tpu.memory_space<vmem>>, vector<16xf32>,
        %get3A_148 = arith.constant 1 : i32
        %get3A_149 = arith.index_cast %get3A_148 : i32 to index
        %get3A_150 = arith.index_cast %scan3A_112 : i32 to index
        %get3A_151 = arith.constant 32 : index
        %get3A_152 = tpu.vector_load %arg9[%get3A_149, %get3A_150, %get3A_151] {strides = array<i32>} : memref<2x16x1024xf32, #tpu.memory_space<vmem>>, vector<16xf32>,
        %add3A_153 = arith.addf %get3A_147, %get3A_152 : vector<16xf32>
        %swap3A_154 = arith.constant 1 : i32
        %swap3A_155 = arith.index_cast %swap3A_154 : i32 to index
        %swap3A_156 = arith.index_cast %scan3A_112 : i32 to index
        %swap3A_157 = arith.constant 32 : index
        %swap3A_158 = tpu.vector_load %arg8[%swap3A_155, %swap3A_156, %swap3A_157] {strides = array<i32>} : memref<2x16x1024xf32, #tpu.memory_space<vmem>>, vector<16xf32>,
        tpu.vector_store %arg8[%swap3A_155, %swap3A_156, %swap3A_157], %add3A_153 {strides = array<i32>} : memref<2x16x1024xf32, #tpu.memory_space<vmem>>, vector<16xf32>,
        %get3A_159 = arith.constant 1 : i32
        %get3A_160 = arith.index_cast %get3A_159 : i32 to index
        %get3A_161 = arith.index_cast %scan3A_112 : i32 to index
        %get3A_162 = arith.constant 48 : index
        %get3A_163 = tpu.vector_load %arg8[%get3A_160, %get3A_161, %get3A_162] {strides = array<i32>} : memref<2x16x1024xf32, #tpu.memory_space<vmem>>, vector<16xf32>,
        %get3A_164 = arith.constant 1 : i32
        %get3A_165 = arith.index_cast %get3A_164 : i32 to index
        %get3A_166 = arith.index_cast %scan3A_112 : i32 to index
        %get3A_167 = arith.constant 48 : index
        %get3A_168 = tpu.vector_load %arg9[%get3A_165, %get3A_166, %get3A_167] {strides = array<i32>} : memref<2x16x1024xf32, #tpu.memory_space<vmem>>, vector<16xf32>,
        %add3A_169 = arith.addf %get3A_163, %get3A_168 : vector<16xf32>
        %swap3A_170 = arith.constant 1 : i32
        %swap3A_171 = arith.index_cast %swap3A_170 : i32 to index
        %swap3A_172 = arith.index_cast %scan3A_112 : i32 to index
        %swap3A_173 = arith.constant 48 : index
        %swap3A_174 = tpu.vector_load %arg8[%swap3A_171, %swap3A_172, %swap3A_173] {strides = array<i32>} : memref<2x16x1024xf32, #tpu.memory_space<vmem>>, vector<16xf32>,
        tpu.vector_store %arg8[%swap3A_171, %swap3A_172, %swap3A_173], %add3A_169 {strides = array<i32>} : memref<2x16x1024xf32, #tpu.memory_space<vmem>>, vector<16xf32>,
        %get3A_175 = arith.constant 1 : i32
        %get3A_176 = arith.index_cast %get3A_175 : i32 to index
        %get3A_177 = arith.index_cast %scan3A_112 : i32 to index
        %get3A_178 = arith.constant 64 : index
        %get3A_179 = tpu.vector_load %arg8[%get3A_176, %get3A_177, %get3A_178] {strides = array<i32>} : memref<2x16x1024xf32, #tpu.memory_space<vmem>>, vector<16xf32>,
        %get3A_180 = arith.constant 1 : i32
        %get3A_181 = arith.index_cast %get3A_180 : i32 to index
        %get3A_182 = arith.index_cast %scan3A_112 : i32 to index
        %get3A_183 = arith.constant 64 : index
        %get3A_184 = tpu.vector_load %arg9[%get3A_181, %get3A_182, %get3A_183] {strides = array<i32>} : memref<2x16x1024xf32, #tpu.memory_space<vmem>>, vector<16xf32>,
        %add3A_185 = arith.addf %get3A_179, %get3A_184 : vector<16xf32>
        %swap3A_186 = arith.constant 1 : i32
        %swap3A_187 = arith.index_cast %swap3A_186 : i32 to index
        %swap3A_188 = arith.index_cast %scan3A_112 : i32 to index
        %swap3A_189 = arith.constant 64 : index
        %swap3A_190 = tpu.vector_load %arg8[%swap3A_187, %swap3A_188, %swap3A_189] {strides = array<i32>} : memref<2x16x1024xf32, #tpu.memory_space<vmem>>, vector<16xf32>,
        tpu.vector_store %arg8[%swap3A_187, %swap3A_188, %swap3A_189], %add3A_185 {strides = array<i32>} : memref<2x16x1024xf32, #tpu.memory_space<vmem>>, vector<16xf32>,
        %get3A_191 = arith.constant 1 : i32
        %get3A_192 = arith.index_cast %get3A_191 : i32 to index
        %get3A_193 = arith.index_cast %scan3A_112 : i32 to index
        %get3A_194 = arith.constant 80 : index
        %get3A_195 = tpu.vector_load %arg8[%get3A_192, %get3A_193, %get3A_194] {strides = array<i32>} : memref<2x16x1024xf32, #tpu.memory_space<vmem>>, vector<16xf32>,
        %get3A_196 = arith.constant 1 : i32
        %get3A_197 = arith.index_cast %get3A_196 : i32 to index
        %get3A_198 = arith.index_cast %scan3A_112 : i32 to index
        %get3A_199 = arith.constant 80 : index
        %get3A_200 = tpu.vector_load %arg9[%get3A_197, %get3A_198, %get3A_199] {strides = array<i32>} : memref<2x16x1024xf32, #tpu.memory_space<vmem>>, vector<16xf32>,
        %add3A_201 = arith.addf %get3A_195, %get3A_200 : vector<16xf32>
        %swap3A_202 = arith.constant 1 : i32
        %swap3A_203 = arith.index_cast %swap3A_202 : i32 to index
        %swap3A_204 = arith.index_cast %scan3A_112 : i32 to index
        %swap3A_205 = arith.constant 80 : index
        %swap3A_206 = tpu.vector_load %arg8[%swap3A_203, %swap3A_204, %swap3A_205] {strides = array<i32>} : memref<2x16x1024xf32, #tpu.memory_space<vmem>>, vector<16xf32>,
        tpu.vector_store %arg8[%swap3A_203, %swap3A_204, %swap3A_205], %add3A_201 {strides = array<i32>} : memref<2x16x1024xf32, #tpu.memory_space<vmem>>, vector<16xf32>,
        %get3A_207 = arith.constant 1 : i32
        %get3A_208 = arith.index_cast %get3A_207 : i32 to index
        %get3A_209 = arith.index_cast %scan3A_112 : i32 to index
        %get3A_210 = arith.constant 96 : index
        %get3A_211 = tpu.vector_load %arg8[%get3A_208, %get3A_209, %get3A_210] {strides = array<i32>} : memref<2x16x1024xf32, #tpu.memory_space<vmem>>, vector<16xf32>,
        %get3A_212 = arith.constant 1 : i32
        %get3A_213 = arith.index_cast %get3A_212 : i32 to index
        %get3A_214 = arith.index_cast %scan3A_112 : i32 to index
        %get3A_215 = arith.constant 96 : index
        %get3A_216 = tpu.vector_load %arg9[%get3A_213, %get3A_214, %get3A_215] {strides = array<i32>} : memref<2x16x1024xf32, #tpu.memory_space<vmem>>, vector<16xf32>,
        %add3A_217 = arith.addf %get3A_211, %get3A_216 : vector<16xf32>
        %swap3A_218 = arith.constant 1 : i32
        %swap3A_219 = arith.index_cast %swap3A_218 : i32 to index
        %swap3A_220 = arith.index_cast %scan3A_112 : i32 to index
        %swap3A_221 = arith.constant 96 : index
        %swap3A_222 = tpu.vector_load %arg8[%swap3A_219, %swap3A_220, %swap3A_221] {strides = array<i32>} : memref<2x16x1024xf32, #tpu.memory_space<vmem>>, vector<16xf32>,
        tpu.vector_store %arg8[%swap3A_219, %swap3A_220, %swap3A_221], %add3A_217 {strides = array<i32>} : memref<2x16x1024xf32, #tpu.memory_space<vmem>>, vector<16xf32>,
        %get3A_223 = arith.constant 1 : i32
        %get3A_224 = arith.index_cast %get3A_223 : i32 to index
        %get3A_225 = arith.index_cast %scan3A_112 : i32 to index
        %get3A_226 = arith.constant 112 : index
        %get3A_227 = tpu.vector_load %arg8[%get3A_224, %get3A_225, %get3A_226] {strides = array<i32>} : memref<2x16x1024xf32, #tpu.memory_space<vmem>>, vector<16xf32>,
        %get3A_228 = arith.constant 1 : i32
        %get3A_229 = arith.index_cast %get3A_228 : i32 to index
        %get3A_230 = arith.index_cast %scan3A_112 : i32 to index
        %get3A_231 = arith.constant 112 : index
        %get3A_232 = tpu.vector_load %arg9[%get3A_229, %get3A_230, %get3A_231] {strides = array<i32>} : memref<2x16x1024xf32, #tpu.memory_space<vmem>>, vector<16xf32>,
        %add3A_233 = arith.addf %get3A_227, %get3A_232 : vector<16xf32>
        %swap3A_234 = arith.constant 1 : i32
        %swap3A_235 = arith.index_cast %swap3A_234 : i32 to index
        %swap3A_236 = arith.index_cast %scan3A_112 : i32 to index
        %swap3A_237 = arith.constant 112 : index
        %swap3A_238 = tpu.vector_load %arg8[%swap3A_235, %swap3A_236, %swap3A_237] {strides = array<i32>} : memref<2x16x1024xf32, #tpu.memory_space<vmem>>, vector<16xf32>,
        tpu.vector_store %arg8[%swap3A_235, %swap3A_236, %swap3A_237], %add3A_233 {strides = array<i32>} : memref<2x16x1024xf32, #tpu.memory_space<vmem>>, vector<16xf32>,
        %get3A_239 = arith.constant 1 : i32
        %get3A_240 = arith.index_cast %get3A_239 : i32 to index
        %get3A_241 = arith.index_cast %scan3A_112 : i32 to index
        %get3A_242 = arith.constant 128 : index
        %get3A_243 = tpu.vector_load %arg8[%get3A_240, %get3A_241, %get3A_242] {strides = array<i32>} : memref<2x16x1024xf32, #tpu.memory_space<vmem>>, vector<16xf32>,
        %get3A_244 = arith.constant 1 : i32
        %get3A_245 = arith.index_cast %get3A_244 : i32 to index
        %get3A_246 = arith.index_cast %scan3A_112 : i32 to index
        %get3A_247 = arith.constant 128 : index
        %get3A_248 = tpu.vector_load %arg9[%get3A_245, %get3A_246, %get3A_247] {strides = array<i32>} : memref<2x16x1024xf32, #tpu.memory_space<vmem>>, vector<16xf32>,
        %add3A_249 = arith.addf %get3A_243, %get3A_248 : vector<16xf32>
        %swap3A_250 = arith.constant 1 : i32
        %swap3A_251 = arith.index_cast %swap3A_250 : i32 to index
        %swap3A_252 = arith.index_cast %scan3A_112 : i32 to index
        %swap3A_253 = arith.constant 128 : index
        %swap3A_254 = tpu.vector_load %arg8[%swap3A_251, %swap3A_252, %swap3A_253] {strides = array<i32>} : memref<2x16x1024xf32, #tpu.memory_space<vmem>>, vector<16xf32>,
        tpu.vector_store %arg8[%swap3A_251, %swap3A_252, %swap3A_253], %add3A_249 {strides = array<i32>} : memref<2x16x1024xf32, #tpu.memory_space<vmem>>, vector<16xf32>,
        %get3A_255 = arith.constant 1 : i32
        %get3A_256 = arith.index_cast %get3A_255 : i32 to index
        %get3A_257 = arith.index_cast %scan3A_112 : i32 to index
        %get3A_258 = arith.constant 144 : index
        %get3A_259 = tpu.vector_load %arg8[%get3A_256, %get3A_257, %get3A_258] {strides = array<i32>} : memref<2x16x1024xf32, #tpu.memory_space<vmem>>, vector<16xf32>,
        %get3A_260 = arith.constant 1 : i32
        %get3A_261 = arith.index_cast %get3A_260 : i32 to index
        %get3A_262 = arith.index_cast %scan3A_112 : i32 to index
        %get3A_263 = arith.constant 144 : index
        %get3A_264 = tpu.vector_load %arg9[%get3A_261, %get3A_262, %get3A_263] {strides = array<i32>} : memref<2x16x1024xf32, #tpu.memory_space<vmem>>, vector<16xf32>,
        %add3A_265 = arith.addf %get3A_259, %get3A_264 : vector<16xf32>
        %swap3A_266 = arith.constant 1 : i32
        %swap3A_267 = arith.index_cast %swap3A_266 : i32 to index
        %swap3A_268 = arith.index_cast %scan3A_112 : i32 to index
        %swap3A_269 = arith.constant 144 : index
        %swap3A_270 = tpu.vector_load %arg8[%swap3A_267, %swap3A_268, %swap3A_269] {strides = array<i32>} : memref<2x16x1024xf32, #tpu.memory_space<vmem>>, vector<16xf32>,
        tpu.vector_store %arg8[%swap3A_267, %swap3A_268, %swap3A_269], %add3A_265 {strides = array<i32>} : memref<2x16x1024xf32, #tpu.memory_space<vmem>>, vector<16xf32>,
        %get3A_271 = arith.constant 1 : i32
        %get3A_272 = arith.index_cast %get3A_271 : i32 to index
        %get3A_273 = arith.index_cast %scan3A_112 : i32 to index
        %get3A_274 = arith.constant 160 : index
        %get3A_275 = tpu.vector_load %arg8[%get3A_272, %get3A_273, %get3A_274] {strides = array<i32>} : memref<2x16x1024xf32, #tpu.memory_space<vmem>>, vector<16xf32>,
        %get3A_276 = arith.constant 1 : i32
        %get3A_277 = arith.index_cast %get3A_276 : i32 to index
        %get3A_278 = arith.index_cast %scan3A_112 : i32 to index
        %get3A_279 = arith.constant 160 : index
        %get3A_280 = tpu.vector_load %arg9[%get3A_277, %get3A_278, %get3A_279] {strides = array<i32>} : memref<2x16x1024xf32, #tpu.memory_space<vmem>>, vector<16xf32>,
        %add3A_281 = arith.addf %get3A_275, %get3A_280 : vector<16xf32>
        %swap3A_282 = arith.constant 1 : i32
        %swap3A_283 = arith.index_cast %swap3A_282 : i32 to index
        %swap3A_284 = arith.index_cast %scan3A_112 : i32 to index
        %swap3A_285 = arith.constant 160 : index
        %swap3A_286 = tpu.vector_load %arg8[%swap3A_283, %swap3A_284, %swap3A_285] {strides = array<i32>} : memref<2x16x1024xf32, #tpu.memory_space<vmem>>, vector<16xf32>,
        tpu.vector_store %arg8[%swap3A_283, %swap3A_284, %swap3A_285], %add3A_281 {strides = array<i32>} : memref<2x16x1024xf32, #tpu.memory_space<vmem>>, vector<16xf32>,
        %get3A_287 = arith.constant 1 : i32
        %get3A_288 = arith.index_cast %get3A_287 : i32 to index
        %get3A_289 = arith.index_cast %scan3A_112 : i32 to index
        %get3A_290 = arith.constant 176 : index
        %get3A_291 = tpu.vector_load %arg8[%get3A_288, %get3A_289, %get3A_290] {strides = array<i32>} : memref<2x16x1024xf32, #tpu.memory_space<vmem>>, vector<16xf32>,
        %get3A_292 = arith.constant 1 : i32
        %get3A_293 = arith.index_cast %get3A_292 : i32 to index
        %get3A_294 = arith.index_cast %scan3A_112 : i32 to index
        %get3A_295 = arith.constant 176 : index
        %get3A_296 = tpu.vector_load %arg9[%get3A_293, %get3A_294, %get3A_295] {strides = array<i32>} : memref<2x16x1024xf32, #tpu.memory_space<vmem>>, vector<16xf32>,
        %add3A_297 = arith.addf %get3A_291, %get3A_296 : vector<16xf32>
        %swap3A_298 = arith.constant 1 : i32
        %swap3A_299 = arith.index_cast %swap3A_298 : i32 to index
        %swap3A_300 = arith.index_cast %scan3A_112 : i32 to index
        %swap3A_301 = arith.constant 176 : index
        %swap3A_302 = tpu.vector_load %arg8[%swap3A_299, %swap3A_300, %swap3A_301] {strides = array<i32>} : memref<2x16x1024xf32, #tpu.memory_space<vmem>>, vector<16xf32>,
        tpu.vector_store %arg8[%swap3A_299, %swap3A_300, %swap3A_301], %add3A_297 {strides = array<i32>} : memref<2x16x1024xf32, #tpu.memory_space<vmem>>, vector<16xf32>,
        %get3A_303 = arith.constant 1 : i32
        %get3A_304 = arith.index_cast %get3A_303 : i32 to index
        %get3A_305 = arith.index_cast %scan3A_112 : i32 to index
        %get3A_306 = arith.constant 192 : index
        %get3A_307 = tpu.vector_load %arg8[%get3A_304, %get3A_305, %get3A_306] {strides = array<i32>} : memref<2x16x1024xf32, #tpu.memory_space<vmem>>, vector<16xf32>,
        %get3A_308 = arith.constant 1 : i32
        %get3A_309 = arith.index_cast %get3A_308 : i32 to index
        %get3A_310 = arith.index_cast %scan3A_112 : i32 to index
        %get3A_311 = arith.constant 192 : index
        %get3A_312 = tpu.vector_load %arg9[%get3A_309, %get3A_310, %get3A_311] {strides = array<i32>} : memref<2x16x1024xf32, #tpu.memory_space<vmem>>, vector<16xf32>,
        %add3A_313 = arith.addf %get3A_307, %get3A_312 : vector<16xf32>
        %swap3A_314 = arith.constant 1 : i32
        %swap3A_315 = arith.index_cast %swap3A_314 : i32 to index
        %swap3A_316 = arith.index_cast %scan3A_112 : i32 to index
        %swap3A_317 = arith.constant 192 : index
        %swap3A_318 = tpu.vector_load %arg8[%swap3A_315, %swap3A_316, %swap3A_317] {strides = array<i32>} : memref<2x16x1024xf32, #tpu.memory_space<vmem>>, vector<16xf32>,
        tpu.vector_store %arg8[%swap3A_315, %swap3A_316, %swap3A_317], %add3A_313 {strides = array<i32>} : memref<2x16x1024xf32, #tpu.memory_space<vmem>>, vector<16xf32>,
        %get3A_319 = arith.constant 1 : i32
        %get3A_320 = arith.index_cast %get3A_319 : i32 to index
        %get3A_321 = arith.index_cast %scan3A_112 : i32 to index
        %get3A_322 = arith.constant 208 : index
        %get3A_323 = tpu.vector_load %arg8[%get3A_320, %get3A_321, %get3A_322] {strides = array<i32>} : memref<2x16x1024xf32, #tpu.memory_space<vmem>>, vector<16xf32>,
        %get3A_324 = arith.constant 1 : i32
        %get3A_325 = arith.index_cast %get3A_324 : i32 to index
        %get3A_326 = arith.index_cast %scan3A_112 : i32 to index
        %get3A_327 = arith.constant 208 : index
        %get3A_328 = tpu.vector_load %arg9[%get3A_325, %get3A_326, %get3A_327] {strides = array<i32>} : memref<2x16x1024xf32, #tpu.memory_space<vmem>>, vector<16xf32>,
        %add3A_329 = arith.addf %get3A_323, %get3A_328 : vector<16xf32>
        %swap3A_330 = arith.constant 1 : i32
        %swap3A_331 = arith.index_cast %swap3A_330 : i32 to index
        %swap3A_332 = arith.index_cast %scan3A_112 : i32 to index
        %swap3A_333 = arith.constant 208 : index
        %swap3A_334 = tpu.vector_load %arg8[%swap3A_331, %swap3A_332, %swap3A_333] {strides = array<i32>} : memref<2x16x1024xf32, #tpu.memory_space<vmem>>, vector<16xf32>,
        tpu.vector_store %arg8[%swap3A_331, %swap3A_332, %swap3A_333], %add3A_329 {strides = array<i32>} : memref<2x16x1024xf32, #tpu.memory_space<vmem>>, vector<16xf32>,
        %get3A_335 = arith.constant 1 : i32
        %get3A_336 = arith.index_cast %get3A_335 : i32 to index
        %get3A_337 = arith.index_cast %scan3A_112 : i32 to index
        %get3A_338 = arith.constant 224 : index
        %get3A_339 = tpu.vector_load %arg8[%get3A_336, %get3A_337, %get3A_338] {strides = array<i32>} : memref<2x16x1024xf32, #tpu.memory_space<vmem>>, vector<16xf32>,
        %get3A_340 = arith.constant 1 : i32
        %get3A_341 = arith.index_cast %get3A_340 : i32 to index
        %get3A_342 = arith.index_cast %scan3A_112 : i32 to index
        %get3A_343 = arith.constant 224 : index
        %get3A_344 = tpu.vector_load %arg9[%get3A_341, %get3A_342, %get3A_343] {strides = array<i32>} : memref<2x16x1024xf32, #tpu.memory_space<vmem>>, vector<16xf32>,
        %add3A_345 = arith.addf %get3A_339, %get3A_344 : vector<16xf32>
        %swap3A_346 = arith.constant 1 : i32
        %swap3A_347 = arith.index_cast %swap3A_346 : i32 to index
        %swap3A_348 = arith.index_cast %scan3A_112 : i32 to index
        %swap3A_349 = arith.constant 224 : index
        %swap3A_350 = tpu.vector_load %arg8[%swap3A_347, %swap3A_348, %swap3A_349] {strides = array<i32>} : memref<2x16x1024xf32, #tpu.memory_space<vmem>>, vector<16xf32>,
        tpu.vector_store %arg8[%swap3A_347, %swap3A_348, %swap3A_349], %add3A_345 {strides = array<i32>} : memref<2x16x1024xf32, #tpu.memory_space<vmem>>, vector<16xf32>,
        %get3A_351 = arith.constant 1 : i32
        %get3A_352 = arith.index_cast %get3A_351 : i32 to index
        %get3A_353 = arith.index_cast %scan3A_112 : i32 to index
        %get3A_354 = arith.constant 240 : index
        %get3A_355 = tpu.vector_load %arg8[%get3A_352, %get3A_353, %get3A_354] {strides = array<i32>} : memref<2x16x1024xf32, #tpu.memory_space<vmem>>, vector<16xf32>,
        %get3A_356 = arith.constant 1 : i32
        %get3A_357 = arith.index_cast %get3A_356 : i32 to index
        %get3A_358 = arith.index_cast %scan3A_112 : i32 to index
        %get3A_359 = arith.constant 240 : index
        %get3A_360 = tpu.vector_load %arg9[%get3A_357, %get3A_358, %get3A_359] {strides = array<i32>} : memref<2x16x1024xf32, #tpu.memory_space<vmem>>, vector<16xf32>,
        %add3A_361 = arith.addf %get3A_355, %get3A_360 : vector<16xf32>
        %swap3A_362 = arith.constant 1 : i32
        %swap3A_363 = arith.index_cast %swap3A_362 : i32 to index
        %swap3A_364 = arith.index_cast %scan3A_112 : i32 to index
        %swap3A_365 = arith.constant 240 : index
        %swap3A_366 = tpu.vector_load %arg8[%swap3A_363, %swap3A_364, %swap3A_365] {strides = array<i32>} : memref<2x16x1024xf32, #tpu.memory_space<vmem>>, vector<16xf32>,
        tpu.vector_store %arg8[%swap3A_363, %swap3A_364, %swap3A_365], %add3A_361 {strides = array<i32>} : memref<2x16x1024xf32, #tpu.memory_space<vmem>>, vector<16xf32>,
        %get3A_367 = arith.constant 1 : i32
        %get3A_368 = arith.index_cast %get3A_367 : i32 to index
        %get3A_369 = arith.index_cast %scan3A_112 : i32 to index
        %get3A_370 = arith.constant 256 : index
        %get3A_371 = tpu.vector_load %arg8[%get3A_368, %get3A_369, %get3A_370] {strides = array<i32>} : memref<2x16x1024xf32, #tpu.memory_space<vmem>>, vector<16xf32>,
        %get3A_372 = arith.constant 1 : i32
        %get3A_373 = arith.index_cast %get3A_372 : i32 to index
        %get3A_374 = arith.index_cast %scan3A_112 : i32 to index
        %get3A_375 = arith.constant 256 : index
        %get3A_376 = tpu.vector_load %arg9[%get3A_373, %get3A_374, %get3A_375] {strides = array<i32>} : memref<2x16x1024xf32, #tpu.memory_space<vmem>>, vector<16xf32>,
        %add3A_377 = arith.addf %get3A_371, %get3A_376 : vector<16xf32>
        %swap3A_378 = arith.constant 1 : i32
        %swap3A_379 = arith.index_cast %swap3A_378 : i32 to index
        %swap3A_380 = arith.index_cast %scan3A_112 : i32 to index
        %swap3A_381 = arith.constant 256 : index
        %swap3A_382 = tpu.vector_load %arg8[%swap3A_379, %swap3A_380, %swap3A_381] {strides = array<i32>} : memref<2x16x1024xf32, #tpu.memory_space<vmem>>, vector<16xf32>,
        tpu.vector_store %arg8[%swap3A_379, %swap3A_380, %swap3A_381], %add3A_377 {strides = array<i32>} : memref<2x16x1024xf32, #tpu.memory_space<vmem>>, vector<16xf32>,
        %get3A_383 = arith.constant 1 : i32
        %get3A_384 = arith.index_cast %get3A_383 : i32 to index
        %get3A_385 = arith.index_cast %scan3A_112 : i32 to index
        %get3A_386 = arith.constant 272 : index
        %get3A_387 = tpu.vector_load %arg8[%get3A_384, %get3A_385, %get3A_386] {strides = array<i32>} : memref<2x16x1024xf32, #tpu.memory_space<vmem>>, vector<16xf32>,
        %get3A_388 = arith.constant 1 : i32
        %get3A_389 = arith.index_cast %get3A_388 : i32 to index
        %get3A_390 = arith.index_cast %scan3A_112 : i32 to index
        %get3A_391 = arith.constant 272 : index
        %get3A_392 = tpu.vector_load %arg9[%get3A_389, %get3A_390, %get3A_391] {strides = array<i32>} : memref<2x16x1024xf32, #tpu.memory_space<vmem>>, vector<16xf32>,
        %add3A_393 = arith.addf %get3A_387, %get3A_392 : vector<16xf32>
        %swap3A_394 = arith.constant 1 : i32
        %swap3A_395 = arith.index_cast %swap3A_394 : i32 to index
        %swap3A_396 = arith.index_cast %scan3A_112 : i32 to index
        %swap3A_397 = arith.constant 272 : index
        %swap3A_398 = tpu.vector_load %arg8[%swap3A_395, %swap3A_396, %swap3A_397] {strides = array<i32>} : memref<2x16x1024xf32, #tpu.memory_space<vmem>>, vector<16xf32>,
        tpu.vector_store %arg8[%swap3A_395, %swap3A_396, %swap3A_397], %add3A_393 {strides = array<i32>} : memref<2x16x1024xf32, #tpu.memory_space<vmem>>, vector<16xf32>,
        %get3A_399 = arith.constant 1 : i32
        %get3A_400 = arith.index_cast %get3A_399 : i32 to index
        %get3A_401 = arith.index_cast %scan3A_112 : i32 to index
        %get3A_402 = arith.constant 288 : index
        %get3A_403 = tpu.vector_load %arg8[%get3A_400, %get3A_401, %get3A_402] {strides = array<i32>} : memref<2x16x1024xf32, #tpu.memory_space<vmem>>, vector<16xf32>,
        %get3A_404 = arith.constant 1 : i32
        %get3A_405 = arith.index_cast %get3A_404 : i32 to index
        %get3A_406 = arith.index_cast %scan3A_112 : i32 to index
        %get3A_407 = arith.constant 288 : index
        %get3A_408 = tpu.vector_load %arg9[%get3A_405, %get3A_406, %get3A_407] {strides = array<i32>} : memref<2x16x1024xf32, #tpu.memory_space<vmem>>, vector<16xf32>,
        %add3A_409 = arith.addf %get3A_403, %get3A_408 : vector<16xf32>
        %swap3A_410 = arith.constant 1 : i32
        %swap3A_411 = arith.index_cast %swap3A_410 : i32 to index
        %swap3A_412 = arith.index_cast %scan3A_112 : i32 to index
        %swap3A_413 = arith.constant 288 : index
        %swap3A_414 = tpu.vector_load %arg8[%swap3A_411, %swap3A_412, %swap3A_413] {strides = array<i32>} : memref<2x16x1024xf32, #tpu.memory_space<vmem>>, vector<16xf32>,
        tpu.vector_store %arg8[%swap3A_411, %swap3A_412, %swap3A_413], %add3A_409 {strides = array<i32>} : memref<2x16x1024xf32, #tpu.memory_space<vmem>>, vector<16xf32>,
        %get3A_415 = arith.constant 1 : i32
        %get3A_416 = arith.index_cast %get3A_415 : i32 to index
        %get3A_417 = arith.index_cast %scan3A_112 : i32 to index
        %get3A_418 = arith.constant 304 : index
        %get3A_419 = tpu.vector_load %arg8[%get3A_416, %get3A_417, %get3A_418] {strides = array<i32>} : memref<2x16x1024xf32, #tpu.memory_space<vmem>>, vector<16xf32>,
        %get3A_420 = arith.constant 1 : i32
        %get3A_421 = arith.index_cast %get3A_420 : i32 to index
        %get3A_422 = arith.index_cast %scan3A_112 : i32 to index
        %get3A_423 = arith.constant 304 : index
        %get3A_424 = tpu.vector_load %arg9[%get3A_421, %get3A_422, %get3A_423] {strides = array<i32>} : memref<2x16x1024xf32, #tpu.memory_space<vmem>>, vector<16xf32>,
        %add3A_425 = arith.addf %get3A_419, %get3A_424 : vector<16xf32>
        %swap3A_426 = arith.constant 1 : i32
        %swap3A_427 = arith.index_cast %swap3A_426 : i32 to index
        %swap3A_428 = arith.index_cast %scan3A_112 : i32 to index
        %swap3A_429 = arith.constant 304 : index
        %swap3A_430 = tpu.vector_load %arg8[%swap3A_427, %swap3A_428, %swap3A_429] {strides = array<i32>} : memref<2x16x1024xf32, #tpu.memory_space<vmem>>, vector<16xf32>,
        tpu.vector_store %arg8[%swap3A_427, %swap3A_428, %swap3A_429], %add3A_425 {strides = array<i32>} : memref<2x16x1024xf32, #tpu.memory_space<vmem>>, vector<16xf32>,
        %get3A_431 = arith.constant 1 : i32
        %get3A_432 = arith.index_cast %get3A_431 : i32 to index
        %get3A_433 = arith.index_cast %scan3A_112 : i32 to index
        %get3A_434 = arith.constant 320 : index
        %get3A_435 = tpu.vector_load %arg8[%get3A_432, %get3A_433, %get3A_434] {strides = array<i32>} : memref<2x16x1024xf32, #tpu.memory_space<vmem>>, vector<16xf32>,
        %get3A_436 = arith.constant 1 : i32
        %get3A_437 = arith.index_cast %get3A_436 : i32 to index
        %get3A_438 = arith.index_cast %scan3A_112 : i32 to index
        %get3A_439 = arith.constant 320 : index
        %get3A_440 = tpu.vector_load %arg9[%get3A_437, %get3A_438, %get3A_439] {strides = array<i32>} : memref<2x16x1024xf32, #tpu.memory_space<vmem>>, vector<16xf32>,
        %add3A_441 = arith.addf %get3A_435, %get3A_440 : vector<16xf32>
        %swap3A_442 = arith.constant 1 : i32
        %swap3A_443 = arith.index_cast %swap3A_442 : i32 to index
        %swap3A_444 = arith.index_cast %scan3A_112 : i32 to index
        %swap3A_445 = arith.constant 320 : index
        %swap3A_446 = tpu.vector_load %arg8[%swap3A_443, %swap3A_444, %swap3A_445] {strides = array<i32>} : memref<2x16x1024xf32, #tpu.memory_space<vmem>>, vector<16xf32>,
        tpu.vector_store %arg8[%swap3A_443, %swap3A_444, %swap3A_445], %add3A_441 {strides = array<i32>} : memref<2x16x1024xf32, #tpu.memory_space<vmem>>, vector<16xf32>,
        %get3A_447 = arith.constant 1 : i32
        %get3A_448 = arith.index_cast %get3A_447 : i32 to index
        %get3A_449 = arith.index_cast %scan3A_112 : i32 to index
        %get3A_450 = arith.constant 336 : index
        %get3A_451 = tpu.vector_load %arg8[%get3A_448, %get3A_449, %get3A_450] {strides = array<i32>} : memref<2x16x1024xf32, #tpu.memory_space<vmem>>, vector<16xf32>,
        %get3A_452 = arith.constant 1 : i32
        %get3A_453 = arith.index_cast %get3A_452 : i32 to index
        %get3A_454 = arith.index_cast %scan3A_112 : i32 to index
        %get3A_455 = arith.constant 336 : index
        %get3A_456 = tpu.vector_load %arg9[%get3A_453, %get3A_454, %get3A_455] {strides = array<i32>} : memref<2x16x1024xf32, #tpu.memory_space<vmem>>, vector<16xf32>,
        %add3A_457 = arith.addf %get3A_451, %get3A_456 : vector<16xf32>
        %swap3A_458 = arith.constant 1 : i32
        %swap3A_459 = arith.index_cast %swap3A_458 : i32 to index
        %swap3A_460 = arith.index_cast %scan3A_112 : i32 to index
        %swap3A_461 = arith.constant 336 : index
        %swap3A_462 = tpu.vector_load %arg8[%swap3A_459, %swap3A_460, %swap3A_461] {strides = array<i32>} : memref<2x16x1024xf32, #tpu.memory_space<vmem>>, vector<16xf32>,
        tpu.vector_store %arg8[%swap3A_459, %swap3A_460, %swap3A_461], %add3A_457 {strides = array<i32>} : memref<2x16x1024xf32, #tpu.memory_space<vmem>>, vector<16xf32>,
        %get3A_463 = arith.constant 1 : i32
        %get3A_464 = arith.index_cast %get3A_463 : i32 to index
        %get3A_465 = arith.index_cast %scan3A_112 : i32 to index
        %get3A_466 = arith.constant 352 : index
        %get3A_467 = tpu.vector_load %arg8[%get3A_464, %get3A_465, %get3A_466] {strides = array<i32>} : memref<2x16x1024xf32, #tpu.memory_space<vmem>>, vector<16xf32>,
        %get3A_468 = arith.constant 1 : i32
        %get3A_469 = arith.index_cast %get3A_468 : i32 to index
        %get3A_470 = arith.index_cast %scan3A_112 : i32 to index
        %get3A_471 = arith.constant 352 : index
        %get3A_472 = tpu.vector_load %arg9[%get3A_469, %get3A_470, %get3A_471] {strides = array<i32>} : memref<2x16x1024xf32, #tpu.memory_space<vmem>>, vector<16xf32>,
        %add3A_473 = arith.addf %get3A_467, %get3A_472 : vector<16xf32>
        %swap3A_474 = arith.constant 1 : i32
        %swap3A_475 = arith.index_cast %swap3A_474 : i32 to index
        %swap3A_476 = arith.index_cast %scan3A_112 : i32 to index
        %swap3A_477 = arith.constant 352 : index
        %swap3A_478 = tpu.vector_load %arg8[%swap3A_475, %swap3A_476, %swap3A_477] {strides = array<i32>} : memref<2x16x1024xf32, #tpu.memory_space<vmem>>, vector<16xf32>,
        tpu.vector_store %arg8[%swap3A_475, %swap3A_476, %swap3A_477], %add3A_473 {strides = array<i32>} : memref<2x16x1024xf32, #tpu.memory_space<vmem>>, vector<16xf32>,
        %get3A_479 = arith.constant 1 : i32
        %get3A_480 = arith.index_cast %get3A_479 : i32 to index
        %get3A_481 = arith.index_cast %scan3A_112 : i32 to index
        %get3A_482 = arith.constant 368 : index
        %get3A_483 = tpu.vector_load %arg8[%get3A_480, %get3A_481, %get3A_482] {strides = array<i32>} : memref<2x16x1024xf32, #tpu.memory_space<vmem>>, vector<16xf32>,
        %get3A_484 = arith.constant 1 : i32
        %get3A_485 = arith.index_cast %get3A_484 : i32 to index
        %get3A_486 = arith.index_cast %scan3A_112 : i32 to index
        %get3A_487 = arith.constant 368 : index
        %get3A_488 = tpu.vector_load %arg9[%get3A_485, %get3A_486, %get3A_487] {strides = array<i32>} : memref<2x16x1024xf32, #tpu.memory_space<vmem>>, vector<16xf32>,
        %add3A_489 = arith.addf %get3A_483, %get3A_488 : vector<16xf32>
        %swap3A_490 = arith.constant 1 : i32
        %swap3A_491 = arith.index_cast %swap3A_490 : i32 to index
        %swap3A_492 = arith.index_cast %scan3A_112 : i32 to index
        %swap3A_493 = arith.constant 368 : index
        %swap3A_494 = tpu.vector_load %arg8[%swap3A_491, %swap3A_492, %swap3A_493] {strides = array<i32>} : memref<2x16x1024xf32, #tpu.memory_space<vmem>>, vector<16xf32>,
        tpu.vector_store %arg8[%swap3A_491, %swap3A_492, %swap3A_493], %add3A_489 {strides = array<i32>} : memref<2x16x1024xf32, #tpu.memory_space<vmem>>, vector<16xf32>,
        %get3A_495 = arith.constant 1 : i32
        %get3A_496 = arith.index_cast %get3A_495 : i32 to index
        %get3A_497 = arith.index_cast %scan3A_112 : i32 to index
        %get3A_498 = arith.constant 384 : index
        %get3A_499 = tpu.vector_load %arg8[%get3A_496, %get3A_497, %get3A_498] {strides = array<i32>} : memref<2x16x1024xf32, #tpu.memory_space<vmem>>, vector<16xf32>,
        %get3A_500 = arith.constant 1 : i32
        %get3A_501 = arith.index_cast %get3A_500 : i32 to index
        %get3A_502 = arith.index_cast %scan3A_112 : i32 to index
        %get3A_503 = arith.constant 384 : index
        %get3A_504 = tpu.vector_load %arg9[%get3A_501, %get3A_502, %get3A_503] {strides = array<i32>} : memref<2x16x1024xf32, #tpu.memory_space<vmem>>, vector<16xf32>,
        %add3A_505 = arith.addf %get3A_499, %get3A_504 : vector<16xf32>
        %swap3A_506 = arith.constant 1 : i32
        %swap3A_507 = arith.index_cast %swap3A_506 : i32 to index
        %swap3A_508 = arith.index_cast %scan3A_112 : i32 to index
        %swap3A_509 = arith.constant 384 : index
        %swap3A_510 = tpu.vector_load %arg8[%swap3A_507, %swap3A_508, %swap3A_509] {strides = array<i32>} : memref<2x16x1024xf32, #tpu.memory_space<vmem>>, vector<16xf32>,
        tpu.vector_store %arg8[%swap3A_507, %swap3A_508, %swap3A_509], %add3A_505 {strides = array<i32>} : memref<2x16x1024xf32, #tpu.memory_space<vmem>>, vector<16xf32>,
        %get3A_511 = arith.constant 1 : i32
        %get3A_512 = arith.index_cast %get3A_511 : i32 to index
        %get3A_513 = arith.index_cast %scan3A_112 : i32 to index
        %get3A_514 = arith.constant 400 : index
        %get3A_515 = tpu.vector_load %arg8[%get3A_512, %get3A_513, %get3A_514] {strides = array<i32>} : memref<2x16x1024xf32, #tpu.memory_space<vmem>>, vector<16xf32>,
        %get3A_516 = arith.constant 1 : i32
        %get3A_517 = arith.index_cast %get3A_516 : i32 to index
        %get3A_518 = arith.index_cast %scan3A_112 : i32 to index
        %get3A_519 = arith.constant 400 : index
        %get3A_520 = tpu.vector_load %arg9[%get3A_517, %get3A_518, %get3A_519] {strides = array<i32>} : memref<2x16x1024xf32, #tpu.memory_space<vmem>>, vector<16xf32>,
        %add3A_521 = arith.addf %get3A_515, %get3A_520 : vector<16xf32>
        %swap3A_522 = arith.constant 1 : i32
        %swap3A_523 = arith.index_cast %swap3A_522 : i32 to index
        %swap3A_524 = arith.index_cast %scan3A_112 : i32 to index
        %swap3A_525 = arith.constant 400 : index
        %swap3A_526 = tpu.vector_load %arg8[%swap3A_523, %swap3A_524, %swap3A_525] {strides = array<i32>} : memref<2x16x1024xf32, #tpu.memory_space<vmem>>, vector<16xf32>,
        tpu.vector_store %arg8[%swap3A_523, %swap3A_524, %swap3A_525], %add3A_521 {strides = array<i32>} : memref<2x16x1024xf32, #tpu.memory_space<vmem>>, vector<16xf32>,
        %get3A_527 = arith.constant 1 : i32
        %get3A_528 = arith.index_cast %get3A_527 : i32 to index
        %get3A_529 = arith.index_cast %scan3A_112 : i32 to index
        %get3A_530 = arith.constant 416 : index
        %get3A_531 = tpu.vector_load %arg8[%get3A_528, %get3A_529, %get3A_530] {strides = array<i32>} : memref<2x16x1024xf32, #tpu.memory_space<vmem>>, vector<16xf32>,
        %get3A_532 = arith.constant 1 : i32
        %get3A_533 = arith.index_cast %get3A_532 : i32 to index
        %get3A_534 = arith.index_cast %scan3A_112 : i32 to index
        %get3A_535 = arith.constant 416 : index
        %get3A_536 = tpu.vector_load %arg9[%get3A_533, %get3A_534, %get3A_535] {strides = array<i32>} : memref<2x16x1024xf32, #tpu.memory_space<vmem>>, vector<16xf32>,
        %add3A_537 = arith.addf %get3A_531, %get3A_536 : vector<16xf32>
        %swap3A_538 = arith.constant 1 : i32
        %swap3A_539 = arith.index_cast %swap3A_538 : i32 to index
        %swap3A_540 = arith.index_cast %scan3A_112 : i32 to index
        %swap3A_541 = arith.constant 416 : index
        %swap3A_542 = tpu.vector_load %arg8[%swap3A_539, %swap3A_540, %swap3A_541] {strides = array<i32>} : memref<2x16x1024xf32, #tpu.memory_space<vmem>>, vector<16xf32>,
        tpu.vector_store %arg8[%swap3A_539, %swap3A_540, %swap3A_541], %add3A_537 {strides = array<i32>} : memref<2x16x1024xf32, #tpu.memory_space<vmem>>, vector<16xf32>,
        %get3A_543 = arith.constant 1 : i32
        %get3A_544 = arith.index_cast %get3A_543 : i32 to index
        %get3A_545 = arith.index_cast %scan3A_112 : i32 to index
        %get3A_546 = arith.constant 432 : index
        %get3A_547 = tpu.vector_load %arg8[%get3A_544, %get3A_545, %get3A_546] {strides = array<i32>} : memref<2x16x1024xf32, #tpu.memory_space<vmem>>, vector<16xf32>,
        %get3A_548 = arith.constant 1 : i32
        %get3A_549 = arith.index_cast %get3A_548 : i32 to index
        %get3A_550 = arith.index_cast %scan3A_112 : i32 to index
        %get3A_551 = arith.constant 432 : index
        %get3A_552 = tpu.vector_load %arg9[%get3A_549, %get3A_550, %get3A_551] {strides = array<i32>} : memref<2x16x1024xf32, #tpu.memory_space<vmem>>, vector<16xf32>,
        %add3A_553 = arith.addf %get3A_547, %get3A_552 : vector<16xf32>
        %swap3A_554 = arith.constant 1 : i32
        %swap3A_555 = arith.index_cast %swap3A_554 : i32 to index
        %swap3A_556 = arith.index_cast %scan3A_112 : i32 to index
        %swap3A_557 = arith.constant 432 : index
        %swap3A_558 = tpu.vector_load %arg8[%swap3A_555, %swap3A_556, %swap3A_557] {strides = array<i32>} : memref<2x16x1024xf32, #tpu.memory_space<vmem>>, vector<16xf32>,
        tpu.vector_store %arg8[%swap3A_555, %swap3A_556, %swap3A_557], %add3A_553 {strides = array<i32>} : memref<2x16x1024xf32, #tpu.memory_space<vmem>>, vector<16xf32>,
        %get3A_559 = arith.constant 1 : i32
        %get3A_560 = arith.index_cast %get3A_559 : i32 to index
        %get3A_561 = arith.index_cast %scan3A_112 : i32 to index
        %get3A_562 = arith.constant 448 : index
        %get3A_563 = tpu.vector_load %arg8[%get3A_560, %get3A_561, %get3A_562] {strides = array<i32>} : memref<2x16x1024xf32, #tpu.memory_space<vmem>>, vector<16xf32>,
        %get3A_564 = arith.constant 1 : i32
        %get3A_565 = arith.index_cast %get3A_564 : i32 to index
        %get3A_566 = arith.index_cast %scan3A_112 : i32 to index
        %get3A_567 = arith.constant 448 : index
        %get3A_568 = tpu.vector_load %arg9[%get3A_565, %get3A_566, %get3A_567] {strides = array<i32>} : memref<2x16x1024xf32, #tpu.memory_space<vmem>>, vector<16xf32>,
        %add3A_569 = arith.addf %get3A_563, %get3A_568 : vector<16xf32>
        %swap3A_570 = arith.constant 1 : i32
        %swap3A_571 = arith.index_cast %swap3A_570 : i32 to index
        %swap3A_572 = arith.index_cast %scan3A_112 : i32 to index
        %swap3A_573 = arith.constant 448 : index
        %swap3A_574 = tpu.vector_load %arg8[%swap3A_571, %swap3A_572, %swap3A_573] {strides = array<i32>} : memref<2x16x1024xf32, #tpu.memory_space<vmem>>, vector<16xf32>,
        tpu.vector_store %arg8[%swap3A_571, %swap3A_572, %swap3A_573], %add3A_569 {strides = array<i32>} : memref<2x16x1024xf32, #tpu.memory_space<vmem>>, vector<16xf32>,
        %get3A_575 = arith.constant 1 : i32
        %get3A_576 = arith.index_cast %get3A_575 : i32 to index
        %get3A_577 = arith.index_cast %scan3A_112 : i32 to index
        %get3A_578 = arith.constant 464 : index
        %get3A_579 = tpu.vector_load %arg8[%get3A_576, %get3A_577, %get3A_578] {strides = array<i32>} : memref<2x16x1024xf32, #tpu.memory_space<vmem>>, vector<16xf32>,
        %get3A_580 = arith.constant 1 : i32
        %get3A_581 = arith.index_cast %get3A_580 : i32 to index
        %get3A_582 = arith.index_cast %scan3A_112 : i32 to index
        %get3A_583 = arith.constant 464 : index
        %get3A_584 = tpu.vector_load %arg9[%get3A_581, %get3A_582, %get3A_583] {strides = array<i32>} : memref<2x16x1024xf32, #tpu.memory_space<vmem>>, vector<16xf32>,
        %add3A_585 = arith.addf %get3A_579, %get3A_584 : vector<16xf32>
        %swap3A_586 = arith.constant 1 : i32
        %swap3A_587 = arith.index_cast %swap3A_586 : i32 to index
        %swap3A_588 = arith.index_cast %scan3A_112 : i32 to index
        %swap3A_589 = arith.constant 464 : index
        %swap3A_590 = tpu.vector_load %arg8[%swap3A_587, %swap3A_588, %swap3A_589] {strides = array<i32>} : memref<2x16x1024xf32, #tpu.memory_space<vmem>>, vector<16xf32>,
        tpu.vector_store %arg8[%swap3A_587, %swap3A_588, %swap3A_589], %add3A_585 {strides = array<i32>} : memref<2x16x1024xf32, #tpu.memory_space<vmem>>, vector<16xf32>,
        %get3A_591 = arith.constant 1 : i32
        %get3A_592 = arith.index_cast %get3A_591 : i32 to index
        %get3A_593 = arith.index_cast %scan3A_112 : i32 to index
        %get3A_594 = arith.constant 480 : index
        %get3A_595 = tpu.vector_load %arg8[%get3A_592, %get3A_593, %get3A_594] {strides = array<i32>} : memref<2x16x1024xf32, #tpu.memory_space<vmem>>, vector<16xf32>,
        %get3A_596 = arith.constant 1 : i32
        %get3A_597 = arith.index_cast %get3A_596 : i32 to index
        %get3A_598 = arith.index_cast %scan3A_112 : i32 to index
        %get3A_599 = arith.constant 480 : index
        %get3A_600 = tpu.vector_load %arg9[%get3A_597, %get3A_598, %get3A_599] {strides = array<i32>} : memref<2x16x1024xf32, #tpu.memory_space<vmem>>, vector<16xf32>,
        %add3A_601 = arith.addf %get3A_595, %get3A_600 : vector<16xf32>
        %swap3A_602 = arith.constant 1 : i32
        %swap3A_603 = arith.index_cast %swap3A_602 : i32 to index
        %swap3A_604 = arith.index_cast %scan3A_112 : i32 to index
        %swap3A_605 = arith.constant 480 : index
        %swap3A_606 = tpu.vector_load %arg8[%swap3A_603, %swap3A_604, %swap3A_605] {strides = array<i32>} : memref<2x16x1024xf32, #tpu.memory_space<vmem>>, vector<16xf32>,
        tpu.vector_store %arg8[%swap3A_603, %swap3A_604, %swap3A_605], %add3A_601 {strides = array<i32>} : memref<2x16x1024xf32, #tpu.memory_space<vmem>>, vector<16xf32>,
        %get3A_607 = arith.constant 1 : i32
        %get3A_608 = arith.index_cast %get3A_607 : i32 to index
        %get3A_609 = arith.index_cast %scan3A_112 : i32 to index
        %get3A_610 = arith.constant 496 : index
        %get3A_611 = tpu.vector_load %arg8[%get3A_608, %get3A_609, %get3A_610] {strides = array<i32>} : memref<2x16x1024xf32, #tpu.memory_space<vmem>>, vector<16xf32>,
        %get3A_612 = arith.constant 1 : i32
        %get3A_613 = arith.index_cast %get3A_612 : i32 to index
        %get3A_614 = arith.index_cast %scan3A_112 : i32 to index
        %get3A_615 = arith.constant 496 : index
        %get3A_616 = tpu.vector_load %arg9[%get3A_613, %get3A_614, %get3A_615] {strides = array<i32>} : memref<2x16x1024xf32, #tpu.memory_space<vmem>>, vector<16xf32>,
        %add3A_617 = arith.addf %get3A_611, %get3A_616 : vector<16xf32>
        %swap3A_618 = arith.constant 1 : i32
        %swap3A_619 = arith.index_cast %swap3A_618 : i32 to index
        %swap3A_620 = arith.index_cast %scan3A_112 : i32 to index
        %swap3A_621 = arith.constant 496 : index
        %swap3A_622 = tpu.vector_load %arg8[%swap3A_619, %swap3A_620, %swap3A_621] {strides = array<i32>} : memref<2x16x1024xf32, #tpu.memory_space<vmem>>, vector<16xf32>,
        tpu.vector_store %arg8[%swap3A_619, %swap3A_620, %swap3A_621], %add3A_617 {strides = array<i32>} : memref<2x16x1024xf32, #tpu.memory_space<vmem>>, vector<16xf32>,
        %get3A_623 = arith.constant 1 : i32
        %get3A_624 = arith.index_cast %get3A_623 : i32 to index
        %get3A_625 = arith.index_cast %scan3A_112 : i32 to index
        %get3A_626 = arith.constant 512 : index
        %get3A_627 = tpu.vector_load %arg8[%get3A_624, %get3A_625, %get3A_626] {strides = array<i32>} : memref<2x16x1024xf32, #tpu.memory_space<vmem>>, vector<16xf32>,
        %get3A_628 = arith.constant 1 : i32
        %get3A_629 = arith.index_cast %get3A_628 : i32 to index
        %get3A_630 = arith.index_cast %scan3A_112 : i32 to index
        %get3A_631 = arith.constant 512 : index
        %get3A_632 = tpu.vector_load %arg9[%get3A_629, %get3A_630, %get3A_631] {strides = array<i32>} : memref<2x16x1024xf32, #tpu.memory_space<vmem>>, vector<16xf32>,
        %add3A_633 = arith.addf %get3A_627, %get3A_632 : vector<16xf32>
        %swap3A_634 = arith.constant 1 : i32
        %swap3A_635 = arith.index_cast %swap3A_634 : i32 to index
        %swap3A_636 = arith.index_cast %scan3A_112 : i32 to index
        %swap3A_637 = arith.constant 512 : index
        %swap3A_638 = tpu.vector_load %arg8[%swap3A_635, %swap3A_636, %swap3A_637] {strides = array<i32>} : memref<2x16x1024xf32, #tpu.memory_space<vmem>>, vector<16xf32>,
        tpu.vector_store %arg8[%swap3A_635, %swap3A_636, %swap3A_637], %add3A_633 {strides = array<i32>} : memref<2x16x1024xf32, #tpu.memory_space<vmem>>, vector<16xf32>,
        %get3A_639 = arith.constant 1 : i32
        %get3A_640 = arith.index_cast %get3A_639 : i32 to index
        %get3A_641 = arith.index_cast %scan3A_112 : i32 to index
        %get3A_642 = arith.constant 528 : index
        %get3A_643 = tpu.vector_load %arg8[%get3A_640, %get3A_641, %get3A_642] {strides = array<i32>} : memref<2x16x1024xf32, #tpu.memory_space<vmem>>, vector<16xf32>,
        %get3A_644 = arith.constant 1 : i32
        %get3A_645 = arith.index_cast %get3A_644 : i32 to index
        %get3A_646 = arith.index_cast %scan3A_112 : i32 to index
        %get3A_647 = arith.constant 528 : index
        %get3A_648 = tpu.vector_load %arg9[%get3A_645, %get3A_646, %get3A_647] {strides = array<i32>} : memref<2x16x1024xf32, #tpu.memory_space<vmem>>, vector<16xf32>,
        %add3A_649 = arith.addf %get3A_643, %get3A_648 : vector<16xf32>
        %swap3A_650 = arith.constant 1 : i32
        %swap3A_651 = arith.index_cast %swap3A_650 : i32 to index
        %swap3A_652 = arith.index_cast %scan3A_112 : i32 to index
        %swap3A_653 = arith.constant 528 : index
        %swap3A_654 = tpu.vector_load %arg8[%swap3A_651, %swap3A_652, %swap3A_653] {strides = array<i32>} : memref<2x16x1024xf32, #tpu.memory_space<vmem>>, vector<16xf32>,
        tpu.vector_store %arg8[%swap3A_651, %swap3A_652, %swap3A_653], %add3A_649 {strides = array<i32>} : memref<2x16x1024xf32, #tpu.memory_space<vmem>>, vector<16xf32>,
        %get3A_655 = arith.constant 1 : i32
        %get3A_656 = arith.index_cast %get3A_655 : i32 to index
        %get3A_657 = arith.index_cast %scan3A_112 : i32 to index
        %get3A_658 = arith.constant 544 : index
        %get3A_659 = tpu.vector_load %arg8[%get3A_656, %get3A_657, %get3A_658] {strides = array<i32>} : memref<2x16x1024xf32, #tpu.memory_space<vmem>>, vector<16xf32>,
        %get3A_660 = arith.constant 1 : i32
        %get3A_661 = arith.index_cast %get3A_660 : i32 to index
        %get3A_662 = arith.index_cast %scan3A_112 : i32 to index
        %get3A_663 = arith.constant 544 : index
        %get3A_664 = tpu.vector_load %arg9[%get3A_661, %get3A_662, %get3A_663] {strides = array<i32>} : memref<2x16x1024xf32, #tpu.memory_space<vmem>>, vector<16xf32>,
        %add3A_665 = arith.addf %get3A_659, %get3A_664 : vector<16xf32>
        %swap3A_666 = arith.constant 1 : i32
        %swap3A_667 = arith.index_cast %swap3A_666 : i32 to index
        %swap3A_668 = arith.index_cast %scan3A_112 : i32 to index
        %swap3A_669 = arith.constant 544 : index
        %swap3A_670 = tpu.vector_load %arg8[%swap3A_667, %swap3A_668, %swap3A_669] {strides = array<i32>} : memref<2x16x1024xf32, #tpu.memory_space<vmem>>, vector<16xf32>,
        tpu.vector_store %arg8[%swap3A_667, %swap3A_668, %swap3A_669], %add3A_665 {strides = array<i32>} : memref<2x16x1024xf32, #tpu.memory_space<vmem>>, vector<16xf32>,
        %get3A_671 = arith.constant 1 : i32
        %get3A_672 = arith.index_cast %get3A_671 : i32 to index
        %get3A_673 = arith.index_cast %scan3A_112 : i32 to index
        %get3A_674 = arith.constant 560 : index
        %get3A_675 = tpu.vector_load %arg8[%get3A_672, %get3A_673, %get3A_674] {strides = array<i32>} : memref<2x16x1024xf32, #tpu.memory_space<vmem>>, vector<16xf32>,
        %get3A_676 = arith.constant 1 : i32
        %get3A_677 = arith.index_cast %get3A_676 : i32 to index
        %get3A_678 = arith.index_cast %scan3A_112 : i32 to index
        %get3A_679 = arith.constant 560 : index
        %get3A_680 = tpu.vector_load %arg9[%get3A_677, %get3A_678, %get3A_679] {strides = array<i32>} : memref<2x16x1024xf32, #tpu.memory_space<vmem>>, vector<16xf32>,
        %add3A_681 = arith.addf %get3A_675, %get3A_680 : vector<16xf32>
        %swap3A_682 = arith.constant 1 : i32
        %swap3A_683 = arith.index_cast %swap3A_682 : i32 to index
        %swap3A_684 = arith.index_cast %scan3A_112 : i32 to index
        %swap3A_685 = arith.constant 560 : index
        %swap3A_686 = tpu.vector_load %arg8[%swap3A_683, %swap3A_684, %swap3A_685] {strides = array<i32>} : memref<2x16x1024xf32, #tpu.memory_space<vmem>>, vector<16xf32>,
        tpu.vector_store %arg8[%swap3A_683, %swap3A_684, %swap3A_685], %add3A_681 {strides = array<i32>} : memref<2x16x1024xf32, #tpu.memory_space<vmem>>, vector<16xf32>,
        %get3A_687 = arith.constant 1 : i32
        %get3A_688 = arith.index_cast %get3A_687 : i32 to index
        %get3A_689 = arith.index_cast %scan3A_112 : i32 to index
        %get3A_690 = arith.constant 576 : index
        %get3A_691 = tpu.vector_load %arg8[%get3A_688, %get3A_689, %get3A_690] {strides = array<i32>} : memref<2x16x1024xf32, #tpu.memory_space<vmem>>, vector<16xf32>,
        %get3A_692 = arith.constant 1 : i32
        %get3A_693 = arith.index_cast %get3A_692 : i32 to index
        %get3A_694 = arith.index_cast %scan3A_112 : i32 to index
        %get3A_695 = arith.constant 576 : index
        %get3A_696 = tpu.vector_load %arg9[%get3A_693, %get3A_694, %get3A_695] {strides = array<i32>} : memref<2x16x1024xf32, #tpu.memory_space<vmem>>, vector<16xf32>,
        %add3A_697 = arith.addf %get3A_691, %get3A_696 : vector<16xf32>
        %swap3A_698 = arith.constant 1 : i32
        %swap3A_699 = arith.index_cast %swap3A_698 : i32 to index
        %swap3A_700 = arith.index_cast %scan3A_112 : i32 to index
        %swap3A_701 = arith.constant 576 : index
        %swap3A_702 = tpu.vector_load %arg8[%swap3A_699, %swap3A_700, %swap3A_701] {strides = array<i32>} : memref<2x16x1024xf32, #tpu.memory_space<vmem>>, vector<16xf32>,
        tpu.vector_store %arg8[%swap3A_699, %swap3A_700, %swap3A_701], %add3A_697 {strides = array<i32>} : memref<2x16x1024xf32, #tpu.memory_space<vmem>>, vector<16xf32>,
        %get3A_703 = arith.constant 1 : i32
        %get3A_704 = arith.index_cast %get3A_703 : i32 to index
        %get3A_705 = arith.index_cast %scan3A_112 : i32 to index
        %get3A_706 = arith.constant 592 : index
        %get3A_707 = tpu.vector_load %arg8[%get3A_704, %get3A_705, %get3A_706] {strides = array<i32>} : memref<2x16x1024xf32, #tpu.memory_space<vmem>>, vector<16xf32>,
        %get3A_708 = arith.constant 1 : i32
        %get3A_709 = arith.index_cast %get3A_708 : i32 to index
        %get3A_710 = arith.index_cast %scan3A_112 : i32 to index
        %get3A_711 = arith.constant 592 : index
        %get3A_712 = tpu.vector_load %arg9[%get3A_709, %get3A_710, %get3A_711] {strides = array<i32>} : memref<2x16x1024xf32, #tpu.memory_space<vmem>>, vector<16xf32>,
        %add3A_713 = arith.addf %get3A_707, %get3A_712 : vector<16xf32>
        %swap3A_714 = arith.constant 1 : i32
        %swap3A_715 = arith.index_cast %swap3A_714 : i32 to index
        %swap3A_716 = arith.index_cast %scan3A_112 : i32 to index
        %swap3A_717 = arith.constant 592 : index
        %swap3A_718 = tpu.vector_load %arg8[%swap3A_715, %swap3A_716, %swap3A_717] {strides = array<i32>} : memref<2x16x1024xf32, #tpu.memory_space<vmem>>, vector<16xf32>,
        tpu.vector_store %arg8[%swap3A_715, %swap3A_716, %swap3A_717], %add3A_713 {strides = array<i32>} : memref<2x16x1024xf32, #tpu.memory_space<vmem>>, vector<16xf32>,
        %get3A_719 = arith.constant 1 : i32
        %get3A_720 = arith.index_cast %get3A_719 : i32 to index
        %get3A_721 = arith.index_cast %scan3A_112 : i32 to index
        %get3A_722 = arith.constant 608 : index
        %get3A_723 = tpu.vector_load %arg8[%get3A_720, %get3A_721, %get3A_722] {strides = array<i32>} : memref<2x16x1024xf32, #tpu.memory_space<vmem>>, vector<16xf32>,
        %get3A_724 = arith.constant 1 : i32
        %get3A_725 = arith.index_cast %get3A_724 : i32 to index
        %get3A_726 = arith.index_cast %scan3A_112 : i32 to index
        %get3A_727 = arith.constant 608 : index
        %get3A_728 = tpu.vector_load %arg9[%get3A_725, %get3A_726, %get3A_727] {strides = array<i32>} : memref<2x16x1024xf32, #tpu.memory_space<vmem>>, vector<16xf32>,
        %add3A_729 = arith.addf %get3A_723, %get3A_728 : vector<16xf32>
        %swap3A_730 = arith.constant 1 : i32
        %swap3A_731 = arith.index_cast %swap3A_730 : i32 to index
        %swap3A_732 = arith.index_cast %scan3A_112 : i32 to index
        %swap3A_733 = arith.constant 608 : index
        %swap3A_734 = tpu.vector_load %arg8[%swap3A_731, %swap3A_732, %swap3A_733] {strides = array<i32>} : memref<2x16x1024xf32, #tpu.memory_space<vmem>>, vector<16xf32>,
        tpu.vector_store %arg8[%swap3A_731, %swap3A_732, %swap3A_733], %add3A_729 {strides = array<i32>} : memref<2x16x1024xf32, #tpu.memory_space<vmem>>, vector<16xf32>,
        %get3A_735 = arith.constant 1 : i32
        %get3A_736 = arith.index_cast %get3A_735 : i32 to index
        %get3A_737 = arith.index_cast %scan3A_112 : i32 to index
        %get3A_738 = arith.constant 624 : index
        %get3A_739 = tpu.vector_load %arg8[%get3A_736, %get3A_737, %get3A_738] {strides = array<i32>} : memref<2x16x1024xf32, #tpu.memory_space<vmem>>, vector<16xf32>,
        %get3A_740 = arith.constant 1 : i32
        %get3A_741 = arith.index_cast %get3A_740 : i32 to index
        %get3A_742 = arith.index_cast %scan3A_112 : i32 to index
        %get3A_743 = arith.constant 624 : index
        %get3A_744 = tpu.vector_load %arg9[%get3A_741, %get3A_742, %get3A_743] {strides = array<i32>} : memref<2x16x1024xf32, #tpu.memory_space<vmem>>, vector<16xf32>,
        %add3A_745 = arith.addf %get3A_739, %get3A_744 : vector<16xf32>
        %swap3A_746 = arith.constant 1 : i32
        %swap3A_747 = arith.index_cast %swap3A_746 : i32 to index
        %swap3A_748 = arith.index_cast %scan3A_112 : i32 to index
        %swap3A_749 = arith.constant 624 : index
        %swap3A_750 = tpu.vector_load %arg8[%swap3A_747, %swap3A_748, %swap3A_749] {strides = array<i32>} : memref<2x16x1024xf32, #tpu.memory_space<vmem>>, vector<16xf32>,
        tpu.vector_store %arg8[%swap3A_747, %swap3A_748, %swap3A_749], %add3A_745 {strides = array<i32>} : memref<2x16x1024xf32, #tpu.memory_space<vmem>>, vector<16xf32>,
        %get3A_751 = arith.constant 1 : i32
        %get3A_752 = arith.index_cast %get3A_751 : i32 to index
        %get3A_753 = arith.index_cast %scan3A_112 : i32 to index
        %get3A_754 = arith.constant 640 : index
        %get3A_755 = tpu.vector_load %arg8[%get3A_752, %get3A_753, %get3A_754] {strides = array<i32>} : memref<2x16x1024xf32, #tpu.memory_space<vmem>>, vector<16xf32>,
        %get3A_756 = arith.constant 1 : i32
        %get3A_757 = arith.index_cast %get3A_756 : i32 to index
        %get3A_758 = arith.index_cast %scan3A_112 : i32 to index
        %get3A_759 = arith.constant 640 : index
        %get3A_760 = tpu.vector_load %arg9[%get3A_757, %get3A_758, %get3A_759] {strides = array<i32>} : memref<2x16x1024xf32, #tpu.memory_space<vmem>>, vector<16xf32>,
        %add3A_761 = arith.addf %get3A_755, %get3A_760 : vector<16xf32>
        %swap3A_762 = arith.constant 1 : i32
        %swap3A_763 = arith.index_cast %swap3A_762 : i32 to index
        %swap3A_764 = arith.index_cast %scan3A_112 : i32 to index
        %swap3A_765 = arith.constant 640 : index
        %swap3A_766 = tpu.vector_load %arg8[%swap3A_763, %swap3A_764, %swap3A_765] {strides = array<i32>} : memref<2x16x1024xf32, #tpu.memory_space<vmem>>, vector<16xf32>,
        tpu.vector_store %arg8[%swap3A_763, %swap3A_764, %swap3A_765], %add3A_761 {strides = array<i32>} : memref<2x16x1024xf32, #tpu.memory_space<vmem>>, vector<16xf32>,
        %get3A_767 = arith.constant 1 : i32
        %get3A_768 = arith.index_cast %get3A_767 : i32 to index
        %get3A_769 = arith.index_cast %scan3A_112 : i32 to index
        %get3A_770 = arith.constant 656 : index
        %get3A_771 = tpu.vector_load %arg8[%get3A_768, %get3A_769, %get3A_770] {strides = array<i32>} : memref<2x16x1024xf32, #tpu.memory_space<vmem>>, vector<16xf32>,
        %get3A_772 = arith.constant 1 : i32
        %get3A_773 = arith.index_cast %get3A_772 : i32 to index
        %get3A_774 = arith.index_cast %scan3A_112 : i32 to index
        %get3A_775 = arith.constant 656 : index
        %get3A_776 = tpu.vector_load %arg9[%get3A_773, %get3A_774, %get3A_775] {strides = array<i32>} : memref<2x16x1024xf32, #tpu.memory_space<vmem>>, vector<16xf32>,
        %add3A_777 = arith.addf %get3A_771, %get3A_776 : vector<16xf32>
        %swap3A_778 = arith.constant 1 : i32
        %swap3A_779 = arith.index_cast %swap3A_778 : i32 to index
        %swap3A_780 = arith.index_cast %scan3A_112 : i32 to index
        %swap3A_781 = arith.constant 656 : index
        %swap3A_782 = tpu.vector_load %arg8[%swap3A_779, %swap3A_780, %swap3A_781] {strides = array<i32>} : memref<2x16x1024xf32, #tpu.memory_space<vmem>>, vector<16xf32>,
        tpu.vector_store %arg8[%swap3A_779, %swap3A_780, %swap3A_781], %add3A_777 {strides = array<i32>} : memref<2x16x1024xf32, #tpu.memory_space<vmem>>, vector<16xf32>,
        %get3A_783 = arith.constant 1 : i32
        %get3A_784 = arith.index_cast %get3A_783 : i32 to index
        %get3A_785 = arith.index_cast %scan3A_112 : i32 to index
        %get3A_786 = arith.constant 672 : index
        %get3A_787 = tpu.vector_load %arg8[%get3A_784, %get3A_785, %get3A_786] {strides = array<i32>} : memref<2x16x1024xf32, #tpu.memory_space<vmem>>, vector<16xf32>,
        %get3A_788 = arith.constant 1 : i32
        %get3A_789 = arith.index_cast %get3A_788 : i32 to index
        %get3A_790 = arith.index_cast %scan3A_112 : i32 to index
        %get3A_791 = arith.constant 672 : index
        %get3A_792 = tpu.vector_load %arg9[%get3A_789, %get3A_790, %get3A_791] {strides = array<i32>} : memref<2x16x1024xf32, #tpu.memory_space<vmem>>, vector<16xf32>,
        %add3A_793 = arith.addf %get3A_787, %get3A_792 : vector<16xf32>
        %swap3A_794 = arith.constant 1 : i32
        %swap3A_795 = arith.index_cast %swap3A_794 : i32 to index
        %swap3A_796 = arith.index_cast %scan3A_112 : i32 to index
        %swap3A_797 = arith.constant 672 : index
        %swap3A_798 = tpu.vector_load %arg8[%swap3A_795, %swap3A_796, %swap3A_797] {strides = array<i32>} : memref<2x16x1024xf32, #tpu.memory_space<vmem>>, vector<16xf32>,
        tpu.vector_store %arg8[%swap3A_795, %swap3A_796, %swap3A_797], %add3A_793 {strides = array<i32>} : memref<2x16x1024xf32, #tpu.memory_space<vmem>>, vector<16xf32>,
        %get3A_799 = arith.constant 1 : i32
        %get3A_800 = arith.index_cast %get3A_799 : i32 to index
        %get3A_801 = arith.index_cast %scan3A_112 : i32 to index
        %get3A_802 = arith.constant 688 : index
        %get3A_803 = tpu.vector_load %arg8[%get3A_800, %get3A_801, %get3A_802] {strides = array<i32>} : memref<2x16x1024xf32, #tpu.memory_space<vmem>>, vector<16xf32>,
        %get3A_804 = arith.constant 1 : i32
        %get3A_805 = arith.index_cast %get3A_804 : i32 to index
        %get3A_806 = arith.index_cast %scan3A_112 : i32 to index
        %get3A_807 = arith.constant 688 : index
        %get3A_808 = tpu.vector_load %arg9[%get3A_805, %get3A_806, %get3A_807] {strides = array<i32>} : memref<2x16x1024xf32, #tpu.memory_space<vmem>>, vector<16xf32>,
        %add3A_809 = arith.addf %get3A_803, %get3A_808 : vector<16xf32>
        %swap3A_810 = arith.constant 1 : i32
        %swap3A_811 = arith.index_cast %swap3A_810 : i32 to index
        %swap3A_812 = arith.index_cast %scan3A_112 : i32 to index
        %swap3A_813 = arith.constant 688 : index
        %swap3A_814 = tpu.vector_load %arg8[%swap3A_811, %swap3A_812, %swap3A_813] {strides = array<i32>} : memref<2x16x1024xf32, #tpu.memory_space<vmem>>, vector<16xf32>,
        tpu.vector_store %arg8[%swap3A_811, %swap3A_812, %swap3A_813], %add3A_809 {strides = array<i32>} : memref<2x16x1024xf32, #tpu.memory_space<vmem>>, vector<16xf32>,
        %get3A_815 = arith.constant 1 : i32
        %get3A_816 = arith.index_cast %get3A_815 : i32 to index
        %get3A_817 = arith.index_cast %scan3A_112 : i32 to index
        %get3A_818 = arith.constant 704 : index
        %get3A_819 = tpu.vector_load %arg8[%get3A_816, %get3A_817, %get3A_818] {strides = array<i32>} : memref<2x16x1024xf32, #tpu.memory_space<vmem>>, vector<16xf32>,
        %get3A_820 = arith.constant 1 : i32
        %get3A_821 = arith.index_cast %get3A_820 : i32 to index
        %get3A_822 = arith.index_cast %scan3A_112 : i32 to index
        %get3A_823 = arith.constant 704 : index
        %get3A_824 = tpu.vector_load %arg9[%get3A_821, %get3A_822, %get3A_823] {strides = array<i32>} : memref<2x16x1024xf32, #tpu.memory_space<vmem>>, vector<16xf32>,
        %add3A_825 = arith.addf %get3A_819, %get3A_824 : vector<16xf32>
        %swap3A_826 = arith.constant 1 : i32
        %swap3A_827 = arith.index_cast %swap3A_826 : i32 to index
        %swap3A_828 = arith.index_cast %scan3A_112 : i32 to index
        %swap3A_829 = arith.constant 704 : index
        %swap3A_830 = tpu.vector_load %arg8[%swap3A_827, %swap3A_828, %swap3A_829] {strides = array<i32>} : memref<2x16x1024xf32, #tpu.memory_space<vmem>>, vector<16xf32>,
        tpu.vector_store %arg8[%swap3A_827, %swap3A_828, %swap3A_829], %add3A_825 {strides = array<i32>} : memref<2x16x1024xf32, #tpu.memory_space<vmem>>, vector<16xf32>,
        %get3A_831 = arith.constant 1 : i32
        %get3A_832 = arith.index_cast %get3A_831 : i32 to index
        %get3A_833 = arith.index_cast %scan3A_112 : i32 to index
        %get3A_834 = arith.constant 720 : index
        %get3A_835 = tpu.vector_load %arg8[%get3A_832, %get3A_833, %get3A_834] {strides = array<i32>} : memref<2x16x1024xf32, #tpu.memory_space<vmem>>, vector<16xf32>,
        %get3A_836 = arith.constant 1 : i32
        %get3A_837 = arith.index_cast %get3A_836 : i32 to index
        %get3A_838 = arith.index_cast %scan3A_112 : i32 to index
        %get3A_839 = arith.constant 720 : index
        %get3A_840 = tpu.vector_load %arg9[%get3A_837, %get3A_838, %get3A_839] {strides = array<i32>} : memref<2x16x1024xf32, #tpu.memory_space<vmem>>, vector<16xf32>,
        %add3A_841 = arith.addf %get3A_835, %get3A_840 : vector<16xf32>
        %swap3A_842 = arith.constant 1 : i32
        %swap3A_843 = arith.index_cast %swap3A_842 : i32 to index
        %swap3A_844 = arith.index_cast %scan3A_112 : i32 to index
        %swap3A_845 = arith.constant 720 : index
        %swap3A_846 = tpu.vector_load %arg8[%swap3A_843, %swap3A_844, %swap3A_845] {strides = array<i32>} : memref<2x16x1024xf32, #tpu.memory_space<vmem>>, vector<16xf32>,
        tpu.vector_store %arg8[%swap3A_843, %swap3A_844, %swap3A_845], %add3A_841 {strides = array<i32>} : memref<2x16x1024xf32, #tpu.memory_space<vmem>>, vector<16xf32>,
        %get3A_847 = arith.constant 1 : i32
        %get3A_848 = arith.index_cast %get3A_847 : i32 to index
        %get3A_849 = arith.index_cast %scan3A_112 : i32 to index
        %get3A_850 = arith.constant 736 : index
        %get3A_851 = tpu.vector_load %arg8[%get3A_848, %get3A_849, %get3A_850] {strides = array<i32>} : memref<2x16x1024xf32, #tpu.memory_space<vmem>>, vector<16xf32>,
        %get3A_852 = arith.constant 1 : i32
        %get3A_853 = arith.index_cast %get3A_852 : i32 to index
        %get3A_854 = arith.index_cast %scan3A_112 : i32 to index
        %get3A_855 = arith.constant 736 : index
        %get3A_856 = tpu.vector_load %arg9[%get3A_853, %get3A_854, %get3A_855] {strides = array<i32>} : memref<2x16x1024xf32, #tpu.memory_space<vmem>>, vector<16xf32>,
        %add3A_857 = arith.addf %get3A_851, %get3A_856 : vector<16xf32>
        %swap3A_858 = arith.constant 1 : i32
        %swap3A_859 = arith.index_cast %swap3A_858 : i32 to index
        %swap3A_860 = arith.index_cast %scan3A_112 : i32 to index
        %swap3A_861 = arith.constant 736 : index
        %swap3A_862 = tpu.vector_load %arg8[%swap3A_859, %swap3A_860, %swap3A_861] {strides = array<i32>} : memref<2x16x1024xf32, #tpu.memory_space<vmem>>, vector<16xf32>,
        tpu.vector_store %arg8[%swap3A_859, %swap3A_860, %swap3A_861], %add3A_857 {strides = array<i32>} : memref<2x16x1024xf32, #tpu.memory_space<vmem>>, vector<16xf32>,
        %get3A_863 = arith.constant 1 : i32
        %get3A_864 = arith.index_cast %get3A_863 : i32 to index
        %get3A_865 = arith.index_cast %scan3A_112 : i32 to index
        %get3A_866 = arith.constant 752 : index
        %get3A_867 = tpu.vector_load %arg8[%get3A_864, %get3A_865, %get3A_866] {strides = array<i32>} : memref<2x16x1024xf32, #tpu.memory_space<vmem>>, vector<16xf32>,
        %get3A_868 = arith.constant 1 : i32
        %get3A_869 = arith.index_cast %get3A_868 : i32 to index
        %get3A_870 = arith.index_cast %scan3A_112 : i32 to index
        %get3A_871 = arith.constant 752 : index
        %get3A_872 = tpu.vector_load %arg9[%get3A_869, %get3A_870, %get3A_871] {strides = array<i32>} : memref<2x16x1024xf32, #tpu.memory_space<vmem>>, vector<16xf32>,
        %add3A_873 = arith.addf %get3A_867, %get3A_872 : vector<16xf32>
        %swap3A_874 = arith.constant 1 : i32
        %swap3A_875 = arith.index_cast %swap3A_874 : i32 to index
        %swap3A_876 = arith.index_cast %scan3A_112 : i32 to index
        %swap3A_877 = arith.constant 752 : index
        %swap3A_878 = tpu.vector_load %arg8[%swap3A_875, %swap3A_876, %swap3A_877] {strides = array<i32>} : memref<2x16x1024xf32, #tpu.memory_space<vmem>>, vector<16xf32>,
        tpu.vector_store %arg8[%swap3A_875, %swap3A_876, %swap3A_877], %add3A_873 {strides = array<i32>} : memref<2x16x1024xf32, #tpu.memory_space<vmem>>, vector<16xf32>,
        %get3A_879 = arith.constant 1 : i32
        %get3A_880 = arith.index_cast %get3A_879 : i32 to index
        %get3A_881 = arith.index_cast %scan3A_112 : i32 to index
        %get3A_882 = arith.constant 768 : index
        %get3A_883 = tpu.vector_load %arg8[%get3A_880, %get3A_881, %get3A_882] {strides = array<i32>} : memref<2x16x1024xf32, #tpu.memory_space<vmem>>, vector<16xf32>,
        %get3A_884 = arith.constant 1 : i32
        %get3A_885 = arith.index_cast %get3A_884 : i32 to index
        %get3A_886 = arith.index_cast %scan3A_112 : i32 to index
        %get3A_887 = arith.constant 768 : index
        %get3A_888 = tpu.vector_load %arg9[%get3A_885, %get3A_886, %get3A_887] {strides = array<i32>} : memref<2x16x1024xf32, #tpu.memory_space<vmem>>, vector<16xf32>,
        %add3A_889 = arith.addf %get3A_883, %get3A_888 : vector<16xf32>
        %swap3A_890 = arith.constant 1 : i32
        %swap3A_891 = arith.index_cast %swap3A_890 : i32 to index
        %swap3A_892 = arith.index_cast %scan3A_112 : i32 to index
        %swap3A_893 = arith.constant 768 : index
        %swap3A_894 = tpu.vector_load %arg8[%swap3A_891, %swap3A_892, %swap3A_893] {strides = array<i32>} : memref<2x16x1024xf32, #tpu.memory_space<vmem>>, vector<16xf32>,
        tpu.vector_store %arg8[%swap3A_891, %swap3A_892, %swap3A_893], %add3A_889 {strides = array<i32>} : memref<2x16x1024xf32, #tpu.memory_space<vmem>>, vector<16xf32>,
        %get3A_895 = arith.constant 1 : i32
        %get3A_896 = arith.index_cast %get3A_895 : i32 to index
        %get3A_897 = arith.index_cast %scan3A_112 : i32 to index
        %get3A_898 = arith.constant 784 : index
        %get3A_899 = tpu.vector_load %arg8[%get3A_896, %get3A_897, %get3A_898] {strides = array<i32>} : memref<2x16x1024xf32, #tpu.memory_space<vmem>>, vector<16xf32>,
        %get3A_900 = arith.constant 1 : i32
        %get3A_901 = arith.index_cast %get3A_900 : i32 to index
        %get3A_902 = arith.index_cast %scan3A_112 : i32 to index
        %get3A_903 = arith.constant 784 : index
        %get3A_904 = tpu.vector_load %arg9[%get3A_901, %get3A_902, %get3A_903] {strides = array<i32>} : memref<2x16x1024xf32, #tpu.memory_space<vmem>>, vector<16xf32>,
        %add3A_905 = arith.addf %get3A_899, %get3A_904 : vector<16xf32>
        %swap3A_906 = arith.constant 1 : i32
        %swap3A_907 = arith.index_cast %swap3A_906 : i32 to index
        %swap3A_908 = arith.index_cast %scan3A_112 : i32 to index
        %swap3A_909 = arith.constant 784 : index
        %swap3A_910 = tpu.vector_load %arg8[%swap3A_907, %swap3A_908, %swap3A_909] {strides = array<i32>} : memref<2x16x1024xf32, #tpu.memory_space<vmem>>, vector<16xf32>,
        tpu.vector_store %arg8[%swap3A_907, %swap3A_908, %swap3A_909], %add3A_905 {strides = array<i32>} : memref<2x16x1024xf32, #tpu.memory_space<vmem>>, vector<16xf32>,
        %get3A_911 = arith.constant 1 : i32
        %get3A_912 = arith.index_cast %get3A_911 : i32 to index
        %get3A_913 = arith.index_cast %scan3A_112 : i32 to index
        %get3A_914 = arith.constant 800 : index
        %get3A_915 = tpu.vector_load %arg8[%get3A_912, %get3A_913, %get3A_914] {strides = array<i32>} : memref<2x16x1024xf32, #tpu.memory_space<vmem>>, vector<16xf32>,
        %get3A_916 = arith.constant 1 : i32
        %get3A_917 = arith.index_cast %get3A_916 : i32 to index
        %get3A_918 = arith.index_cast %scan3A_112 : i32 to index
        %get3A_919 = arith.constant 800 : index
        %get3A_920 = tpu.vector_load %arg9[%get3A_917, %get3A_918, %get3A_919] {strides = array<i32>} : memref<2x16x1024xf32, #tpu.memory_space<vmem>>, vector<16xf32>,
        %add3A_921 = arith.addf %get3A_915, %get3A_920 : vector<16xf32>
        %swap3A_922 = arith.constant 1 : i32
        %swap3A_923 = arith.index_cast %swap3A_922 : i32 to index
        %swap3A_924 = arith.index_cast %scan3A_112 : i32 to index
        %swap3A_925 = arith.constant 800 : index
        %swap3A_926 = tpu.vector_load %arg8[%swap3A_923, %swap3A_924, %swap3A_925] {strides = array<i32>} : memref<2x16x1024xf32, #tpu.memory_space<vmem>>, vector<16xf32>,
        tpu.vector_store %arg8[%swap3A_923, %swap3A_924, %swap3A_925], %add3A_921 {strides = array<i32>} : memref<2x16x1024xf32, #tpu.memory_space<vmem>>, vector<16xf32>,
        %get3A_927 = arith.constant 1 : i32
        %get3A_928 = arith.index_cast %get3A_927 : i32 to index
        %get3A_929 = arith.index_cast %scan3A_112 : i32 to index
        %get3A_930 = arith.constant 816 : index
        %get3A_931 = tpu.vector_load %arg8[%get3A_928, %get3A_929, %get3A_930] {strides = array<i32>} : memref<2x16x1024xf32, #tpu.memory_space<vmem>>, vector<16xf32>,
        %get3A_932 = arith.constant 1 : i32
        %get3A_933 = arith.index_cast %get3A_932 : i32 to index
        %get3A_934 = arith.index_cast %scan3A_112 : i32 to index
        %get3A_935 = arith.constant 816 : index
        %get3A_936 = tpu.vector_load %arg9[%get3A_933, %get3A_934, %get3A_935] {strides = array<i32>} : memref<2x16x1024xf32, #tpu.memory_space<vmem>>, vector<16xf32>,
        %add3A_937 = arith.addf %get3A_931, %get3A_936 : vector<16xf32>
        %swap3A_938 = arith.constant 1 : i32
        %swap3A_939 = arith.index_cast %swap3A_938 : i32 to index
        %swap3A_940 = arith.index_cast %scan3A_112 : i32 to index
        %swap3A_941 = arith.constant 816 : index
        %swap3A_942 = tpu.vector_load %arg8[%swap3A_939, %swap3A_940, %swap3A_941] {strides = array<i32>} : memref<2x16x1024xf32, #tpu.memory_space<vmem>>, vector<16xf32>,
        tpu.vector_store %arg8[%swap3A_939, %swap3A_940, %swap3A_941], %add3A_937 {strides = array<i32>} : memref<2x16x1024xf32, #tpu.memory_space<vmem>>, vector<16xf32>,
        %get3A_943 = arith.constant 1 : i32
        %get3A_944 = arith.index_cast %get3A_943 : i32 to index
        %get3A_945 = arith.index_cast %scan3A_112 : i32 to index
        %get3A_946 = arith.constant 832 : index
        %get3A_947 = tpu.vector_load %arg8[%get3A_944, %get3A_945, %get3A_946] {strides = array<i32>} : memref<2x16x1024xf32, #tpu.memory_space<vmem>>, vector<16xf32>,
        %get3A_948 = arith.constant 1 : i32
        %get3A_949 = arith.index_cast %get3A_948 : i32 to index
        %get3A_950 = arith.index_cast %scan3A_112 : i32 to index
        %get3A_951 = arith.constant 832 : index
        %get3A_952 = tpu.vector_load %arg9[%get3A_949, %get3A_950, %get3A_951] {strides = array<i32>} : memref<2x16x1024xf32, #tpu.memory_space<vmem>>, vector<16xf32>,
        %add3A_953 = arith.addf %get3A_947, %get3A_952 : vector<16xf32>
        %swap3A_954 = arith.constant 1 : i32
        %swap3A_955 = arith.index_cast %swap3A_954 : i32 to index
        %swap3A_956 = arith.index_cast %scan3A_112 : i32 to index
        %swap3A_957 = arith.constant 832 : index
        %swap3A_958 = tpu.vector_load %arg8[%swap3A_955, %swap3A_956, %swap3A_957] {strides = array<i32>} : memref<2x16x1024xf32, #tpu.memory_space<vmem>>, vector<16xf32>,
        tpu.vector_store %arg8[%swap3A_955, %swap3A_956, %swap3A_957], %add3A_953 {strides = array<i32>} : memref<2x16x1024xf32, #tpu.memory_space<vmem>>, vector<16xf32>,
        %get3A_959 = arith.constant 1 : i32
        %get3A_960 = arith.index_cast %get3A_959 : i32 to index
        %get3A_961 = arith.index_cast %scan3A_112 : i32 to index
        %get3A_962 = arith.constant 848 : index
        %get3A_963 = tpu.vector_load %arg8[%get3A_960, %get3A_961, %get3A_962] {strides = array<i32>} : memref<2x16x1024xf32, #tpu.memory_space<vmem>>, vector<16xf32>,
        %get3A_964 = arith.constant 1 : i32
        %get3A_965 = arith.index_cast %get3A_964 : i32 to index
        %get3A_966 = arith.index_cast %scan3A_112 : i32 to index
        %get3A_967 = arith.constant 848 : index
        %get3A_968 = tpu.vector_load %arg9[%get3A_965, %get3A_966, %get3A_967] {strides = array<i32>} : memref<2x16x1024xf32, #tpu.memory_space<vmem>>, vector<16xf32>,
        %add3A_969 = arith.addf %get3A_963, %get3A_968 : vector<16xf32>
        %swap3A_970 = arith.constant 1 : i32
        %swap3A_971 = arith.index_cast %swap3A_970 : i32 to index
        %swap3A_972 = arith.index_cast %scan3A_112 : i32 to index
        %swap3A_973 = arith.constant 848 : index
        %swap3A_974 = tpu.vector_load %arg8[%swap3A_971, %swap3A_972, %swap3A_973] {strides = array<i32>} : memref<2x16x1024xf32, #tpu.memory_space<vmem>>, vector<16xf32>,
        tpu.vector_store %arg8[%swap3A_971, %swap3A_972, %swap3A_973], %add3A_969 {strides = array<i32>} : memref<2x16x1024xf32, #tpu.memory_space<vmem>>, vector<16xf32>,
        %get3A_975 = arith.constant 1 : i32
        %get3A_976 = arith.index_cast %get3A_975 : i32 to index
        %get3A_977 = arith.index_cast %scan3A_112 : i32 to index
        %get3A_978 = arith.constant 864 : index
        %get3A_979 = tpu.vector_load %arg8[%get3A_976, %get3A_977, %get3A_978] {strides = array<i32>} : memref<2x16x1024xf32, #tpu.memory_space<vmem>>, vector<16xf32>,
        %get3A_980 = arith.constant 1 : i32
        %get3A_981 = arith.index_cast %get3A_980 : i32 to index
        %get3A_982 = arith.index_cast %scan3A_112 : i32 to index
        %get3A_983 = arith.constant 864 : index
        %get3A_984 = tpu.vector_load %arg9[%get3A_981, %get3A_982, %get3A_983] {strides = array<i32>} : memref<2x16x1024xf32, #tpu.memory_space<vmem>>, vector<16xf32>,
        %add3A_985 = arith.addf %get3A_979, %get3A_984 : vector<16xf32>
        %swap3A_986 = arith.constant 1 : i32
        %swap3A_987 = arith.index_cast %swap3A_986 : i32 to index
        %swap3A_988 = arith.index_cast %scan3A_112 : i32 to index
        %swap3A_989 = arith.constant 864 : index
        %swap3A_990 = tpu.vector_load %arg8[%swap3A_987, %swap3A_988, %swap3A_989] {strides = array<i32>} : memref<2x16x1024xf32, #tpu.memory_space<vmem>>, vector<16xf32>,
        tpu.vector_store %arg8[%swap3A_987, %swap3A_988, %swap3A_989], %add3A_985 {strides = array<i32>} : memref<2x16x1024xf32, #tpu.memory_space<vmem>>, vector<16xf32>,
        %get3A_991 = arith.constant 1 : i32
        %get3A_992 = arith.index_cast %get3A_991 : i32 to index
        %get3A_993 = arith.index_cast %scan3A_112 : i32 to index
        %get3A_994 = arith.constant 880 : index
        %get3A_995 = tpu.vector_load %arg8[%get3A_992, %get3A_993, %get3A_994] {strides = array<i32>} : memref<2x16x1024xf32, #tpu.memory_space<vmem>>, vector<16xf32>,
        %get3A_996 = arith.constant 1 : i32
        %get3A_997 = arith.index_cast %get3A_996 : i32 to index
        %get3A_998 = arith.index_cast %scan3A_112 : i32 to index
        %get3A_999 = arith.constant 880 : index
        %get3A_1000 = tpu.vector_load %arg9[%get3A_997, %get3A_998, %get3A_999] {strides = array<i32>} : memref<2x16x1024xf32, #tpu.memory_space<vmem>>, vector<16xf32>,
        %add3A_1001 = arith.addf %get3A_995, %get3A_1000 : vector<16xf32>
        %swap3A_1002 = arith.constant 1 : i32
        %swap3A_1003 = arith.index_cast %swap3A_1002 : i32 to index
        %swap3A_1004 = arith.index_cast %scan3A_112 : i32 to index
        %swap3A_1005 = arith.constant 880 : index
        %swap3A_1006 = tpu.vector_load %arg8[%swap3A_1003, %swap3A_1004, %swap3A_1005] {strides = array<i32>} : memref<2x16x1024xf32, #tpu.memory_space<vmem>>, vector<16xf32>,
        tpu.vector_store %arg8[%swap3A_1003, %swap3A_1004, %swap3A_1005], %add3A_1001 {strides = array<i32>} : memref<2x16x1024xf32, #tpu.memory_space<vmem>>, vector<16xf32>,
        %get3A_1007 = arith.constant 1 : i32
        %get3A_1008 = arith.index_cast %get3A_1007 : i32 to index
        %get3A_1009 = arith.index_cast %scan3A_112 : i32 to index
        %get3A_1010 = arith.constant 896 : index
        %get3A_1011 = tpu.vector_load %arg8[%get3A_1008, %get3A_1009, %get3A_1010] {strides = array<i32>} : memref<2x16x1024xf32, #tpu.memory_space<vmem>>, vector<16xf32>,
        %get3A_1012 = arith.constant 1 : i32
        %get3A_1013 = arith.index_cast %get3A_1012 : i32 to index
        %get3A_1014 = arith.index_cast %scan3A_112 : i32 to index
        %get3A_1015 = arith.constant 896 : index
        %get3A_1016 = tpu.vector_load %arg9[%get3A_1013, %get3A_1014, %get3A_1015] {strides = array<i32>} : memref<2x16x1024xf32, #tpu.memory_space<vmem>>, vector<16xf32>,
        %add3A_1017 = arith.addf %get3A_1011, %get3A_1016 : vector<16xf32>
        %swap3A_1018 = arith.constant 1 : i32
        %swap3A_1019 = arith.index_cast %swap3A_1018 : i32 to index
        %swap3A_1020 = arith.index_cast %scan3A_112 : i32 to index
        %swap3A_1021 = arith.constant 896 : index
        %swap3A_1022 = tpu.vector_load %arg8[%swap3A_1019, %swap3A_1020, %swap3A_1021] {strides = array<i32>} : memref<2x16x1024xf32, #tpu.memory_space<vmem>>, vector<16xf32>,
        tpu.vector_store %arg8[%swap3A_1019, %swap3A_1020, %swap3A_1021], %add3A_1017 {strides = array<i32>} : memref<2x16x1024xf32, #tpu.memory_space<vmem>>, vector<16xf32>,
        %get3A_1023 = arith.constant 1 : i32
        %get3A_1024 = arith.index_cast %get3A_1023 : i32 to index
        %get3A_1025 = arith.index_cast %scan3A_112 : i32 to index
        %get3A_1026 = arith.constant 912 : index
        %get3A_1027 = tpu.vector_load %arg8[%get3A_1024, %get3A_1025, %get3A_1026] {strides = array<i32>} : memref<2x16x1024xf32, #tpu.memory_space<vmem>>, vector<16xf32>,
        %get3A_1028 = arith.constant 1 : i32
        %get3A_1029 = arith.index_cast %get3A_1028 : i32 to index
        %get3A_1030 = arith.index_cast %scan3A_112 : i32 to index
        %get3A_1031 = arith.constant 912 : index
        %get3A_1032 = tpu.vector_load %arg9[%get3A_1029, %get3A_1030, %get3A_1031] {strides = array<i32>} : memref<2x16x1024xf32, #tpu.memory_space<vmem>>, vector<16xf32>,
        %add3A_1033 = arith.addf %get3A_1027, %get3A_1032 : vector<16xf32>
        %swap3A_1034 = arith.constant 1 : i32
        %swap3A_1035 = arith.index_cast %swap3A_1034 : i32 to index
        %swap3A_1036 = arith.index_cast %scan3A_112 : i32 to index
        %swap3A_1037 = arith.constant 912 : index
        %swap3A_1038 = tpu.vector_load %arg8[%swap3A_1035, %swap3A_1036, %swap3A_1037] {strides = array<i32>} : memref<2x16x1024xf32, #tpu.memory_space<vmem>>, vector<16xf32>,
        tpu.vector_store %arg8[%swap3A_1035, %swap3A_1036, %swap3A_1037], %add3A_1033 {strides = array<i32>} : memref<2x16x1024xf32, #tpu.memory_space<vmem>>, vector<16xf32>,
        %get3A_1039 = arith.constant 1 : i32
        %get3A_1040 = arith.index_cast %get3A_1039 : i32 to index
        %get3A_1041 = arith.index_cast %scan3A_112 : i32 to index
        %get3A_1042 = arith.constant 928 : index
        %get3A_1043 = tpu.vector_load %arg8[%get3A_1040, %get3A_1041, %get3A_1042] {strides = array<i32>} : memref<2x16x1024xf32, #tpu.memory_space<vmem>>, vector<16xf32>,
        %get3A_1044 = arith.constant 1 : i32
        %get3A_1045 = arith.index_cast %get3A_1044 : i32 to index
        %get3A_1046 = arith.index_cast %scan3A_112 : i32 to index
        %get3A_1047 = arith.constant 928 : index
        %get3A_1048 = tpu.vector_load %arg9[%get3A_1045, %get3A_1046, %get3A_1047] {strides = array<i32>} : memref<2x16x1024xf32, #tpu.memory_space<vmem>>, vector<16xf32>,
        %add3A_1049 = arith.addf %get3A_1043, %get3A_1048 : vector<16xf32>
        %swap3A_1050 = arith.constant 1 : i32
        %swap3A_1051 = arith.index_cast %swap3A_1050 : i32 to index
        %swap3A_1052 = arith.index_cast %scan3A_112 : i32 to index
        %swap3A_1053 = arith.constant 928 : index
        %swap3A_1054 = tpu.vector_load %arg8[%swap3A_1051, %swap3A_1052, %swap3A_1053] {strides = array<i32>} : memref<2x16x1024xf32, #tpu.memory_space<vmem>>, vector<16xf32>,
        tpu.vector_store %arg8[%swap3A_1051, %swap3A_1052, %swap3A_1053], %add3A_1049 {strides = array<i32>} : memref<2x16x1024xf32, #tpu.memory_space<vmem>>, vector<16xf32>,
        %get3A_1055 = arith.constant 1 : i32
        %get3A_1056 = arith.index_cast %get3A_1055 : i32 to index
        %get3A_1057 = arith.index_cast %scan3A_112 : i32 to index
        %get3A_1058 = arith.constant 944 : index
        %get3A_1059 = tpu.vector_load %arg8[%get3A_1056, %get3A_1057, %get3A_1058] {strides = array<i32>} : memref<2x16x1024xf32, #tpu.memory_space<vmem>>, vector<16xf32>,
        %get3A_1060 = arith.constant 1 : i32
        %get3A_1061 = arith.index_cast %get3A_1060 : i32 to index
        %get3A_1062 = arith.index_cast %scan3A_112 : i32 to index
        %get3A_1063 = arith.constant 944 : index
        %get3A_1064 = tpu.vector_load %arg9[%get3A_1061, %get3A_1062, %get3A_1063] {strides = array<i32>} : memref<2x16x1024xf32, #tpu.memory_space<vmem>>, vector<16xf32>,
        %add3A_1065 = arith.addf %get3A_1059, %get3A_1064 : vector<16xf32>
        %swap3A_1066 = arith.constant 1 : i32
        %swap3A_1067 = arith.index_cast %swap3A_1066 : i32 to index
        %swap3A_1068 = arith.index_cast %scan3A_112 : i32 to index
        %swap3A_1069 = arith.constant 944 : index
        %swap3A_1070 = tpu.vector_load %arg8[%swap3A_1067, %swap3A_1068, %swap3A_1069] {strides = array<i32>} : memref<2x16x1024xf32, #tpu.memory_space<vmem>>, vector<16xf32>,
        tpu.vector_store %arg8[%swap3A_1067, %swap3A_1068, %swap3A_1069], %add3A_1065 {strides = array<i32>} : memref<2x16x1024xf32, #tpu.memory_space<vmem>>, vector<16xf32>,
        %get3A_1071 = arith.constant 1 : i32
        %get3A_1072 = arith.index_cast %get3A_1071 : i32 to index
        %get3A_1073 = arith.index_cast %scan3A_112 : i32 to index
        %get3A_1074 = arith.constant 960 : index
        %get3A_1075 = tpu.vector_load %arg8[%get3A_1072, %get3A_1073, %get3A_1074] {strides = array<i32>} : memref<2x16x1024xf32, #tpu.memory_space<vmem>>, vector<16xf32>,
        %get3A_1076 = arith.constant 1 : i32
        %get3A_1077 = arith.index_cast %get3A_1076 : i32 to index
        %get3A_1078 = arith.index_cast %scan3A_112 : i32 to index
        %get3A_1079 = arith.constant 960 : index
        %get3A_1080 = tpu.vector_load %arg9[%get3A_1077, %get3A_1078, %get3A_1079] {strides = array<i32>} : memref<2x16x1024xf32, #tpu.memory_space<vmem>>, vector<16xf32>,
        %add3A_1081 = arith.addf %get3A_1075, %get3A_1080 : vector<16xf32>
        %swap3A_1082 = arith.constant 1 : i32
        %swap3A_1083 = arith.index_cast %swap3A_1082 : i32 to index
        %swap3A_1084 = arith.index_cast %scan3A_112 : i32 to index
        %swap3A_1085 = arith.constant 960 : index
        %swap3A_1086 = tpu.vector_load %arg8[%swap3A_1083, %swap3A_1084, %swap3A_1085] {strides = array<i32>} : memref<2x16x1024xf32, #tpu.memory_space<vmem>>, vector<16xf32>,
        tpu.vector_store %arg8[%swap3A_1083, %swap3A_1084, %swap3A_1085], %add3A_1081 {strides = array<i32>} : memref<2x16x1024xf32, #tpu.memory_space<vmem>>, vector<16xf32>,
        %get3A_1087 = arith.constant 1 : i32
        %get3A_1088 = arith.index_cast %get3A_1087 : i32 to index
        %get3A_1089 = arith.index_cast %scan3A_112 : i32 to index
        %get3A_1090 = arith.constant 976 : index
        %get3A_1091 = tpu.vector_load %arg8[%get3A_1088, %get3A_1089, %get3A_1090] {strides = array<i32>} : memref<2x16x1024xf32, #tpu.memory_space<vmem>>, vector<16xf32>,
        %get3A_1092 = arith.constant 1 : i32
        %get3A_1093 = arith.index_cast %get3A_1092 : i32 to index
        %get3A_1094 = arith.index_cast %scan3A_112 : i32 to index
        %get3A_1095 = arith.constant 976 : index
        %get3A_1096 = tpu.vector_load %arg9[%get3A_1093, %get3A_1094, %get3A_1095] {strides = array<i32>} : memref<2x16x1024xf32, #tpu.memory_space<vmem>>, vector<16xf32>,
        %add3A_1097 = arith.addf %get3A_1091, %get3A_1096 : vector<16xf32>
        %swap3A_1098 = arith.constant 1 : i32
        %swap3A_1099 = arith.index_cast %swap3A_1098 : i32 to index
        %swap3A_1100 = arith.index_cast %scan3A_112 : i32 to index
        %swap3A_1101 = arith.constant 976 : index
        %swap3A_1102 = tpu.vector_load %arg8[%swap3A_1099, %swap3A_1100, %swap3A_1101] {strides = array<i32>} : memref<2x16x1024xf32, #tpu.memory_space<vmem>>, vector<16xf32>,
        tpu.vector_store %arg8[%swap3A_1099, %swap3A_1100, %swap3A_1101], %add3A_1097 {strides = array<i32>} : memref<2x16x1024xf32, #tpu.memory_space<vmem>>, vector<16xf32>,
        %get3A_1103 = arith.constant 1 : i32
        %get3A_1104 = arith.index_cast %get3A_1103 : i32 to index
        %get3A_1105 = arith.index_cast %scan3A_112 : i32 to index
        %get3A_1106 = arith.constant 992 : index
        %get3A_1107 = tpu.vector_load %arg8[%get3A_1104, %get3A_1105, %get3A_1106] {strides = array<i32>} : memref<2x16x1024xf32, #tpu.memory_space<vmem>>, vector<16xf32>,
        %get3A_1108 = arith.constant 1 : i32
        %get3A_1109 = arith.index_cast %get3A_1108 : i32 to index
        %get3A_1110 = arith.index_cast %scan3A_112 : i32 to index
        %get3A_1111 = arith.constant 992 : index
        %get3A_1112 = tpu.vector_load %arg9[%get3A_1109, %get3A_1110, %get3A_1111] {strides = array<i32>} : memref<2x16x1024xf32, #tpu.memory_space<vmem>>, vector<16xf32>,
        %add3A_1113 = arith.addf %get3A_1107, %get3A_1112 : vector<16xf32>
        %swap3A_1114 = arith.constant 1 : i32
        %swap3A_1115 = arith.index_cast %swap3A_1114 : i32 to index
        %swap3A_1116 = arith.index_cast %scan3A_112 : i32 to index
        %swap3A_1117 = arith.constant 992 : index
        %swap3A_1118 = tpu.vector_load %arg8[%swap3A_1115, %swap3A_1116, %swap3A_1117] {strides = array<i32>} : memref<2x16x1024xf32, #tpu.memory_space<vmem>>, vector<16xf32>,
        tpu.vector_store %arg8[%swap3A_1115, %swap3A_1116, %swap3A_1117], %add3A_1113 {strides = array<i32>} : memref<2x16x1024xf32, #tpu.memory_space<vmem>>, vector<16xf32>,
        %get3A_1119 = arith.constant 1 : i32
        %get3A_1120 = arith.index_cast %get3A_1119 : i32 to index
        %get3A_1121 = arith.index_cast %scan3A_112 : i32 to index
        %get3A_1122 = arith.constant 1008 : index
        %get3A_1123 = tpu.vector_load %arg8[%get3A_1120, %get3A_1121, %get3A_1122] {strides = array<i32>} : memref<2x16x1024xf32, #tpu.memory_space<vmem>>, vector<16xf32>,
        %get3A_1124 = arith.constant 1 : i32
        %get3A_1125 = arith.index_cast %get3A_1124 : i32 to index
        %get3A_1126 = arith.index_cast %scan3A_112 : i32 to index
        %get3A_1127 = arith.constant 1008 : index
        %get3A_1128 = tpu.vector_load %arg9[%get3A_1125, %get3A_1126, %get3A_1127] {strides = array<i32>} : memref<2x16x1024xf32, #tpu.memory_space<vmem>>, vector<16xf32>,
        %add3A_1129 = arith.addf %get3A_1123, %get3A_1128 : vector<16xf32>
        %swap3A_1130 = arith.constant 1 : i32
        %swap3A_1131 = arith.index_cast %swap3A_1130 : i32 to index
        %swap3A_1132 = arith.index_cast %scan3A_112 : i32 to index
        %swap3A_1133 = arith.constant 1008 : index
        %swap3A_1134 = tpu.vector_load %arg8[%swap3A_1131, %swap3A_1132, %swap3A_1133] {strides = array<i32>} : memref<2x16x1024xf32, #tpu.memory_space<vmem>>, vector<16xf32>,
        tpu.vector_store %arg8[%swap3A_1131, %swap3A_1132, %swap3A_1133], %add3A_1129 {strides = array<i32>} : memref<2x16x1024xf32, #tpu.memory_space<vmem>>, vector<16xf32>,
      }
      %scan3A_107 = arith.constant 16 : i32
      %mul3A_108 = arith.constant 16 : i32
      %mul3A_109 = arith.muli %add3A_14, %mul3A_108 : i32
      %add3A_110 = arith.addi %mul3A_2, %mul3A_109 : i32
      %run_scoped3A_111 = arith.constant 1 : i32
      "tpu.region"() ({
        %run_scoped3A_112 = tpu.sem_alloc : memref<!tpu.dma_semaphore, #tpu.memory_space<semaphore_mem>>
        %dma_start3A_113 = arith.constant 0 : i32
        %dma_start3A_114 = arith.constant 0 : i32
        %dma_start3A_115 = tpu.memref_slice %arg8[%run_scoped3A_111, %dma_start3A_113, %dma_start3A_114] : memref<2x16x1024xf32, #tpu.memory_space<vmem>> -> memref<1x16x1024xf32, #tpu.memory_space<vmem>>
        %dma_start3A_116 = tpu.memref_squeeze %dma_start3A_115 : memref<1x16x1024xf32, #tpu.memory_space<vmem>> -> memref<16x1024xf32, #tpu.memory_space<vmem>>
        %dma_start3A_117 = arith.constant 0 : i32
        %dma_start3A_118 = tpu.memref_slice %arg5[%add3A_110, %dma_start3A_117] : memref<4096x1024xf32, #tpu.memory_space<hbm>> -> memref<16x1024xf32, #tpu.memory_space<hbm>>
        %dma_start3A_119 = arith.constant 0 : i32
        %dma_start3A_120 = tpu.memref_slice %arg5[%add3A_110, %dma_start3A_119] : memref<4096x1024xf32, #tpu.memory_space<hbm>> -> memref<16x1024xf32, #tpu.memory_space<hbm>>
        %dma_start3A_121 = arith.constant 0 : i32
        %dma_start3A_122 = arith.constant 0 : i32
        %dma_start3A_123 = tpu.memref_slice %arg8[%run_scoped3A_111, %dma_start3A_121, %dma_start3A_122] : memref<2x16x1024xf32, #tpu.memory_space<vmem>> -> memref<1x16x1024xf32, #tpu.memory_space<vmem>>
        %dma_start3A_124 = tpu.memref_squeeze %dma_start3A_123 : memref<1x16x1024xf32, #tpu.memory_space<vmem>> -> memref<16x1024xf32, #tpu.memory_space<vmem>>
        tpu.enqueue_dma source(%dma_start3A_124 : memref<16x1024xf32, #tpu.memory_space<vmem>>) target(%dma_start3A_120 : memref<16x1024xf32, #tpu.memory_space<hbm>>) target_semaphore(%run_scoped3A_112 : memref<!tpu.dma_semaphore, #tpu.memory_space<semaphore_mem>>)
        %dma_wait3A_125 = arith.constant 0 : i32
        %dma_wait3A_126 = arith.constant 0 : i32
        %dma_wait3A_127 = tpu.memref_slice %arg8[%run_scoped3A_111, %dma_wait3A_125, %dma_wait3A_126] : memref<2x16x1024xf32, #tpu.memory_space<vmem>> -> memref<1x16x1024xf32, #tpu.memory_space<vmem>>
        %dma_wait3A_128 = tpu.memref_squeeze %dma_wait3A_127 : memref<1x16x1024xf32, #tpu.memory_space<vmem>> -> memref<16x1024xf32, #tpu.memory_space<vmem>>
        %dma_wait3A_129 = arith.constant 0 : i32
        %dma_wait3A_130 = tpu.memref_slice %arg5[%add3A_110, %dma_wait3A_129] : memref<4096x1024xf32, #tpu.memory_space<hbm>> -> memref<16x1024xf32, #tpu.memory_space<hbm>>
        %dma_wait3A_131 = arith.constant 0 : i32
        %dma_wait3A_132 = tpu.memref_slice %arg5[%add3A_110, %dma_wait3A_131] : memref<4096x1024xf32, #tpu.memory_space<hbm>> -> memref<16x1024xf32, #tpu.memory_space<hbm>>
        %dma_wait3A_133 = arith.constant 0 : i32
        %dma_wait3A_134 = arith.constant 0 : i32
        %dma_wait3A_135 = tpu.memref_slice %arg8[%run_scoped3A_111, %dma_wait3A_133, %dma_wait3A_134] : memref<2x16x1024xf32, #tpu.memory_space<vmem>> -> memref<1x16x1024xf32, #tpu.memory_space<vmem>>
        %dma_wait3A_136 = tpu.memref_squeeze %dma_wait3A_135 : memref<1x16x1024xf32, #tpu.memory_space<vmem>> -> memref<16x1024xf32, #tpu.memory_space<vmem>>
        tpu.wait_dma2 semaphore(%run_scoped3A_112 : memref<!tpu.dma_semaphore, #tpu.memory_space<semaphore_mem>>) src(%dma_wait3A_136 : memref<16x1024xf32, #tpu.memory_space<vmem>>) dst(%dma_wait3A_132 : memref<16x1024xf32, #tpu.memory_space<hbm>>)
        tpu.yield
      }) : () -> ()
    }
    %scan3A_7 = arith.constant 4 : i32
    return
  }
}

module attributes {stable_mosaic.version = 14 : i64} {
  func.func @_router_body(%arg0: i32, %arg1: memref<512x1024xf32, #tpu.memory_space<vmem>>, %arg2: memref<1024x128xf32, #tpu.memory_space<vmem>>, %arg3: memref<512x128xf32, #tpu.memory_space<vmem>>) attributes {dimension_semantics = [#tpu.dimension_semantics<arbitrary>], iteration_bounds = array<i64: 8>, scalar_prefetch = 0 : i64, scratch_operands = 0 : i64, tpu.core_type = #tpu.core_type<tc>, window_params = [{transform_indices = @transform_0, window_bounds = array<i64: 512, 1024>}, {pipeline_mode = #tpu.pipeline_mode<synchronous>, transform_indices = @transform_1, window_bounds = array<i64: 1024, 128>}, {transform_indices = @transform_2, window_bounds = array<i64: 512, 128>}]} {
    %get3A = arith.constant 0 : index
    %get3A_0 = arith.constant 0 : index
    %get3A_1 = vector.load %arg1[%get3A, %get3A_0] : memref<512x1024xf32, #tpu.memory_space<vmem>>, vector<512x1024xf32>
    %get3A_2 = arith.constant 0 : index
    %get3A_3 = arith.constant 0 : index
    %get3A_4 = vector.load %arg2[%get3A_2, %get3A_3] : memref<1024x128xf32, #tpu.memory_space<vmem>>, vector<1024x128xf32>
    %dot_general3A = arith.constant dense<0.000000e+00> : vector<512x128xf32>
    %dot_general3A_5 = tpu.matmul %get3A_1, %get3A_4, %dot_general3A {dimension_numbers = #tpu.dot_dimension_numbers<[1], [0], [0], [1], [0, 0, 1, 1], [], []>, transpose_lhs_hint = false} : vector<512x1024xf32>, vector<1024x128xf32>, vector<512x128xf32> -> vector<512x128xf32>
    %iota3A = tpu.iota {dimensions = array<i32: 1>} : vector<512x128xi32>
    %lt3A = arith.constant 8 : i32
    %lt3A_6 = vector.broadcast %lt3A : i32 to vector<512x128xi32>
    %lt3A_7 = arith.cmpi slt, %iota3A, %lt3A_6 : vector<512x128xi32>
    %jit3A = arith.constant -1.000000e+30 : f32
    %broadcast_in_dim3A = vector.broadcast %jit3A : f32 to vector<512x128xf32>
    %select_n3A = arith.select %lt3A_7, %dot_general3A_5, %broadcast_in_dim3A : vector<512x128xi1>, vector<512x128xf32>
    %reduce_max3A = arith.constant dense<0xFF800000> : vector<512xf32>
    %reduce_max3A_8 = vector.multi_reduction <maximumf>, %select_n3A, %reduce_max3A [1] : vector<512x128xf32> to vector<512xf32>
    %broadcast_in_dim3A_9 = vector.shape_cast %reduce_max3A_8 : vector<512xf32> to vector<512x1xf32>
    %sub3A = vector.broadcast %broadcast_in_dim3A_9 : vector<512x1xf32> to vector<512x128xf32>
    %sub3A_10 = arith.subf %select_n3A, %sub3A : vector<512x128xf32>
    %exp3A = math.exp %sub3A_10 : vector<512x128xf32>
    %jit3A_11 = arith.constant 0.000000e+00 : f32
    %broadcast_in_dim3A_12 = vector.broadcast %jit3A_11 : f32 to vector<512x128xf32>
    %select_n3A_13 = arith.select %lt3A_7, %exp3A, %broadcast_in_dim3A_12 : vector<512x128xi1>, vector<512x128xf32>
    %reduce_sum3A = arith.constant dense<0.000000e+00> : vector<512xf32>
    %reduce_sum3A_14 = vector.multi_reduction <add>, %select_n3A_13, %reduce_sum3A [1] : vector<512x128xf32> to vector<512xf32>
    %broadcast_in_dim3A_15 = vector.shape_cast %reduce_sum3A_14 : vector<512xf32> to vector<512x1xf32>
    %div3A = vector.broadcast %broadcast_in_dim3A_15 : vector<512x1xf32> to vector<512x128xf32>
    %div3A_16 = arith.divf %select_n3A_13, %div3A : vector<512x128xf32>
    %swap3A = arith.constant 0 : index
    %swap3A_17 = arith.constant 0 : index
    %swap3A_18 = vector.load %arg3[%swap3A, %swap3A_17] : memref<512x128xf32, #tpu.memory_space<vmem>>, vector<512x128xf32>
    tpu.vector_store %arg3[%swap3A, %swap3A_17], %div3A_16 {strides = array<i32>} : memref<512x128xf32, #tpu.memory_space<vmem>>, vector<512x128xf32>,
    return
  }
  func.func @transform_0(%arg0: i32) -> (i32, i32) {
    %c0_i32 = arith.constant 0 : i32
    %c0_i32_0 = arith.constant 0 : i32
    return %arg0, %c0_i32 : i32, i32
  }
  func.func @transform_1(%arg0: i32) -> (i32, i32) {
    %c0_i32 = arith.constant 0 : i32
    %c0_i32_0 = arith.constant 0 : i32
    %c0_i32_1 = arith.constant 0 : i32
    return %c0_i32, %c0_i32_0 : i32, i32
  }
  func.func @transform_2(%arg0: i32) -> (i32, i32) {
    %c0_i32 = arith.constant 0 : i32
    %c0_i32_0 = arith.constant 0 : i32
    return %arg0, %c0_i32 : i32, i32
  }
}

module attributes {stable_mosaic.version = 14 : i64} {
  func.func @_ffn_body(%arg0: i32, %arg1: i32, %arg2: memref<640x1024xf32, #tpu.memory_space<vmem>>, %arg3: memref<1x1024x512xf32, #tpu.memory_space<vmem>>, %arg4: memref<1x1x512xf32, #tpu.memory_space<vmem>>, %arg5: memref<1x512x1024xf32, #tpu.memory_space<vmem>>, %arg6: memref<1x1x1024xf32, #tpu.memory_space<vmem>>, %arg7: memref<640x1xf32, #tpu.memory_space<vmem>>, %arg8: memref<640x1024xf32, #tpu.memory_space<vmem>>, %arg9: memref<640x1024xf32, #tpu.memory_space<vmem>>) attributes {dimension_semantics = [#tpu.dimension_semantics<arbitrary>, #tpu.dimension_semantics<arbitrary>], iteration_bounds = array<i64: 9, 8>, scalar_prefetch = 0 : i64, scratch_operands = 1 : i64, tpu.core_type = #tpu.core_type<tc>, window_params = [{transform_indices = @transform_0, window_bounds = array<i64: 640, 1024>}, {transform_indices = @transform_1, window_bounds = array<i64: 1, 1024, 512>}, {transform_indices = @transform_2, window_bounds = array<i64: 1, 1, 512>}, {transform_indices = @transform_3, window_bounds = array<i64: 1, 512, 1024>}, {transform_indices = @transform_4, window_bounds = array<i64: 1, 1, 1024>}, {transform_indices = @transform_5, window_bounds = array<i64: 640, 1>}, {transform_indices = @transform_6, window_bounds = array<i64: 640, 1024>}]} {
    %eq3A = arith.constant 0 : i32
    %eq3A_0 = arith.cmpi eq, %arg1, %eq3A : i32
    %convert_element_type3A = arith.extui %eq3A_0 : i1 to i32
    %cond3A = arith.constant 0 : i32
    %cond3A_1 = arith.cmpi ne, %convert_element_type3A, %cond3A : i32
    scf.if %cond3A_1 {
      %get3A_36 = arith.constant 0 : index
      %get3A_37 = arith.constant 0 : index
      %get3A_38 = arith.constant 0 : index
      %get3A_39 = vector.load %arg6[%get3A_36, %get3A_37, %get3A_38] : memref<1x1x1024xf32, #tpu.memory_space<vmem>>, vector<1x1x1024xf32>
      %get3A_40 = vector.shape_cast %get3A_39 : vector<1x1x1024xf32> to vector<1x1024xf32>
      %broadcast_in_dim3A = vector.shape_cast %get3A_40 : vector<1x1024xf32> to vector<1x1024xf32>
      %broadcast_in_dim3A_41 = vector.broadcast %broadcast_in_dim3A : vector<1x1024xf32> to vector<640x1024xf32>
      %swap3A_42 = arith.constant 0 : index
      %swap3A_43 = arith.constant 0 : index
      %swap3A_44 = vector.load %arg9[%swap3A_42, %swap3A_43] : memref<640x1024xf32, #tpu.memory_space<vmem>>, vector<640x1024xf32>
      tpu.vector_store %arg9[%swap3A_42, %swap3A_43], %broadcast_in_dim3A_41 {strides = array<i32>} : memref<640x1024xf32, #tpu.memory_space<vmem>>, vector<640x1024xf32>,
    } else {
    }
    %get3A = arith.constant 0 : index
    %get3A_2 = arith.constant 0 : index
    %get3A_3 = vector.load %arg2[%get3A, %get3A_2] : memref<640x1024xf32, #tpu.memory_space<vmem>>, vector<640x1024xf32>
    %get3A_4 = arith.constant 0 : index
    %get3A_5 = arith.constant 0 : index
    %get3A_6 = arith.constant 0 : index
    %get3A_7 = vector.load %arg3[%get3A_4, %get3A_5, %get3A_6] : memref<1x1024x512xf32, #tpu.memory_space<vmem>>, vector<1x1024x512xf32>
    %get3A_8 = vector.shape_cast %get3A_7 : vector<1x1024x512xf32> to vector<1024x512xf32>
    %dot_general3A = arith.constant dense<0.000000e+00> : vector<640x512xf32>
    %dot_general3A_9 = tpu.matmul %get3A_3, %get3A_8, %dot_general3A {dimension_numbers = #tpu.dot_dimension_numbers<[1], [0], [0], [1], [0, 0, 1, 1], [], []>, transpose_lhs_hint = false} : vector<640x1024xf32>, vector<1024x512xf32>, vector<640x512xf32> -> vector<640x512xf32>
    %get3A_10 = arith.constant 0 : index
    %get3A_11 = arith.constant 0 : index
    %get3A_12 = arith.constant 0 : index
    %get3A_13 = vector.load %arg4[%get3A_10, %get3A_11, %get3A_12] : memref<1x1x512xf32, #tpu.memory_space<vmem>>, vector<1x1x512xf32>
    %get3A_14 = vector.shape_cast %get3A_13 : vector<1x1x512xf32> to vector<1x512xf32>
    %add3A = vector.broadcast %get3A_14 : vector<1x512xf32> to vector<640x512xf32>
    %add3A_15 = arith.addf %dot_general3A_9, %add3A : vector<640x512xf32>
    %max3A = arith.constant 0.000000e+00 : f32
    %max3A_16 = vector.broadcast %max3A : f32 to vector<640x512xf32>
    %max3A_17 = arith.maximumf %add3A_15, %max3A_16 : vector<640x512xf32>
    %get3A_18 = arith.constant 0 : index
    %get3A_19 = arith.constant 0 : index
    %get3A_20 = vector.load %arg9[%get3A_18, %get3A_19] : memref<640x1024xf32, #tpu.memory_space<vmem>>, vector<640x1024xf32>
    %get3A_21 = arith.constant 0 : index
    %get3A_22 = arith.constant 0 : index
    %get3A_23 = arith.constant 0 : index
    %get3A_24 = vector.load %arg5[%get3A_21, %get3A_22, %get3A_23] : memref<1x512x1024xf32, #tpu.memory_space<vmem>>, vector<1x512x1024xf32>
    %get3A_25 = vector.shape_cast %get3A_24 : vector<1x512x1024xf32> to vector<512x1024xf32>
    %dot_general3A_26 = arith.constant dense<0.000000e+00> : vector<640x1024xf32>
    %dot_general3A_27 = tpu.matmul %max3A_17, %get3A_25, %dot_general3A_26 {dimension_numbers = #tpu.dot_dimension_numbers<[1], [0], [0], [1], [0, 0, 1, 1], [], []>, transpose_lhs_hint = false} : vector<640x512xf32>, vector<512x1024xf32>, vector<640x1024xf32> -> vector<640x1024xf32>
    %add3A_28 = arith.addf %get3A_20, %dot_general3A_27 : vector<640x1024xf32>
    %swap3A = arith.constant 0 : index
    %swap3A_29 = arith.constant 0 : index
    %swap3A_30 = vector.load %arg9[%swap3A, %swap3A_29] : memref<640x1024xf32, #tpu.memory_space<vmem>>, vector<640x1024xf32>
    tpu.vector_store %arg9[%swap3A, %swap3A_29], %add3A_28 {strides = array<i32>} : memref<640x1024xf32, #tpu.memory_space<vmem>>, vector<640x1024xf32>,
    %eq3A_31 = arith.constant 7 : i32
    %eq3A_32 = arith.cmpi eq, %arg1, %eq3A_31 : i32
    %convert_element_type3A_33 = arith.extui %eq3A_32 : i1 to i32
    %cond3A_34 = arith.constant 0 : i32
    %cond3A_35 = arith.cmpi ne, %convert_element_type3A_33, %cond3A_34 : i32
    scf.if %cond3A_35 {
      %get3A_36 = arith.constant 0 : index
      %get3A_37 = arith.constant 0 : index
      %get3A_38 = vector.load %arg9[%get3A_36, %get3A_37] : memref<640x1024xf32, #tpu.memory_space<vmem>>, vector<640x1024xf32>
      %get3A_39 = arith.constant 0 : index
      %get3A_40 = arith.constant 0 : index
      %get3A_41 = vector.load %arg7[%get3A_39, %get3A_40] : memref<640x1xf32, #tpu.memory_space<vmem>>, vector<640x1xf32>
      %mul3A = vector.broadcast %get3A_41 : vector<640x1xf32> to vector<640x1024xf32>
      %mul3A_42 = arith.mulf %get3A_38, %mul3A : vector<640x1024xf32>
      %swap3A_43 = arith.constant 0 : index
      %swap3A_44 = arith.constant 0 : index
      %swap3A_45 = vector.load %arg8[%swap3A_43, %swap3A_44] : memref<640x1024xf32, #tpu.memory_space<vmem>>, vector<640x1024xf32>
      tpu.vector_store %arg8[%swap3A_43, %swap3A_44], %mul3A_42 {strides = array<i32>} : memref<640x1024xf32, #tpu.memory_space<vmem>>, vector<640x1024xf32>,
    } else {
    }
    return
  }
  func.func @transform_0(%arg0: i32, %arg1: i32) -> (i32, i32) {
    %c0_i32 = arith.constant 0 : i32
    %c0_i32_0 = arith.constant 0 : i32
    return %arg0, %c0_i32 : i32, i32
  }
  func.func @transform_1(%arg0: i32, %arg1: i32) -> (i32, i32, i32) {
    %min3A = arith.constant 7 : i32
    %min3A_0 = arith.minsi %arg0, %min3A : i32
    %c0_i32 = arith.constant 0 : i32
    %c0_i32_1 = arith.constant 0 : i32
    return %min3A_0, %c0_i32, %arg1 : i32, i32, i32
  }
  func.func @transform_2(%arg0: i32, %arg1: i32) -> (i32, i32, i32) {
    %min3A = arith.constant 7 : i32
    %min3A_0 = arith.minsi %arg0, %min3A : i32
    %c0_i32 = arith.constant 0 : i32
    %c0_i32_1 = arith.constant 0 : i32
    return %min3A_0, %c0_i32, %arg1 : i32, i32, i32
  }
  func.func @transform_3(%arg0: i32, %arg1: i32) -> (i32, i32, i32) {
    %min3A = arith.constant 7 : i32
    %min3A_0 = arith.minsi %arg0, %min3A : i32
    %c0_i32 = arith.constant 0 : i32
    %c0_i32_1 = arith.constant 0 : i32
    return %min3A_0, %arg1, %c0_i32 : i32, i32, i32
  }
  func.func @transform_4(%arg0: i32, %arg1: i32) -> (i32, i32, i32) {
    %min3A = arith.constant 7 : i32
    %min3A_0 = arith.minsi %arg0, %min3A : i32
    %c0_i32 = arith.constant 0 : i32
    %c0_i32_1 = arith.constant 0 : i32
    %c0_i32_2 = arith.constant 0 : i32
    return %min3A_0, %c0_i32, %c0_i32_1 : i32, i32, i32
  }
  func.func @transform_5(%arg0: i32, %arg1: i32) -> (i32, i32) {
    %c0_i32 = arith.constant 0 : i32
    %c0_i32_0 = arith.constant 0 : i32
    return %arg0, %c0_i32 : i32, i32
  }
  func.func @transform_6(%arg0: i32, %arg1: i32) -> (i32, i32) {
    %c0_i32 = arith.constant 0 : i32
    %c0_i32_0 = arith.constant 0 : i32
    return %arg0, %c0_i32 : i32, i32
  }
}

</mosaic_0001>

<sc_bundles>
// kernel: kernel.6.cloned.1.call-start
scs
__scs_entry_jumppad:
0x0: {  	(pc) =	sbr.rel $0x88, $3  }
0x1: {  	(tag) =	ssettag $0x0;
	lr =	simm.s32 $0x1  }
0x2: {  	[smem:$0x3F9B] =	sst lr;
	_ =	strace $0xD0000000  }
0x3: {  	_ = 	snop  }
0x4: {  	_ = 	snop  }
0x5: {  	_ = 	snop  }
0x6: {  	_ = 	snop  }
0x7: {  	_ = 	snop  }
__scs_overlays_trampoline_lowered:
0x8: {  	[smem:$0x3FAA] =	sst s0  }
0x9: {  	[smem:$0x3FAB] =	sst s1  }
0xa: {  	[smem:$0x3FAC] =	sst s2  }
0xb: {  	[smem:$0x3FAD] =	sst s3  }
0xc: {  	[smem:$0x3FAE] =	sst s4  }
0xd: {  	[smem:$0x3FAF] =	sst s5  }
0xe: {  	[smem:$0x3FB0] =	sst s6  }
0xf: {  	[smem:$0x3FB1] =	sst s7  }
0x10: {  	[smem:$0x3FB2] =	sst s8  }
0x11: {  	[smem:$0x3FB3] =	sst s9;
	s0 =	simm.s32 @!p0 $0x0  }
0x12: {  	s1 =	sld [smem:$0x3F99];
	s0 =	simm.s32 @p0 $0x1  }
0x13: {  	[smem:$0x3FB4] =	sst s0;
	s0 =	simm.s32 @!p1 $0x0  }
0x14: {  	s2 =	sld [smem:$0x3F98];
	s0 =	simm.s32 @p1 $0x1  }
0x15: {  	[smem:$0x3FB5] =	sst s0;
	s0 =	simm.s32 @!p2 $0x0  }
0x16: {  	s3 =	sld [smem:$0x3FDB];
	s0 =	simm.s32 @p2 $0x1  }
0x17: {  	s4 =	simm.s32 $0x1BF5;
	[smem:$0x3FB7] =	sst s0  }
0x18: {  	s0 =	sld [smem:$0x3F9A];
	_ =	swait.ge [sflag:s4], $0x0  }
0x19: {  	s7 =	sld [smem:$0x3F9B]  }
0x1a: {  	s8 =	sadd.s32 $0xFFFFE003, lr  }
0x1b: {  	s9 =	sadd.s32 $0xFFFFFEF7, lr;
	s5 =	simm.s32 $0xFFFFFFFF;
	p2 =	slt.u32 s8, $0xFFFFF086  }
0x1c: {  	p1 =	slt.u32 s9, $0xF7A;
	s5 =	simm.s32 @!p2 $0x0  }
0x1d: {  	s5 =	simm.s32 @p1 $0x1;
	p0 =	seq.s32 s7, s2  }
0x1e: {  	s7 =	smul.u32 @!p0 $0xF7A, s2;
	p2 =	seq.s32 @!p0 s5, $0x0  }
0x1f: {  	s9 =	smul.u32 $0xF7A, s1;
	s8 =	simm.s32 @!p0 $0x1BF5;
	p2 =	por !p2, p0  }
0x20: {  	[sflag:s8] =	ssyncset.s32 @!p0 $0xFFFFF086;
	s6 =	sadd.s32 @!p0 s3, s7;
	s7 =	simm.s32 @!p0 $0x108  }
0x21: {  	s3 =	sadd.s32 s3, s9;
	s6 =	sadd.s32 @!p0 $0x88, s6;
	s7 =	simm.s32 @p2 $0x1082  }
0x22: {  	[simem:s7], [sflag:s8] =	dma.local @!p0 [hbm:s6], $0xF7A  }
0x23: {  	s9 =	sor.u32 $0xD0000000, s2;
	s6 =	simm.s32 $0x108;
	_ =	swait.ge @!p0 [sflag:s8], $0x0  }
0x24: {  	s3 =	sadd.s32 $0x88, s3;
	s6 =	simm.s32 @!p1 $0x1082;
	[sflag:s4] =	ssyncset.s32 $0xFFFFF086  }
0x25: {  	[simem:s6], [sflag:s4] =	dma.local [hbm:s3], $0xF7A  }
0x26: {  	[smem:$0x3F9B] =	sst s1;
	(tag) =	ssettag s2;
	_ =	strace s9  }
0x27: {  	s1 =	sld [smem:$0x3FAB]  }
0x28: {  	s2 =	sld [smem:$0x3FAC]  }
0x29: {  	s4 =	sld [smem:$0x3FAE]  }
0x2a: {  	p0 =	seq.s32 s5, $0x0;
	s5 =	sld [smem:$0x3FAF]  }
0x2b: {  	s6 =	sld [smem:$0x3FB0]  }
0x2c: {  	s7 =	sld [smem:$0x3FB1]  }
0x2d: {  	s3 =	simm.s32 $0x108;
	s8 =	sld [smem:$0x3FB2]  }
0x2e: {  	s3 =	simm.s32 @!p0 $0x1082;
	s9 =	sld [smem:$0x3FB3]  }
0x2f: {  	lr =	sadd.s32 s0, s3;
	s0 =	sld [smem:$0x3FAA]  }
0x30: {  	s3 =	sld [smem:$0x3FAD]  }
0x31: {  	[smem:$0x3FB6] =	sst s10  }
0x32: {  	s10 =	sld [smem:$0x3FB4];
	_ =	sdelay $0x3  }
0x33: {  	p0 =	seq.s32 s10, $0x1;
	s10 =	sld [smem:$0x3FB6];
	_ =	sdelay $0x3  }
0x34: {  	[smem:$0x3FB6] =	sst s10  }
0x35: {  	s10 =	sld [smem:$0x3FB5];
	_ =	sdelay $0x3  }
0x36: {  	p1 =	seq.s32 s10, $0x1;
	s10 =	sld [smem:$0x3FB6];
	_ =	sdelay $0x3  }
0x37: {  	[smem:$0x3FB6] =	sst s10  }
0x38: {  	s10 =	sld [smem:$0x3FB7]  }
0x39: {  	_ = 	snop;
	(pc) =	sbr.ind lr, $3  }
0x3a: {  	_ = 	snop  }
0x3b: {  	_ = 	snop  }
0x3c: {  	p2 =	seq.s32 s10, $0x1;
	s10 =	sld [smem:$0x3FB6]  }
0x3d: {  	_ =	shalt  }
0x3e: {  	_ =	shalt  }
0x3f: {  	_ =	shalt  }
0x40: {  	_ =	shalt  }
0x41: {  	_ =	shalt  }
0x42: {  	_ =	shalt  }
0x43: {  	_ =	shalt  }
0x44: {  	_ =	shalt  }
0x45: {  	_ =	shalt  }
0x46: {  	_ =	shalt  }
0x47: {  	_ =	shalt  }
0x48: {  	_ =	shalt  }
0x49: {  	_ =	shalt  }
0x4a: {  	_ =	shalt  }
0x4b: {  	_ =	shalt  }
0x4c: {  	_ =	shalt  }
0x4d: {  	_ =	shalt  }
0x4e: {  	_ =	shalt  }
0x4f: {  	_ =	shalt  }
0x50: {  	_ =	shalt  }
0x51: {  	_ =	shalt  }
0x52: {  	_ =	shalt  }
0x53: {  	_ =	shalt  }
0x54: {  	_ =	shalt  }
0x55: {  	_ =	shalt  }
0x56: {  	_ =	shalt  }
0x57: {  	_ =	shalt  }
0x58: {  	_ =	shalt  }
0x59: {  	_ =	shalt  }
0x5a: {  	_ =	shalt  }
0x5b: {  	_ =	shalt  }
0x5c: {  	_ =	shalt  }
0x5d: {  	_ =	shalt  }
0x5e: {  	_ =	shalt  }
0x5f: {  	_ =	shalt  }
0x60: {  	_ =	shalt  }
0x61: {  	_ =	shalt  }
0x62: {  	_ =	shalt  }
0x63: {  	_ =	shalt  }
0x64: {  	_ =	shalt  }
0x65: {  	_ =	shalt  }
0x66: {  	_ =	shalt  }
0x67: {  	_ =	shalt  }
0x68: {  	_ =	shalt  }
0x69: {  	_ =	shalt  }
0x6a: {  	_ =	shalt  }
0x6b: {  	_ =	shalt  }
0x6c: {  	_ =	shalt  }
0x6d: {  	_ =	shalt  }
0x6e: {  	_ =	shalt  }
0x6f: {  	_ =	shalt  }
0x70: {  	_ =	shalt  }
0x71: {  	_ =	shalt  }
0x72: {  	_ =	shalt  }
0x73: {  	_ =	shalt  }
0x74: {  	_ =	shalt  }
0x75: {  	_ =	shalt  }
0x76: {  	_ =	shalt  }
0x77: {  	_ =	shalt  }
0x78: {  	_ =	shalt  }
0x79: {  	_ =	shalt  }
0x7a: {  	_ =	shalt  }
0x7b: {  	_ =	shalt  }
0x7c: {  	_ =	shalt  }
0x7d: {  	_ =	shalt  }
0x7e: {  	_ =	shalt  }
0x7f: {  	_ =	shalt  }
0x80: {  	_ =	shalt  }
0x81: {  	_ =	shalt  }
0x82: {  	_ =	shalt  }
0x83: {  	_ =	shalt  }
0x84: {  	_ =	shalt  }
0x85: {  	_ =	shalt  }
0x86: {  	_ =	shalt  }
0x87: {  	_ =	shalt  }
.Lfunc_end0:
.L_simem_size_0:
called_computation_lowered:
.L_overlay_start_0:
0x88: {  	s0 =	sld [smem:$0x3FD9]  }
0x89: {  	s1 =	sld [smem:$0x3FFE];
	_ =	sdelay $0x3  }
0x8a: {  	s0 =	sadd.s32 s1, s0  }
0x8b: {  	[smem:$0x3FC2] =	sst s0  }
0x8c: {  	_ = 	snop  }
0x8d: {  	s0 =	sld [smem:$0x3FC9]  }
0x8e: {  	s16 =	sld [smem:$0x3FD0];
	(tm) =	ssettm $0x1  }
0x8f: {  	s2 =	sld [smem:$0x3FFB];
	_ =	sdelay $0x3  }
0x90: {  	_ =	strace s2  }
0x91: {  	s2 =	sld [smem:$0x3FFC];
	_ =	sdelay $0x3  }
0x92: {  	_ =	strace s2  }
0x93: {  	s2 =	sld [smem:$0x3FFD];
	_ =	sdelay $0x3  }
0x94: {  	_ =	strace s2  }
0x95: {  	_ =	strace $0x8FFFFFFF  }
0x96: {  	s17 =	sld [smem:$0x3FDB];
	_ =	sdelay $0x1  }
0x97: {  	s3 =	simm.s32 $_scs_section_size  }
0x98: {  	s4 =	simm.s32 $_size__tile_overlayer_lowered;
	s5 =	simm.s32 $_tile_overlayer_lowered  }
0x99: {  	s20 =	simm.s32 $0x1BFF;
	s19 =	sshll.u32 s5, $0x1;
	s2 =	sadd.s32 s3, s17  }
0x9a: {  	s6 =	simm.s32 $0x0;
	s18 =	sshll.u32 s4, $0x1;
	s4 =	sadd.s32 s19, s2  }
0x9b: {  	[timem:s6], [sflag:s20] =	dma.local [hbm:s4], s18  }
0x9c: {  	_ =	swait.ge [sflag:s20], s18  }
0x9d: {  	s3 =	ssub.s32 $0x0, s18;
	[sflag:s20] =	ssyncset.done $0x0  }
0x9e: {  	[sflag:s20] =	ssyncadd.s32 s3;
	_ =	sdelay $0x1  }
0x9f: {  	s21 =	simm.s32 $0x1B8B  }
0xa0: {  	_ =	swait.ge [sflag:s21], $0x1  }
0xa1: {  	[sflag:s21] =	ssyncset.done $0x0  }
0xa2: {  	s23 =	simm.s32 $0x1B8E;
	s22 =	sld [smem:$0x3FFE];
	[sflag:s21] =	ssyncadd.s32 $0xFFFFFFFF  }
0xa3: {  	s24 =	simm.s32 $execute0_lowered;
	[smem:$0x3FD2] =	sst s23  }
0xa4: {  	s4 =	sshll.u32 s24, $0x1;
	_ =	strace $0x80000046;
	[dreg:$0x1] =	wrdreg $0xFFFFFFFF  }
0xa5: {  	s25 =	simm.s32 $_size_execute0_lowered;
	s2 =	sadd.s32 s2, s4;
	[dreg:$0x0] =	wrdreg $0x0  }
0xa6: {  	s4 =	sshll.u32 s25, $0x1;
	[dreg:$0x2] =	wrdreg s2  }
0xa7: {  	[dreg:$0x3] =	wrdreg s4  }
0xa8: {  	[dreg:$0x4] =	wrdreg $0xC0  }
0xa9: {  	_ =	task [dreg:s6], $0x5FFFF  }
0xaa: {  	[dreg:$0x1] =	wrdreg $0xFFFFFFFF  }
0xab: {  	[dreg:$0x0] =	wrdreg $0x60  }
0xac: {  	[dreg:$0x2] =	wrdreg s16  }
0xad: {  	[dreg:$0x3] =	wrdreg s0  }
0xae: {  	[dreg:$0x4] =	wrdreg s22  }
0xaf: {  	[dreg:$0x5] =	wrdreg $0x8A800  }
0xb0: {  	[dreg:$0x6] =	wrdreg $0xB9900  }
0xb1: {  	[dreg:$0x7] =	wrdreg $0xD0900  }
0xb2: {  	[dreg:$0x8] =	wrdreg $0x9  }
0xb3: {  	_ =	task.clear_ibuf [dreg:s6], $0x9FFFF;
	_ =	strace $0x90000046  }
0xb4: {  	s26 =	simm.s32 $0x9;
	_ =	strace $0x80000048  }
0xb5: {  	_ =	swait.ge [sflag:s26], $0x1  }
0xb6: {  	[sflag:s26] =	ssyncadd.s32 $0xFFFFFFFF  }
0xb7: {  	_ =	strace $0x90000048  }
0xb8: {  	_ =	sfence  }
0xb9: {  	s28 =	sld [smem:$0x0];
	_ =	sdelay $0x1  }
0xba: {  	s29 =	srdreg.scid  }
0xbb: {  	s30 =	sshll.u32 s29, $0xD;
	s31 =	sshrl.u32 s29, $0x2  }
0xbc: {  	s1 =	sand.u32 $0x1, s29;
	s2 =	sand.u32 $0x4000, s30;
	s0 =	sadd.s32 s31, s28  }
0xbd: {  	s1 =	sor.u32 s2, s1;
	s0 =	sshll.u32 s0, $0x11  }
0xbe: {  	s0 =	sor.u32 s0, s1  }
0xbf: {  	s0 =	sadd.s32 $0x8F2B, s0  }
0xc0: {  	[sflag:s0] =	ssyncadd.remote.s32 $0x1  }
0xc1: {  	_ =	sfence.sel $0xFFFF  }
0xc2: {  	[dreg:$0x0] =	wrdreg $0xFFFFFFFF;
	(pc) =	sbr.abs _section_cstart, $3  }
0xc3: {  	[dreg:$0x1] =	wrdreg $0xFFFFFFFF  }
0xc4: {  	_ =	task.clear_ibuf [dreg:s6], $0x2FFFF;
	_ =	strace $0x9FFFFFFF  }
0xc5: {  	(tm) =	ssettm $0x7FFFFFFF  }
tec
execute0_lowered:
.L_overlay_start_1:
0x0: {  	(tag) =	ssettag $0x1  }
0x1: {  	s3 =	rddreg [dreg:$0x0]  }
0x2: {  	s2 =	rddreg [dreg:$0x1]  }
0x3: {  	s6 =	rddreg [dreg:$0x2]  }
0x4: {  	s9 =	rddreg [dreg:$0x3]  }
0x5: {  	s4 =	rddreg [dreg:$0x4]  }
0x6: {  	s5 =	rddreg [dreg:$0x5]  }
0x7: {  	s0 =	rddreg [dreg:$0x6];
	s10 =	simm.s32 $0x0;
	s1 =	stileid.u32;
	v1 =	vlaneseq.u32  }
0x8: {  	[smem:$0x7FF] =	sst s10;
	s7 =	sshll.u32 s1, $0xC;
	v2 =	vor.u32 s10, v1  }
0x9: {  	s30 =	simm.s32 $0x3;
	_ =	strace $0x80000047;
	s3 =	sadd.s32 s3, s7;
	v0 =	vshll.u32 v2, $0x7  }
0xa: {  	[tilespmem:s10], [sflag:$0x3] =	stream.linear.gather [hbm4b:s3+s10], $0x8000, $0x38;
	v3 =	vor.u32 $0x1, v0;
	[tilespmem:$0x16F90] =	vst v63  }
0xb: {  	v4 =	vor.u32 $0x2, v0;
	_ =	swait.ge [sflag:s30], $0x8000  }
0xc: {  	v5 =	vor.u32 $0x3, v0;
	[sflag:s30] =	ssyncset.done $0x0  }
0xd: {  	v6 =	vor.u32 $0x4, v0;
	[sflag:s30] =	ssyncadd.s32 $0xFFFF8000  }
0xe: {  	v7 =	vor.u32 $0x5, v0;
	v8 =	vld.idx.msk [tilespmem:v0+s10+$0x0], $0xffff  }
0xf: {  	v9 =	vor.u32 $0x6, v0;
	v3 =	vld.idx.msk [tilespmem:v3+s10+$0x0], $0xffff  }
0x10: {  	v0 =	vor.u32 $0x7, v0;
	v4 =	vld.idx.msk [tilespmem:v4+s10+$0x0], $0xffff  }
0x11: {  	v5 =	vld.idx.msk [tilespmem:v5+s10+$0x0], $0xffff  }
0x12: {  	v6 =	vld.idx.msk [tilespmem:v6+s10+$0x0], $0xffff  }
0x13: {  	v7 =	vld.idx.msk [tilespmem:v7+s10+$0x0], $0xffff  }
0x14: {  	v9 =	vld.idx.msk [tilespmem:v9+s10+$0x0], $0xffff;
	v10 =	vmax.f32 v8, v3  }
0x15: {  	v11 =	vld.idx.msk [tilespmem:v0+s10+$0x0], $0xffff;
	v0 =	vmax.f32 v10, v4  }
0x16: {  	v0 =	vmax.f32 v0, v5  }
0x17: {  	v0 =	vmax.f32 v0, v6  }
0x18: {  	v0 =	vmax.f32 v0, v7  }
0x19: {  	v0 =	vmax.f32 v0, v9  }
0x1a: {  	v13 =	vmax.f32 v0, v11  }
0x1b: {  	v0 =	vimm.s32 $0x8;
	vm0 =	veq.f32 v11, v13  }
0x1c: {  	vm1 =	veq.f32 v9, v13;
	v10 =	vsel vm0, $0x7, v0  }
0x1d: {  	vm9 =	veq.f32 v7, v13;
	v10 =	vsel vm1, $0x6, v10  }
0x1e: {  	vm10 =	veq.f32 v6, v13;
	v10 =	vsel vm9, $0x5, v10  }
0x1f: {  	vm11 =	veq.f32 v5, v13;
	v10 =	vsel vm10, $0x4, v10  }
0x20: {  	vm12 =	veq.f32 v4, v13;
	v10 =	vsel vm11, $0x3, v10  }
0x21: {  	vm13 =	veq.f32 v3, v13;
	v10 =	vsel vm12, $0x2, v10  }
0x22: {  	vm14 =	vne.f32 v8, v13;
	v10 =	vsel vm13, $0x1, v10  }
0x23: {  	v8 =	vnsel vm14, $0xBF800000, v8;
	vm0 =	vmand vm14, vm13;
	v10 =	vnsel vm14, $0x0, v10  }
0x24: {  	v12 =	vmax.f32 v8, $-1.000000000e+00;
	v14 =	vsel vm0, $0xBF800000, v3;
	vm15 =	veq.s32 v10, $0x2  }
0x25: {  	v3 =	vmax.f32 v12, v14;
	vm1 =	veq.s32 v10, $0x3;
	v12 =	vsel vm15, $0xBF800000, v4  }
0x26: {  	vm4 =	veq.s32 v10, $0x4;
	v4 =	vsel vm1, $0xBF800000, v5;
	v3 =	vmax.f32 v3, v12  }
0x27: {  	vm5 =	veq.s32 v10, $0x5;
	v5 =	vsel vm4, $0xBF800000, v6;
	v3 =	vmax.f32 v3, v4  }
0x28: {  	vm6 =	veq.s32 v10, $0x6;
	v6 =	vsel vm5, $0xBF800000, v7;
	v3 =	vmax.f32 v3, v5  }
0x29: {  	vm7 =	veq.s32 v10, $0x7;
	v7 =	vsel vm6, $0xBF800000, v9;
	v3 =	vmax.f32 v3, v6  }
0x2a: {  	v9 =	vsel vm7, $0xBF800000, v11;
	v3 =	vmax.f32 v3, v7  }
0x2b: {  	v3 =	vmax.f32 v3, v9  }
0x2c: {  	vm8 =	veq.f32 v9, v3  }
0x2d: {  	vm9 =	veq.f32 v7, v3;
	v7 =	vsel vm8, $0x7, v0  }
0x2e: {  	vm10 =	veq.f32 v6, v3;
	v6 =	vsel vm9, $0x6, v7  }
0x2f: {  	v15 =	vshll.u32 v2, $0x1;
	vm11 =	veq.f32 v5, v3;
	v2 =	vsel vm10, $0x5, v6  }
0x30: {  	vm12 =	veq.f32 v4, v3;
	v4 =	vor.u32 $0x1, v15;
	v2 =	vsel vm11, $0x4, v2  }
0x31: {  	s31 =	simm.s32 $0x10;
	vm13 =	veq.f32 v12, v3;
	v5 =	vsel vm12, $0x3, v2  }
0x32: {  	vm14 =	veq.f32 v14, v3;
	v2 =	vor.u32 s31, v1;
	v6 =	vsel vm13, $0x2, v5  }
0x33: {  	s11 =	simm.s32 $0x8000;
	vm15 =	veq.f32 v8, v3;
	v5 =	vshll.u32 v2, $0x7;
	v7 =	vsel vm14, $0x1, v6  }
0x34: {  	[tilespmem:v15+s11+$0x0] =	vst.idx.msk $0xffff, v10;
	v6 =	vor.u32 $0x1, v5;
	v10 =	vsel vm15, $0x0, v7  }
0x35: {  	s12 =	simm.s32 $0x8200;
	s13 =	simm.s32 $0x20;
	s8 =	sadd.s32 $0xB9800, s6;
	v9 =	vor.u32 $0x3, v5;
	v8 =	vor.u32 $0x4, v5;
	v7 =	vor.u32 $0x2, v5;
	[tilespmem:v4+s11+$0x0] =	vst.idx.msk $0xffff, v10  }
0x36: {  	s7 =	sadd.s32 $0xB9A00, s6;
	s3 =	sadd.s32 $0x1800, s6;
	s6 =	sadd.s32 $0x1400, s6;
	v11 =	vor.u32 $0x5, v5;
	v12 =	vor.u32 $0x6, v5;
	v10 =	vor.u32 $0x7, v5;
	[tilespmem:v15+s12+$0x0] =	vst.idx.msk $0xffff, v13  }
.LBB2_1:
0x37: {  	p0 =	sne.s32 s13, $0xF0;
	[tilespmem:v4+s12+$0x0] =	vst.idx.msk $0xffff, v3;
	s14 =	smov.u32 s13;
	s13 =	sadd.s32 $0x10, s13  }
0x38: {  	v3 =	vld.idx.msk [tilespmem:v5+s10+$0x0], $0xffff  }
0x39: {  	v4 =	vld.idx.msk [tilespmem:v6+s10+$0x0], $0xffff  }
0x3a: {  	v5 =	vld.idx.msk [tilespmem:v7+s10+$0x0], $0xffff  }
0x3b: {  	v6 =	vld.idx.msk [tilespmem:v9+s10+$0x0], $0xffff  }
0x3c: {  	v7 =	vld.idx.msk [tilespmem:v8+s10+$0x0], $0xffff  }
0x3d: {  	v8 =	vld.idx.msk [tilespmem:v11+s10+$0x0], $0xffff  }
0x3e: {  	v9 =	vld.idx.msk [tilespmem:v12+s10+$0x0], $0xffff  }
0x3f: {  	v11 =	vmax.f32 v3, v4;
	v10 =	vld.idx.msk [tilespmem:v10+s10+$0x0], $0xffff  }
0x40: {  	v11 =	vmax.f32 v11, v5  }
0x41: {  	v11 =	vmax.f32 v11, v6  }
0x42: {  	v11 =	vmax.f32 v11, v7  }
0x43: {  	v11 =	vmax.f32 v11, v8  }
0x44: {  	v11 =	vmax.f32 v11, v9  }
0x45: {  	v13 =	vmax.f32 v11, v10  }
0x46: {  	vm0 =	veq.f32 v6, v13;
	vm1 =	veq.f32 v7, v13;
	vm2 =	veq.f32 v10, v13  }
0x47: {  	vm3 =	veq.f32 v5, v13;
	vm4 =	veq.f32 v9, v13;
	v11 =	vsel vm2, $0x7, v0  }
0x48: {  	vm5 =	veq.f32 v8, v13;
	vm2 =	veq.f32 v4, v13;
	v11 =	vsel vm4, $0x6, v11  }
0x49: {  	v14 =	vshll.u32 v2, $0x1;
	vm4 =	vne.f32 v3, v13;
	v11 =	vsel vm5, $0x5, v11  }
0x4a: {  	v2 =	vsel vm1, $0x4, v11;
	v11 =	vnsel vm4, $0xBF800000, v3;
	vm1 =	vmand vm4, vm2  }
0x4b: {  	v2 =	vsel vm0, $0x3, v2  }
0x4c: {  	v2 =	vsel vm3, $0x2, v2  }
0x4d: {  	v2 =	vsel vm2, $0x1, v2  }
0x4e: {  	v3 =	vmax.f32 v11, $-1.000000000e+00;
	v12 =	vsel vm1, $0xBF800000, v4;
	v2 =	vnsel vm4, $0x0, v2  }
0x4f: {  	vm0 =	veq.s32 v2, $0x2;
	vm1 =	veq.s32 v2, $0x3;
	vm2 =	veq.s32 v2, $0x4;
	[tilespmem:v14+s11+$0x0] =	vst.idx.msk $0xffff, v2  }
0x50: {  	v3 =	vmax.f32 v3, v12;
	v4 =	vsel vm0, $0xBF800000, v5;
	vm0 =	veq.s32 v2, $0x5  }
0x51: {  	v5 =	vsel vm1, $0xBF800000, v6;
	vm1 =	veq.s32 v2, $0x7;
	v3 =	vmax.f32 v3, v4  }
0x52: {  	v6 =	vsel vm2, $0xBF800000, v7;
	v3 =	vmax.f32 v3, v5  }
0x53: {  	v7 =	vsel vm0, $0xBF800000, v8;
	vm0 =	veq.s32 v2, $0x6;
	v3 =	vmax.f32 v3, v6  }
0x54: {  	v8 =	vsel vm0, $0xBF800000, v9;
	v2 =	vmax.f32 v3, v7  }
0x55: {  	v9 =	vsel vm1, $0xBF800000, v10;
	v2 =	vmax.f32 v2, v8  }
0x56: {  	v3 =	vmax.f32 v2, v9  }
0x57: {  	vm0 =	veq.f32 v5, v3;
	vm1 =	veq.f32 v6, v3;
	vm2 =	veq.f32 v9, v3  }
0x58: {  	vm3 =	veq.f32 v4, v3;
	vm4 =	veq.f32 v8, v3;
	v2 =	vsel vm2, $0x7, v0  }
0x59: {  	vm5 =	veq.f32 v7, v3;
	vm2 =	veq.f32 v11, v3;
	v2 =	vsel vm4, $0x6, v2  }
0x5a: {  	v2 =	vsel vm5, $0x5, v2  }
0x5b: {  	v4 =	vor.u32 $0x1, v14;
	v2 =	vsel vm1, $0x4, v2  }
0x5c: {  	v5 =	vsel vm0, $0x3, v2  }
.Ltmp0:
0x5d: {  	v2 =	vor.u32 s14, v1;
	vm0 =	veq.f32 v12, v3;
	v6 =	vsel vm3, $0x2, v5;
	(pc) =	sbr.rel @p0 .LBB2_1-.Ltmp0, $4  }
0x5e: {  	v5 =	vshll.u32 v2, $0x7;
	v8 =	vsel vm0, $0x1, v6  }
0x5f: {  	v6 =	vor.u32 $0x1, v5;
	v7 =	vor.u32 $0x2, v5;
	v10 =	vsel vm2, $0x0, v8  }
0x60: {  	v9 =	vor.u32 $0x3, v5;
	v11 =	vor.u32 $0x5, v5;
	v8 =	vor.u32 $0x4, v5;
	[tilespmem:v4+s11+$0x0] =	vst.idx.msk $0xffff, v10  }
0x61: {  	v12 =	vor.u32 $0x6, v5;
	v10 =	vor.u32 $0x7, v5;
	[tilespmem:v14+s12+$0x0] =	vst.idx.msk $0xffff, v13  }
0x62: {  	_ =	sdelay $0x3  }
0x63: {  	[tilespmem:v4+s12+$0x0] =	vst.idx.msk $0xffff, v3  }
0x64: {  	v1 =	vld.idx.msk [tilespmem:v5+s10+$0x0], $0xffff  }
0x65: {  	v3 =	vld.idx.msk [tilespmem:v6+s10+$0x0], $0xffff  }
0x66: {  	v4 =	vld.idx.msk [tilespmem:v7+s10+$0x0], $0xffff  }
0x67: {  	v5 =	vld.idx.msk [tilespmem:v9+s10+$0x0], $0xffff  }
0x68: {  	v6 =	vld.idx.msk [tilespmem:v8+s10+$0x0], $0xffff  }
0x69: {  	v7 =	vld.idx.msk [tilespmem:v11+s10+$0x0], $0xffff  }
0x6a: {  	v8 =	vld.idx.msk [tilespmem:v12+s10+$0x0], $0xffff;
	v9 =	vmax.f32 v1, v3  }
0x6b: {  	v10 =	vld.idx.msk [tilespmem:v10+s10+$0x0], $0xffff;
	v9 =	vmax.f32 v9, v4  }
0x6c: {  	v9 =	vmax.f32 v9, v5  }
0x6d: {  	v9 =	vmax.f32 v9, v6  }
0x6e: {  	v9 =	vmax.f32 v9, v7  }
0x6f: {  	v9 =	vmax.f32 v9, v8  }
0x70: {  	v9 =	vmax.f32 v9, v10  }
0x71: {  	vm0 =	veq.f32 v10, v9  }
0x72: {  	vm1 =	veq.f32 v8, v9;
	v11 =	vsel vm0, $0x7, v0  }
0x73: {  	vm0 =	veq.f32 v7, v9;
	v11 =	vsel vm1, $0x6, v11  }
0x74: {  	vm1 =	veq.f32 v6, v9;
	v11 =	vsel vm0, $0x5, v11  }
0x75: {  	vm0 =	veq.f32 v5, v9;
	v11 =	vsel vm1, $0x4, v11  }
0x76: {  	vm1 =	veq.f32 v4, v9;
	v11 =	vsel vm0, $0x3, v11  }
0x77: {  	vm0 =	veq.f32 v3, v9;
	v11 =	vsel vm1, $0x2, v11  }
0x78: {  	vm1 =	vne.f32 v1, v9;
	v11 =	vsel vm0, $0x1, v11  }
0x79: {  	v1 =	vnsel vm1, $0xBF800000, v1;
	vm0 =	vmand vm1, vm0;
	v11 =	vnsel vm1, $0x0, v11  }
0x7a: {  	v12 =	vmax.f32 v1, $-1.000000000e+00;
	v3 =	vsel vm0, $0xBF800000, v3;
	vm0 =	veq.s32 v11, $0x2  }
0x7b: {  	vm1 =	veq.s32 v11, $0x3;
	v12 =	vmax.f32 v12, v3;
	v4 =	vsel vm0, $0xBF800000, v4  }
0x7c: {  	vm0 =	veq.s32 v11, $0x4;
	v5 =	vsel vm1, $0xBF800000, v5;
	v12 =	vmax.f32 v12, v4  }
0x7d: {  	vm1 =	veq.s32 v11, $0x5;
	v6 =	vsel vm0, $0xBF800000, v6;
	v12 =	vmax.f32 v12, v5  }
0x7e: {  	v7 =	vsel vm1, $0xBF800000, v7;
	vm0 =	veq.s32 v11, $0x6;
	v12 =	vmax.f32 v12, v6  }
0x7f: {  	vm1 =	veq.s32 v11, $0x7;
	v8 =	vsel vm0, $0xBF800000, v8;
	v12 =	vmax.f32 v12, v7  }
0x80: {  	v10 =	vsel vm1, $0xBF800000, v10;
	v12 =	vmax.f32 v12, v8  }
0x81: {  	v12 =	vmax.f32 v12, v10  }
0x82: {  	v2 =	vshll.u32 v2, $0x1;
	vm0 =	veq.f32 v10, v12  }
0x83: {  	vm7 =	vcmask $0xF0C;
	vm1 =	veq.f32 v8, v12;
	v0 =	vsel vm0, $0x7, v0  }
0x84: {  	vm5 =	vcmask $0x704;
	vm0 =	veq.f32 v7, v12;
	v0 =	vsel vm1, $0x6, v0  }
0x85: {  	vm11 =	vcmask $0x1714;
	vm1 =	veq.f32 v6, v12;
	v0 =	vsel vm0, $0x5, v0  }
0x86: {  	vm14 =	vcmask $0x1F1C;
	vm0 =	veq.f32 v5, v12;
	v0 =	vsel vm1, $0x4, v0  }
0x87: {  	vm15 =	vcmask $0x2724;
	vm2 =	veq.f32 v4, v12;
	v0 =	vsel vm0, $0x3, v0  }
0x88: {  	vm0 =	veq.f32 v3, v12;
	v0 =	vsel vm2, $0x2, v0;
	vm2 =	vmor vm5, vm7  }
0x89: {  	s31 =	simm.s32 $0x0;
	v4 =	vor.u32 $0x1, v2;
	v0 =	vsel vm0, $0x1, v0;
	vm0 =	vmor vm2, vm11  }
0x8a: {  	v5 =	vmov s31;
	vm1 =	veq.f32 v1, v12;
	vm0 =	vmor vm0, vm14  }
0x8b: {  	v3 =	vsel vm1, $0x0, v0;
	vm1 =	vcmask $0x2F2C;
	vm0 =	vmor vm0, vm15  }
0x8c: {  	s30 =	sshll.u32 s1, $0x8;
	v1 =	vlaneseq.u32;
	vm0 =	vmor vm0, vm1;
	vm1 =	vcmask $0x3734  }
0x8d: {  	[tilespmem:v2+s11+$0x0] =	vst.idx.msk $0xffff, v11;
	v0 =	vmov s30;
	vm0 =	vmor vm0, vm1;
	vm1 =	vcmask $0x3F3C  }
0x8e: {  	[tilespmem:v4+s11+$0x0] =	vst.idx.msk $0xffff, v3;
	v3 =	vor.u32 s31, v1;
	vm9 =	vmor vm0, vm1;
	vm0 =	veq.s32 v5, v1  }
0x8f: {  	[tilespmem:v2+s12+$0x0] =	vst.idx.msk $0xffff, v9;
	v2 =	vimm.s32 $0x0;
	v3 =	vshrl.u32 v3, $0x1;
	vm0 =	vmand vm0, vm9  }
0x90: {  	s10 =	simm.s32 $0x8000;
	[tilespmem:v4+s12+$0x0] =	vst.idx.msk $0xffff, v12;
	v3 =	vadd.s32 v0, v3;
	v4 =	vsel vm0, $0xFFFFFFFF, v2  }
0x91: {  	v5 =	vld [tilespmem:s10+$0x0];
	v3 =	vadd.s32 v4, v3  }
0x92: {  	v4 =	vshra.s32 v3, $0x1F;
	v6 =	vand.u32 $0x7FF, v3  }
0x93: {  	vm0 =	vlt.s32 v3, $0x1;
	v4 =	vshrl.u32 v4, $0x15;
	vm1 =	vne.s32 v6, $0x0  }
0x94: {  	v3 =	vadd.s32 v4, v3;
	vm0 =	vmand vm0, vm1  }
0x95: {  	v3 =	vshra.s32 v3, $0xB;
	v4 =	vsel vm0, $0xFFFFFFFF, v2  }
0x96: {  	v3 =	vadd.s32 v4, v3;
	v4 =	vshll.u32 v5, $0x1  }
0x97: {  	vm13 =	vmmov $0x1;
	v7 =	vadd.s32 v4, v3  }
0x98: {  	v3 =	vnsel vm13, $0x0, v2;
	vm6 =	veq.s32 v7, $0x0  }
0x99: {  	(xrf0) =	vadd.scan.msk.s32 $0xffff, v3;
	v3 =	vsel vm6, $0x1, v2  }
0x9a: {  	vm1 =	veq.s32 v7, $0x1;
	(xrf0) =	vadd.scan.msk.s32 $0xffff, v3  }
0x9b: {  	vm10 =	veq.s32 v7, $0x2;
	v4 =	vsel vm1, $0x1, v2  }
0x9c: {  	vm3 =	veq.s32 v7, $0x3;
	v3 =	vsel vm10, $0x1, v2;
	(xrf0) =	vadd.scan.msk.s32 $0xffff, v4  }
0x9d: {  	v13 =	vimm.s32 $0x0;
	(xrf0) =	vadd.scan.msk.s32 $0xffff, v3;
	v3 =	vsel vm3, $0x1, v2  }
0x9e: {  	v13 =	vsel vm13, $0xFFFFFFFF, v13;
	(xrf0) =	vadd.scan.msk.s32 $0xffff, v3  }
0x9f: {  	vm8 =	veq.s32 v7, $0x4;
	vm0 =	veq.s32 v7, $0x8;
	vm2 =	veq.s32 v7, $0x6;
	v5, _, _ =	vpop (xrf0)  }
0xa0: {  	vm4 =	veq.s32 v7, $0x5;
	v10 =	vsel vm2, $0x1, v2;
	v3 =	vimm.s32 $0x0;
	v6, _, _ =	vpop (xrf0)  }
0xa1: {  	[tilespmem:$0x1FFD0] =	vst v13;
	v4 =	vsel vm8, $0x1, v2;
	v3 =	vsel vm0, $0xFFFFFFFF, v3;
	v8 =	vbroadcast v6, $0xF  }
0xa2: {  	vm12 =	veq.s32 v7, $0x7;
	[tilespmem:$0x1FFC0] =	vst v3;
	(xrf0) =	vadd.scan.msk.s32 $0xffff, v4;
	v4 =	vsel vm4, $0x1, v2;
	v9, _, _ =	vpop (xrf0)  }
0xa3: {  	v3 =	vsel vm0, $0x1, v2;
	(xrf0) =	vadd.scan.msk.s32 $0xffff, v4;
	v11 =	vbroadcast v9, $0xF;
	v12, _, _ =	vpop (xrf0);
	v8 =	vnsel vm13, $0x0, v8  }
0xa4: {  	vm0 =	vcmask $0xB08;
	(xrf0) =	vadd.scan.msk.s32 $0xffff, v10;
	v13 =	vbroadcast v12, $0xF;
	v10, _, _ =	vpop (xrf0);
	v8 =	vadd.s32 v2, v8  }
0xa5: {  	v11 =	vnsel vm5, $0x0, v11;
	vm5 =	vcmask $0x308;
	v14 =	vbroadcast v10, $0xF  }
0xa6: {  	v4 =	vsel vm12, $0x1, v2;
	vm13 =	vcmask $0x70C;
	v15 =	vsel vm5, $0x0, v8  }
0xa7: {  	v8 =	vadd.s32 v11, v8;
	vm5 =	veq.s32 v7, $0x9;
	v13 =	vnsel vm0, $0x0, v13  }
0xa8: {  	vm0 =	vcmask $0xB10;
	v16 =	vsel vm5, $0x1, v2;
	v17 =	vsel vm13, $0x0, v8;
	v11, _, _ =	vpop (xrf0)  }
0xa9: {  	(xrf0) =	vadd.scan.msk.s32 $0xffff, v4;
	v4 =	vadd.s32 v13, v8;
	v8 =	vnsel vm7, $0x0, v14;
	v13 =	vbroadcast v11, $0xF;
	v14, _, _ =	vpop (xrf0)  }
0xaa: {  	(xrf0) =	vadd.scan.msk.s32 $0xffff, v3;
	vm7 =	vcmask $0x1310;
	v8 =	vadd.s32 v8, v4;
	v3 =	vbroadcast v14, $0xF  }
0xab: {  	(xrf0) =	vadd.scan.msk.s32 $0xffff, v15;
	v4 =	vsel vm0, $0x0, v4;
	vm0 =	vcmask $0x1318;
	v15, _, _ =	vpop (xrf0);
	v13 =	vnsel vm7, $0x0, v13  }
0xac: {  	(xrf0) =	vadd.scan.msk.s32 $0xffff, v17;
	v17 =	vbroadcast v15, $0xF;
	v13 =	vadd.s32 v13, v8;
	v3 =	vnsel vm11, $0x0, v3  }
0xad: {  	(xrf0) =	vadd.scan.msk.s32 $0xffff, v4;
	v4 =	vsel vm0, $0x0, v13;
	vm0 =	vcmask $0x1B18;
	v3 =	vadd.s32 v3, v13  }
0xae: {  	(xrf0) =	vadd.scan.msk.s32 $0xffff, v16;
	vm7 =	veq.s32 v7, $0xA;
	v13 =	vnsel vm0, $0x0, v17;
	vm0 =	vcmask $0x171C  }
0xaf: {  	v18, _, _ =	vpop (xrf0);
	(xrf0) =	vadd.scan.msk.s32 $0xffff, v4;
	v16 =	vsel vm0, $0x0, v3;
	v13 =	vadd.s32 v13, v3;
	vm0 =	vcmask $0x1B20  }
0xb0: {  	vm13 =	veq.s32 v7, $0xB;
	v3, _, _ =	vpop (xrf0);
	v4 =	vsel vm0, $0x0, v13;
	(xrf0) =	vadd.scan.msk.s32 $0xffff, v16;
	v16 =	vsel vm7, $0x1, v2  }
0xb1: {  	vm0 =	vcmask $0xF14;
	v17, _, _ =	vpop (xrf0);
	(xrf0) =	vadd.scan.msk.s32 $0xffff, v4;
	v4 =	vsel vm13, $0x1, v2  }
0xb2: {  	v8 =	vsel vm0, $0x0, v8;
	v19, _, _ =	vpop (xrf0);
	(xrf0) =	vadd.scan.msk.s32 $0xffff, v16  }
0xb3: {  	v16, _, _ =	vpop (xrf0);
	(xrf0) =	vadd.scan.msk.s32 $0xffff, v4  }
0xb4: {  	(xrf0) =	vadd.scan.msk.s32 $0xffff, v8;
	v4, _, _ =	vpop (xrf0)  }
0xb5: {  	v5 =	vadd.s32 $0xFFFFFFFF, v5;
	v8, _, _ =	vpop (xrf0)  }
0xb6: {  	v20, _, _ =	vpop (xrf0)  }
0xb7: {  	v21 =	vbroadcast v5, $0xF;
	v22, _, _ =	vpop (xrf0)  }
0xb8: {  	v17 =	vadd.s32 $0xFFFFFFFF, v17;
	v5, _, _ =	vpop (xrf0)  }
0xb9: {  	v21 =	vadd.s32 v6, v21;
	v17 =	vbroadcast v17, $0xF;
	v19 =	vadd.s32 $0xFFFFFFFF, v19;
	v6, _, _ =	vpop (xrf0)  }
0xba: {  	v21 =	vnsel vm6, $0x0, v21;
	v19 =	vbroadcast v19, $0xF;
	v16 =	vadd.s32 $0xFFFFFFFF, v16;
	v23, _, _ =	vpop (xrf0)  }
0xbb: {  	v9 =	vadd.s32 v9, v17;
	v16 =	vbroadcast v16, $0xF;
	v17 =	vadd.s32 $0xFFFFFFFF, v23  }
0xbc: {  	v9 =	vsel vm1, v9, v21;
	v12 =	vadd.s32 v12, v19;
	v17 =	vbroadcast v17, $0xF  }
0xbd: {  	vm6 =	veq.s32 v7, $0xF;
	v9 =	vsel vm10, v12, v9;
	v10 =	vadd.s32 v10, v16  }
0xbe: {  	vm11 =	veq.s32 v7, $0xD;
	v9 =	vsel vm3, v10, v9;
	v10 =	vadd.s32 v11, v17  }
0xbf: {  	vm0 =	vcmask $0x2320;
	v12 =	vsel vm8, v10, v9;
	v10 =	vbroadcast v18, $0xF  }
0xc0: {  	vm1 =	veq.s32 v7, $0xC;
	v8 =	vadd.s32 $0xFFFFFFFF, v8;
	v11 =	vbroadcast v3, $0xF  }
0xc1: {  	vm10 =	veq.s32 v7, $0xE;
	v17 =	vsel vm1, $0x1, v2;
	v10 =	vnsel vm14, $0x0, v10  }
0xc2: {  	(xrf0) =	vadd.scan.msk.s32 $0xffff, v17;
	v11 =	vnsel vm0, $0x0, v11;
	vm0 =	vcmask $0x1F24;
	v10 =	vadd.s32 v10, v13  }
0xc3: {  	v8 =	vbroadcast v8, $0xF;
	v17 =	vbroadcast v4, $0xF;
	v13 =	vsel vm0, $0x0, v10  }
0xc4: {  	v19 =	vsel vm11, $0x1, v2;
	v16 =	vsel vm10, $0x1, v2;
	(xrf0) =	vadd.scan.msk.s32 $0xffff, v13;
	v13 =	vadd.s32 $0xFFFFFFFF, v20  }
0xc5: {  	v20 =	vadd.s32 v11, v10;
	v11 =	vadd.s32 v14, v8;
	v8 =	vnsel vm15, $0x0, v17  }
0xc6: {  	v61 =	vadd.s32 $0xFFFFFFFF, v22;
	vm0 =	vcmask $0x2328;
	v10 =	vbroadcast v13, $0xF  }
0xc7: {  	(xrf0) =	vadd.scan.msk.s32 $0xffff, v19;
	v13 =	vbroadcast v5, $0xF;
	v14 =	vsel vm0, $0x0, v20;
	vm0 =	vcmask $0x2B28  }
0xc8: {  	(xrf0) =	vadd.scan.msk.s32 $0xffff, v16;
	v16 =	vbroadcast v6, $0xF;
	v10 =	vadd.s32 v15, v10;
	v15 =	vadd.s32 v8, v20;
	v8, _, _ =	vpop (xrf0)  }
0xc9: {  	v13 =	vnsel vm0, $0x0, v13;
	vm0 =	vcmask $0x272C;
	v17 =	vbroadcast v8, $0xF  }
0xca: {  	v20 =	vsel vm0, $0x0, v15;
	v13 =	vadd.s32 v13, v15;
	vm0 =	vcmask $0x2F2C;
	v19, _, _ =	vpop (xrf0)  }
0xcb: {  	(xrf0) =	vadd.scan.msk.s32 $0xffff, v14;
	v14 =	vnsel vm0, $0x0, v16;
	vm0 =	vcmask $0x2B30;
	v15 =	vadd.s32 $0xFFFFFFFF, v19  }
0xcc: {  	v19 =	vsel vm0, $0x0, v13;
	v14 =	vadd.s32 v14, v13;
	vm0 =	vcmask $0x2F34  }
0xcd: {  	s12 =	simm.s32 $0x8400;
	v9 =	vsel vm6, $0x1, v2;
	v62 =	vsel vm0, $0x0, v14;
	vm0 =	vcmask $0x3330  }
0xce: {  	[tilespmem:s12+$0x0] =	vst v7;
	v7, _, _ =	vpop (xrf0);
	v13 =	vbroadcast v15, $0xF;
	v15 =	vbroadcast v61, $0xF;
	v16 =	vnsel vm0, $0x0, v17  }
0xcf: {  	(xrf0) =	vadd.scan.msk.s32 $0xffff, v9;
	v63 =	vbroadcast v7, $0xF;
	vm0 =	vcmask $0x3338;
	v17 =	vadd.s32 v16, v14  }
0xd0: {  	v9, _, _ =	vpop (xrf0);
	(xrf0) =	vadd.scan.msk.s32 $0xffff, v20;
	v14 =	vadd.s32 v18, v15;
	v15 =	vsel vm0, $0x0, v17;
	vm0 =	vcmask $0x3734  }
0xd1: {  	v20 =	vimm.s32 $0x0;
	(xrf0) =	vadd.scan.msk.s32 $0xffff, v19;
	v19 =	vnsel vm0, $0x0, v63;
	vm0 =	vmmov $0x7fff  }
0xd2: {  	v20 =	vsel vm0, $0xFFFFFFFF, v20  }
0xd3: {  	[tilespmem:$0x1FFE0] =	vst v20;
	v20 =	vimm.s32 $0x0  }
0xd4: {  	v20 =	vsel vm9, $0xFFFFFFFF, v20  }
0xd5: {  	s13 =	simm.s32 $0x8600;
	s14 =	simm.s32 $0x10;
	s11 =	simm.s32 $0x8600;
	v16 =	vbroadcast v9, $0xF;
	(xrf0) =	vadd.scan.msk.s32 $0xffff, v62;
	v18, _, _ =	vpop (xrf0);
	[tilespmem:$0x1FFF0] =	vst v20  }
.LBB2_3:
0xd6: {  	v11 =	vsel vm4, v11, v12  }
0xd7: {  	v12 =	vadd.s32 v3, v13;
	vm0 =	vcmask $0x3B38;
	v10 =	vsel vm2, v10, v11  }
0xd8: {  	v11 =	vadd.s32 v19, v17;
	v16 =	vnsel vm0, $0x0, v16;
	vm0 =	vcmask $0x373C  }
0xd9: {  	v3 =	vadd.s32 $0xFFFFFFFF, v18;
	v18 =	vsel vm0, $0x0, v11;
	v11 =	vadd.s32 v16, v11;
	v16 =	vld [tilespmem:$0x1FFE0];
	_ =	sdelay $0x1  }
0xda: {  	v13, _, _ =	vpop (xrf0)  }
0xdb: {  	v17, _, _ =	vpop (xrf0)  }
0xdc: {  	v19, _, _ =	vpop (xrf0);
	(xrf0) =	vadd.scan.msk.s32 $0xffff, v15;
	v10 =	vsel vm12, v14, v10  }
0xdd: {  	v14 =	vadd.s32 $0xFFFFFFFF, v19;
	v19, _, _ =	vpop (xrf0);
	(xrf0) =	vadd.scan.msk.s32 $0xffff, v18;
	v18 =	vbroadcast v3, $0xF;
	vm0 =	vnez.u8 v16  }
0xde: {  	v3 =	vadd.s32 $0xFFFFFFFF, v19;
	v16 =	vsel vm0, $0x0, v13;
	v15 =	vsel vm0, $0x0, v11  }
0xdf: {  	(xrf0) =	vadd.scan.msk.s32 $0xffff, v15;
	v15 =	vadd.s32 $0xFFFFFFFF, v17;
	v17 =	vbroadcast v3, $0xF;
	v3 =	vadd.s32 v16, v11;
	v11 =	vld [tilespmem:$0x1FFC0];
	_ =	sdelay $0x4  }
0xe0: {  	vm0 =	vnez.u8 v11;
	v11 =	vbroadcast v15, $0xF  }
0xe1: {  	v14 =	vbroadcast v14, $0xF;
	v4 =	vadd.s32 v4, v18;
	v12 =	vsel vm0, v12, v10  }
0xe2: {  	v10, _, _ =	vpop (xrf0);
	v4 =	vsel vm5, v4, v12;
	v5 =	vadd.s32 v5, v11  }
0xe3: {  	v6 =	vadd.s32 v6, v14;
	v4 =	vsel vm7, v5, v4;
	v5 =	vadd.s32 $0xFFFFFFFF, v10;
	v10, _, _ =	vpop (xrf0)  }
0xe4: {  	v4 =	vsel vm13, v6, v4;
	v5 =	vbroadcast v5, $0xF;
	v6 =	vadd.s32 $0xFFFFFFFF, v10  }
0xe5: {  	v8 =	vadd.s32 v8, v17;
	v6 =	vbroadcast v6, $0xF  }
0xe6: {  	v4 =	vsel vm1, v8, v4;
	v5 =	vadd.s32 v7, v5  }
0xe7: {  	v4 =	vsel vm11, v5, v4;
	v5 =	vadd.s32 v9, v6;
	v6 =	vld [tilespmem:$0x1FFD0]  }
0xe8: {  	v10, _, _ =	vpop (xrf0)  }
0xe9: {  	v8 =	vadd.s32 $0xFFFFFFFF, v10  }
0xea: {  	v7 =	vbroadcast v8, $0xF;
	_ =	sdelay $0x1  }
0xeb: {  	s15 =	smov.u32 s14;
	v4 =	vsel vm10, v5, v4;
	v5 =	vadd.s32 v13, v7;
	vm15 =	vnez.u8 v6  }
0xec: {  	v4 =	vsel vm6, v5, v4;
	v5 =	vmov s15;
	v6 =	vnsel vm15, $0x0, v3  }
0xed: {  	[tilespmem:s11+$0x0] =	vst v4;
	v4 =	vor.u32 s15, v1;
	vm0 =	veq.s32 v5, v1;
	(xrf0) =	vadd.scan.msk.s32 $0xffff, v6  }
0xee: {  	v4 =	vshrl.u32 v4, $0x1;
	vm0 =	vmand vm0, vm9  }
0xef: {  	s10 =	sadd.s32 $0x10, s10;
	v5 =	vsel vm0, $0xFFFFFFFF, v2;
	v4 =	vadd.s32 v0, v4  }
0xf0: {  	v4 =	vadd.s32 v5, v4;
	v6 =	vld [tilespmem:s10+$0x0]  }
0xf1: {  	v5 =	vshra.s32 v4, $0x1F;
	v8 =	vand.u32 $0x7FF, v4  }
0xf2: {  	vm0 =	vlt.s32 v4, $0x1;
	v5 =	vshrl.u32 v5, $0x15;
	vm1 =	vne.s32 v8, $0x0  }
0xf3: {  	v4 =	vadd.s32 v5, v4;
	vm0 =	vmand vm0, vm1;
	v7, _, _ =	vpop (xrf0)  }
0xf4: {  	v4 =	vshra.s32 v4, $0xB;
	v5 =	vadd.s32 $0xFFFFFFFF, v7;
	v7 =	vsel vm0, $0xFFFFFFFF, v2  }
0xf5: {  	v6 =	vshll.u32 v6, $0x1;
	v4 =	vadd.s32 v7, v4  }
0xf6: {  	v7 =	vimm.s32 $0x0;
	v4 =	vadd.s32 v6, v4  }
0xf7: {  	v5 =	vbroadcast v5, $0xF;
	vm14 =	veq.s32 v4, $0x0;
	vm9 =	veq.s32 v4, $0x4  }
0xf8: {  	vm0 =	veq.s32 v4, $0x8;
	vm8 =	veq.s32 v4, $0x1;
	vm10 =	veq.s32 v4, $0xE  }
0xf9: {  	v6 =	vsel vm14, $0x1, v2;
	v7 =	vsel vm0, $0xFFFFFFFF, v7;
	v10 =	vsel vm0, $0x1, v2  }
0xfa: {  	vm0 =	veq.s32 v4, $0x2;
	[tilespmem:$0x1FFC0] =	vst v7;
	v7 =	vsel vm8, $0x1, v2;
	(xrf0) =	vadd.scan.msk.s32 $0xffff, v6  }
0xfb: {  	vm3 =	veq.s32 v4, $0x3;
	vm6 =	veq.s32 v4, $0xF;
	v6 =	vsel vm0, $0x1, v2;
	(xrf0) =	vadd.scan.msk.s32 $0xffff, v7  }
0xfc: {  	vm7 =	veq.s32 v4, $0xA;
	vm11 =	veq.s32 v4, $0xD;
	vm1 =	veq.s32 v4, $0xC;
	(xrf0) =	vadd.scan.msk.s32 $0xffff, v6  }
0xfd: {  	vm5 =	veq.s32 v4, $0x9;
	vm13 =	veq.s32 v4, $0xB;
	v7 =	vsel vm3, $0x1, v2  }
0xfe: {  	vm4 =	veq.s32 v4, $0x5;
	vm12 =	veq.s32 v4, $0x7;
	v6 =	vsel vm9, $0x1, v2;
	(xrf0) =	vadd.scan.msk.s32 $0xffff, v7  }
0xff: {  	s12 =	sadd.s32 $0x10, s12;
	vm2 =	veq.s32 v4, $0x6;
	v8 =	vsel vm10, $0x1, v2;
	v11 =	vsel vm11, $0x1, v2;
	(xrf0) =	vadd.scan.msk.s32 $0xffff, v6  }
0x100: {  	[tilespmem:s12+$0x0] =	vst v4;
	v12 =	vsel vm2, $0x1, v2;
	v13 =	vsel vm1, $0x1, v2;
	v15 =	vsel vm12, $0x1, v2;
	v4, _, _ =	vpop (xrf0)  }
0x101: {  	v16 =	vsel vm13, $0x1, v2;
	v6 =	vsel vm4, $0x1, v2;
	v22 =	vbroadcast v4, $0xF;
	v14, _, _ =	vpop (xrf0)  }
0x102: {  	v18 =	vsel vm7, $0x1, v2;
	(xrf0) =	vadd.scan.msk.s32 $0xffff, v6;
	v4 =	vadd.s32 v4, v5;
	v6 =	vbroadcast v14, $0xF;
	v17, _, _ =	vpop (xrf0)  }
0x103: {  	(xrf0) =	vadd.scan.msk.s32 $0xffff, v12;
	v20 =	vnsel vm15, $0x0, v22;
	v12 =	vbroadcast v17, $0xF;
	vm15 =	vcmask $0x704  }
0x104: {  	v19, _, _ =	vpop (xrf0);
	(xrf0) =	vadd.scan.msk.s32 $0xffff, v15;
	v3 =	vadd.s32 v3, v20;
	v6 =	vnsel vm15, $0x0, v6;
	vm15 =	vcmask $0x308  }
0x105: {  	v9, _, _ =	vpop (xrf0);
	(xrf0) =	vadd.scan.msk.s32 $0xffff, v10;
	v10 =	vsel vm15, $0x0, v3;
	v3 =	vadd.s32 v6, v3;
	vm15 =	vcmask $0x70C  }
0x106: {  	v21 =	vbroadcast v19, $0xF;
	v57 =	vsel vm15, $0x0, v3;
	vm15 =	vcmask $0xB08  }
0x107: {  	v4 =	vnsel vm14, $0x0, v4;
	v12 =	vnsel vm15, $0x0, v12;
	vm15 =	vcmask $0xF0C  }
0x108: {  	vm14 =	vcmask $0x1F1C;
	(xrf0) =	vadd.scan.msk.s32 $0xffff, v10;
	v3 =	vadd.s32 v12, v3;
	v10 =	vnsel vm15, $0x0, v21  }
0x109: {  	v15, _, _ =	vpop (xrf0);
	v12 =	vbroadcast v9, $0xF;
	vm15 =	vcmask $0xB10;
	v5 =	vadd.s32 v10, v3  }
0x10a: {  	(xrf0) =	vadd.scan.msk.s32 $0xffff, v57;
	v20, _, _ =	vpop (xrf0);
	v10 =	vbroadcast v15, $0xF;
	v24 =	vsel vm15, $0x0, v3;
	vm15 =	vcmask $0x1310  }
0x10b: {  	v58 =	vbroadcast v20, $0xF;
	v12 =	vnsel vm15, $0x0, v12;
	vm15 =	vcmask $0x1714  }
0x10c: {  	v25 =	vadd.s32 v12, v5;
	v10 =	vnsel vm15, $0x0, v10;
	vm15 =	vcmask $0x1318  }
0x10d: {  	v6 =	vsel vm5, $0x1, v2;
	v59, _, _ =	vpop (xrf0);
	v60 =	vsel vm15, $0x0, v25;
	vm15 =	vcmask $0x1B18  }
0x10e: {  	v23 =	vbroadcast v59, $0xF;
	(xrf0) =	vadd.scan.msk.s32 $0xffff, v24;
	v3, _, _ =	vpop (xrf0);
	v21 =	vnsel vm15, $0x0, v58;
	vm15 =	vcmask $0xF14  }
0x10f: {  	(xrf0) =	vadd.scan.msk.s32 $0xffff, v6;
	v10 =	vadd.s32 v10, v25;
	v12, _, _ =	vpop (xrf0);
	v5 =	vsel vm15, $0x0, v5;
	vm15 =	vcmask $0x171C  }
0x110: {  	(xrf0) =	vadd.scan.msk.s32 $0xffff, v60;
	v12 =	vadd.s32 $0xFFFFFFFF, v12;
	v62, _, _ =	vpop (xrf0);
	v6 =	vsel vm15, $0x0, v10;
	v10 =	vadd.s32 v21, v10  }
0x111: {  	vm15 =	vcmask $0x1B20;
	(xrf0) =	vadd.scan.msk.s32 $0xffff, v6;
	v6 =	vbroadcast v12, $0xF;
	v12 =	vadd.s32 $0xFFFFFFFF, v62  }
0x112: {  	v61 =	vbroadcast v3, $0xF;
	v21 =	vsel vm15, $0x0, v10;
	v25 =	vbroadcast v12, $0xF  }
0x113: {  	v63 =	vnsel vm14, $0x0, v23;
	vm14 =	vcmask $0x2320;
	(xrf0) =	vadd.scan.msk.s32 $0xffff, v21;
	v6 =	vadd.s32 v14, v6  }
0x114: {  	v10 =	vadd.s32 v63, v10;
	(xrf0) =	vadd.scan.msk.s32 $0xffff, v18;
	v18, _, _ =	vpop (xrf0);
	v6 =	vsel vm8, v6, v4;
	v17 =	vadd.s32 v17, v25  }
0x115: {  	v14 =	vnsel vm14, $0x0, v61;
	(xrf0) =	vadd.scan.msk.s32 $0xffff, v16;
	v4, _, _ =	vpop (xrf0);
	v6 =	vsel vm0, v17, v6;
	vm0 =	vcmask $0x1F24  }
0x116: {  	v14 =	vadd.s32 v14, v10;
	(xrf0) =	vadd.scan.msk.s32 $0xffff, v5;
	v5 =	vadd.s32 $0xFFFFFFFF, v18;
	v12, _, _ =	vpop (xrf0);
	v10 =	vsel vm0, $0x0, v10  }
0x117: {  	(xrf0) =	vadd.scan.msk.s32 $0xffff, v13;
	v18 =	vbroadcast v5, $0xF;
	v12 =	vadd.s32 $0xFFFFFFFF, v12;
	v13 =	vbroadcast v4, $0xF  }
0x118: {  	v7 =	vsel vm6, $0x1, v2;
	vm0 =	vcmask $0x2724;
	v16, _, _ =	vpop (xrf0);
	(xrf0) =	vadd.scan.msk.s32 $0xffff, v10;
	v10 =	vbroadcast v12, $0xF  }
0x119: {  	v12 =	vadd.s32 $0xFFFFFFFF, v16;
	v16, _, _ =	vpop (xrf0);
	v17 =	vadd.s32 v19, v18;
	v13 =	vnsel vm0, $0x0, v13  }
0x11a: {  	vm0 =	vcmask $0x2328;
	v12 =	vbroadcast v12, $0xF;
	v5, _, _ =	vpop (xrf0);
	v17 =	vsel vm3, v17, v6  }
0x11b: {  	(xrf0) =	vadd.scan.msk.s32 $0xffff, v11;
	v11 =	vadd.s32 v15, v10;
	v13 =	vadd.s32 v13, v14;
	v6, _, _ =	vpop (xrf0);
	v15 =	vbroadcast v5, $0xF  }
0x11c: {  	v10 =	vadd.s32 v20, v12;
	v12 =	vsel vm0, $0x0, v14;
	v18, _, _ =	vpop (xrf0);
	vm0 =	vcmask $0x2B28  }
0x11d: {  	(xrf0) =	vadd.scan.msk.s32 $0xffff, v8;
	v14 =	vbroadcast v6, $0xF;
	v8, _, _ =	vpop (xrf0);
	v15 =	vnsel vm0, $0x0, v15;
	vm0 =	vcmask $0x272C  }
0x11e: {  	(xrf0) =	vadd.scan.msk.s32 $0xffff, v12;
	v19, _, _ =	vpop (xrf0);
	v20 =	vsel vm0, $0x0, v13;
	v13 =	vadd.s32 v15, v13;
	vm0 =	vcmask $0x2F2C  }
0x11f: {  	(xrf0) =	vadd.scan.msk.s32 $0xffff, v7;
	v14 =	vnsel vm0, $0x0, v14;
	v15 =	vadd.s32 $0xFFFFFFFF, v19;
	vm0 =	vcmask $0x2B30  }
0x120: {  	(xrf0) =	vadd.scan.msk.s32 $0xffff, v20;
	v19 =	vsel vm0, $0x0, v13;
	v14 =	vadd.s32 v14, v13;
	vm0 =	vcmask $0x2F34  }
0x121: {  	v18 =	vadd.s32 $0xFFFFFFFF, v18;
	v7, _, _ =	vpop (xrf0);
	v13 =	vbroadcast v15, $0xF;
	v15 =	vsel vm0, $0x0, v14;
	(xrf0) =	vadd.scan.msk.s32 $0xffff, v19  }
0x122: {  	v12 =	vbroadcast v18, $0xF;
	(xrf0) =	vadd.scan.msk.s32 $0xffff, v15;
	v15 =	vld [tilespmem:$0x1FFF0]  }
0x123: {  	p0 =	sne.s32 s14, $0x1F0;
	v18 =	vbroadcast v8, $0xF  }
.Ltmp1:
0x124: {  	v16 =	vadd.s32 $0xFFFFFFFF, v16;
	v12 =	vadd.s32 v9, v12;
	vm0 =	vcmask $0x3330;
	(pc) =	sbr.rel @p0 .LBB2_3-.Ltmp1, $4  }
0x125: {  	v20 =	vbroadcast v7, $0xF;
	v19 =	vbroadcast v16, $0xF;
	v16 =	vnsel vm0, $0x0, v18  }
0x126: {  	v12 =	vsel vm9, v12, v17;
	vm0 =	vcmask $0x3338;
	v17 =	vadd.s32 v16, v14  }
0x127: {  	s13 =	sadd.s32 $0x10, s13;
	v9, _, _ =	vpop (xrf0);
	vm9 =	vnez.u8 v15;
	v15 =	vsel vm0, $0x0, v17;
	vm0 =	vcmask $0x3734  }
0x128: {  	s14 =	sadd.s32 $0x10, s14;
	s11 =	smov.u32 s13;
	v16 =	vbroadcast v9, $0xF;
	v18, _, _ =	vpop (xrf0);
	v14 =	vadd.s32 v59, v19;
	v19 =	vnsel vm0, $0x0, v20  }
0x129: {  	v2, _, _ =	vpop (xrf0);
	(xrf0) =	vadd.scan.msk.s32 $0xffff, v15;
	v15 =	vld [tilespmem:$0x1FFE0];
	_ =	sdelay $0x1  }
0x12a: {  	v11 =	vsel vm4, v11, v12  }
0x12b: {  	v1 =	vadd.s32 v19, v17;
	vm0 =	vcmask $0x3B38;
	v10 =	vsel vm2, v10, v11  }
0x12c: {  	vm4 =	vcmask $0x373C;
	v16 =	vnsel vm0, $0x0, v16;
	v10 =	vsel vm12, v14, v10;
	v14 =	vld [tilespmem:$0x1FFC0]  }
0x12d: {  	v12, _, _ =	vpop (xrf0);
	v16 =	vadd.s32 v16, v1;
	v1 =	vsel vm4, $0x0, v1;
	vm14 =	vnez.u8 v15  }
0x12e: {  	v11, _, _ =	vpop (xrf0);
	(xrf0) =	vadd.scan.msk.s32 $0xffff, v1;
	v15 =	vsel vm14, $0x0, v16  }
0x12f: {  	v12 =	vadd.s32 $0xFFFFFFFF, v12;
	v1 =	vadd.s32 v3, v13;
	v3 =	vadd.s32 $0xFFFFFFFF, v18;
	v13, _, _ =	vpop (xrf0);
	(xrf0) =	vadd.scan.msk.s32 $0xffff, v15  }
0x130: {  	v11 =	vadd.s32 $0xFFFFFFFF, v11;
	v3 =	vbroadcast v3, $0xF;
	v13 =	vadd.s32 $0xFFFFFFFF, v13  }
0x131: {  	v11 =	vbroadcast v11, $0xF;
	v13 =	vbroadcast v13, $0xF;
	vm15 =	vnez.u8 v14  }
0x132: {  	v1 =	vsel vm15, v1, v10;
	v10 =	vbroadcast v12, $0xF  }
0x133: {  	v3 =	vadd.s32 v4, v3;
	v6 =	vadd.s32 v6, v11;
	v4 =	vadd.s32 v8, v13;
	v8, _, _ =	vpop (xrf0)  }
0x134: {  	v1 =	vsel vm5, v3, v1;
	v3 =	vadd.s32 v5, v10;
	v5 =	vadd.s32 $0xFFFFFFFF, v8;
	v8, _, _ =	vpop (xrf0)  }
0x135: {  	v1 =	vsel vm7, v3, v1;
	v3 =	vbroadcast v5, $0xF;
	v5 =	vadd.s32 $0xFFFFFFFF, v8;
	v8, _, _ =	vpop (xrf0)  }
0x136: {  	v1 =	vsel vm13, v6, v1;
	v5 =	vbroadcast v5, $0xF;
	v6 =	vadd.s32 $0xFFFFFFFF, v8  }
0x137: {  	v1 =	vsel vm1, v4, v1;
	v3 =	vadd.s32 v7, v3;
	v4 =	vbroadcast v6, $0xF  }
0x138: {  	v1 =	vsel vm11, v3, v1;
	v3 =	vadd.s32 v9, v5  }
0x139: {  	v1 =	vsel vm10, v3, v1;
	v3 =	vadd.s32 v2, v4  }
0x13a: {  	v2 =	vsel vm14, $0x0, v2;
	v1 =	vsel vm6, v3, v1  }
0x13b: {  	s10 =	sshll.u32 s1, $0x4;
	v2 =	vadd.s32 v2, v16;
	[tilespmem:s11+$0x0] =	vst v1  }
0x13c: {  	s29 =	simm.s32 $0x8A00;
	s30 =	simm.s32 $0x3;
	s10 =	sadd.s32 s10, s9;
	[tilespmem:$0x8A00] =	vst v2  }
0x13d: {  	[spmem:s10] =	stream.linear.scatter [tilespmem:s29], [sflag:$0x3], $0x10, $0x38;
	[tilespmem:$0x16F90] =	vst v63  }
0x13e: {  	_ =	swait.ge [sflag:s30], $0x10  }
0x13f: {  	[sflag:s30] =	ssyncset.done $0x0  }
0x140: {  	[sflag:s30] =	ssyncadd.s32 $0xFFFFFFF0  }
0x141: {  	s31 =	simm.s32 $0x8A90;
	[bflag:$0x0] =	sbarrier.arrive $0xFFFF  }
0x142: {  	[tilespmem:s31], [sflag:$0x3] =	stream.linear.gather [spmem:s9], $0x100, $0x38;
	[tilespmem:$0x16F90] =	vst v63  }
0x143: {  	_ =	swait.ge [sflag:s30], $0x100  }
0x144: {  	[sflag:s30] =	ssyncset.done $0x0  }
0x145: {  	[sflag:s30] =	ssyncadd.s32 $0xFFFFFF00  }
0x146: {  	v16 =	vld [tilespmem:$0x8A90]  }
0x147: {  	v17 =	vld [tilespmem:$0x8AA0]  }
0x148: {  	v15 =	vld [tilespmem:$0x8AB0]  }
0x149: {  	v14 =	vld [tilespmem:$0x8AC0]  }
0x14a: {  	v13 =	vld [tilespmem:$0x8AD0]  }
0x14b: {  	v12 =	vld [tilespmem:$0x8AE0]  }
0x14c: {  	v11 =	vld [tilespmem:$0x8AF0]  }
0x14d: {  	v10 =	vld [tilespmem:$0x8B00]  }
0x14e: {  	v9 =	vld [tilespmem:$0x8B10]  }
0x14f: {  	v8 =	vld [tilespmem:$0x8B20]  }
0x150: {  	v7 =	vld [tilespmem:$0x8B30]  }
0x151: {  	v6 =	vld [tilespmem:$0x8B40]  }
0x152: {  	v5 =	vld [tilespmem:$0x8B50]  }
0x153: {  	v4 =	vld [tilespmem:$0x8B60]  }
0x154: {  	v3 =	vimm.s32 $0xFFFFFFFF;
	v1 =	vimm.f32 $-1.000000000e+00;
	s10 =	simm.s32 $0x40;
	s9 =	simm.s32 $0x0;
	v2 =	vld [tilespmem:$0x8B70]  }
.LBB2_5:
0x155: {  	p0 =	sne.s32 s10, $0x5BC0;
	[tilespmem:s9+$0x8B90] =	vst v3;
	s11 =	smov.u32 s10;
	s10 =	sadd.s32 $0x40, s10  }
.Ltmp2:
0x156: {  	[tilespmem:s9+$0xA290] =	vst v1;
	(pc) =	sbr.rel @p0 .LBB2_5-.Ltmp2, $2  }
0x157: {  	_ =	sdelay $0x2  }
0x158: {  	s9 =	sshra.s32 s11, $0x2  }
0x159: {  	p0 =	seq.s32 s1, $0x0;
	p1 =	sgt.u32 s1, $0x1  }
0x15a: {  	p6 =	sgt.u32 s1, $0x2;
	v16 =	vpsel p0, $0x0, v16;
	v17 =	vpsel !p1, $0x0, v17  }
0x15b: {  	v15 =	vpsel !p6, $0x0, v15;
	p1 =	sgt.u32 s1, $0x3;
	v16 =	vadd.s32 v16, v17  }
0x15c: {  	p2 =	sgt.u32 s1, $0x4;
	v14 =	vpsel !p1, $0x0, v14;
	v15 =	vadd.s32 v16, v15  }
0x15d: {  	p3 =	sgt.u32 s1, $0x5;
	v13 =	vpsel !p2, $0x0, v13;
	v14 =	vadd.s32 v15, v14  }
0x15e: {  	p4 =	sgt.u32 s1, $0x6;
	v12 =	vpsel !p3, $0x0, v12;
	v13 =	vadd.s32 v14, v13  }
0x15f: {  	p5 =	sgt.u32 s1, $0x7;
	v11 =	vpsel !p4, $0x0, v11;
	v12 =	vadd.s32 v13, v12  }
0x160: {  	v10 =	vpsel !p5, $0x0, v10;
	p6 =	sgt.u32 s1, $0x8;
	v11 =	vadd.s32 v12, v11  }
0x161: {  	v9 =	vpsel !p6, $0x0, v9;
	p1 =	sgt.u32 s1, $0x9;
	v10 =	vadd.s32 v11, v10  }
0x162: {  	p2 =	sgt.u32 s1, $0xA;
	v8 =	vpsel !p1, $0x0, v8;
	v9 =	vadd.s32 v10, v9  }
0x163: {  	p3 =	sgt.u32 s1, $0xB;
	v7 =	vpsel !p2, $0x0, v7;
	v8 =	vadd.s32 v9, v8  }
0x164: {  	p4 =	sgt.u32 s1, $0xC;
	v6 =	vpsel !p3, $0x0, v6;
	v7 =	vadd.s32 v8, v7  }
0x165: {  	p5 =	sgt.u32 s1, $0xD;
	v5 =	vpsel !p4, $0x0, v5;
	v6 =	vadd.s32 v7, v6  }
0x166: {  	s10 =	simm.s32 $0x0;
	s11 =	simm.s32 $0x8400;
	v4 =	vpsel !p5, $0x0, v4;
	p6 =	seq.s32 s1, $0xF;
	v5 =	vadd.s32 v6, v5  }
0x167: {  	[tilespmem:s9+$0x8B90] =	vst v3;
	s12 =	simm.s32 $0x8600;
	s13 =	simm.s32 $0x8200;
	s14 =	simm.s32 $0x8800;
	v3 =	vadd.s32 v5, v4;
	v4 =	vpsel !p6, $0x0, v2;
	v2 =	vlaneseq.u32  }
0x168: {  	[tilespmem:s9+$0xA290] =	vst v1;
	s9 =	simm.s32 $0x8B90;
	s15 =	simm.s32 $0xA290;
	s16 =	simm.s32 $0x0;
	v1 =	vadd.s32 v3, v4;
	v3 =	vimm.s32 $0x0;
	v4 =	vor.u32 $0x1400, v2  }
.LBB2_7:
0x169: {  	v5 =	vld [tilespmem:s11+$0x0];
	_ =	sdelay $0x1  }
0x16a: {  	v6 =	vld [tilespmem:s12+$0x0];
	_ =	sdelay $0x2  }
0x16b: {  	v7 =	vperm.xlane v1, v5  }
0x16c: {  	v5 =	vmul.u32 $0x140, v5  }
0x16d: {  	v6 =	vadd.s32 v6, v7  }
0x16e: {  	vm0 =	vlt.s32 v6, $0x140;
	v5 =	vadd.s32 v5, v6;
	v6 =	vor.u32 s16, v4  }
0x16f: {  	v8 =	vld [tilespmem:s13+$0x0];
	v7 =	vmov s16;
	v5 =	vsel vm0, v5, v6  }
0x170: {  	p0 =	sne.s32 s16, $0x1F0;
	vm1 =	veq.s32 v7, v2;
	v6 =	vor.u32 s16, v2  }
.Ltmp3:
0x171: {  	vm1 =	vmand vm1, vm9;
	v6 =	vshrl.u32 v6, $0x1;
	(pc) =	sbr.rel @p0 .LBB2_7-.Ltmp3, $4  }
0x172: {  	v7 =	vsel vm1, $0xFFFFFFFF, v3;
	v6 =	vadd.s32 v0, v6  }
0x173: {  	[tilespmem:s14+$0x0] =	vst v5;
	v6 =	vadd.s32 v7, v6  }
0x174: {  	s11 =	sadd.s32 $0x10, s11;
	s12 =	sadd.s32 $0x10, s12;
	[tilespmem:v5+s9+$0x0] =	vst.idx.msk $0xffff, v6;
	v6 =	vnsel vm0, $0x0, v8  }
0x175: {  	s13 =	sadd.s32 $0x10, s13;
	s16 =	sadd.s32 $0x10, s16;
	s14 =	sadd.s32 $0x10, s14;
	[tilespmem:v5+s15+$0x0] =	vst.idx.msk $0xffff, v6  }
0x176: {  	v0 =	vlaneseq.u32  }
0x177: {  	v1 =	vmov s10;
	v0 =	vmul.u32 $0x2, v0  }
0x178: {  	v1 =	vshll.u32 v1, $0x1  }
0x179: {  	v1 =	vor.u32 v0, v1;
	_ =	sdelay $0x3  }
0x17a: {  	s9 =	simm.s32 $0x8800  }
0x17b: {  	v2 =	vld.idx.msk [tilespmem:v1+s9+$0x0], $0xffff  }
0x17c: {  	v1 =	vor.u32 $0x1, v1;
	_ =	sdelay $0x2  }
0x17d: {  	s31 =	simm.s32 $0x16D90;
	s11 =	simm.s32 $0x10  }
0x17e: {  	[tilespmem:s31+$0x0] =	vst v2;
	v2 =	vmov s11  }
0x17f: {  	v1 =	vld.idx.msk [tilespmem:v1+s9+$0x0], $0xffff;
	v2 =	vshll.u32 v2, $0x1  }
0x180: {  	v2 =	vor.u32 v0, v2;
	_ =	sdelay $0x2  }
0x181: {  	s10 =	simm.s32 $0x16E90  }
0x182: {  	[tilespmem:s10+$0x0] =	vst v1  }
0x183: {  	v1 =	vld.idx.msk [tilespmem:v2+s9+$0x0], $0xffff  }
0x184: {  	v3 =	vor.u32 $0x1, v2;
	_ =	sdelay $0x2  }
0x185: {  	s11 =	simm.s32 $0x16DA0  }
0x186: {  	s12 =	simm.s32 $0x20;
	[tilespmem:s11+$0x0] =	vst v1  }
0x187: {  	v2 =	vmov s12;
	s12 =	simm.s32 $0x30;
	v1 =	vld.idx.msk [tilespmem:v3+s9+$0x0], $0xffff  }
.LBB2_9:
0x188: {  	p0 =	sne.s32 s12, $0xF0;
	v2 =	vshll.u32 v2, $0x1  }
0x189: {  	v2 =	vor.u32 v0, v2;
	_ =	sdelay $0x2  }
0x18a: {  	s10 =	sadd.s32 $0x10, s10  }
0x18b: {  	[tilespmem:s10+$0x0] =	vst v1  }
0x18c: {  	v1 =	vld.idx.msk [tilespmem:v2+s9+$0x0], $0xffff;
	_ =	sdelay $0x1  }
0x18d: {  	v3 =	vor.u32 $0x1, v2  }
.Ltmp4:
0x18e: {  	(pc) =	sbr.rel @p0 .LBB2_9-.Ltmp4, $4  }
0x18f: {  	_ = 	snop  }
0x190: {  	s11 =	sadd.s32 $0x10, s11  }
0x191: {  	[tilespmem:s11+$0x0] =	vst v1  }
0x192: {  	v2 =	vmov s12;
	s12 =	sadd.s32 $0x10, s12;
	v1 =	vld.idx.msk [tilespmem:v3+s9+$0x0], $0xffff  }
0x193: {  	v2 =	vshll.u32 v2, $0x1  }
0x194: {  	v0 =	vor.u32 v0, v2;
	_ =	sdelay $0x2  }
0x195: {  	s10 =	sadd.s32 $0x10, s10  }
0x196: {  	[tilespmem:s10+$0x0] =	vst v1  }
0x197: {  	v1 =	vld.idx.msk [tilespmem:v0+s9+$0x0], $0xffff  }
0x198: {  	v0 =	vor.u32 $0x1, v0;
	_ =	sdelay $0x2  }
0x199: {  	s11 =	sadd.s32 $0x10, s11  }
0x19a: {  	[tilespmem:s11+$0x0] =	vst v1  }
0x19b: {  	v0 =	vld.idx.msk [tilespmem:v0+s9+$0x0], $0xffff;
	_ =	sdelay $0x3  }
0x19c: {  	s23 =	sshll.u32 s1, $0x5;
	s25 =	simm.s32 $0x16D90;
	s22 =	sadd.s32 $0x10, s10  }
0x19d: {  	s24 =	sadd.s32 s8, s23;
	s8 =	simm.s32 $0x0;
	s9 =	simm.s32 $0x3;
	[tilespmem:s22+$0x0] =	vst v0  }
0x19e: {  	[hbm4b:s24+s8] =	stream.linear.scatter [tilespmem:s25], [sflag:$0x3], $0x100, $0x38;
	[tilespmem:$0x16F90] =	vst v63  }
0x19f: {  	_ =	swait.ge [sflag:s9], $0x100  }
0x1a0: {  	[sflag:s9] =	ssyncset.done $0x0  }
0x1a1: {  	s26 =	simm.s32 $0x16E90;
	s7 =	sadd.s32 s7, s23;
	[sflag:s9] =	ssyncadd.s32 $0xFFFFFF00  }
0x1a2: {  	[hbm4b:s7+s8] =	stream.linear.scatter [tilespmem:s26], [sflag:$0x3], $0x100, $0x38;
	[tilespmem:$0x16F90] =	vst v63  }
0x1a3: {  	s28 =	smul.u32 $0x1700, s1;
	_ =	swait.ge [sflag:s9], $0x100  }
0x1a4: {  	[sflag:s9] =	ssyncset.done $0x0  }
0x1a5: {  	s30 =	simm.s32 $0x8B90;
	s29 =	sadd.s32 s28, s4;
	[sflag:s9] =	ssyncadd.s32 $0xFFFFFF00  }
0x1a6: {  	[spmem:s29] =	stream.linear.scatter [tilespmem:s30], [sflag:$0x3], $0x1700, $0x38;
	[tilespmem:$0x16F90] =	vst v63  }
0x1a7: {  	_ =	swait.ge [sflag:s9], $0x1700  }
0x1a8: {  	[sflag:s9] =	ssyncset.done $0x0  }
0x1a9: {  	s31 =	simm.s32 $0xA290;
	s7 =	sadd.s32 s28, s5;
	[sflag:s9] =	ssyncadd.s32 $0xFFFFE900  }
0x1aa: {  	[spmem:s7] =	stream.linear.scatter [tilespmem:s31], [sflag:$0x3], $0x1700, $0x38;
	[tilespmem:$0x16F90] =	vst v63  }
0x1ab: {  	_ =	swait.ge [sflag:s9], $0x1700  }
0x1ac: {  	[sflag:s9] =	ssyncset.done $0x0  }
0x1ad: {  	[sflag:s9] =	ssyncadd.s32 $0xFFFFE900  }
0x1ae: {  	v62 =	vimm.s32 $0xFFFFFFFF;
	[bflag:$0x0] =	sbarrier.arrive $0xFFFF  }
0x1af: {  	v63 =	vimm.f32 $-1.000000000e+00;
	[tilespmem:$0xEA90] =	vst v62  }
0x1b0: {  	[tilespmem:$0xEC10] =	vst v63  }
0x1b1: {  	[tilespmem:$0xEAA0] =	vst v62  }
0x1b2: {  	[tilespmem:$0xEC20] =	vst v63  }
0x1b3: {  	[tilespmem:$0xEAB0] =	vst v62  }
0x1b4: {  	[tilespmem:$0xEC30] =	vst v63  }
0x1b5: {  	[tilespmem:$0xEAC0] =	vst v62  }
0x1b6: {  	[tilespmem:$0xEC40] =	vst v63  }
0x1b7: {  	[tilespmem:$0xEAD0] =	vst v62  }
0x1b8: {  	[tilespmem:$0xEC50] =	vst v63  }
0x1b9: {  	[tilespmem:$0xEAE0] =	vst v62  }
0x1ba: {  	[tilespmem:$0xEC60] =	vst v63  }
0x1bb: {  	[tilespmem:$0xEAF0] =	vst v62  }
0x1bc: {  	[tilespmem:$0xEC70] =	vst v63  }
0x1bd: {  	[tilespmem:$0xEB00] =	vst v62  }
0x1be: {  	[tilespmem:$0xEC80] =	vst v63  }
0x1bf: {  	[tilespmem:$0xEB10] =	vst v62  }
0x1c0: {  	[tilespmem:$0xEC90] =	vst v63  }
0x1c1: {  	[tilespmem:$0xEB20] =	vst v62  }
0x1c2: {  	[tilespmem:$0xECA0] =	vst v63  }
0x1c3: {  	[tilespmem:$0xEB30] =	vst v62  }
0x1c4: {  	[tilespmem:$0xECB0] =	vst v63  }
0x1c5: {  	[tilespmem:$0xEB40] =	vst v62  }
0x1c6: {  	[tilespmem:$0xECC0] =	vst v63  }
0x1c7: {  	[tilespmem:$0xEB50] =	vst v62  }
0x1c8: {  	[tilespmem:$0xECD0] =	vst v63  }
0x1c9: {  	[tilespmem:$0xEB60] =	vst v62  }
0x1ca: {  	[tilespmem:$0xECE0] =	vst v63  }
0x1cb: {  	[tilespmem:$0xEB70] =	vst v62  }
0x1cc: {  	[tilespmem:$0xECF0] =	vst v63  }
0x1cd: {  	[tilespmem:$0xEB80] =	vst v62  }
0x1ce: {  	[tilespmem:$0xED00] =	vst v63  }
0x1cf: {  	[tilespmem:$0xEB90] =	vst v62  }
0x1d0: {  	[tilespmem:$0xED10] =	vst v63  }
0x1d1: {  	[tilespmem:$0xEBA0] =	vst v62  }
0x1d2: {  	[tilespmem:$0xED20] =	vst v63  }
0x1d3: {  	[tilespmem:$0xEBB0] =	vst v62  }
0x1d4: {  	[tilespmem:$0xED30] =	vst v63  }
0x1d5: {  	[tilespmem:$0xEBC0] =	vst v62  }
0x1d6: {  	[tilespmem:$0xED40] =	vst v63  }
0x1d7: {  	[tilespmem:$0xEBD0] =	vst v62  }
0x1d8: {  	[tilespmem:$0xED50] =	vst v63  }
0x1d9: {  	[tilespmem:$0xEBE0] =	vst v62  }
0x1da: {  	[tilespmem:$0xED60] =	vst v63  }
0x1db: {  	[tilespmem:$0xEBF0] =	vst v62  }
0x1dc: {  	s10 =	simm.s32 $0xE790;
	s11 =	simm.s32 $0xE910;
	s7 =	smul.u32 $0x170, s1;
	[tilespmem:$0xED70] =	vst v63  }
.LBB2_11:
0x1dd: {  	s12 =	smul.u32 $0x1700, s8;
	_ =	sdelay $0x1  }
0x1de: {  	s12 =	sadd.s32 s7, s12  }
0x1df: {  	s13 =	sadd.s32 s12, s4  }
0x1e0: {  	[tilespmem:s10], [sflag:$0x3] =	stream.linear.gather [spmem:s13], $0x170, $0x38;
	[tilespmem:$0x16F90] =	vst v63  }
0x1e1: {  	_ =	swait.ge [sflag:s9], $0x170  }
0x1e2: {  	[sflag:s9] =	ssyncset.done $0x0  }
0x1e3: {  	s12 =	sadd.s32 s12, s5;
	[sflag:s9] =	ssyncadd.s32 $0xFFFFFE90  }
0x1e4: {  	[tilespmem:s11], [sflag:$0x3] =	stream.linear.gather [spmem:s12], $0x170, $0x38;
	[tilespmem:$0x16F90] =	vst v63  }
0x1e5: {  	_ =	swait.ge [sflag:s9], $0x170  }
0x1e6: {  	[sflag:s9] =	ssyncset.done $0x0  }
0x1e7: {  	s12 =	simm.s32 $0x0;
	[sflag:s9] =	ssyncadd.s32 $0xFFFFFE90  }
0x1e8: {  	v1 =	vld [tilespmem:s12+$0xE910]  }
0x1e9: {  	v0 =	vld [tilespmem:s12+$0xE790]  }
0x1ea: {  	s13 =	simm.s32 $0x40;
	v2 =	vld [tilespmem:s12+$0xEC10]  }
.LBB2_12:
0x1eb: {  	p0 =	sne.s32 s13, $0x580;
	v3 =	vld [tilespmem:s12+$0xEA90];
	_ =	sdelay $0x2  }
.Ltmp5:
0x1ec: {  	(pc) =	sbr.rel @p0 .LBB2_12-.Ltmp5, $4  }
0x1ed: {  	s14 =	sshra.s32 s13, $0x2  }
0x1ee: {  	v2 =	vmax.f32 v2, v1;
	vm0 =	vgt.s32 v3, v0;
	v1 =	vld [tilespmem:s14+$0xE910]  }
0x1ef: {  	v3 =	vsel vm0, v3, v0;
	v0 =	vld [tilespmem:s14+$0xE790];
	[tilespmem:s12+$0xEC10] =	vst v2  }
0x1f0: {  	s13 =	sadd.s32 $0x40, s13;
	v2 =	vld [tilespmem:s14+$0xEC10];
	[tilespmem:s12+$0xEA90] =	vst v3;
	s12 =	smov.u32 s14  }
0x1f1: {  	v3 =	vld [tilespmem:s12+$0xEA90]  }
0x1f2: {  	s8 =	sadd.s32 $0x1, s8  }
0x1f3: {  	p0 =	sne.s32 s8, $0x10  }
.Ltmp6:
0x1f4: {  	_ = 	snop;
	(pc) =	sbr.rel @p0 .LBB2_11-.Ltmp6, $4  }
0x1f5: {  	_ = 	snop  }
0x1f6: {  	v1 =	vmax.f32 v2, v1;
	vm0 =	vgt.s32 v3, v0  }
0x1f7: {  	[tilespmem:s12+$0xEC10] =	vst v1;
	v0 =	vsel vm0, v3, v0  }
0x1f8: {  	[tilespmem:s12+$0xEA90] =	vst v0  }
0x1f9: {  	s4 =	simm.s32 $0x0;
	s5 =	simm.s32 $0x40  }
.LBB2_15:
0x1fa: {  	p0 =	sne.s32 s5, $0x580;
	v0 =	vld [tilespmem:s4+$0xEA90]  }
0x1fb: {  	v1 =	vld [tilespmem:s4+$0xEC10];
	_ =	sdelay $0x2  }
.Ltmp7:
0x1fc: {  	(pc) =	sbr.rel @p0 .LBB2_15-.Ltmp7, $4  }
0x1fd: {  	vm0 =	vgt.s32 v0, $0x0  }
0x1fe: {  	v0 =	vnsel vm0, $0x0, v0;
	v1 =	vmax.f32 v1, $0.0e+00  }
0x1ff: {  	v0 =	vmin.u32 v0, $0xFFF;
	[tilespmem:s4+$0xEC10] =	vst v1  }
0x200: {  	[tilespmem:s4+$0xEA90] =	vst v0;
	s4 =	sshra.s32 s5, $0x2;
	s5 =	sadd.s32 $0x40, s5  }
0x201: {  	v0 =	vld [tilespmem:s4+$0xEA90]  }
0x202: {  	v1 =	vld [tilespmem:s4+$0xEC10];
	s5 =	sshrl.u32 s7, $0x3;
	s7 =	simm.s32 $0x0  }
0x203: {  	s31 =	simm.s32 $0xEC10;
	s8 =	simm.s32 $0x3;
	s9 =	smul.u32 $0xB800, s1  }
0x204: {  	s10 =	simm.s32 $0xED90;
	s11 =	simm.s32 $0xF590;
	s12 =	simm.s32 $0xFD90  }
0x205: {  	s13 =	simm.s32 $0x10590;
	s14 =	simm.s32 $0x10D90;
	s15 =	simm.s32 $0x11590  }
0x206: {  	s16 =	simm.s32 $0x11D90;
	s17 =	simm.s32 $0x12590;
	s18 =	simm.s32 $0x12D90;
	vm0 =	vgt.s32 v0, $0x0  }
0x207: {  	s19 =	simm.s32 $0x13590;
	s20 =	simm.s32 $0x13D90;
	s21 =	simm.s32 $0x14590;
	v1 =	vmax.f32 v1, $0.0e+00;
	v0 =	vnsel vm0, $0x0, v0  }
0x208: {  	s22 =	simm.s32 $0x14D90;
	s23 =	simm.s32 $0x15590;
	s24 =	simm.s32 $0x15D90;
	[tilespmem:s4+$0xEC10] =	vst v1;
	v0 =	vmin.u32 v0, $0xFFF  }
0x209: {  	s25 =	simm.s32 $0x16590;
	s26 =	simm.s32 $0x1;
	s30 =	sadd.s32 s6, s5;
	[tilespmem:s4+$0xEA90] =	vst v0  }
0x20a: {  	[hbm4b:s30+s7] =	stream.linear.scatter [tilespmem:s31], [sflag:$0x3], $0x170, $0x38;
	[tilespmem:$0x16F90] =	vst v63  }
0x20b: {  	v2 =	vlaneseq.u32;
	s28 =	simm.s32 $0x2;
	s29 =	simm.s32 $0x0;
	_ =	swait.ge [sflag:s8], $0x170  }
0x20c: {  	s5 =	sadd.s32 $0x100, s2;
	s6 =	sadd.s32 $0x200, s2;
	v1 =	vshrl.u32 v2, $0x3;
	vm0 =	vmmov $0xffff;
	[sflag:s8] =	ssyncset.done $0x0  }
0x20d: {  	s9 =	sadd.s32 s9, s3;
	v1 =	vmul.u32 $0x8, v1;
	s4 =	sadd.s32 $0x300, s2;
	v0 =	vand.u32 $0x7, v2;
	v2 =	vor.u32 $0x8, v2;
	[sflag:s8] =	ssyncadd.s32 $0xFFFFFE90  }
.LBB2_17:
0x20e: {  	s30 =	sshra.s32 s29, $0x2  }
0x20f: {  	v3 =	vld [tilespmem:s30+$0xEA90];
	_ =	sdelay $0x4  }
0x210: {  	v4 =	vshll.u32 v3, $0x3  }
0x211: {  	v3 =	vand.u32 $0x7, v3;
	v4 =	vand.u32 $0xFFFFFFC0, v4  }
0x212: {  	v3 =	vor.u32 v3, v4  }
0x213: {  	v4 =	vperm.xlane v3, v0;
	_ =	sdelay $0x1  }
0x214: {  	v4 =	vadd.s32 v1, v4;
	_ =	sdelay $0x4  }
0x215: {  	[tilespmem:s10], [sflag:$0x1] =	stream.indirect_vreg.gather [hbm4b:s2+s7], $0x80, v4, vm0, $0xb8;
	[tilespmem:$0x16F90] =	vst v63  }
0x216: {  	v3 =	vperm.xlane v3, v2  }
0x217: {  	[tilespmem:s11], [sflag:$0x1] =	stream.indirect_vreg.gather [hbm4b:s5+s7], $0x80, v4, vm0, $0xb8;
	[tilespmem:$0x16F90] =	vst v63  }
0x218: {  	v3 =	vadd.s32 v1, v3  }
0x219: {  	[tilespmem:s12], [sflag:$0x1] =	stream.indirect_vreg.gather [hbm4b:s6+s7], $0x80, v4, vm0, $0xb8;
	[tilespmem:$0x16F90] =	vst v63  }
0x21a: {  	_ = 	snop  }
0x21b: {  	[tilespmem:s13], [sflag:$0x1] =	stream.indirect_vreg.gather [hbm4b:s4+s7], $0x80, v4, vm0, $0xb8;
	[tilespmem:$0x16F90] =	vst v63  }
0x21c: {  	_ = 	snop  }
0x21d: {  	[tilespmem:s14], [sflag:$0x1] =	stream.indirect_vreg.gather [hbm4b:s2+s7], $0x80, v3, vm0, $0xb8;
	[tilespmem:$0x16F90] =	vst v63  }
0x21e: {  	_ = 	snop  }
0x21f: {  	[tilespmem:s15], [sflag:$0x1] =	stream.indirect_vreg.gather [hbm4b:s5+s7], $0x80, v3, vm0, $0xb8;
	[tilespmem:$0x16F90] =	vst v63  }
0x220: {  	_ = 	snop  }
0x221: {  	[tilespmem:s16], [sflag:$0x1] =	stream.indirect_vreg.gather [hbm4b:s6+s7], $0x80, v3, vm0, $0xb8;
	[tilespmem:$0x16F90] =	vst v63  }
0x222: {  	_ = 	snop  }
0x223: {  	[tilespmem:s17], [sflag:$0x1] =	stream.indirect_vreg.gather [hbm4b:s4+s7], $0x80, v3, vm0, $0xb8;
	[tilespmem:$0x16F90] =	vst v63  }
0x224: {  	v3 =	vld [tilespmem:s30+$0xEAA0];
	_ =	sdelay $0x4  }
0x225: {  	v63 =	vshll.u32 v3, $0x3  }
0x226: {  	v3 =	vand.u32 $0x7, v3;
	v4 =	vand.u32 $0xFFFFFFC0, v63  }
0x227: {  	v3 =	vor.u32 v3, v4  }
0x228: {  	v4 =	vperm.xlane v3, v0;
	_ =	sdelay $0x1  }
0x229: {  	v4 =	vadd.s32 v1, v4;
	_ =	sdelay $0x4  }
0x22a: {  	[tilespmem:s18], [sflag:$0x2] =	stream.indirect_vreg.gather [hbm4b:s2+s7], $0x80, v4, vm0, $0xb8;
	[tilespmem:$0x16F90] =	vst v63  }
0x22b: {  	v3 =	vperm.xlane v3, v2  }
0x22c: {  	[tilespmem:s19], [sflag:$0x2] =	stream.indirect_vreg.gather [hbm4b:s5+s7], $0x80, v4, vm0, $0xb8;
	[tilespmem:$0x16F90] =	vst v63  }
0x22d: {  	v3 =	vadd.s32 v1, v3  }
0x22e: {  	[tilespmem:s20], [sflag:$0x2] =	stream.indirect_vreg.gather [hbm4b:s6+s7], $0x80, v4, vm0, $0xb8;
	[tilespmem:$0x16F90] =	vst v63  }
0x22f: {  	_ = 	snop  }
0x230: {  	[tilespmem:s21], [sflag:$0x2] =	stream.indirect_vreg.gather [hbm4b:s4+s7], $0x80, v4, vm0, $0xb8;
	[tilespmem:$0x16F90] =	vst v63  }
0x231: {  	_ = 	snop  }
0x232: {  	[tilespmem:s22], [sflag:$0x2] =	stream.indirect_vreg.gather [hbm4b:s2+s7], $0x80, v3, vm0, $0xb8;
	[tilespmem:$0x16F90] =	vst v63  }
0x233: {  	_ = 	snop  }
0x234: {  	[tilespmem:s23], [sflag:$0x2] =	stream.indirect_vreg.gather [hbm4b:s5+s7], $0x80, v3, vm0, $0xb8;
	[tilespmem:$0x16F90] =	vst v63  }
0x235: {  	_ = 	snop  }
0x236: {  	[tilespmem:s24], [sflag:$0x2] =	stream.indirect_vreg.gather [hbm4b:s6+s7], $0x80, v3, vm0, $0xb8;
	[tilespmem:$0x16F90] =	vst v63  }
0x237: {  	_ = 	snop  }
0x238: {  	[tilespmem:s25], [sflag:$0x2] =	stream.indirect_vreg.gather [hbm4b:s4+s7], $0x80, v3, vm0, $0xb8;
	[tilespmem:$0x16F90] =	vst v63  }
0x239: {  	_ =	swait.ge [sflag:s26], $0x4000  }
0x23a: {  	[sflag:s26] =	ssyncset.done $0x0  }
0x23b: {  	[sflag:s26] =	ssyncadd.s32 $0xFFFFC000  }
0x23c: {  	[hbm4b:s9+s7] =	stream.linear.scatter [tilespmem:s10], [sflag:$0x3], $0x4000, $0x38;
	[tilespmem:$0x16F90] =	vst v63  }
0x23d: {  	_ =	swait.ge [sflag:s8], $0x4000  }
0x23e: {  	[sflag:s8] =	ssyncset.done $0x0  }
0x23f: {  	[sflag:s8] =	ssyncadd.s32 $0xFFFFC000  }
0x240: {  	_ =	swait.ge [sflag:s28], $0x4000  }
0x241: {  	p0 =	sne.s32 s29, $0x500;
	[sflag:s28] =	ssyncset.done $0x0  }
.Ltmp8:
0x242: {  	s31 =	sadd.s32 $0x800, s9;
	[sflag:s28] =	ssyncadd.s32 $0xFFFFC000;
	(pc) =	sbr.rel @p0 .LBB2_17-.Ltmp8, $4  }
0x243: {  	[hbm4b:s31+s7] =	stream.linear.scatter [tilespmem:s18], [sflag:$0x3], $0x4000, $0x38;
	[tilespmem:$0x16F90] =	vst v63  }
0x244: {  	_ =	swait.ge [sflag:s8], $0x4000  }
0x245: {  	[sflag:s8] =	ssyncset.done $0x0  }
0x246: {  	s29 =	sadd.s32 $0x80, s29;
	s9 =	sadd.s32 $0x1000, s9;
	[sflag:s8] =	ssyncadd.s32 $0xFFFFC000  }
0x247: {  	v0 =	vld [tilespmem:$0xEBF0];
	_ =	sdelay $0x4  }
0x248: {  	v1 =	vshll.u32 v0, $0x3  }
0x249: {  	v2 =	vlaneseq.u32;
	v0 =	vand.u32 $0x7, v0;
	v1 =	vand.u32 $0xFFFFFFC0, v1  }
0x24a: {  	v63 =	vand.u32 $0x7, v2;
	v3 =	vshrl.u32 v2, $0x3;
	v0 =	vor.u32 v0, v1  }
0x24b: {  	v3 =	vmul.u32 $0x8, v3;
	v1 =	vperm.xlane v0, v63;
	_ =	sdelay $0x1  }
0x24c: {  	v1 =	vadd.s32 v3, v1;
	_ =	sdelay $0x3  }
0x24d: {  	s7 =	simm.s32 $0x0;
	s8 =	simm.s32 $0xED90  }
0x24e: {  	v2 =	vor.u32 $0x8, v2;
	[tilespmem:s8], [sflag:$0x1] =	stream.indirect_vreg.gather [hbm4b:s2+s7], $0x80, v1, vm0, $0xb8;
	[tilespmem:$0x16F90] =	vst v63  }
0x24f: {  	s9 =	simm.s32 $0xF590;
	v0 =	vperm.xlane v0, v2  }
0x250: {  	[tilespmem:s9], [sflag:$0x1] =	stream.indirect_vreg.gather [hbm4b:s5+s7], $0x80, v1, vm0, $0xb8;
	[tilespmem:$0x16F90] =	vst v63  }
0x251: {  	s22 =	simm.s32 $0xFD90;
	v0 =	vadd.s32 v3, v0  }
0x252: {  	[tilespmem:s22], [sflag:$0x1] =	stream.indirect_vreg.gather [hbm4b:s6+s7], $0x80, v1, vm0, $0xb8;
	[tilespmem:$0x16F90] =	vst v63  }
0x253: {  	s23 =	simm.s32 $0x10590  }
0x254: {  	[tilespmem:s23], [sflag:$0x1] =	stream.indirect_vreg.gather [hbm4b:s4+s7], $0x80, v1, vm0, $0xb8;
	[tilespmem:$0x16F90] =	vst v63  }
0x255: {  	s24 =	simm.s32 $0x10D90  }
0x256: {  	[tilespmem:s24], [sflag:$0x1] =	stream.indirect_vreg.gather [hbm4b:s2+s7], $0x80, v0, vm0, $0xb8;
	[tilespmem:$0x16F90] =	vst v63  }
0x257: {  	s25 =	simm.s32 $0x11590  }
0x258: {  	[tilespmem:s25], [sflag:$0x1] =	stream.indirect_vreg.gather [hbm4b:s5+s7], $0x80, v0, vm0, $0xb8;
	[tilespmem:$0x16F90] =	vst v63  }
0x259: {  	s26 =	simm.s32 $0x11D90  }
0x25a: {  	[tilespmem:s26], [sflag:$0x1] =	stream.indirect_vreg.gather [hbm4b:s6+s7], $0x80, v0, vm0, $0xb8;
	[tilespmem:$0x16F90] =	vst v63  }
0x25b: {  	s28 =	smul.u32 $0x5C000, s1;
	s29 =	simm.s32 $0x12590;
	s30 =	simm.s32 $0x1  }
0x25c: {  	[tilespmem:s29], [sflag:$0x1] =	stream.indirect_vreg.gather [hbm4b:s4+s7], $0x80, v0, vm0, $0xb8;
	[tilespmem:$0x16F90] =	vst v63  }
0x25d: {  	s2 =	sshrl.u32 s28, $0x3;
	_ =	swait.ge [sflag:s30], $0x4000  }
0x25e: {  	s2 =	sadd.s32 s3, s2;
	[sflag:s30] =	ssyncset.done $0x0  }
0x25f: {  	s31 =	simm.s32 $0x3;
	s2 =	sadd.s32 $0xB000, s2;
	[sflag:s30] =	ssyncadd.s32 $0xFFFFC000  }
0x260: {  	[hbm4b:s2+s7] =	stream.linear.scatter [tilespmem:s8], [sflag:$0x3], $0x4000, $0x38;
	[tilespmem:$0x16F90] =	vst v63  }
0x261: {  	_ =	swait.ge [sflag:s31], $0x4000  }
0x262: {  	[sflag:s31] =	ssyncset.done $0x0  }
0x263: {  	[sflag:s31] =	ssyncadd.s32 $0xFFFFC000  }
0x264: {  	_ =	sfence.sel $0x180000  }
0x265: {  	[bflag:$0x0] =	sbarrier.arrive $0xFFFF  }
0x266: {  	p0 =	sne.s32 s1, $0x0;
	_ =	strace $0x90000047  }
0x267: {  	s0 =	sadd.s32 @!p0 $0x100000, s0;
	[bflag:$0x2] =	sbarrier.arrive $0xFFFF  }
0x268: {  	[sflag:s0] =	ssyncadd.tile.s32 @!p0 $0x1;
	_ =	shalt  }
.Lfunc_end2:
_tile_overlayer_lowered:
.L_overlay_start_2:
0x269: {  	(tag) =	ssettag $0x2  }
0x26a: {  	s0 =	rddreg [dreg:$0x0];
	s2 =	stileid.u32  }
0x26b: {  	s1 =	rddreg [dreg:$0x1];
	p0 =	sne.s32 s2, $0x0  }
0x26c: {  	s3 =	rddreg [dreg:$0x2];
	[bflag:$0x3] =	sbarrier.arrive $0xFFFF;
	s2 =	simm.s32 @!p0 $0x1C03  }
0x26d: {  	[timem:s3], [sflag:s2] =	dma.local @!p0 [hbm:s0], s1  }
0x26e: {  	s0 =	simm.s32 @!p0 $0x3  }
0x26f: {  	_ =	swait.ge @!p0 [sflag:s0], s1  }
0x270: {  	s1 =	ssub.s32 @!p0 $0x0, s1;
	[sflag:s0] =	ssyncset.done @!p0 $0x0  }
0x271: {  	[sflag:s0] =	ssyncadd.s32 @!p0 s1  }
0x272: {  	[bflag:$0x3] =	sbarrier.arrive $0xFFFF  }
0x273: {  	_ =	shalt  }

// kernel: kernel.9.cloned.1.call-start
scs
__scs_entry_jumppad:
0x0: {  	(pc) =	sbr.rel $0x88, $3  }
0x1: {  	(tag) =	ssettag $0x0;
	lr =	simm.s32 $0x1  }
0x2: {  	[smem:$0x3F9B] =	sst lr;
	_ =	strace $0xD0000000  }
0x3: {  	_ = 	snop  }
0x4: {  	_ = 	snop  }
0x5: {  	_ = 	snop  }
0x6: {  	_ = 	snop  }
0x7: {  	_ = 	snop  }
__scs_overlays_trampoline_lowered:
0x8: {  	[smem:$0x3FAA] =	sst s0  }
0x9: {  	[smem:$0x3FAB] =	sst s1  }
0xa: {  	[smem:$0x3FAC] =	sst s2  }
0xb: {  	[smem:$0x3FAD] =	sst s3  }
0xc: {  	[smem:$0x3FAE] =	sst s4  }
0xd: {  	[smem:$0x3FAF] =	sst s5  }
0xe: {  	[smem:$0x3FB0] =	sst s6  }
0xf: {  	[smem:$0x3FB1] =	sst s7  }
0x10: {  	[smem:$0x3FB2] =	sst s8  }
0x11: {  	[smem:$0x3FB3] =	sst s9;
	s0 =	simm.s32 @!p0 $0x0  }
0x12: {  	s1 =	sld [smem:$0x3F99];
	s0 =	simm.s32 @p0 $0x1  }
0x13: {  	[smem:$0x3FB4] =	sst s0;
	s0 =	simm.s32 @!p1 $0x0  }
0x14: {  	s2 =	sld [smem:$0x3F98];
	s0 =	simm.s32 @p1 $0x1  }
0x15: {  	[smem:$0x3FB5] =	sst s0;
	s0 =	simm.s32 @!p2 $0x0  }
0x16: {  	s3 =	sld [smem:$0x3FDB];
	s0 =	simm.s32 @p2 $0x1  }
0x17: {  	s4 =	simm.s32 $0x1BF5;
	[smem:$0x3FB7] =	sst s0  }
0x18: {  	s0 =	sld [smem:$0x3F9A];
	_ =	swait.ge [sflag:s4], $0x0  }
0x19: {  	s7 =	sld [smem:$0x3F9B]  }
0x1a: {  	s8 =	sadd.s32 $0xFFFFE003, lr  }
0x1b: {  	s9 =	sadd.s32 $0xFFFFFEF7, lr;
	s5 =	simm.s32 $0xFFFFFFFF;
	p2 =	slt.u32 s8, $0xFFFFF086  }
0x1c: {  	p1 =	slt.u32 s9, $0xF7A;
	s5 =	simm.s32 @!p2 $0x0  }
0x1d: {  	s5 =	simm.s32 @p1 $0x1;
	p0 =	seq.s32 s7, s2  }
0x1e: {  	s7 =	smul.u32 @!p0 $0xF7A, s2;
	p2 =	seq.s32 @!p0 s5, $0x0  }
0x1f: {  	s9 =	smul.u32 $0xF7A, s1;
	s8 =	simm.s32 @!p0 $0x1BF5;
	p2 =	por !p2, p0  }
0x20: {  	[sflag:s8] =	ssyncset.s32 @!p0 $0xFFFFF086;
	s6 =	sadd.s32 @!p0 s3, s7;
	s7 =	simm.s32 @!p0 $0x108  }
0x21: {  	s3 =	sadd.s32 s3, s9;
	s6 =	sadd.s32 @!p0 $0x88, s6;
	s7 =	simm.s32 @p2 $0x1082  }
0x22: {  	[simem:s7], [sflag:s8] =	dma.local @!p0 [hbm:s6], $0xF7A  }
0x23: {  	s9 =	sor.u32 $0xD0000000, s2;
	s6 =	simm.s32 $0x108;
	_ =	swait.ge @!p0 [sflag:s8], $0x0  }
0x24: {  	s3 =	sadd.s32 $0x88, s3;
	s6 =	simm.s32 @!p1 $0x1082;
	[sflag:s4] =	ssyncset.s32 $0xFFFFF086  }
0x25: {  	[simem:s6], [sflag:s4] =	dma.local [hbm:s3], $0xF7A  }
0x26: {  	[smem:$0x3F9B] =	sst s1;
	(tag) =	ssettag s2;
	_ =	strace s9  }
0x27: {  	s1 =	sld [smem:$0x3FAB]  }
0x28: {  	s2 =	sld [smem:$0x3FAC]  }
0x29: {  	s4 =	sld [smem:$0x3FAE]  }
0x2a: {  	p0 =	seq.s32 s5, $0x0;
	s5 =	sld [smem:$0x3FAF]  }
0x2b: {  	s6 =	sld [smem:$0x3FB0]  }
0x2c: {  	s7 =	sld [smem:$0x3FB1]  }
0x2d: {  	s3 =	simm.s32 $0x108;
	s8 =	sld [smem:$0x3FB2]  }
0x2e: {  	s3 =	simm.s32 @!p0 $0x1082;
	s9 =	sld [smem:$0x3FB3]  }
0x2f: {  	lr =	sadd.s32 s0, s3;
	s0 =	sld [smem:$0x3FAA]  }
0x30: {  	s3 =	sld [smem:$0x3FAD]  }
0x31: {  	[smem:$0x3FB6] =	sst s10  }
0x32: {  	s10 =	sld [smem:$0x3FB4];
	_ =	sdelay $0x3  }
0x33: {  	p0 =	seq.s32 s10, $0x1;
	s10 =	sld [smem:$0x3FB6];
	_ =	sdelay $0x3  }
0x34: {  	[smem:$0x3FB6] =	sst s10  }
0x35: {  	s10 =	sld [smem:$0x3FB5];
	_ =	sdelay $0x3  }
0x36: {  	p1 =	seq.s32 s10, $0x1;
	s10 =	sld [smem:$0x3FB6];
	_ =	sdelay $0x3  }
0x37: {  	[smem:$0x3FB6] =	sst s10  }
0x38: {  	s10 =	sld [smem:$0x3FB7]  }
0x39: {  	_ = 	snop;
	(pc) =	sbr.ind lr, $3  }
0x3a: {  	_ = 	snop  }
0x3b: {  	_ = 	snop  }
0x3c: {  	p2 =	seq.s32 s10, $0x1;
	s10 =	sld [smem:$0x3FB6]  }
0x3d: {  	_ =	shalt  }
0x3e: {  	_ =	shalt  }
0x3f: {  	_ =	shalt  }
0x40: {  	_ =	shalt  }
0x41: {  	_ =	shalt  }
0x42: {  	_ =	shalt  }
0x43: {  	_ =	shalt  }
0x44: {  	_ =	shalt  }
0x45: {  	_ =	shalt  }
0x46: {  	_ =	shalt  }
0x47: {  	_ =	shalt  }
0x48: {  	_ =	shalt  }
0x49: {  	_ =	shalt  }
0x4a: {  	_ =	shalt  }
0x4b: {  	_ =	shalt  }
0x4c: {  	_ =	shalt  }
0x4d: {  	_ =	shalt  }
0x4e: {  	_ =	shalt  }
0x4f: {  	_ =	shalt  }
0x50: {  	_ =	shalt  }
0x51: {  	_ =	shalt  }
0x52: {  	_ =	shalt  }
0x53: {  	_ =	shalt  }
0x54: {  	_ =	shalt  }
0x55: {  	_ =	shalt  }
0x56: {  	_ =	shalt  }
0x57: {  	_ =	shalt  }
0x58: {  	_ =	shalt  }
0x59: {  	_ =	shalt  }
0x5a: {  	_ =	shalt  }
0x5b: {  	_ =	shalt  }
0x5c: {  	_ =	shalt  }
0x5d: {  	_ =	shalt  }
0x5e: {  	_ =	shalt  }
0x5f: {  	_ =	shalt  }
0x60: {  	_ =	shalt  }
0x61: {  	_ =	shalt  }
0x62: {  	_ =	shalt  }
0x63: {  	_ =	shalt  }
0x64: {  	_ =	shalt  }
0x65: {  	_ =	shalt  }
0x66: {  	_ =	shalt  }
0x67: {  	_ =	shalt  }
0x68: {  	_ =	shalt  }
0x69: {  	_ =	shalt  }
0x6a: {  	_ =	shalt  }
0x6b: {  	_ =	shalt  }
0x6c: {  	_ =	shalt  }
0x6d: {  	_ =	shalt  }
0x6e: {  	_ =	shalt  }
0x6f: {  	_ =	shalt  }
0x70: {  	_ =	shalt  }
0x71: {  	_ =	shalt  }
0x72: {  	_ =	shalt  }
0x73: {  	_ =	shalt  }
0x74: {  	_ =	shalt  }
0x75: {  	_ =	shalt  }
0x76: {  	_ =	shalt  }
0x77: {  	_ =	shalt  }
0x78: {  	_ =	shalt  }
0x79: {  	_ =	shalt  }
0x7a: {  	_ =	shalt  }
0x7b: {  	_ =	shalt  }
0x7c: {  	_ =	shalt  }
0x7d: {  	_ =	shalt  }
0x7e: {  	_ =	shalt  }
0x7f: {  	_ =	shalt  }
0x80: {  	_ =	shalt  }
0x81: {  	_ =	shalt  }
0x82: {  	_ =	shalt  }
0x83: {  	_ =	shalt  }
0x84: {  	_ =	shalt  }
0x85: {  	_ =	shalt  }
0x86: {  	_ =	shalt  }
0x87: {  	_ =	shalt  }
.Lfunc_end0:
.L_simem_size_0:
called_computation.1_lowered:
.L_overlay_start_0:
0x88: {  	s2 =	sld [smem:$0x3FD9]  }
0x89: {  	s3 =	sld [smem:$0x3FFE];
	_ =	sdelay $0x1  }
0x8a: {  	s1 =	srdreg.scid  }
0x8b: {  	s0 =	sand.u32 $0x1, s1  }
0x8c: {  	s17 =	sshll.u32 s0, $0xA;
	s2 =	sadd.s32 s3, s2  }
0x8d: {  	s2 =	sadd.s32 s2, s17  }
0x8e: {  	[smem:$0x3FC2] =	sst s2  }
0x8f: {  	_ = 	snop  }
0x90: {  	s2 =	sld [smem:$0x3FD0];
	(tm) =	ssettm $0x1  }
0x91: {  	s18 =	sld [smem:$0x3FFB];
	_ =	sdelay $0x3  }
0x92: {  	_ =	strace s18  }
0x93: {  	s3 =	sld [smem:$0x3FFC];
	_ =	sdelay $0x3  }
0x94: {  	_ =	strace s3  }
0x95: {  	s3 =	sld [smem:$0x3FFD];
	_ =	sdelay $0x3  }
0x96: {  	_ =	strace s3  }
0x97: {  	_ =	strace $0x8FFFFFFF  }
0x98: {  	s19 =	sld [smem:$0x3FDB];
	_ =	sdelay $0x1  }
0x99: {  	s4 =	simm.s32 $_scs_section_size  }
0x9a: {  	s5 =	simm.s32 $_size__tile_overlayer_lowered;
	s6 =	simm.s32 $_tile_overlayer_lowered  }
0x9b: {  	s22 =	simm.s32 $0x1BFF;
	s21 =	sshll.u32 s6, $0x1;
	s3 =	sadd.s32 s4, s19  }
0x9c: {  	s7 =	simm.s32 $0x0;
	s20 =	sshll.u32 s5, $0x1;
	s5 =	sadd.s32 s21, s3  }
0x9d: {  	[timem:s7], [sflag:s22] =	dma.local [hbm:s5], s20  }
0x9e: {  	_ =	swait.ge [sflag:s22], s20  }
0x9f: {  	s4 =	ssub.s32 $0x0, s20;
	[sflag:s22] =	ssyncset.done $0x0  }
0xa0: {  	[sflag:s22] =	ssyncadd.s32 s4;
	_ =	sdelay $0x1  }
0xa1: {  	s23 =	simm.s32 $0x1B8B  }
0xa2: {  	_ =	swait.ge [sflag:s23], $0x1  }
0xa3: {  	[sflag:s23] =	ssyncset.done $0x0  }
0xa4: {  	s25 =	simm.s32 $0x1B8E;
	s24 =	sld [smem:$0x3FFE];
	[sflag:s23] =	ssyncadd.s32 $0xFFFFFFFF  }
0xa5: {  	s26 =	simm.s32 $execute0_lowered;
	[smem:$0x3FD2] =	sst s25  }
0xa6: {  	s5 =	sshll.u32 s26, $0x1;
	_ =	strace $0x80000049;
	[dreg:$0x1] =	wrdreg $0xFFFFFFFF  }
0xa7: {  	s28 =	simm.s32 $_size_execute0_lowered;
	s3 =	sadd.s32 s3, s5;
	[dreg:$0x0] =	wrdreg $0x0  }
0xa8: {  	s5 =	sshll.u32 s28, $0x1;
	[dreg:$0x2] =	wrdreg s3  }
0xa9: {  	[dreg:$0x3] =	wrdreg s5  }
0xaa: {  	[dreg:$0x4] =	wrdreg $0xC0  }
0xab: {  	_ =	task [dreg:s7], $0x5FFFF  }
0xac: {  	[dreg:$0x1] =	wrdreg $0xFFFFFFFF  }
0xad: {  	[dreg:$0x0] =	wrdreg $0x60  }
0xae: {  	[dreg:$0x2] =	wrdreg s24  }
0xaf: {  	[dreg:$0x3] =	wrdreg s2  }
0xb0: {  	[dreg:$0x4] =	wrdreg $0x9  }
0xb1: {  	_ =	task.clear_ibuf [dreg:s7], $0x5FFFF;
	_ =	strace $0x90000049  }
0xb2: {  	s29 =	simm.s32 $0x9;
	_ =	strace $0x8000004B  }
0xb3: {  	_ =	swait.ge [sflag:s29], $0x1  }
0xb4: {  	[sflag:s29] =	ssyncadd.s32 $0xFFFFFFFF  }
0xb5: {  	_ =	strace $0x9000004B  }
0xb6: {  	_ =	sfence  }
0xb7: {  	s30 =	sld [smem:$0x0];
	_ =	sdelay $0x2  }
0xb8: {  	s31 =	sshll.u32 s1, $0xD;
	s1 =	sshrl.u32 s1, $0x2  }
0xb9: {  	s3 =	sand.u32 $0x4000, s31;
	s1 =	sadd.s32 s1, s30  }
0xba: {  	s0 =	sor.u32 s3, s0;
	s1 =	sshll.u32 s1, $0x11  }
0xbb: {  	s0 =	sor.u32 s1, s0  }
0xbc: {  	s0 =	sadd.s32 $0x8F2B, s0  }
0xbd: {  	[sflag:s0] =	ssyncadd.remote.s32 $0x1  }
0xbe: {  	_ =	sfence.sel $0xFFFF  }
0xbf: {  	[dreg:$0x0] =	wrdreg $0xFFFFFFFF;
	(pc) =	sbr.abs _section_cstart, $3  }
0xc0: {  	[dreg:$0x1] =	wrdreg $0xFFFFFFFF  }
0xc1: {  	_ =	task.clear_ibuf [dreg:s7], $0x2FFFF;
	_ =	strace $0x9FFFFFFF  }
0xc2: {  	(tm) =	ssettm $0x7FFFFFFF  }
0xc3: {  	_ =	shalt  }
tec
execute0_lowered:
.L_overlay_start_1:
0x0: {  	(tag) =	ssettag $0x1  }
0x1: {  	s0 =	rddreg [dreg:$0x0]  }
0x2: {  	s2 =	rddreg [dreg:$0x1]  }
0x3: {  	s1 =	srdreg.scid;
	s5 =	stileid.u32;
	s3 =	simm.s32 $0x0  }
0x4: {  	s12 =	simm.s32 $0x5;
	s14 =	simm.s32 $0x100;
	s31 =	simm.s32 $0x4100  }
0x5: {  	s17 =	simm.s32 $0xC900;
	s18 =	simm.s32 $0xD100;
	s19 =	simm.s32 $0xD900  }
0x6: {  	s20 =	simm.s32 $0xE100;
	s21 =	simm.s32 $0xE900;
	s22 =	simm.s32 $0xF100  }
0x7: {  	s23 =	simm.s32 $0xF900;
	s24 =	simm.s32 $0x1;
	s25 =	simm.s32 $0x3  }
0x8: {  	s26 =	simm.s32 $0x2;
	s28 =	simm.s32 $0x4;
	s1 =	sand.u32 $0x1, s1  }
0x9: {  	s5 =	sshll.u32 s5, $0x7;
	s4 =	sshll.u32 s1, $0xB;
	s1 =	ssub.s32 $0x2, s1  }
0xa: {  	[smem:$0x7FF] =	sst s3;
	s4 =	sor.u32 s5, s4;
	s7 =	sshrl.u32 s1, $0x1  }
0xb: {  	s8 =	sadd.s32 $0xB9D00, s0;
	s6 =	sshrl.u32 s4, $0x3;
	s1 =	ssub.s32 s1, s7  }
0xc: {  	s9 =	sadd.s32 $0xB9E00, s0;
	s6 =	sadd.s32 s6, s0;
	s30 =	smax.u32 s1, $0x1  }
0xd: {  	v2 =	vlaneseq.u32;
	_ =	strace $0x8000004A;
	s29 =	sadd.s32 $0xB9800, s6;
	[dreg:$0x5] =	wrdreg s30  }
0xe: {  	vm0 =	vmmov $0xffff;
	s10 =	sadd.s32 $0xB9F00, s0;
	v1 =	vshrl.u32 v2, $0x3;
	s6 =	sadd.s32 $0xB9A00, s6;
	[dreg:$0x3] =	wrdreg s29  }
0xf: {  	v0 =	vand.u32 $0x7, v2;
	v2 =	vor.u32 $0x8, v2;
	v1 =	vmul.u32 $0x8, v1;
	s5 =	sadd.s32 $0xB9C00, s0;
	s1 =	simm.s32 $0x0;
	[dreg:$0x4] =	wrdreg s6  }
.LBB2_1:
0x10: {  	[dreg:$0x6] =	wrdreg s1  }
0x11: {  	s0 =	rddreg [dreg:$0x3]  }
0x12: {  	[tilespmem:s3], [sflag:$0x5] =	stream.linear.gather [hbm4b:s0+s3], $0x80, $0x38;
	[tilespmem:$0x10100] =	vst v63  }
0x13: {  	_ =	swait.ge [sflag:s12], $0x80  }
0x14: {  	[sflag:s12] =	ssyncset.done $0x0  }
0x15: {  	s30 =	simm.s32 $0x80;
	s16 =	rddreg [dreg:$0x4];
	[sflag:s12] =	ssyncadd.s32 $0xFFFFFF80  }
0x16: {  	[tilespmem:s30], [sflag:$0x5] =	stream.linear.gather [hbm4b:s16+s3], $0x80, $0x38;
	[tilespmem:$0x10100] =	vst v63  }
0x17: {  	_ =	swait.ge [sflag:s12], $0x80  }
0x18: {  	[sflag:s12] =	ssyncset.done $0x0  }
0x19: {  	s29 =	simm.s32 $0x0;
	[sflag:s12] =	ssyncadd.s32 $0xFFFFFF80  }
.LBB2_2:
0x1a: {  	s0 =	sshll.u32 s29, $0x5  }
0x1b: {  	v3 =	vld [tilespmem:s0+$0x0];
	_ =	sdelay $0x4  }
0x1c: {  	v4 =	vshll.u32 v3, $0x3  }
0x1d: {  	v3 =	vand.u32 $0x7, v3;
	v4 =	vand.u32 $0xFFFFFFC0, v4  }
0x1e: {  	v3 =	vor.u32 v3, v4  }
0x1f: {  	v4 =	vperm.xlane v3, v0;
	_ =	sdelay $0x1  }
0x20: {  	v4 =	vadd.s32 v1, v4;
	_ =	sdelay $0x3  }
0x21: {  	s1 =	simm.s32 $0x0  }
0x22: {  	[tilespmem:s14], [sflag:$0x1] =	stream.indirect_vreg.gather [hbm4b:s5+s1], $0x80, v4, vm0, $0xb8;
	[tilespmem:$0x10100] =	vst v63  }
0x23: {  	s6 =	simm.s32 $0x900;
	v3 =	vperm.xlane v3, v2  }
0x24: {  	[tilespmem:s6], [sflag:$0x1] =	stream.indirect_vreg.gather [hbm4b:s8+s1], $0x80, v4, vm0, $0xb8;
	[tilespmem:$0x10100] =	vst v63  }
0x25: {  	s15 =	simm.s32 $0x1100;
	v3 =	vadd.s32 v1, v3  }
0x26: {  	[tilespmem:s15], [sflag:$0x1] =	stream.indirect_vreg.gather [hbm4b:s9+s1], $0x80, v4, vm0, $0xb8;
	[tilespmem:$0x10100] =	vst v63  }
0x27: {  	s16 =	simm.s32 $0x1900  }
0x28: {  	[tilespmem:s16], [sflag:$0x1] =	stream.indirect_vreg.gather [hbm4b:s10+s1], $0x80, v4, vm0, $0xb8;
	[tilespmem:$0x10100] =	vst v63  }
0x29: {  	s7 =	simm.s32 $0x2100  }
0x2a: {  	[tilespmem:s7], [sflag:$0x1] =	stream.indirect_vreg.gather [hbm4b:s5+s1], $0x80, v3, vm0, $0xb8;
	[tilespmem:$0x10100] =	vst v63  }
0x2b: {  	s11 =	simm.s32 $0x2900  }
0x2c: {  	[tilespmem:s11], [sflag:$0x1] =	stream.indirect_vreg.gather [hbm4b:s8+s1], $0x80, v3, vm0, $0xb8;
	[tilespmem:$0x10100] =	vst v63  }
0x2d: {  	s13 =	simm.s32 $0x3100  }
0x2e: {  	[tilespmem:s13], [sflag:$0x1] =	stream.indirect_vreg.gather [hbm4b:s9+s1], $0x80, v3, vm0, $0xb8;
	[tilespmem:$0x10100] =	vst v63  }
0x2f: {  	s15 =	simm.s32 $0x3900  }
0x30: {  	[tilespmem:s15], [sflag:$0x1] =	stream.indirect_vreg.gather [hbm4b:s10+s1], $0x80, v3, vm0, $0xb8;
	[tilespmem:$0x10100] =	vst v63  }
0x31: {  	v3 =	vld [tilespmem:s0+$0x80];
	_ =	sdelay $0x4  }
0x32: {  	v61 =	vshll.u32 v3, $0x3  }
0x33: {  	v3 =	vand.u32 $0x7, v3;
	v4 =	vand.u32 $0xFFFFFFC0, v61  }
0x34: {  	v3 =	vor.u32 v3, v4  }
0x35: {  	v4 =	vperm.xlane v3, v0;
	_ =	sdelay $0x1  }
0x36: {  	v4 =	vadd.s32 v1, v4;
	_ =	sdelay $0x3  }
0x37: {  	s16 =	simm.s32 $0x8100  }
0x38: {  	[tilespmem:s16], [sflag:$0x3] =	stream.indirect_vreg.gather [hbm4b:s5+s1], $0x80, v4, vm0, $0xb8;
	[tilespmem:$0x10100] =	vst v63  }
0x39: {  	s7 =	simm.s32 $0x8900;
	v3 =	vperm.xlane v3, v2  }
0x3a: {  	[tilespmem:s7], [sflag:$0x3] =	stream.indirect_vreg.gather [hbm4b:s8+s1], $0x80, v4, vm0, $0xb8;
	[tilespmem:$0x10100] =	vst v63  }
0x3b: {  	s11 =	simm.s32 $0x9100;
	v3 =	vadd.s32 v1, v3  }
0x3c: {  	[tilespmem:s11], [sflag:$0x3] =	stream.indirect_vreg.gather [hbm4b:s9+s1], $0x80, v4, vm0, $0xb8;
	[tilespmem:$0x10100] =	vst v63  }
0x3d: {  	s13 =	simm.s32 $0x9900  }
0x3e: {  	[tilespmem:s13], [sflag:$0x3] =	stream.indirect_vreg.gather [hbm4b:s10+s1], $0x80, v4, vm0, $0xb8;
	[tilespmem:$0x10100] =	vst v63  }
0x3f: {  	s15 =	simm.s32 $0xA100  }
0x40: {  	[tilespmem:s15], [sflag:$0x3] =	stream.indirect_vreg.gather [hbm4b:s5+s1], $0x80, v3, vm0, $0xb8;
	[tilespmem:$0x10100] =	vst v63  }
0x41: {  	s16 =	simm.s32 $0xA900  }
0x42: {  	[tilespmem:s16], [sflag:$0x3] =	stream.indirect_vreg.gather [hbm4b:s8+s1], $0x80, v3, vm0, $0xb8;
	[tilespmem:$0x10100] =	vst v63  }
0x43: {  	s7 =	simm.s32 $0xB100  }
0x44: {  	[tilespmem:s7], [sflag:$0x3] =	stream.indirect_vreg.gather [hbm4b:s9+s1], $0x80, v3, vm0, $0xb8;
	[tilespmem:$0x10100] =	vst v63  }
0x45: {  	s11 =	simm.s32 $0xB900  }
0x46: {  	[tilespmem:s11], [sflag:$0x3] =	stream.indirect_vreg.gather [hbm4b:s10+s1], $0x80, v3, vm0, $0xb8;
	[tilespmem:$0x10100] =	vst v63  }
0x47: {  	v3 =	vld [tilespmem:s0+$0x10];
	_ =	sdelay $0x4  }
0x48: {  	v62 =	vshll.u32 v3, $0x3  }
0x49: {  	v3 =	vand.u32 $0x7, v3;
	v4 =	vand.u32 $0xFFFFFFC0, v62  }
0x4a: {  	v3 =	vor.u32 v3, v4  }
0x4b: {  	v4 =	vperm.xlane v3, v0;
	_ =	sdelay $0x1  }
0x4c: {  	v4 =	vadd.s32 v1, v4;
	_ =	sdelay $0x4  }
0x4d: {  	[tilespmem:s31], [sflag:$0x2] =	stream.indirect_vreg.gather [hbm4b:s5+s1], $0x80, v4, vm0, $0xb8;
	[tilespmem:$0x10100] =	vst v63  }
0x4e: {  	s13 =	simm.s32 $0x4900;
	v3 =	vperm.xlane v3, v2  }
0x4f: {  	[tilespmem:s13], [sflag:$0x2] =	stream.indirect_vreg.gather [hbm4b:s8+s1], $0x80, v4, vm0, $0xb8;
	[tilespmem:$0x10100] =	vst v63  }
0x50: {  	s15 =	simm.s32 $0x5100;
	v3 =	vadd.s32 v1, v3  }
0x51: {  	[tilespmem:s15], [sflag:$0x2] =	stream.indirect_vreg.gather [hbm4b:s9+s1], $0x80, v4, vm0, $0xb8;
	[tilespmem:$0x10100] =	vst v63  }
0x52: {  	s16 =	simm.s32 $0x5900  }
0x53: {  	[tilespmem:s16], [sflag:$0x2] =	stream.indirect_vreg.gather [hbm4b:s10+s1], $0x80, v4, vm0, $0xb8;
	[tilespmem:$0x10100] =	vst v63  }
0x54: {  	s7 =	simm.s32 $0x6100  }
0x55: {  	[tilespmem:s7], [sflag:$0x2] =	stream.indirect_vreg.gather [hbm4b:s5+s1], $0x80, v3, vm0, $0xb8;
	[tilespmem:$0x10100] =	vst v63  }
0x56: {  	s11 =	simm.s32 $0x6900  }
0x57: {  	[tilespmem:s11], [sflag:$0x2] =	stream.indirect_vreg.gather [hbm4b:s8+s1], $0x80, v3, vm0, $0xb8;
	[tilespmem:$0x10100] =	vst v63  }
0x58: {  	s13 =	simm.s32 $0x7100  }
0x59: {  	[tilespmem:s13], [sflag:$0x2] =	stream.indirect_vreg.gather [hbm4b:s9+s1], $0x80, v3, vm0, $0xb8;
	[tilespmem:$0x10100] =	vst v63  }
0x5a: {  	s15 =	simm.s32 $0x7900  }
0x5b: {  	[tilespmem:s15], [sflag:$0x2] =	stream.indirect_vreg.gather [hbm4b:s10+s1], $0x80, v3, vm0, $0xb8;
	[tilespmem:$0x10100] =	vst v63  }
0x5c: {  	v3 =	vld [tilespmem:s0+$0x90];
	_ =	sdelay $0x4  }
0x5d: {  	v63 =	vshll.u32 v3, $0x3  }
0x5e: {  	v3 =	vand.u32 $0x7, v3;
	v4 =	vand.u32 $0xFFFFFFC0, v63  }
0x5f: {  	v3 =	vor.u32 v3, v4  }
0x60: {  	v4 =	vperm.xlane v3, v0;
	_ =	sdelay $0x1  }
0x61: {  	v4 =	vadd.s32 v1, v4;
	_ =	sdelay $0x3  }
0x62: {  	s16 =	simm.s32 $0xC100  }
0x63: {  	[tilespmem:s16], [sflag:$0x4] =	stream.indirect_vreg.gather [hbm4b:s5+s1], $0x80, v4, vm0, $0xb8;
	[tilespmem:$0x10100] =	vst v63  }
0x64: {  	v3 =	vperm.xlane v3, v2  }
0x65: {  	[tilespmem:s17], [sflag:$0x4] =	stream.indirect_vreg.gather [hbm4b:s8+s1], $0x80, v4, vm0, $0xb8;
	[tilespmem:$0x10100] =	vst v63  }
0x66: {  	v3 =	vadd.s32 v1, v3  }
0x67: {  	[tilespmem:s18], [sflag:$0x4] =	stream.indirect_vreg.gather [hbm4b:s9+s1], $0x80, v4, vm0, $0xb8;
	[tilespmem:$0x10100] =	vst v63  }
0x68: {  	_ = 	snop  }
0x69: {  	[tilespmem:s19], [sflag:$0x4] =	stream.indirect_vreg.gather [hbm4b:s10+s1], $0x80, v4, vm0, $0xb8;
	[tilespmem:$0x10100] =	vst v63  }
0x6a: {  	_ = 	snop  }
0x6b: {  	[tilespmem:s20], [sflag:$0x4] =	stream.indirect_vreg.gather [hbm4b:s5+s1], $0x80, v3, vm0, $0xb8;
	[tilespmem:$0x10100] =	vst v63  }
0x6c: {  	_ = 	snop  }
0x6d: {  	[tilespmem:s21], [sflag:$0x4] =	stream.indirect_vreg.gather [hbm4b:s8+s1], $0x80, v3, vm0, $0xb8;
	[tilespmem:$0x10100] =	vst v63  }
0x6e: {  	_ = 	snop  }
0x6f: {  	[tilespmem:s22], [sflag:$0x4] =	stream.indirect_vreg.gather [hbm4b:s9+s1], $0x80, v3, vm0, $0xb8;
	[tilespmem:$0x10100] =	vst v63  }
0x70: {  	_ = 	snop  }
0x71: {  	[tilespmem:s23], [sflag:$0x4] =	stream.indirect_vreg.gather [hbm4b:s10+s1], $0x80, v3, vm0, $0xb8;
	[tilespmem:$0x10100] =	vst v63  }
0x72: {  	_ =	swait.ge [sflag:s24], $0x4000  }
0x73: {  	[sflag:s24] =	ssyncset.done $0x0  }
0x74: {  	[sflag:s24] =	ssyncadd.s32 $0xFFFFC000  }
0x75: {  	_ =	swait.ge [sflag:s25], $0x4000  }
0x76: {  	s30 =	sor.u32 $0x10, s0;
	s6 =	simm.s32 $0x0;
	[sflag:s25] =	ssyncset.done $0x0  }
0x77: {  	s7 =	simm.s32 $0x0;
	s13 =	simm.s32 $0xFFFFC000;
	[sflag:s25] =	ssyncadd.s32 $0xFFFFC000  }
.LBB2_3:
0x78: {  	s11 =	sadd.s32 $0x4000, s13  }
0x79: {  	s15 =	sand.u32 $0x380, s7;
	s11 =	sand.u32 $0x2000, s11  }
0x7a: {  	s11 =	sor.u32 s15, s11  }
0x7b: {  	v3 =	vld [tilespmem:s11+$0x100]  }
0x7c: {  	v4 =	vld [tilespmem:s11+$0x8100]  }
0x7d: {  	v5 =	vld [tilespmem:s11+$0x110]  }
0x7e: {  	v6 =	vld [tilespmem:s11+$0x8110]  }
0x7f: {  	v7 =	vld [tilespmem:s11+$0x120]  }
0x80: {  	v8 =	vld [tilespmem:s11+$0x8120]  }
0x81: {  	v9 =	vld [tilespmem:s11+$0x130]  }
0x82: {  	v10 =	vld [tilespmem:s11+$0x8130]  }
0x83: {  	v11 =	vld [tilespmem:s11+$0x140]  }
0x84: {  	v12 =	vld [tilespmem:s11+$0x8140]  }
0x85: {  	v13 =	vld [tilespmem:s11+$0x150]  }
0x86: {  	v14 =	vld [tilespmem:s11+$0x8150]  }
0x87: {  	v15 =	vld [tilespmem:s11+$0x160]  }
0x88: {  	v16 =	vld [tilespmem:s11+$0x8160]  }
0x89: {  	v17 =	vld [tilespmem:s11+$0x170]  }
0x8a: {  	v18 =	vld [tilespmem:s11+$0x8170]  }
0x8b: {  	v19 =	vld [tilespmem:s11+$0x500]  }
0x8c: {  	v20 =	vld [tilespmem:s11+$0x8500]  }
0x8d: {  	v21 =	vld [tilespmem:s11+$0x510]  }
0x8e: {  	v22 =	vld [tilespmem:s11+$0x8510]  }
0x8f: {  	v23 =	vld [tilespmem:s11+$0x520]  }
0x90: {  	v24 =	vld [tilespmem:s11+$0x8520]  }
0x91: {  	v25 =	vld [tilespmem:s11+$0x530]  }
0x92: {  	v26 =	vld [tilespmem:s11+$0x8530]  }
0x93: {  	v27 =	vld [tilespmem:s11+$0x540]  }
0x94: {  	v28 =	vld [tilespmem:s11+$0x8540]  }
0x95: {  	v29 =	vld [tilespmem:s11+$0x550]  }
0x96: {  	v30 =	vld [tilespmem:s11+$0x8550]  }
0x97: {  	v31 =	vld [tilespmem:s11+$0x560]  }
0x98: {  	v32 =	vld [tilespmem:s11+$0x8560]  }
0x99: {  	v33 =	vld [tilespmem:s11+$0x570]  }
0x9a: {  	v34 =	vld [tilespmem:s11+$0x8570]  }
0x9b: {  	v35 =	vld [tilespmem:s11+$0x900]  }
0x9c: {  	v36 =	vld [tilespmem:s11+$0x8900]  }
0x9d: {  	v37 =	vld [tilespmem:s11+$0x910]  }
0x9e: {  	v38 =	vld [tilespmem:s11+$0x8910]  }
0x9f: {  	v39 =	vld [tilespmem:s11+$0x920]  }
0xa0: {  	v40 =	vld [tilespmem:s11+$0x8920]  }
0xa1: {  	v41 =	vld [tilespmem:s11+$0x930]  }
0xa2: {  	v42 =	vld [tilespmem:s11+$0x8930]  }
0xa3: {  	v43 =	vld [tilespmem:s11+$0x940]  }
0xa4: {  	v44 =	vld [tilespmem:s11+$0x8940]  }
0xa5: {  	v45 =	vld [tilespmem:s11+$0x950]  }
0xa6: {  	v46 =	vld [tilespmem:s11+$0x8950]  }
0xa7: {  	v47 =	vld [tilespmem:s11+$0x960]  }
0xa8: {  	v48 =	vld [tilespmem:s11+$0x8960]  }
0xa9: {  	v49 =	vld [tilespmem:s11+$0x970]  }
0xaa: {  	v50 =	vld [tilespmem:s11+$0x8970]  }
0xab: {  	v51 =	vld [tilespmem:s11+$0xD00]  }
0xac: {  	v52 =	vld [tilespmem:s11+$0x8D00]  }
0xad: {  	v53 =	vld [tilespmem:s11+$0xD10]  }
0xae: {  	v54 =	vld [tilespmem:s11+$0x8D10]  }
0xaf: {  	v55 =	vld [tilespmem:s11+$0xD20]  }
0xb0: {  	v56 =	vld [tilespmem:s11+$0x8D20]  }
0xb1: {  	v57 =	vld [tilespmem:s11+$0xD30]  }
0xb2: {  	v58 =	vld [tilespmem:s11+$0x8D30]  }
0xb3: {  	v59 =	vld [tilespmem:s11+$0xD40]  }
0xb4: {  	v60 =	vld [tilespmem:s11+$0x8D40]  }
0xb5: {  	v61 =	vld [tilespmem:s11+$0xD50]  }
0xb6: {  	v62 =	vld [tilespmem:s11+$0x8D50]  }
0xb7: {  	v63 =	vld [tilespmem:s11+$0xD60]  }
0xb8: {  	v3 =	vadd.f32 v4, v3;
	v4 =	vld [tilespmem:s11+$0x8D60]  }
0xb9: {  	v5 =	vadd.f32 v6, v5;
	v6 =	vld [tilespmem:s11+$0xD70]  }
0xba: {  	v14 =	vadd.f32 v14, v13;
	v13 =	vld [tilespmem:s11+$0x9120];
	[tilespmem:s11+$0x100] =	vst v3;
	v3 =	vadd.f32 v8, v7  }
0xbb: {  	v18 =	vadd.f32 v18, v17;
	v17 =	vld [tilespmem:s11+$0x9140];
	[tilespmem:s11+$0x110] =	vst v5  }
0xbc: {  	v22 =	vadd.f32 v22, v21;
	v21 =	vld [tilespmem:s11+$0x9160];
	[tilespmem:s11+$0x120] =	vst v3;
	v3 =	vadd.f32 v12, v11  }
0xbd: {  	v7 =	vld [tilespmem:s11+$0x8D70];
	[tilespmem:s11+$0x150] =	vst v14  }
0xbe: {  	v8 =	vld [tilespmem:s11+$0x1100];
	[tilespmem:s11+$0x140] =	vst v3;
	v3 =	vadd.f32 v16, v15  }
0xbf: {  	v5 =	vadd.f32 v10, v9;
	v9 =	vld [tilespmem:s11+$0x9100];
	[tilespmem:s11+$0x170] =	vst v18  }
0xc0: {  	v10 =	vld [tilespmem:s11+$0x1110];
	[tilespmem:s11+$0x160] =	vst v3;
	v3 =	vadd.f32 v20, v19  }
0xc1: {  	v26 =	vadd.f32 v26, v25;
	v14 =	vld [tilespmem:s11+$0x1130];
	[tilespmem:s11+$0x510] =	vst v22  }
0xc2: {  	v18 =	vld [tilespmem:s11+$0x1150];
	[tilespmem:s11+$0x500] =	vst v3;
	v3 =	vadd.f32 v24, v23  }
0xc3: {  	v30 =	vadd.f32 v30, v29;
	[tilespmem:s11+$0x530] =	vst v26;
	v22 =	vld [tilespmem:s11+$0x1170]  }
0xc4: {  	v19 =	vld [tilespmem:s11+$0x9150];
	[tilespmem:s11+$0x520] =	vst v3;
	v3 =	vadd.f32 v28, v27  }
0xc5: {  	v34 =	vadd.f32 v34, v33;
	[tilespmem:s11+$0x550] =	vst v30;
	v11 =	vld [tilespmem:s11+$0x9110]  }
0xc6: {  	v12 =	vld [tilespmem:s11+$0x1120];
	[tilespmem:s11+$0x540] =	vst v3;
	v3 =	vadd.f32 v32, v31  }
0xc7: {  	[tilespmem:s11+$0x570] =	vst v34;
	v15 =	vld [tilespmem:s11+$0x9130]  }
0xc8: {  	v16 =	vld [tilespmem:s11+$0x1140];
	[tilespmem:s11+$0x560] =	vst v3;
	v3 =	vadd.f32 v36, v35  }
0xc9: {  	[tilespmem:s11+$0x130] =	vst v5;
	v20 =	vld [tilespmem:s11+$0x1160];
	v19 =	vadd.f32 v19, v18  }
0xca: {  	v24 =	vld [tilespmem:s11+$0x1500];
	[tilespmem:s11+$0x900] =	vst v3;
	v3 =	vadd.f32 v40, v39  }
0xcb: {  	[tilespmem:s11+$0x1150] =	vst v19;
	v36 =	vadd.f32 v38, v37;
	v37 =	vld [tilespmem:s11+$0x9170]  }
0xcc: {  	v38 =	vadd.f32 v42, v41;
	v41 =	vld [tilespmem:s11+$0x1510];
	[tilespmem:s11+$0x920] =	vst v3;
	v3 =	vadd.f32 v44, v43  }
0xcd: {  	v42 =	vld [tilespmem:s11+$0x9510];
	[tilespmem:s11+$0x910] =	vst v36  }
0xce: {  	v35 =	vld [tilespmem:s11+$0x1910];
	[tilespmem:s11+$0x940] =	vst v3;
	v3 =	vadd.f32 v48, v47  }
0xcf: {  	v39 =	vld [tilespmem:s11+$0x9500];
	[tilespmem:s11+$0x930] =	vst v38;
	v40 =	vadd.f32 v46, v45  }
0xd0: {  	v45 =	vld [tilespmem:s11+$0x9520];
	[tilespmem:s11+$0x960] =	vst v3;
	v3 =	vadd.f32 v52, v51  }
0xd1: {  	v46 =	vadd.f32 v54, v53;
	v53 =	vld [tilespmem:s11+$0x1550];
	[tilespmem:s11+$0x950] =	vst v40  }
0xd2: {  	v54 =	vld [tilespmem:s11+$0x9550];
	[tilespmem:s11+$0xD00] =	vst v3;
	v3 =	vadd.f32 v56, v55  }
0xd3: {  	v36 =	vld [tilespmem:s11+$0x9910];
	v43 =	vadd.f32 v50, v49;
	[tilespmem:s11+$0xD10] =	vst v46  }
0xd4: {  	v38 =	vld [tilespmem:s11+$0x1920];
	[tilespmem:s11+$0xD20] =	vst v3;
	v3 =	vadd.f32 v60, v59  }
0xd5: {  	v44 =	vld [tilespmem:s11+$0x1520];
	v49 =	vadd.f32 v58, v57;
	[tilespmem:s11+$0x970] =	vst v43  }
0xd6: {  	v50 =	vld [tilespmem:s11+$0x1540];
	[tilespmem:s11+$0xD40] =	vst v3;
	v3 =	vadd.f32 v4, v63  }
0xd7: {  	v57 =	vld [tilespmem:s11+$0x9560];
	v58 =	vadd.f32 v11, v10;
	[tilespmem:s11+$0xD30] =	vst v49  }
0xd8: {  	v46 =	vld [tilespmem:s11+$0x9950];
	[tilespmem:s11+$0xD60] =	vst v3;
	v3 =	vadd.f32 v9, v8  }
0xd9: {  	v37 =	vadd.f32 v37, v22;
	v40 =	vadd.f32 v42, v41;
	v41 =	vld [tilespmem:s11+$0x1930];
	[tilespmem:s11+$0x1110] =	vst v58  }
0xda: {  	v42 =	vld [tilespmem:s11+$0x9930];
	[tilespmem:s11+$0x1100] =	vst v3;
	v3 =	vadd.f32 v13, v12  }
0xdb: {  	v47 =	vld [tilespmem:s11+$0x1530];
	[tilespmem:s11+$0x1170] =	vst v37  }
0xdc: {  	v48 =	vld [tilespmem:s11+$0x9530];
	[tilespmem:s11+$0x1120] =	vst v3;
	v3 =	vadd.f32 v17, v16  }
0xdd: {  	v49 =	vld [tilespmem:s11+$0x9960];
	[tilespmem:s11+$0x1510] =	vst v40;
	v52 =	vadd.f32 v62, v61  }
0xde: {  	v51 =	vld [tilespmem:s11+$0x9540];
	[tilespmem:s11+$0x1140] =	vst v3;
	v3 =	vadd.f32 v21, v20  }
0xdf: {  	v61 =	vadd.f32 v15, v14;
	v62 =	vld [tilespmem:s11+$0x1900];
	[tilespmem:s11+$0xD50] =	vst v52  }
0xe0: {  	v56 =	vld [tilespmem:s11+$0x1560];
	[tilespmem:s11+$0x1160] =	vst v3;
	v3 =	vadd.f32 v39, v24  }
0xe1: {  	v55 =	vadd.f32 v7, v6;
	[tilespmem:s11+$0x1130] =	vst v61;
	v52 =	vld [tilespmem:s11+$0x9970]  }
0xe2: {  	v43 =	vadd.f32 v48, v47;
	v47 =	vld [tilespmem:s11+$0x1960];
	[tilespmem:s11+$0x1500] =	vst v3;
	v3 =	vadd.f32 v45, v44  }
0xe3: {  	[tilespmem:s11+$0xD70] =	vst v55;
	v63 =	vld [tilespmem:s11+$0x9900]  }
0xe4: {  	v59 =	vld [tilespmem:s11+$0x1570];
	[tilespmem:s11+$0x1520] =	vst v3;
	v3 =	vadd.f32 v51, v50  }
0xe5: {  	[tilespmem:s11+$0x1530] =	vst v43;
	v4 =	vadd.f32 v54, v53;
	v39 =	vld [tilespmem:s11+$0x9920]  }
0xe6: {  	v60 =	vld [tilespmem:s11+$0x9570];
	[tilespmem:s11+$0x1540] =	vst v3;
	v3 =	vadd.f32 v57, v56  }
0xe7: {  	v54 =	vadd.f32 v42, v41;
	[tilespmem:s11+$0x1550] =	vst v4;
	v45 =	vld [tilespmem:s11+$0x1950]  }
0xe8: {  	v53 =	vld [tilespmem:s11+$0x9940];
	[tilespmem:s11+$0x1560] =	vst v3;
	v3 =	vadd.f32 v63, v62  }
0xe9: {  	[tilespmem:s11+$0x1930] =	vst v54;
	v55 =	vadd.f32 v49, v47;
	v50 =	vld [tilespmem:s11+$0x1970]  }
0xea: {  	v44 =	vld [tilespmem:s11+$0x1940];
	[tilespmem:s11+$0x1900] =	vst v3;
	v3 =	vadd.f32 v39, v38  }
0xeb: {  	v48 =	vadd.f32 v60, v59;
	[tilespmem:s11+$0x1960] =	vst v55  }
0xec: {  	[tilespmem:s11+$0x1920] =	vst v3;
	v3 =	vadd.f32 v46, v45  }
0xed: {  	s16 =	sand.u32 $0x7, s1;
	[tilespmem:s11+$0x1570] =	vst v48;
	v51 =	vadd.f32 v36, v35  }
0xee: {  	s15 =	sshll.u32 s16, $0x7;
	[tilespmem:s11+$0x1950] =	vst v3;
	v3 =	vadd.f32 v52, v50  }
0xef: {  	s15 =	sadd.s32 s15, s6;
	[tilespmem:s11+$0x1910] =	vst v51;
	v56 =	vadd.f32 v53, v44  }
0xf0: {  	s16 =	sor.u32 $0x1C00, s15;
	[tilespmem:s11+$0x1970] =	vst v3  }
0xf1: {  	[tilespmem:s11+$0x1940] =	vst v56;
	v3 =	vld [tilespmem:s16+$0x100]  }
0xf2: {  	v4 =	vld [tilespmem:s16+$0x8100];
	_ =	sdelay $0x4  }
0xf3: {  	v3 =	vadd.f32 v4, v3;
	_ =	sdelay $0x1  }
0xf4: {  	[tilespmem:s16+$0x100] =	vst v3;
	s16 =	sor.u32 $0x1C10, s15  }
0xf5: {  	v3 =	vld [tilespmem:s16+$0x100]  }
0xf6: {  	v57 =	vld [tilespmem:s16+$0x8100];
	_ =	sdelay $0x4  }
0xf7: {  	v3 =	vadd.f32 v57, v3;
	_ =	sdelay $0x1  }
0xf8: {  	[tilespmem:s16+$0x100] =	vst v3;
	s16 =	sor.u32 $0x1C20, s15  }
0xf9: {  	v3 =	vld [tilespmem:s16+$0x100]  }
0xfa: {  	v58 =	vld [tilespmem:s16+$0x8100];
	_ =	sdelay $0x4  }
0xfb: {  	v3 =	vadd.f32 v58, v3;
	_ =	sdelay $0x1  }
0xfc: {  	[tilespmem:s16+$0x100] =	vst v3;
	s16 =	sor.u32 $0x1C30, s15  }
0xfd: {  	v3 =	vld [tilespmem:s16+$0x100]  }
0xfe: {  	v59 =	vld [tilespmem:s16+$0x8100];
	_ =	sdelay $0x4  }
0xff: {  	v3 =	vadd.f32 v59, v3;
	_ =	sdelay $0x1  }
0x100: {  	[tilespmem:s16+$0x100] =	vst v3;
	s16 =	sor.u32 $0x1C40, s15  }
0x101: {  	v3 =	vld [tilespmem:s16+$0x100]  }
0x102: {  	v60 =	vld [tilespmem:s16+$0x8100];
	_ =	sdelay $0x4  }
0x103: {  	v3 =	vadd.f32 v60, v3;
	_ =	sdelay $0x1  }
0x104: {  	[tilespmem:s16+$0x100] =	vst v3;
	s16 =	sor.u32 $0x1C50, s15  }
0x105: {  	v3 =	vld [tilespmem:s16+$0x100]  }
0x106: {  	v61 =	vld [tilespmem:s16+$0x8100];
	_ =	sdelay $0x4  }
0x107: {  	v3 =	vadd.f32 v61, v3;
	_ =	sdelay $0x1  }
0x108: {  	[tilespmem:s16+$0x100] =	vst v3;
	s16 =	sor.u32 $0x1C60, s15  }
0x109: {  	v3 =	vld [tilespmem:s16+$0x100]  }
0x10a: {  	v62 =	vld [tilespmem:s16+$0x8100];
	_ =	sdelay $0x4  }
0x10b: {  	v3 =	vadd.f32 v62, v3;
	_ =	sdelay $0x1  }
0x10c: {  	[tilespmem:s16+$0x100] =	vst v3;
	s16 =	sor.u32 $0x1C70, s15  }
0x10d: {  	v3 =	vld [tilespmem:s16+$0x100]  }
0x10e: {  	v63 =	vld [tilespmem:s16+$0x8100];
	_ =	sdelay $0x1  }
0x10f: {  	p0 =	sne.s32 s7, $0x780  }
.Ltmp0:
0x110: {  	_ = 	snop;
	(pc) =	sbr.rel @p0 .LBB2_3-.Ltmp0, $4  }
0x111: {  	_ = 	snop  }
0x112: {  	v3 =	vadd.f32 v63, v3  }
0x113: {  	s1 =	sadd.s32 $0x1, s1  }
0x114: {  	s13 =	sadd.s32 $0x400, s13;
	s7 =	sadd.s32 $0x80, s7;
	s6 =	sadd.s32 $0x400, s6;
	[tilespmem:s16+$0x100] =	vst v3  }
0x115: {  	s0 =	sadd.s32 s4, s0  }
0x116: {  	s0 =	sshll.u32 s0, $0x7  }
0x117: {  	s1 =	sadd.s32 s2, s0;
	s0 =	simm.s32 $0x0  }
0x118: {  	[hbm4b:s1+s0] =	stream.linear.scatter [tilespmem:s14], [sflag:$0x5], $0x4000, $0x38;
	[tilespmem:$0x10100] =	vst v63  }
0x119: {  	_ =	swait.ge [sflag:s12], $0x4000  }
0x11a: {  	[sflag:s12] =	ssyncset.done $0x0  }
0x11b: {  	[sflag:s12] =	ssyncadd.s32 $0xFFFFC000  }
0x11c: {  	_ =	swait.ge [sflag:s26], $0x4000  }
0x11d: {  	[sflag:s26] =	ssyncset.done $0x0  }
0x11e: {  	[sflag:s26] =	ssyncadd.s32 $0xFFFFC000  }
0x11f: {  	_ =	swait.ge [sflag:s28], $0x4000  }
0x120: {  	[sflag:s28] =	ssyncset.done $0x0  }
0x121: {  	s1 =	simm.s32 $0x0;
	[sflag:s28] =	ssyncadd.s32 $0xFFFFC000  }
.LBB2_5:
0x122: {  	s6 =	sand.u32 $0x2000, s1;
	s7 =	sand.u32 $0x380, s0  }
0x123: {  	s6 =	sor.u32 s7, s6  }
0x124: {  	v3 =	vld [tilespmem:s6+$0x4100]  }
0x125: {  	v4 =	vld [tilespmem:s6+$0xC100]  }
0x126: {  	v5 =	vld [tilespmem:s6+$0x4110]  }
0x127: {  	v6 =	vld [tilespmem:s6+$0xC110]  }
0x128: {  	v7 =	vld [tilespmem:s6+$0x4120]  }
0x129: {  	v8 =	vld [tilespmem:s6+$0xC120]  }
0x12a: {  	v9 =	vld [tilespmem:s6+$0x4130]  }
0x12b: {  	v10 =	vld [tilespmem:s6+$0xC130]  }
0x12c: {  	v11 =	vld [tilespmem:s6+$0x4140]  }
0x12d: {  	v12 =	vld [tilespmem:s6+$0x4150]  }
0x12e: {  	v13 =	vld [tilespmem:s6+$0xC150]  }
0x12f: {  	v14 =	vld [tilespmem:s6+$0x4160]  }
0x130: {  	v15 =	vld [tilespmem:s6+$0xC160]  }
0x131: {  	v22 =	vld [tilespmem:s6+$0x4170];
	v3 =	vadd.f32 v4, v3  }
0x132: {  	v23 =	vld [tilespmem:s6+$0xC170];
	v5 =	vadd.f32 v6, v5  }
0x133: {  	v24 =	vld [tilespmem:s6+$0xC140];
	[tilespmem:s6+$0x4100] =	vst v3;
	v3 =	vadd.f32 v8, v7  }
0x134: {  	v25 =	vadd.f32 v10, v9;
	[tilespmem:s6+$0x4110] =	vst v5  }
0x135: {  	[tilespmem:s6+$0x4120] =	vst v3;
	v3 =	vadd.f32 v13, v12  }
0x136: {  	v26 =	vadd.f32 v15, v14;
	[tilespmem:s6+$0x4130] =	vst v25  }
0x137: {  	s13 =	sand.u32 $0xFFFFE000, s1;
	[tilespmem:s6+$0x4150] =	vst v3;
	v3 =	vadd.f32 v23, v22  }
0x138: {  	s7 =	sadd.s32 s13, s0;
	v27 =	vadd.f32 v24, v11;
	[tilespmem:s6+$0x4160] =	vst v26  }
0x139: {  	s11 =	sor.u32 $0x4400, s7;
	[tilespmem:s6+$0x4170] =	vst v3  }
0x13a: {  	[tilespmem:s6+$0x4140] =	vst v27;
	v3 =	vld [tilespmem:s11+$0x100]  }
0x13b: {  	v4 =	vld [tilespmem:s11+$0x8100];
	_ =	sdelay $0x4  }
0x13c: {  	v3 =	vadd.f32 v4, v3;
	_ =	sdelay $0x1  }
0x13d: {  	s15 =	sor.u32 $0x4410, s7;
	[tilespmem:s11+$0x100] =	vst v3  }
0x13e: {  	v3 =	vld [tilespmem:s15+$0x100]  }
0x13f: {  	v28 =	vld [tilespmem:s15+$0x8100];
	_ =	sdelay $0x4  }
0x140: {  	v3 =	vadd.f32 v28, v3;
	_ =	sdelay $0x1  }
0x141: {  	s16 =	sor.u32 $0x4420, s7;
	[tilespmem:s15+$0x100] =	vst v3  }
0x142: {  	v3 =	vld [tilespmem:s16+$0x100]  }
0x143: {  	v29 =	vld [tilespmem:s16+$0x8100];
	_ =	sdelay $0x4  }
0x144: {  	v3 =	vadd.f32 v29, v3;
	_ =	sdelay $0x1  }
0x145: {  	s13 =	sor.u32 $0x4430, s7;
	[tilespmem:s16+$0x100] =	vst v3  }
0x146: {  	v3 =	vld [tilespmem:s13+$0x100]  }
0x147: {  	v30 =	vld [tilespmem:s13+$0x8100];
	_ =	sdelay $0x4  }
0x148: {  	v3 =	vadd.f32 v30, v3;
	_ =	sdelay $0x1  }
0x149: {  	s15 =	sor.u32 $0x4440, s7;
	[tilespmem:s13+$0x100] =	vst v3  }
0x14a: {  	v3 =	vld [tilespmem:s15+$0x100]  }
0x14b: {  	v31 =	vld [tilespmem:s15+$0x8100];
	_ =	sdelay $0x4  }
0x14c: {  	v3 =	vadd.f32 v31, v3;
	_ =	sdelay $0x1  }
0x14d: {  	s16 =	sor.u32 $0x4450, s7;
	[tilespmem:s15+$0x100] =	vst v3  }
0x14e: {  	v3 =	vld [tilespmem:s16+$0x100]  }
0x14f: {  	v32 =	vld [tilespmem:s16+$0x8100];
	_ =	sdelay $0x4  }
0x150: {  	v3 =	vadd.f32 v32, v3;
	_ =	sdelay $0x1  }
0x151: {  	s13 =	sor.u32 $0x4460, s7;
	[tilespmem:s16+$0x100] =	vst v3  }
0x152: {  	v3 =	vld [tilespmem:s13+$0x100]  }
0x153: {  	v33 =	vld [tilespmem:s13+$0x8100];
	_ =	sdelay $0x4  }
0x154: {  	v3 =	vadd.f32 v33, v3;
	_ =	sdelay $0x1  }
0x155: {  	s15 =	sor.u32 $0x4470, s7;
	[tilespmem:s13+$0x100] =	vst v3  }
0x156: {  	v3 =	vld [tilespmem:s15+$0x100]  }
0x157: {  	v34 =	vld [tilespmem:s15+$0x8100];
	_ =	sdelay $0x4  }
0x158: {  	v3 =	vadd.f32 v34, v3;
	_ =	sdelay $0x1  }
0x159: {  	[tilespmem:s15+$0x100] =	vst v3  }
0x15a: {  	v3 =	vld [tilespmem:s6+$0x4900]  }
0x15b: {  	v35 =	vld [tilespmem:s6+$0xC900]  }
0x15c: {  	v36 =	vld [tilespmem:s6+$0x4910]  }
0x15d: {  	v37 =	vld [tilespmem:s6+$0xC910]  }
0x15e: {  	v38 =	vld [tilespmem:s6+$0x4920]  }
0x15f: {  	v39 =	vld [tilespmem:s6+$0xC920]  }
0x160: {  	v40 =	vld [tilespmem:s6+$0x4930]  }
0x161: {  	v41 =	vld [tilespmem:s6+$0xC930]  }
0x162: {  	v42 =	vld [tilespmem:s6+$0x4940]  }
0x163: {  	v43 =	vld [tilespmem:s6+$0x4950]  }
0x164: {  	v44 =	vld [tilespmem:s6+$0xC950]  }
0x165: {  	v45 =	vld [tilespmem:s6+$0x4960]  }
0x166: {  	v46 =	vld [tilespmem:s6+$0xC960]  }
0x167: {  	v47 =	vld [tilespmem:s6+$0x4970];
	v3 =	vadd.f32 v35, v3  }
0x168: {  	v48 =	vld [tilespmem:s6+$0xC970];
	v5 =	vadd.f32 v37, v36  }
0x169: {  	v49 =	vld [tilespmem:s6+$0xC940];
	[tilespmem:s6+$0x4900] =	vst v3;
	v3 =	vadd.f32 v39, v38  }
0x16a: {  	v50 =	vadd.f32 v41, v40;
	[tilespmem:s6+$0x4910] =	vst v5  }
0x16b: {  	[tilespmem:s6+$0x4920] =	vst v3;
	v3 =	vadd.f32 v44, v43  }
0x16c: {  	v51 =	vadd.f32 v46, v45;
	[tilespmem:s6+$0x4930] =	vst v50  }
0x16d: {  	[tilespmem:s6+$0x4950] =	vst v3;
	v3 =	vadd.f32 v48, v47  }
0x16e: {  	v52 =	vadd.f32 v49, v42;
	[tilespmem:s6+$0x4960] =	vst v51  }
0x16f: {  	s16 =	sor.u32 $0x4C00, s7;
	[tilespmem:s6+$0x4970] =	vst v3  }
0x170: {  	[tilespmem:s6+$0x4940] =	vst v52;
	v3 =	vld [tilespmem:s16+$0x100]  }
0x171: {  	v4 =	vld [tilespmem:s16+$0x8100];
	_ =	sdelay $0x4  }
0x172: {  	v3 =	vadd.f32 v4, v3;
	_ =	sdelay $0x1  }
0x173: {  	s13 =	sor.u32 $0x4C10, s7;
	[tilespmem:s16+$0x100] =	vst v3  }
0x174: {  	v3 =	vld [tilespmem:s13+$0x100]  }
0x175: {  	v53 =	vld [tilespmem:s13+$0x8100];
	_ =	sdelay $0x4  }
0x176: {  	v3 =	vadd.f32 v53, v3;
	_ =	sdelay $0x1  }
0x177: {  	s15 =	sor.u32 $0x4C20, s7;
	[tilespmem:s13+$0x100] =	vst v3  }
0x178: {  	v3 =	vld [tilespmem:s15+$0x100]  }
0x179: {  	v54 =	vld [tilespmem:s15+$0x8100];
	_ =	sdelay $0x4  }
0x17a: {  	v3 =	vadd.f32 v54, v3;
	_ =	sdelay $0x1  }
0x17b: {  	s16 =	sor.u32 $0x4C30, s7;
	[tilespmem:s15+$0x100] =	vst v3  }
0x17c: {  	v3 =	vld [tilespmem:s16+$0x100]  }
0x17d: {  	v55 =	vld [tilespmem:s16+$0x8100];
	_ =	sdelay $0x4  }
0x17e: {  	v3 =	vadd.f32 v55, v3;
	_ =	sdelay $0x1  }
0x17f: {  	s13 =	sor.u32 $0x4C40, s7;
	[tilespmem:s16+$0x100] =	vst v3  }
0x180: {  	v3 =	vld [tilespmem:s13+$0x100]  }
0x181: {  	v56 =	vld [tilespmem:s13+$0x8100];
	_ =	sdelay $0x4  }
0x182: {  	v3 =	vadd.f32 v56, v3;
	_ =	sdelay $0x1  }
0x183: {  	s15 =	sor.u32 $0x4C50, s7;
	[tilespmem:s13+$0x100] =	vst v3  }
0x184: {  	v3 =	vld [tilespmem:s15+$0x100]  }
0x185: {  	v57 =	vld [tilespmem:s15+$0x8100];
	_ =	sdelay $0x4  }
0x186: {  	v3 =	vadd.f32 v57, v3;
	_ =	sdelay $0x1  }
0x187: {  	s16 =	sor.u32 $0x4C60, s7;
	[tilespmem:s15+$0x100] =	vst v3  }
0x188: {  	v3 =	vld [tilespmem:s16+$0x100]  }
0x189: {  	v58 =	vld [tilespmem:s16+$0x8100];
	_ =	sdelay $0x4  }
0x18a: {  	v3 =	vadd.f32 v58, v3;
	_ =	sdelay $0x1  }
0x18b: {  	s13 =	sor.u32 $0x4C70, s7;
	[tilespmem:s16+$0x100] =	vst v3  }
0x18c: {  	v3 =	vld [tilespmem:s13+$0x100]  }
0x18d: {  	v59 =	vld [tilespmem:s13+$0x8100];
	_ =	sdelay $0x4  }
0x18e: {  	v3 =	vadd.f32 v59, v3;
	_ =	sdelay $0x1  }
0x18f: {  	[tilespmem:s13+$0x100] =	vst v3  }
0x190: {  	v3 =	vld [tilespmem:s6+$0x5100]  }
0x191: {  	v60 =	vld [tilespmem:s6+$0xD100]  }
0x192: {  	v61 =	vld [tilespmem:s6+$0x5110]  }
0x193: {  	v62 =	vld [tilespmem:s6+$0xD110]  }
0x194: {  	v63 =	vld [tilespmem:s6+$0x5120]  }
0x195: {  	v18 =	vld [tilespmem:s6+$0xD120]  }
0x196: {  	v19 =	vld [tilespmem:s6+$0x5130]  }
0x197: {  	v20 =	vld [tilespmem:s6+$0xD130]  }
0x198: {  	v21 =	vld [tilespmem:s6+$0x5140]  }
0x199: {  	v22 =	vld [tilespmem:s6+$0x5150]  }
0x19a: {  	v23 =	vld [tilespmem:s6+$0xD150]  }
0x19b: {  	v24 =	vld [tilespmem:s6+$0x5160]  }
0x19c: {  	v25 =	vld [tilespmem:s6+$0xD160]  }
0x19d: {  	v26 =	vld [tilespmem:s6+$0x5170];
	v3 =	vadd.f32 v60, v3  }
0x19e: {  	v27 =	vld [tilespmem:s6+$0xD170];
	v5 =	vadd.f32 v62, v61  }
0x19f: {  	v28 =	vld [tilespmem:s6+$0xD140];
	[tilespmem:s6+$0x5100] =	vst v3;
	v3 =	vadd.f32 v18, v63  }
0x1a0: {  	v29 =	vadd.f32 v20, v19;
	[tilespmem:s6+$0x5110] =	vst v5  }
0x1a1: {  	[tilespmem:s6+$0x5120] =	vst v3;
	v3 =	vadd.f32 v23, v22  }
0x1a2: {  	v30 =	vadd.f32 v25, v24;
	[tilespmem:s6+$0x5130] =	vst v29  }
0x1a3: {  	[tilespmem:s6+$0x5150] =	vst v3;
	v3 =	vadd.f32 v27, v26  }
0x1a4: {  	v31 =	vadd.f32 v28, v21;
	[tilespmem:s6+$0x5160] =	vst v30  }
0x1a5: {  	s15 =	sor.u32 $0x5400, s7;
	[tilespmem:s6+$0x5170] =	vst v3  }
0x1a6: {  	[tilespmem:s6+$0x5140] =	vst v31;
	v3 =	vld [tilespmem:s15+$0x100]  }
0x1a7: {  	v4 =	vld [tilespmem:s15+$0x8100];
	_ =	sdelay $0x4  }
0x1a8: {  	v3 =	vadd.f32 v4, v3;
	_ =	sdelay $0x1  }
0x1a9: {  	s16 =	sor.u32 $0x5410, s7;
	[tilespmem:s15+$0x100] =	vst v3  }
0x1aa: {  	v3 =	vld [tilespmem:s16+$0x100]  }
0x1ab: {  	v32 =	vld [tilespmem:s16+$0x8100];
	_ =	sdelay $0x4  }
0x1ac: {  	v3 =	vadd.f32 v32, v3;
	_ =	sdelay $0x1  }
0x1ad: {  	s13 =	sor.u32 $0x5420, s7;
	[tilespmem:s16+$0x100] =	vst v3  }
0x1ae: {  	v3 =	vld [tilespmem:s13+$0x100]  }
0x1af: {  	v33 =	vld [tilespmem:s13+$0x8100];
	_ =	sdelay $0x4  }
0x1b0: {  	v3 =	vadd.f32 v33, v3;
	_ =	sdelay $0x1  }
0x1b1: {  	s15 =	sor.u32 $0x5430, s7;
	[tilespmem:s13+$0x100] =	vst v3  }
0x1b2: {  	v3 =	vld [tilespmem:s15+$0x100]  }
0x1b3: {  	v34 =	vld [tilespmem:s15+$0x8100];
	_ =	sdelay $0x4  }
0x1b4: {  	v3 =	vadd.f32 v34, v3;
	_ =	sdelay $0x1  }
0x1b5: {  	s16 =	sor.u32 $0x5440, s7;
	[tilespmem:s15+$0x100] =	vst v3  }
0x1b6: {  	v3 =	vld [tilespmem:s16+$0x100]  }
0x1b7: {  	v35 =	vld [tilespmem:s16+$0x8100];
	_ =	sdelay $0x4  }
0x1b8: {  	v3 =	vadd.f32 v35, v3;
	_ =	sdelay $0x1  }
0x1b9: {  	s13 =	sor.u32 $0x5450, s7;
	[tilespmem:s16+$0x100] =	vst v3  }
0x1ba: {  	v3 =	vld [tilespmem:s13+$0x100]  }
0x1bb: {  	v36 =	vld [tilespmem:s13+$0x8100];
	_ =	sdelay $0x4  }
0x1bc: {  	v3 =	vadd.f32 v36, v3;
	_ =	sdelay $0x1  }
0x1bd: {  	s15 =	sor.u32 $0x5460, s7;
	[tilespmem:s13+$0x100] =	vst v3  }
0x1be: {  	v3 =	vld [tilespmem:s15+$0x100]  }
0x1bf: {  	v37 =	vld [tilespmem:s15+$0x8100];
	_ =	sdelay $0x4  }
0x1c0: {  	v3 =	vadd.f32 v37, v3;
	_ =	sdelay $0x1  }
0x1c1: {  	s7 =	sor.u32 $0x5470, s7;
	[tilespmem:s15+$0x100] =	vst v3  }
0x1c2: {  	v3 =	vld [tilespmem:s7+$0x100]  }
0x1c3: {  	v38 =	vld [tilespmem:s7+$0x8100];
	_ =	sdelay $0x4  }
0x1c4: {  	v3 =	vadd.f32 v38, v3;
	_ =	sdelay $0x1  }
0x1c5: {  	[tilespmem:s7+$0x100] =	vst v3  }
0x1c6: {  	v3 =	vld [tilespmem:s6+$0x5900]  }
0x1c7: {  	v39 =	vld [tilespmem:s6+$0xD900]  }
0x1c8: {  	v40 =	vld [tilespmem:s6+$0x5910]  }
0x1c9: {  	v41 =	vld [tilespmem:s6+$0xD910]  }
0x1ca: {  	v42 =	vld [tilespmem:s6+$0x5920]  }
0x1cb: {  	v43 =	vld [tilespmem:s6+$0xD920]  }
0x1cc: {  	v44 =	vld [tilespmem:s6+$0x5930]  }
0x1cd: {  	v45 =	vld [tilespmem:s6+$0xD930]  }
0x1ce: {  	v46 =	vld [tilespmem:s6+$0x5940]  }
0x1cf: {  	v47 =	vld [tilespmem:s6+$0x5950]  }
0x1d0: {  	v48 =	vld [tilespmem:s6+$0xD950]  }
0x1d1: {  	v49 =	vld [tilespmem:s6+$0x5960]  }
0x1d2: {  	v50 =	vld [tilespmem:s6+$0xD960]  }
0x1d3: {  	v51 =	vld [tilespmem:s6+$0x5970];
	v3 =	vadd.f32 v39, v3  }
0x1d4: {  	v52 =	vld [tilespmem:s6+$0xD970];
	v5 =	vadd.f32 v41, v40  }
0x1d5: {  	v53 =	vld [tilespmem:s6+$0xD940];
	[tilespmem:s6+$0x5900] =	vst v3;
	v3 =	vadd.f32 v43, v42  }
0x1d6: {  	v54 =	vadd.f32 v45, v44;
	[tilespmem:s6+$0x5910] =	vst v5  }
0x1d7: {  	[tilespmem:s6+$0x5920] =	vst v3;
	v3 =	vadd.f32 v48, v47  }
0x1d8: {  	v55 =	vadd.f32 v50, v49;
	[tilespmem:s6+$0x5930] =	vst v54  }
0x1d9: {  	[tilespmem:s6+$0x5950] =	vst v3;
	v3 =	vadd.f32 v52, v51  }
0x1da: {  	s7 =	sor.u32 s0, s1;
	v56 =	vadd.f32 v53, v46;
	[tilespmem:s6+$0x5960] =	vst v55  }
0x1db: {  	s16 =	sor.u32 $0x5C00, s7;
	[tilespmem:s6+$0x5970] =	vst v3  }
0x1dc: {  	[tilespmem:s6+$0x5940] =	vst v56;
	v3 =	vld [tilespmem:s16+$0x100]  }
0x1dd: {  	v4 =	vld [tilespmem:s16+$0x8100];
	_ =	sdelay $0x4  }
0x1de: {  	v3 =	vadd.f32 v4, v3;
	_ =	sdelay $0x1  }
0x1df: {  	s13 =	sor.u32 $0x5C10, s7;
	[tilespmem:s16+$0x100] =	vst v3  }
0x1e0: {  	v3 =	vld [tilespmem:s13+$0x100]  }
0x1e1: {  	v57 =	vld [tilespmem:s13+$0x8100];
	_ =	sdelay $0x4  }
0x1e2: {  	v3 =	vadd.f32 v57, v3;
	_ =	sdelay $0x1  }
0x1e3: {  	s15 =	sor.u32 $0x5C20, s7;
	[tilespmem:s13+$0x100] =	vst v3  }
0x1e4: {  	v3 =	vld [tilespmem:s15+$0x100]  }
0x1e5: {  	v58 =	vld [tilespmem:s15+$0x8100];
	_ =	sdelay $0x4  }
0x1e6: {  	v3 =	vadd.f32 v58, v3;
	_ =	sdelay $0x1  }
0x1e7: {  	s16 =	sor.u32 $0x5C30, s7;
	[tilespmem:s15+$0x100] =	vst v3  }
0x1e8: {  	v3 =	vld [tilespmem:s16+$0x100]  }
0x1e9: {  	v59 =	vld [tilespmem:s16+$0x8100];
	_ =	sdelay $0x4  }
0x1ea: {  	v3 =	vadd.f32 v59, v3;
	_ =	sdelay $0x1  }
0x1eb: {  	s11 =	sor.u32 $0x5C40, s7;
	[tilespmem:s16+$0x100] =	vst v3  }
0x1ec: {  	v3 =	vld [tilespmem:s11+$0x100]  }
0x1ed: {  	v60 =	vld [tilespmem:s11+$0x8100];
	_ =	sdelay $0x4  }
0x1ee: {  	v3 =	vadd.f32 v60, v3;
	_ =	sdelay $0x1  }
0x1ef: {  	s13 =	sor.u32 $0x5C50, s7;
	[tilespmem:s11+$0x100] =	vst v3  }
0x1f0: {  	v3 =	vld [tilespmem:s13+$0x100]  }
0x1f1: {  	v61 =	vld [tilespmem:s13+$0x8100];
	_ =	sdelay $0x4  }
0x1f2: {  	v3 =	vadd.f32 v61, v3;
	_ =	sdelay $0x1  }
0x1f3: {  	s15 =	sor.u32 $0x5C60, s7;
	[tilespmem:s13+$0x100] =	vst v3  }
0x1f4: {  	v3 =	vld [tilespmem:s15+$0x100]  }
0x1f5: {  	v62 =	vld [tilespmem:s15+$0x8100];
	_ =	sdelay $0x4  }
0x1f6: {  	v3 =	vadd.f32 v62, v3;
	_ =	sdelay $0x1  }
0x1f7: {  	s16 =	sor.u32 $0x5C70, s7;
	[tilespmem:s15+$0x100] =	vst v3  }
0x1f8: {  	v3 =	vld [tilespmem:s16+$0x100]  }
0x1f9: {  	v63 =	vld [tilespmem:s16+$0x8100];
	_ =	sdelay $0x1  }
0x1fa: {  	p0 =	sne.s32 s1, $0x3C00  }
.Ltmp1:
0x1fb: {  	_ = 	snop;
	(pc) =	sbr.rel @p0 .LBB2_5-.Ltmp1, $3  }
0x1fc: {  	_ = 	snop  }
0x1fd: {  	v3 =	vadd.f32 v63, v3;
	_ =	sdelay $0x1  }
0x1fe: {  	s0 =	sadd.s32 $0x80, s0;
	s1 =	sadd.s32 $0x400, s1;
	[tilespmem:s16+$0x100] =	vst v3  }
0x1ff: {  	s0 =	sadd.s32 s4, s30;
	s29 =	sadd.s32 $0x1, s29  }
0x200: {  	s0 =	sshll.u32 s0, $0x7;
	p0 =	sne.s32 s29, $0x4  }
.Ltmp2:
0x201: {  	s0 =	sadd.s32 s2, s0;
	(pc) =	sbr.rel @p0 .LBB2_2-.Ltmp2, $4  }
0x202: {  	[hbm4b:s0+s3] =	stream.linear.scatter [tilespmem:s31], [sflag:$0x5], $0x4000, $0x38;
	[tilespmem:$0x10100] =	vst v63  }
0x203: {  	_ =	swait.ge [sflag:s12], $0x4000  }
0x204: {  	[sflag:s12] =	ssyncset.done $0x0  }
0x205: {  	[sflag:s12] =	ssyncadd.s32 $0xFFFFC000  }
0x206: {  	s1 =	rddreg [dreg:$0x6]  }
0x207: {  	s0 =	rddreg [dreg:$0x5];
	s1 =	sadd.s32 $0x1, s1  }
0x208: {  	p0 =	sne.s32 s1, s0  }
.Ltmp3:
0x209: {  	_ = 	snop;
	(pc) =	sbr.rel @p0 .LBB2_1-.Ltmp3, $1  }
0x20a: {  	_ =	sdelay $0x3  }
0x20b: {  	_ =	sfence.sel $0x180000  }
0x20c: {  	[bflag:$0x0] =	sbarrier.arrive $0xFFFF  }
0x20d: {  	_ =	strace $0x9000004A  }
0x20e: {  	s0 =	stileid.u32;
	[bflag:$0x2] =	sbarrier.arrive $0xFFFF  }
0x20f: {  	p0 =	sne.s32 s0, $0x0;
	s0 =	rddreg [dreg:$0x2]  }
0x210: {  	s0 =	sadd.s32 @!p0 $0x100000, s0  }
0x211: {  	[sflag:s0] =	ssyncadd.tile.s32 @!p0 $0x1;
	_ =	shalt  }
.Lfunc_end2:
_tile_overlayer_lowered:
.L_overlay_start_2:
0x212: {  	(tag) =	ssettag $0x2  }
0x213: {  	s0 =	rddreg [dreg:$0x0];
	s2 =	stileid.u32  }
0x214: {  	s1 =	rddreg [dreg:$0x1];
	p0 =	sne.s32 s2, $0x0  }
0x215: {  	s3 =	rddreg [dreg:$0x2];
	[bflag:$0x3] =	sbarrier.arrive $0xFFFF;
	s2 =	simm.s32 @!p0 $0x1C05  }
0x216: {  	[timem:s3], [sflag:s2] =	dma.local @!p0 [hbm:s0], s1  }
0x217: {  	s0 =	simm.s32 @!p0 $0x5  }
0x218: {  	_ =	swait.ge @!p0 [sflag:s0], s1  }
0x219: {  	s1 =	ssub.s32 @!p0 $0x0, s1;
	[sflag:s0] =	ssyncset.done @!p0 $0x0  }
0x21a: {  	[sflag:s0] =	ssyncadd.s32 @!p0 s1  }
0x21b: {  	[bflag:$0x3] =	sbarrier.arrive $0xFFFF  }
0x21c: {  	_ =	shalt  }

</sc_bundles>
